<compile_context>
chip_gen: v7x
topology: tpu7x:2x2x1
jax: 0.10.2.dev20260603
libtpu: 0.0.44.dev20260713+nightly
codegen_flags: <defaults>
</compile_context>

<pallas_src>
import functools

import jax
import jax.numpy as jnp
from jax import lax
from jax.experimental import pallas as pl
from jax.experimental.pallas import tpu as pltpu
from jax.experimental.pallas import tpu_sc as plsc

_EMBED = 64
_WORDS = _EMBED // 4
_BATCH_TILE = 128
_SUB = 8


@functools.lru_cache(maxsize=None)
def _build(BATCH, HIST, V):
    info = plsc.get_sparse_core_info()
    NC, NS, L = info.num_cores, info.num_subcores, info.num_lanes
    NW = NC * NS
    assert BATCH % NW == 0
    CHUNK = BATCH // NW
    assert CHUNK % _BATCH_TILE == 0 and CHUNK % L == 0
    n_btiles = CHUNK // _BATCH_TILE
    tile_words = _SUB * _BATCH_TILE
    t_size = _EMBED * CHUNK
    et_seg = n_btiles * tile_words

    mesh = plsc.VectorSubcoreMesh(core_axis_name="c", subcore_axis_name="s")

    @functools.partial(
        pl.kernel,
        mesh=mesh,
        compiler_params=pltpu.CompilerParams(
            needs_layout_passes=False, use_tc_tiling_on_sc=False
        ),
        out_type=jax.ShapeDtypeStruct((BATCH * HIST * _EMBED,), jnp.float32),
        scratch_types=[
            pltpu.VMEM((2, CHUNK), jnp.int32),
            pltpu.VMEM((2, CHUNK, _EMBED), jnp.int8),
            pltpu.VMEM((2, CHUNK), jnp.float32),
            pltpu.VMEM((2, t_size), jnp.float32),
            pltpu.VMEM((CHUNK * (_WORDS + 1),), jnp.int32),
            pltpu.SemaphoreType.DMA,
            pltpu.SemaphoreType.DMA,
            pltpu.SemaphoreType.DMA,
            pltpu.SemaphoreType.DMA,
            pltpu.SemaphoreType.DMA,
            pltpu.SemaphoreType.DMA,
        ],
    )
    def k(idx_hbm, qw_hbm, sc_hbm, out_hbm, idxb, rowsb, sclb, tb, wp,
          semr0, semr1, sems0, sems1, semo0, semo1):
        semr = (semr0, semr1)
        sems = (sems0, sems1)
        semo = (semo0, semo1)
        wid = lax.axis_index("s") * NC + lax.axis_index("c")
        bbase = wid * CHUNK
        ii = lax.iota(jnp.int32, L)
        PITCH = _WORDS + 1

        def stage(h, p):
            pltpu.sync_copy(
                idx_hbm.at[pl.ds(h * BATCH + bbase, CHUNK)], idxb.at[p]
            )
            pltpu.async_copy(qw_hbm.at[idxb.at[p]], rowsb.at[p], semr[p])
            pltpu.async_copy(sc_hbm.at[idxb.at[p]], sclb.at[p], sems[p])

        def wait_gathers(p):
            pltpu.make_async_copy(
                qw_hbm.at[pl.ds(0, CHUNK)], rowsb.at[p], semr[p]
            ).wait()
            pltpu.make_async_copy(
                sc_hbm.at[pl.ds(0, CHUNK)], sclb.at[p], sems[p]
            ).wait()

        def drain_out(p):
            for et in range(_EMBED // _SUB):
                pltpu.make_async_copy(
                    out_hbm.at[pl.ds(0, et_seg)],
                    tb.at[p, pl.ds(et * et_seg, et_seg)],
                    semo[p],
                ).wait()

        def compute(h, p):
            rows = rowsb.at[p]
            tout = tb.at[p]

            def pad_body(g, _):
                g16 = g * L
                for i in range(L):
                    r = g16 + i
                    wp[pl.ds(r * PITCH, _WORDS)] = plsc.bitcast(
                        rows[r], jnp.int32
                    )
                return 0

            lax.fori_loop(0, CHUNK // L, pad_body, 0)

            def group_body(kg, _):
                sv = sclb[p, pl.ds(kg * L, L)]
                kbase = (kg * L + ii) * PITCH
                kgoff = (kg // (_BATCH_TILE // L)) * tile_words + (
                    kg % (_BATCH_TILE // L)
                ) * L
                for wi in range(_WORDS):
                    w = plsc.load_gather(wp, [kbase + wi])
                    for b2 in range(4):
                        e = wi * 4 + b2
                        v = (w << (24 - 8 * b2)) >> 24
                        f = v.astype(jnp.float32) * sv
                        taddr = (e // _SUB) * et_seg + (e % _SUB) * _BATCH_TILE
                        tout[pl.ds(kgoff + taddr, L)] = f
                return 0

            lax.fori_loop(0, CHUNK // L, group_body, 0)

        def fire_out(h, p):
            for et in range(_EMBED // _SUB):
                base = (
                    (h * _SUB + et) * (BATCH // _BATCH_TILE) + wid * n_btiles
                ) * tile_words
                pltpu.async_copy(
                    tb.at[p, pl.ds(et * et_seg, et_seg)],
                    out_hbm.at[pl.ds(base, et_seg)],
                    semo[p],
                )

        stage(0, 0)

        def h_body(t, _):
            for pp in range(2):
                h = t * 2 + pp
                wait_gathers(pp)

                @pl.when(h + 1 < HIST)
                def _():
                    stage(h + 1, 1 - pp)

                @pl.when(h >= 2)
                def _():
                    drain_out(pp)

                compute(h, pp)
                fire_out(h, pp)
            return 0

        lax.fori_loop(0, HIST // 2, h_body, 0)
        drain_out(0)
        drain_out(1)

    return k


def kernel(input_ids, q_weight, scale):
    BATCH, HIST = input_ids.shape
    V, E = q_weight.shape
    idx_t = input_ids.T.reshape(BATCH * HIST)
    out = _build(BATCH, HIST, V)(idx_t, q_weight, scale.reshape(V))
    out5 = out.reshape(HIST, E // _SUB, BATCH // _BATCH_TILE, _SUB, _BATCH_TILE)
    return out5.transpose(2, 4, 0, 1, 3).reshape(BATCH, HIST, E)

# --- scband reference (transcript-rebuilt; emitter-appended) ---
"""Pipeline reference for scband-quantized-embedding-33260226740504 (READ-ONLY COPY).

The authoritative reference and input builder live on the scoring server;
editing this copy changes nothing except your own understanding.
"""

import jax, jax.numpy as jnp
import numpy as np

VOCAB = 1000000
EMBED_DIM = 64
BATCH = 16384
HIST = 50


def setup_inputs(seed: int = 0) -> dict:
    key = jax.random.key(seed)
    k1, k2 = jax.random.split(key)
    # Learned embedding weight, then int8 per-row symmetric quantization as in __init__
    weight = jax.random.normal(k1, (VOCAB, EMBED_DIM), dtype=jnp.float32)
    q_min, q_max = -128.0, 127.0
    abs_max = jnp.max(jnp.abs(weight), axis=1, keepdims=True) + 1e-8
    scale = abs_max / q_max
    q_weight = jnp.clip(jnp.round(weight / scale), q_min, q_max).astype(jnp.int8)
    input_ids = jax.random.randint(k2, (BATCH, HIST), 0, VOCAB, dtype=jnp.int32)
    return {"input_ids": input_ids, "q_weight": q_weight, "scale": scale}


def reference(input_ids, q_weight, scale):
    # q_rows = self.q_weight[input_ids]
    q_rows = jnp.take(q_weight, input_ids, axis=0)
    # scales = self.scale[input_ids]  (scale has shape [VOCAB, 1])
    scales = jnp.take(scale, input_ids, axis=0)
    # dequantize: int8 -> float32, multiply by per-row scale (broadcast over embed dim)
    return q_rows.astype(jnp.float32) * scales

if __name__ == "__main__":
    import jax
    _d = setup_inputs()
    print(jax.jit(kernel)(*tuple(_d.values())))

</pallas_src>

<mosaic_0001>
#map = affine_map<(d0, d1) -> (0)>
#map1 = affine_map<(d0, d1) -> (0, 0)>
module attributes {stable_mosaic.version = 14 : i64} {
  func.func @k(%arg0: i32, %arg1: i32, %arg2: memref<819200xi32, #tpu.memory_space<hbm>>, %arg3: memref<1000000x64xi8, #tpu.memory_space<hbm>>, %arg4: memref<1000000xf32, #tpu.memory_space<hbm>>, %arg5: memref<52428800xf32, #tpu.memory_space<hbm>>, %arg6: memref<2x512xi32, #tpu.memory_space<vmem>>, %arg7: memref<2x512x64xi8, #tpu.memory_space<vmem>>, %arg8: memref<2x512xf32, #tpu.memory_space<vmem>>, %arg9: memref<2x32768xf32, #tpu.memory_space<vmem>>, %arg10: memref<8704xi32, #tpu.memory_space<vmem>>, %arg11: memref<!tpu.dma_semaphore, #tpu.memory_space<semaphore_mem>>, %arg12: memref<!tpu.dma_semaphore, #tpu.memory_space<semaphore_mem>>, %arg13: memref<!tpu.dma_semaphore, #tpu.memory_space<semaphore_mem>>, %arg14: memref<!tpu.dma_semaphore, #tpu.memory_space<semaphore_mem>>, %arg15: memref<!tpu.dma_semaphore, #tpu.memory_space<semaphore_mem>>, %arg16: memref<!tpu.dma_semaphore, #tpu.memory_space<semaphore_mem>>) attributes {dimension_semantics = [#tpu.dimension_semantics<core_parallel>, #tpu.dimension_semantics<subcore_parallel>], iteration_bounds = array<i64: 2, 16>, scalar_prefetch = 0 : i64, scratch_operands = 11 : i64, tpu.core_type = #tpu.core_type<sc_vector_subcore>, window_params = [{transform_indices = #map}, {transform_indices = #map1}, {transform_indices = #map}, {transform_indices = #map}]} {
    %mul3A = arith.constant 2 : i32
    %mul3A_0 = arith.muli %arg1, %mul3A : i32
    %add3A = arith.addi %mul3A_0, %arg0 : i32
    %mul3A_1 = arith.constant 512 : i32
    %mul3A_2 = arith.muli %add3A, %mul3A_1 : i32
    %iota3A = tpu.iota {dimensions = array<i32: 0>} : vector<16xi32>
    %add3A_3 = arith.constant 0 : i32
    %add3A_4 = arith.addi %add3A_3, %mul3A_2 : i32
    %run_scoped3A = arith.constant 0 : i32
    "tpu.region"() ({
      %run_scoped3A_207 = tpu.sem_alloc : memref<!tpu.dma_semaphore, #tpu.memory_space<semaphore_mem>>
      %dma_start3A_208 = arith.constant 0 : i32
      %dma_start3A_209 = tpu.memref_slice %arg6[%run_scoped3A, %dma_start3A_208] : memref<2x512xi32, #tpu.memory_space<vmem>> -> memref<1x512xi32, #tpu.memory_space<vmem>>
      %dma_start3A_210 = tpu.memref_squeeze %dma_start3A_209 : memref<1x512xi32, #tpu.memory_space<vmem>> -> memref<512xi32, #tpu.memory_space<vmem>>
      %dma_start3A_211 = tpu.memref_slice %arg2[%add3A_4] : memref<819200xi32, #tpu.memory_space<hbm>> -> memref<512xi32, #tpu.memory_space<hbm>>
      %dma_start3A_212 = arith.constant 0 : i32
      %dma_start3A_213 = tpu.memref_slice %arg6[%run_scoped3A, %dma_start3A_212] : memref<2x512xi32, #tpu.memory_space<vmem>> -> memref<1x512xi32, #tpu.memory_space<vmem>>
      %dma_start3A_214 = tpu.memref_squeeze %dma_start3A_213 : memref<1x512xi32, #tpu.memory_space<vmem>> -> memref<512xi32, #tpu.memory_space<vmem>>
      %dma_start3A_215 = tpu.memref_slice %arg2[%add3A_4] : memref<819200xi32, #tpu.memory_space<hbm>> -> memref<512xi32, #tpu.memory_space<hbm>>
      tpu.enqueue_dma source(%dma_start3A_215 : memref<512xi32, #tpu.memory_space<hbm>>) target(%dma_start3A_214 : memref<512xi32, #tpu.memory_space<vmem>>) target_semaphore(%run_scoped3A_207 : memref<!tpu.dma_semaphore, #tpu.memory_space<semaphore_mem>>)
      %dma_wait3A_216 = arith.constant 0 : i32
      %dma_wait3A_217 = tpu.memref_slice %arg6[%run_scoped3A, %dma_wait3A_216] : memref<2x512xi32, #tpu.memory_space<vmem>> -> memref<1x512xi32, #tpu.memory_space<vmem>>
      %dma_wait3A_218 = tpu.memref_squeeze %dma_wait3A_217 : memref<1x512xi32, #tpu.memory_space<vmem>> -> memref<512xi32, #tpu.memory_space<vmem>>
      %dma_wait3A_219 = tpu.memref_slice %arg2[%add3A_4] : memref<819200xi32, #tpu.memory_space<hbm>> -> memref<512xi32, #tpu.memory_space<hbm>>
      %dma_wait3A_220 = arith.constant 0 : i32
      %dma_wait3A_221 = tpu.memref_slice %arg6[%run_scoped3A, %dma_wait3A_220] : memref<2x512xi32, #tpu.memory_space<vmem>> -> memref<1x512xi32, #tpu.memory_space<vmem>>
      %dma_wait3A_222 = tpu.memref_squeeze %dma_wait3A_221 : memref<1x512xi32, #tpu.memory_space<vmem>> -> memref<512xi32, #tpu.memory_space<vmem>>
      %dma_wait3A_223 = tpu.memref_slice %arg2[%add3A_4] : memref<819200xi32, #tpu.memory_space<hbm>> -> memref<512xi32, #tpu.memory_space<hbm>>
      tpu.wait_dma2 semaphore(%run_scoped3A_207 : memref<!tpu.dma_semaphore, #tpu.memory_space<semaphore_mem>>) src(%dma_wait3A_223 : memref<512xi32, #tpu.memory_space<hbm>>) dst(%dma_wait3A_222 : memref<512xi32, #tpu.memory_space<vmem>>)
      tpu.yield
    }) : () -> ()
    %dma_start3A = arith.constant 0 : i32
    %dma_start3A_5 = arith.constant 0 : i32
    %dma_start3A_6 = arith.constant 0 : i32
    %dma_start3A_7 = arith.constant 0 : i32
    %dma_start3A_8 = tpu.memref_slice %arg7[%dma_start3A_5, %dma_start3A_6, %dma_start3A_7] : memref<2x512x64xi8, #tpu.memory_space<vmem>> -> memref<1x512x64xi8, #tpu.memory_space<vmem>>
    %dma_start3A_9 = tpu.memref_squeeze %dma_start3A_8 : memref<1x512x64xi8, #tpu.memory_space<vmem>> -> memref<512x64xi8, #tpu.memory_space<vmem>>
    %dma_start3A_10 = arith.constant 0 : i32
    %dma_start3A_11 = tpu.memref_slice %arg6[%dma_start3A, %dma_start3A_10] : memref<2x512xi32, #tpu.memory_space<vmem>> -> memref<1x512xi32, #tpu.memory_space<vmem>>
    %dma_start3A_12 = tpu.memref_squeeze %dma_start3A_11 : memref<1x512xi32, #tpu.memory_space<vmem>> -> memref<512xi32, #tpu.memory_space<vmem>>
    %dma_start3A_13 = arith.constant 0 : i32
    %dma_start3A_14 = arith.constant 0 : i32
    %dma_start3A_15 = tpu.memref_slice %arg3[%dma_start3A_13, %dma_start3A_14] : memref<1000000x64xi8, #tpu.memory_space<hbm>> -> memref<1000000x64xi8, #tpu.memory_space<hbm>>
    tpu.enqueue_indirect_dma source(%dma_start3A_15 : memref<1000000x64xi8, #tpu.memory_space<hbm>>) target(%dma_start3A_9 : memref<512x64xi8, #tpu.memory_space<vmem>>) offsets(%dma_start3A_12 : memref<512xi32, #tpu.memory_space<vmem>>) semaphore(%arg11 : memref<!tpu.dma_semaphore, #tpu.memory_space<semaphore_mem>>)
    %dma_start3A_16 = arith.constant 0 : i32
    %dma_start3A_17 = arith.constant 0 : i32
    %dma_start3A_18 = arith.constant 0 : i32
    %dma_start3A_19 = tpu.memref_slice %arg8[%dma_start3A_17, %dma_start3A_18] : memref<2x512xf32, #tpu.memory_space<vmem>> -> memref<1x512xf32, #tpu.memory_space<vmem>>
    %dma_start3A_20 = tpu.memref_squeeze %dma_start3A_19 : memref<1x512xf32, #tpu.memory_space<vmem>> -> memref<512xf32, #tpu.memory_space<vmem>>
    %dma_start3A_21 = arith.constant 0 : i32
    %dma_start3A_22 = tpu.memref_slice %arg6[%dma_start3A_16, %dma_start3A_21] : memref<2x512xi32, #tpu.memory_space<vmem>> -> memref<1x512xi32, #tpu.memory_space<vmem>>
    %dma_start3A_23 = tpu.memref_squeeze %dma_start3A_22 : memref<1x512xi32, #tpu.memory_space<vmem>> -> memref<512xi32, #tpu.memory_space<vmem>>
    %dma_start3A_24 = arith.constant 0 : i32
    %dma_start3A_25 = tpu.memref_slice %arg4[%dma_start3A_24] : memref<1000000xf32, #tpu.memory_space<hbm>> -> memref<1000000xf32, #tpu.memory_space<hbm>>
    tpu.enqueue_indirect_dma source(%dma_start3A_25 : memref<1000000xf32, #tpu.memory_space<hbm>>) target(%dma_start3A_20 : memref<512xf32, #tpu.memory_space<vmem>>) offsets(%dma_start3A_23 : memref<512xi32, #tpu.memory_space<vmem>>) semaphore(%arg13 : memref<!tpu.dma_semaphore, #tpu.memory_space<semaphore_mem>>)
    %scan3A = arith.constant 0 : i32
    %scan3A_26 = arith.constant 0 : i32
    %scan3A_27 = arith.constant 25 : i32
    %scan3A_28 = arith.addi %scan3A_26, %scan3A_27 : i32
    %scan3A_29 = arith.constant 1 : i32
    %scan3A_30 = scf.for %scan3A_207 = %scan3A_26 to %scan3A_28 step %scan3A_29 iter_args(%scan3A_208 = %scan3A) -> (i32)  : i32 {
      %mul3A_209 = arith.constant 2 : i32
      %mul3A_210 = arith.muli %scan3A_207, %mul3A_209 : i32
      %add3A_211 = arith.constant 0 : i32
      %add3A_212 = arith.addi %mul3A_210, %add3A_211 : i32
      %dma_wait3A_213 = arith.constant 0 : i32
      %dma_wait3A_214 = arith.constant 0 : i32
      %dma_wait3A_215 = arith.constant 0 : i32
      %dma_wait3A_216 = tpu.memref_slice %arg7[%dma_wait3A_213, %dma_wait3A_214, %dma_wait3A_215] : memref<2x512x64xi8, #tpu.memory_space<vmem>> -> memref<1x512x64xi8, #tpu.memory_space<vmem>>
      %dma_wait3A_217 = tpu.memref_squeeze %dma_wait3A_216 : memref<1x512x64xi8, #tpu.memory_space<vmem>> -> memref<512x64xi8, #tpu.memory_space<vmem>>
      %dma_wait3A_218 = arith.constant 0 : i32
      %dma_wait3A_219 = arith.constant 0 : i32
      %dma_wait3A_220 = tpu.memref_slice %arg3[%dma_wait3A_218, %dma_wait3A_219] : memref<1000000x64xi8, #tpu.memory_space<hbm>> -> memref<512x64xi8, #tpu.memory_space<hbm>>
      %dma_wait3A_221 = arith.constant 0 : i32
      %dma_wait3A_222 = arith.constant 0 : i32
      %dma_wait3A_223 = tpu.memref_slice %arg7[%dma_wait3A_213, %dma_wait3A_221, %dma_wait3A_222] : memref<2x512x64xi8, #tpu.memory_space<vmem>> -> memref<1x512x64xi8, #tpu.memory_space<vmem>>
      %dma_wait3A_224 = tpu.memref_squeeze %dma_wait3A_223 : memref<1x512x64xi8, #tpu.memory_space<vmem>> -> memref<512x64xi8, #tpu.memory_space<vmem>>
      %dma_wait3A_225 = arith.constant 0 : i32
      %dma_wait3A_226 = arith.constant 0 : i32
      %dma_wait3A_227 = tpu.memref_slice %arg3[%dma_wait3A_225, %dma_wait3A_226] : memref<1000000x64xi8, #tpu.memory_space<hbm>> -> memref<512x64xi8, #tpu.memory_space<hbm>>
      tpu.wait_dma2 semaphore(%arg11 : memref<!tpu.dma_semaphore, #tpu.memory_space<semaphore_mem>>) src(%dma_wait3A_227 : memref<512x64xi8, #tpu.memory_space<hbm>>) dst(%dma_wait3A_224 : memref<512x64xi8, #tpu.memory_space<vmem>>)
      %dma_wait3A_228 = arith.constant 0 : i32
      %dma_wait3A_229 = arith.constant 0 : i32
      %dma_wait3A_230 = tpu.memref_slice %arg8[%dma_wait3A_228, %dma_wait3A_229] : memref<2x512xf32, #tpu.memory_space<vmem>> -> memref<1x512xf32, #tpu.memory_space<vmem>>
      %dma_wait3A_231 = tpu.memref_squeeze %dma_wait3A_230 : memref<1x512xf32, #tpu.memory_space<vmem>> -> memref<512xf32, #tpu.memory_space<vmem>>
      %dma_wait3A_232 = arith.constant 0 : i32
      %dma_wait3A_233 = tpu.memref_slice %arg4[%dma_wait3A_232] : memref<1000000xf32, #tpu.memory_space<hbm>> -> memref<512xf32, #tpu.memory_space<hbm>>
      %dma_wait3A_234 = arith.constant 0 : i32
      %dma_wait3A_235 = tpu.memref_slice %arg8[%dma_wait3A_228, %dma_wait3A_234] : memref<2x512xf32, #tpu.memory_space<vmem>> -> memref<1x512xf32, #tpu.memory_space<vmem>>
      %dma_wait3A_236 = tpu.memref_squeeze %dma_wait3A_235 : memref<1x512xf32, #tpu.memory_space<vmem>> -> memref<512xf32, #tpu.memory_space<vmem>>
      %dma_wait3A_237 = arith.constant 0 : i32
      %dma_wait3A_238 = tpu.memref_slice %arg4[%dma_wait3A_237] : memref<1000000xf32, #tpu.memory_space<hbm>> -> memref<512xf32, #tpu.memory_space<hbm>>
      tpu.wait_dma2 semaphore(%arg13 : memref<!tpu.dma_semaphore, #tpu.memory_space<semaphore_mem>>) src(%dma_wait3A_238 : memref<512xf32, #tpu.memory_space<hbm>>) dst(%dma_wait3A_236 : memref<512xf32, #tpu.memory_space<vmem>>)
      %add3A_239 = arith.constant 1 : i32
      %add3A_240 = arith.addi %add3A_212, %add3A_239 : i32
      %lt3A = arith.constant 50 : i32
      %lt3A_241 = arith.cmpi slt, %add3A_240, %lt3A : i32
      %convert_element_type3A = arith.extui %lt3A_241 : i1 to i32
      %cond3A = arith.constant 0 : i32
      %cond3A_242 = arith.cmpi ne, %convert_element_type3A, %cond3A : i32
      scf.if %cond3A_242 {
        %add3A_642 = arith.constant 1 : i32
        %add3A_643 = arith.addi %add3A_212, %add3A_642 : i32
        %mul3A_644 = arith.constant 16384 : i32
        %mul3A_645 = arith.muli %add3A_643, %mul3A_644 : i32
        %add3A_646 = arith.addi %mul3A_645, %mul3A_2 : i32
        %run_scoped3A_647 = arith.constant 1 : i32
        "tpu.region"() ({
          %run_scoped3A_670 = tpu.sem_alloc : memref<!tpu.dma_semaphore, #tpu.memory_space<semaphore_mem>>
          %dma_start3A_671 = arith.constant 0 : i32
          %dma_start3A_672 = tpu.memref_slice %arg6[%run_scoped3A_647, %dma_start3A_671] : memref<2x512xi32, #tpu.memory_space<vmem>> -> memref<1x512xi32, #tpu.memory_space<vmem>>
          %dma_start3A_673 = tpu.memref_squeeze %dma_start3A_672 : memref<1x512xi32, #tpu.memory_space<vmem>> -> memref<512xi32, #tpu.memory_space<vmem>>
          %dma_start3A_674 = tpu.memref_slice %arg2[%add3A_646] : memref<819200xi32, #tpu.memory_space<hbm>> -> memref<512xi32, #tpu.memory_space<hbm>>
          %dma_start3A_675 = arith.constant 0 : i32
          %dma_start3A_676 = tpu.memref_slice %arg6[%run_scoped3A_647, %dma_start3A_675] : memref<2x512xi32, #tpu.memory_space<vmem>> -> memref<1x512xi32, #tpu.memory_space<vmem>>
          %dma_start3A_677 = tpu.memref_squeeze %dma_start3A_676 : memref<1x512xi32, #tpu.memory_space<vmem>> -> memref<512xi32, #tpu.memory_space<vmem>>
          %dma_start3A_678 = tpu.memref_slice %arg2[%add3A_646] : memref<819200xi32, #tpu.memory_space<hbm>> -> memref<512xi32, #tpu.memory_space<hbm>>
          tpu.enqueue_dma source(%dma_start3A_678 : memref<512xi32, #tpu.memory_space<hbm>>) target(%dma_start3A_677 : memref<512xi32, #tpu.memory_space<vmem>>) target_semaphore(%run_scoped3A_670 : memref<!tpu.dma_semaphore, #tpu.memory_space<semaphore_mem>>)
          %dma_wait3A_679 = arith.constant 0 : i32
          %dma_wait3A_680 = tpu.memref_slice %arg6[%run_scoped3A_647, %dma_wait3A_679] : memref<2x512xi32, #tpu.memory_space<vmem>> -> memref<1x512xi32, #tpu.memory_space<vmem>>
          %dma_wait3A_681 = tpu.memref_squeeze %dma_wait3A_680 : memref<1x512xi32, #tpu.memory_space<vmem>> -> memref<512xi32, #tpu.memory_space<vmem>>
          %dma_wait3A_682 = tpu.memref_slice %arg2[%add3A_646] : memref<819200xi32, #tpu.memory_space<hbm>> -> memref<512xi32, #tpu.memory_space<hbm>>
          %dma_wait3A_683 = arith.constant 0 : i32
          %dma_wait3A_684 = tpu.memref_slice %arg6[%run_scoped3A_647, %dma_wait3A_683] : memref<2x512xi32, #tpu.memory_space<vmem>> -> memref<1x512xi32, #tpu.memory_space<vmem>>
          %dma_wait3A_685 = tpu.memref_squeeze %dma_wait3A_684 : memref<1x512xi32, #tpu.memory_space<vmem>> -> memref<512xi32, #tpu.memory_space<vmem>>
          %dma_wait3A_686 = tpu.memref_slice %arg2[%add3A_646] : memref<819200xi32, #tpu.memory_space<hbm>> -> memref<512xi32, #tpu.memory_space<hbm>>
          tpu.wait_dma2 semaphore(%run_scoped3A_670 : memref<!tpu.dma_semaphore, #tpu.memory_space<semaphore_mem>>) src(%dma_wait3A_686 : memref<512xi32, #tpu.memory_space<hbm>>) dst(%dma_wait3A_685 : memref<512xi32, #tpu.memory_space<vmem>>)
          tpu.yield
        }) : () -> ()
        %dma_start3A_648 = arith.constant 1 : i32
        %dma_start3A_649 = arith.constant 1 : i32
        %dma_start3A_650 = arith.constant 0 : i32
        %dma_start3A_651 = arith.constant 0 : i32
        %dma_start3A_652 = tpu.memref_slice %arg7[%dma_start3A_649, %dma_start3A_650, %dma_start3A_651] : memref<2x512x64xi8, #tpu.memory_space<vmem>> -> memref<1x512x64xi8, #tpu.memory_space<vmem>>
        %dma_start3A_653 = tpu.memref_squeeze %dma_start3A_652 : memref<1x512x64xi8, #tpu.memory_space<vmem>> -> memref<512x64xi8, #tpu.memory_space<vmem>>
        %dma_start3A_654 = arith.constant 0 : i32
        %dma_start3A_655 = tpu.memref_slice %arg6[%dma_start3A_648, %dma_start3A_654] : memref<2x512xi32, #tpu.memory_space<vmem>> -> memref<1x512xi32, #tpu.memory_space<vmem>>
        %dma_start3A_656 = tpu.memref_squeeze %dma_start3A_655 : memref<1x512xi32, #tpu.memory_space<vmem>> -> memref<512xi32, #tpu.memory_space<vmem>>
        %dma_start3A_657 = arith.constant 0 : i32
        %dma_start3A_658 = arith.constant 0 : i32
        %dma_start3A_659 = tpu.memref_slice %arg3[%dma_start3A_657, %dma_start3A_658] : memref<1000000x64xi8, #tpu.memory_space<hbm>> -> memref<1000000x64xi8, #tpu.memory_space<hbm>>
        tpu.enqueue_indirect_dma source(%dma_start3A_659 : memref<1000000x64xi8, #tpu.memory_space<hbm>>) target(%dma_start3A_653 : memref<512x64xi8, #tpu.memory_space<vmem>>) offsets(%dma_start3A_656 : memref<512xi32, #tpu.memory_space<vmem>>) semaphore(%arg12 : memref<!tpu.dma_semaphore, #tpu.memory_space<semaphore_mem>>)
        %dma_start3A_660 = arith.constant 1 : i32
        %dma_start3A_661 = arith.constant 1 : i32
        %dma_start3A_662 = arith.constant 0 : i32
        %dma_start3A_663 = tpu.memref_slice %arg8[%dma_start3A_661, %dma_start3A_662] : memref<2x512xf32, #tpu.memory_space<vmem>> -> memref<1x512xf32, #tpu.memory_space<vmem>>
        %dma_start3A_664 = tpu.memref_squeeze %dma_start3A_663 : memref<1x512xf32, #tpu.memory_space<vmem>> -> memref<512xf32, #tpu.memory_space<vmem>>
        %dma_start3A_665 = arith.constant 0 : i32
        %dma_start3A_666 = tpu.memref_slice %arg6[%dma_start3A_660, %dma_start3A_665] : memref<2x512xi32, #tpu.memory_space<vmem>> -> memref<1x512xi32, #tpu.memory_space<vmem>>
        %dma_start3A_667 = tpu.memref_squeeze %dma_start3A_666 : memref<1x512xi32, #tpu.memory_space<vmem>> -> memref<512xi32, #tpu.memory_space<vmem>>
        %dma_start3A_668 = arith.constant 0 : i32
        %dma_start3A_669 = tpu.memref_slice %arg4[%dma_start3A_668] : memref<1000000xf32, #tpu.memory_space<hbm>> -> memref<1000000xf32, #tpu.memory_space<hbm>>
        tpu.enqueue_indirect_dma source(%dma_start3A_669 : memref<1000000xf32, #tpu.memory_space<hbm>>) target(%dma_start3A_664 : memref<512xf32, #tpu.memory_space<vmem>>) offsets(%dma_start3A_667 : memref<512xi32, #tpu.memory_space<vmem>>) semaphore(%arg14 : memref<!tpu.dma_semaphore, #tpu.memory_space<semaphore_mem>>)
      } else {
      }
      %ge3A = arith.constant 2 : i32
      %ge3A_243 = arith.cmpi sge, %add3A_212, %ge3A : i32
      %convert_element_type3A_244 = arith.extui %ge3A_243 : i1 to i32
      %cond3A_245 = arith.constant 0 : i32
      %cond3A_246 = arith.cmpi ne, %convert_element_type3A_244, %cond3A_245 : i32
      scf.if %cond3A_246 {
        %dma_wait3A_642 = arith.constant 0 : i32
        %dma_wait3A_643 = arith.constant 0 : i32
        %dma_wait3A_644 = tpu.memref_slice %arg9[%dma_wait3A_642, %dma_wait3A_643] : memref<2x32768xf32, #tpu.memory_space<vmem>> -> memref<1x4096xf32, #tpu.memory_space<vmem>>
        %dma_wait3A_645 = tpu.memref_squeeze %dma_wait3A_644 : memref<1x4096xf32, #tpu.memory_space<vmem>> -> memref<4096xf32, #tpu.memory_space<vmem>>
        %dma_wait3A_646 = arith.constant 0 : i32
        %dma_wait3A_647 = tpu.memref_slice %arg5[%dma_wait3A_646] : memref<52428800xf32, #tpu.memory_space<hbm>> -> memref<4096xf32, #tpu.memory_space<hbm>>
        %dma_wait3A_648 = arith.constant 0 : i32
        %dma_wait3A_649 = tpu.memref_slice %arg9[%dma_wait3A_642, %dma_wait3A_648] : memref<2x32768xf32, #tpu.memory_space<vmem>> -> memref<1x4096xf32, #tpu.memory_space<vmem>>
        %dma_wait3A_650 = tpu.memref_squeeze %dma_wait3A_649 : memref<1x4096xf32, #tpu.memory_space<vmem>> -> memref<4096xf32, #tpu.memory_space<vmem>>
        %dma_wait3A_651 = arith.constant 0 : i32
        %dma_wait3A_652 = tpu.memref_slice %arg5[%dma_wait3A_651] : memref<52428800xf32, #tpu.memory_space<hbm>> -> memref<4096xf32, #tpu.memory_space<hbm>>
        tpu.wait_dma2 semaphore(%arg15 : memref<!tpu.dma_semaphore, #tpu.memory_space<semaphore_mem>>) src(%dma_wait3A_652 : memref<4096xf32, #tpu.memory_space<hbm>>) dst(%dma_wait3A_650 : memref<4096xf32, #tpu.memory_space<vmem>>)
        %dma_wait3A_653 = arith.constant 0 : i32
        %dma_wait3A_654 = arith.constant 4096 : i32
        %dma_wait3A_655 = tpu.memref_slice %arg9[%dma_wait3A_653, %dma_wait3A_654] : memref<2x32768xf32, #tpu.memory_space<vmem>> -> memref<1x4096xf32, #tpu.memory_space<vmem>>
        %dma_wait3A_656 = tpu.memref_squeeze %dma_wait3A_655 : memref<1x4096xf32, #tpu.memory_space<vmem>> -> memref<4096xf32, #tpu.memory_space<vmem>>
        %dma_wait3A_657 = arith.constant 0 : i32
        %dma_wait3A_658 = tpu.memref_slice %arg5[%dma_wait3A_657] : memref<52428800xf32, #tpu.memory_space<hbm>> -> memref<4096xf32, #tpu.memory_space<hbm>>
        %dma_wait3A_659 = arith.constant 4096 : i32
        %dma_wait3A_660 = tpu.memref_slice %arg9[%dma_wait3A_653, %dma_wait3A_659] : memref<2x32768xf32, #tpu.memory_space<vmem>> -> memref<1x4096xf32, #tpu.memory_space<vmem>>
        %dma_wait3A_661 = tpu.memref_squeeze %dma_wait3A_660 : memref<1x4096xf32, #tpu.memory_space<vmem>> -> memref<4096xf32, #tpu.memory_space<vmem>>
        %dma_wait3A_662 = arith.constant 0 : i32
        %dma_wait3A_663 = tpu.memref_slice %arg5[%dma_wait3A_662] : memref<52428800xf32, #tpu.memory_space<hbm>> -> memref<4096xf32, #tpu.memory_space<hbm>>
        tpu.wait_dma2 semaphore(%arg15 : memref<!tpu.dma_semaphore, #tpu.memory_space<semaphore_mem>>) src(%dma_wait3A_663 : memref<4096xf32, #tpu.memory_space<hbm>>) dst(%dma_wait3A_661 : memref<4096xf32, #tpu.memory_space<vmem>>)
        %dma_wait3A_664 = arith.constant 0 : i32
        %dma_wait3A_665 = arith.constant 8192 : i32
        %dma_wait3A_666 = tpu.memref_slice %arg9[%dma_wait3A_664, %dma_wait3A_665] : memref<2x32768xf32, #tpu.memory_space<vmem>> -> memref<1x4096xf32, #tpu.memory_space<vmem>>
        %dma_wait3A_667 = tpu.memref_squeeze %dma_wait3A_666 : memref<1x4096xf32, #tpu.memory_space<vmem>> -> memref<4096xf32, #tpu.memory_space<vmem>>
        %dma_wait3A_668 = arith.constant 0 : i32
        %dma_wait3A_669 = tpu.memref_slice %arg5[%dma_wait3A_668] : memref<52428800xf32, #tpu.memory_space<hbm>> -> memref<4096xf32, #tpu.memory_space<hbm>>
        %dma_wait3A_670 = arith.constant 8192 : i32
        %dma_wait3A_671 = tpu.memref_slice %arg9[%dma_wait3A_664, %dma_wait3A_670] : memref<2x32768xf32, #tpu.memory_space<vmem>> -> memref<1x4096xf32, #tpu.memory_space<vmem>>
        %dma_wait3A_672 = tpu.memref_squeeze %dma_wait3A_671 : memref<1x4096xf32, #tpu.memory_space<vmem>> -> memref<4096xf32, #tpu.memory_space<vmem>>
        %dma_wait3A_673 = arith.constant 0 : i32
        %dma_wait3A_674 = tpu.memref_slice %arg5[%dma_wait3A_673] : memref<52428800xf32, #tpu.memory_space<hbm>> -> memref<4096xf32, #tpu.memory_space<hbm>>
        tpu.wait_dma2 semaphore(%arg15 : memref<!tpu.dma_semaphore, #tpu.memory_space<semaphore_mem>>) src(%dma_wait3A_674 : memref<4096xf32, #tpu.memory_space<hbm>>) dst(%dma_wait3A_672 : memref<4096xf32, #tpu.memory_space<vmem>>)
        %dma_wait3A_675 = arith.constant 0 : i32
        %dma_wait3A_676 = arith.constant 12288 : i32
        %dma_wait3A_677 = tpu.memref_slice %arg9[%dma_wait3A_675, %dma_wait3A_676] : memref<2x32768xf32, #tpu.memory_space<vmem>> -> memref<1x4096xf32, #tpu.memory_space<vmem>>
        %dma_wait3A_678 = tpu.memref_squeeze %dma_wait3A_677 : memref<1x4096xf32, #tpu.memory_space<vmem>> -> memref<4096xf32, #tpu.memory_space<vmem>>
        %dma_wait3A_679 = arith.constant 0 : i32
        %dma_wait3A_680 = tpu.memref_slice %arg5[%dma_wait3A_679] : memref<52428800xf32, #tpu.memory_space<hbm>> -> memref<4096xf32, #tpu.memory_space<hbm>>
        %dma_wait3A_681 = arith.constant 12288 : i32
        %dma_wait3A_682 = tpu.memref_slice %arg9[%dma_wait3A_675, %dma_wait3A_681] : memref<2x32768xf32, #tpu.memory_space<vmem>> -> memref<1x4096xf32, #tpu.memory_space<vmem>>
        %dma_wait3A_683 = tpu.memref_squeeze %dma_wait3A_682 : memref<1x4096xf32, #tpu.memory_space<vmem>> -> memref<4096xf32, #tpu.memory_space<vmem>>
        %dma_wait3A_684 = arith.constant 0 : i32
        %dma_wait3A_685 = tpu.memref_slice %arg5[%dma_wait3A_684] : memref<52428800xf32, #tpu.memory_space<hbm>> -> memref<4096xf32, #tpu.memory_space<hbm>>
        tpu.wait_dma2 semaphore(%arg15 : memref<!tpu.dma_semaphore, #tpu.memory_space<semaphore_mem>>) src(%dma_wait3A_685 : memref<4096xf32, #tpu.memory_space<hbm>>) dst(%dma_wait3A_683 : memref<4096xf32, #tpu.memory_space<vmem>>)
        %dma_wait3A_686 = arith.constant 0 : i32
        %dma_wait3A_687 = arith.constant 16384 : i32
        %dma_wait3A_688 = tpu.memref_slice %arg9[%dma_wait3A_686, %dma_wait3A_687] : memref<2x32768xf32, #tpu.memory_space<vmem>> -> memref<1x4096xf32, #tpu.memory_space<vmem>>
        %dma_wait3A_689 = tpu.memref_squeeze %dma_wait3A_688 : memref<1x4096xf32, #tpu.memory_space<vmem>> -> memref<4096xf32, #tpu.memory_space<vmem>>
        %dma_wait3A_690 = arith.constant 0 : i32
        %dma_wait3A_691 = tpu.memref_slice %arg5[%dma_wait3A_690] : memref<52428800xf32, #tpu.memory_space<hbm>> -> memref<4096xf32, #tpu.memory_space<hbm>>
        %dma_wait3A_692 = arith.constant 16384 : i32
        %dma_wait3A_693 = tpu.memref_slice %arg9[%dma_wait3A_686, %dma_wait3A_692] : memref<2x32768xf32, #tpu.memory_space<vmem>> -> memref<1x4096xf32, #tpu.memory_space<vmem>>
        %dma_wait3A_694 = tpu.memref_squeeze %dma_wait3A_693 : memref<1x4096xf32, #tpu.memory_space<vmem>> -> memref<4096xf32, #tpu.memory_space<vmem>>
        %dma_wait3A_695 = arith.constant 0 : i32
        %dma_wait3A_696 = tpu.memref_slice %arg5[%dma_wait3A_695] : memref<52428800xf32, #tpu.memory_space<hbm>> -> memref<4096xf32, #tpu.memory_space<hbm>>
        tpu.wait_dma2 semaphore(%arg15 : memref<!tpu.dma_semaphore, #tpu.memory_space<semaphore_mem>>) src(%dma_wait3A_696 : memref<4096xf32, #tpu.memory_space<hbm>>) dst(%dma_wait3A_694 : memref<4096xf32, #tpu.memory_space<vmem>>)
        %dma_wait3A_697 = arith.constant 0 : i32
        %dma_wait3A_698 = arith.constant 20480 : i32
        %dma_wait3A_699 = tpu.memref_slice %arg9[%dma_wait3A_697, %dma_wait3A_698] : memref<2x32768xf32, #tpu.memory_space<vmem>> -> memref<1x4096xf32, #tpu.memory_space<vmem>>
        %dma_wait3A_700 = tpu.memref_squeeze %dma_wait3A_699 : memref<1x4096xf32, #tpu.memory_space<vmem>> -> memref<4096xf32, #tpu.memory_space<vmem>>
        %dma_wait3A_701 = arith.constant 0 : i32
        %dma_wait3A_702 = tpu.memref_slice %arg5[%dma_wait3A_701] : memref<52428800xf32, #tpu.memory_space<hbm>> -> memref<4096xf32, #tpu.memory_space<hbm>>
        %dma_wait3A_703 = arith.constant 20480 : i32
        %dma_wait3A_704 = tpu.memref_slice %arg9[%dma_wait3A_697, %dma_wait3A_703] : memref<2x32768xf32, #tpu.memory_space<vmem>> -> memref<1x4096xf32, #tpu.memory_space<vmem>>
        %dma_wait3A_705 = tpu.memref_squeeze %dma_wait3A_704 : memref<1x4096xf32, #tpu.memory_space<vmem>> -> memref<4096xf32, #tpu.memory_space<vmem>>
        %dma_wait3A_706 = arith.constant 0 : i32
        %dma_wait3A_707 = tpu.memref_slice %arg5[%dma_wait3A_706] : memref<52428800xf32, #tpu.memory_space<hbm>> -> memref<4096xf32, #tpu.memory_space<hbm>>
        tpu.wait_dma2 semaphore(%arg15 : memref<!tpu.dma_semaphore, #tpu.memory_space<semaphore_mem>>) src(%dma_wait3A_707 : memref<4096xf32, #tpu.memory_space<hbm>>) dst(%dma_wait3A_705 : memref<4096xf32, #tpu.memory_space<vmem>>)
        %dma_wait3A_708 = arith.constant 0 : i32
        %dma_wait3A_709 = arith.constant 24576 : i32
        %dma_wait3A_710 = tpu.memref_slice %arg9[%dma_wait3A_708, %dma_wait3A_709] : memref<2x32768xf32, #tpu.memory_space<vmem>> -> memref<1x4096xf32, #tpu.memory_space<vmem>>
        %dma_wait3A_711 = tpu.memref_squeeze %dma_wait3A_710 : memref<1x4096xf32, #tpu.memory_space<vmem>> -> memref<4096xf32, #tpu.memory_space<vmem>>
        %dma_wait3A_712 = arith.constant 0 : i32
        %dma_wait3A_713 = tpu.memref_slice %arg5[%dma_wait3A_712] : memref<52428800xf32, #tpu.memory_space<hbm>> -> memref<4096xf32, #tpu.memory_space<hbm>>
        %dma_wait3A_714 = arith.constant 24576 : i32
        %dma_wait3A_715 = tpu.memref_slice %arg9[%dma_wait3A_708, %dma_wait3A_714] : memref<2x32768xf32, #tpu.memory_space<vmem>> -> memref<1x4096xf32, #tpu.memory_space<vmem>>
        %dma_wait3A_716 = tpu.memref_squeeze %dma_wait3A_715 : memref<1x4096xf32, #tpu.memory_space<vmem>> -> memref<4096xf32, #tpu.memory_space<vmem>>
        %dma_wait3A_717 = arith.constant 0 : i32
        %dma_wait3A_718 = tpu.memref_slice %arg5[%dma_wait3A_717] : memref<52428800xf32, #tpu.memory_space<hbm>> -> memref<4096xf32, #tpu.memory_space<hbm>>
        tpu.wait_dma2 semaphore(%arg15 : memref<!tpu.dma_semaphore, #tpu.memory_space<semaphore_mem>>) src(%dma_wait3A_718 : memref<4096xf32, #tpu.memory_space<hbm>>) dst(%dma_wait3A_716 : memref<4096xf32, #tpu.memory_space<vmem>>)
        %dma_wait3A_719 = arith.constant 0 : i32
        %dma_wait3A_720 = arith.constant 28672 : i32
        %dma_wait3A_721 = tpu.memref_slice %arg9[%dma_wait3A_719, %dma_wait3A_720] : memref<2x32768xf32, #tpu.memory_space<vmem>> -> memref<1x4096xf32, #tpu.memory_space<vmem>>
        %dma_wait3A_722 = tpu.memref_squeeze %dma_wait3A_721 : memref<1x4096xf32, #tpu.memory_space<vmem>> -> memref<4096xf32, #tpu.memory_space<vmem>>
        %dma_wait3A_723 = arith.constant 0 : i32
        %dma_wait3A_724 = tpu.memref_slice %arg5[%dma_wait3A_723] : memref<52428800xf32, #tpu.memory_space<hbm>> -> memref<4096xf32, #tpu.memory_space<hbm>>
        %dma_wait3A_725 = arith.constant 28672 : i32
        %dma_wait3A_726 = tpu.memref_slice %arg9[%dma_wait3A_719, %dma_wait3A_725] : memref<2x32768xf32, #tpu.memory_space<vmem>> -> memref<1x4096xf32, #tpu.memory_space<vmem>>
        %dma_wait3A_727 = tpu.memref_squeeze %dma_wait3A_726 : memref<1x4096xf32, #tpu.memory_space<vmem>> -> memref<4096xf32, #tpu.memory_space<vmem>>
        %dma_wait3A_728 = arith.constant 0 : i32
        %dma_wait3A_729 = tpu.memref_slice %arg5[%dma_wait3A_728] : memref<52428800xf32, #tpu.memory_space<hbm>> -> memref<4096xf32, #tpu.memory_space<hbm>>
        tpu.wait_dma2 semaphore(%arg15 : memref<!tpu.dma_semaphore, #tpu.memory_space<semaphore_mem>>) src(%dma_wait3A_729 : memref<4096xf32, #tpu.memory_space<hbm>>) dst(%dma_wait3A_727 : memref<4096xf32, #tpu.memory_space<vmem>>)
      } else {
      }
      %scan3A_247 = arith.constant 0 : i32
      %scan3A_248 = arith.constant 0 : i32
      %scan3A_249 = arith.constant 0 : i32
      %scan3A_250 = arith.constant 32 : i32
      %scan3A_251 = arith.addi %scan3A_249, %scan3A_250 : i32
      %scan3A_252 = arith.constant 1 : i32
      %scan3A_253 = scf.for %scan3A_642 = %scan3A_249 to %scan3A_251 step %scan3A_252 iter_args(%scan3A_643 = %scan3A_248) -> (i32)  : i32 {
        %mul3A_644 = arith.constant 16 : i32
        %mul3A_645 = arith.muli %scan3A_642, %mul3A_644 : i32
        %add3A_646 = arith.constant 0 : i32
        %add3A_647 = arith.addi %mul3A_645, %add3A_646 : i32
        %get3A = arith.constant 0 : i32
        %get3A_648 = arith.constant 0 : i32
        %get3A_649 = tpu.memref_slice %arg7[%scan3A_247, %get3A, %get3A_648] : memref<2x512x64xi8, #tpu.memory_space<vmem>> -> memref<1x512x64xi8, #tpu.memory_space<vmem>>
        %get3A_650 = tpu.memref_squeeze %get3A_649 : memref<1x512x64xi8, #tpu.memory_space<vmem>> -> memref<512x64xi8, #tpu.memory_space<vmem>>
        %get3A_651 = arith.index_cast %add3A_647 : i32 to index
        %get3A_652 = arith.constant 0 : index
        %get3A_653 = tpu.vector_load %get3A_650[%get3A_651, %get3A_652] {strides = array<i32>} : memref<512x64xi8, #tpu.memory_space<vmem>>, vector<64xi8>,
        %bitcast3A = vector.bitcast %get3A_653 : vector<64xi8> to vector<16xi32>
        %mul3A_654 = arith.constant 17 : i32
        %mul3A_655 = arith.muli %add3A_647, %mul3A_654 : i32
        %swap3A = arith.index_cast %mul3A_655 : i32 to index
        %swap3A_656 = tpu.vector_load %arg10[%swap3A] {strides = array<i32>} : memref<8704xi32, #tpu.memory_space<vmem>>, vector<16xi32>,
        tpu.vector_store %arg10[%swap3A], %bitcast3A {strides = array<i32>} : memref<8704xi32, #tpu.memory_space<vmem>>, vector<16xi32>,
        %add3A_657 = arith.constant 1 : i32
        %add3A_658 = arith.addi %mul3A_645, %add3A_657 : i32
        %get3A_659 = arith.constant 0 : i32
        %get3A_660 = arith.constant 0 : i32
        %get3A_661 = tpu.memref_slice %arg7[%scan3A_247, %get3A_659, %get3A_660] : memref<2x512x64xi8, #tpu.memory_space<vmem>> -> memref<1x512x64xi8, #tpu.memory_space<vmem>>
        %get3A_662 = tpu.memref_squeeze %get3A_661 : memref<1x512x64xi8, #tpu.memory_space<vmem>> -> memref<512x64xi8, #tpu.memory_space<vmem>>
        %get3A_663 = arith.index_cast %add3A_658 : i32 to index
        %get3A_664 = arith.constant 0 : index
        %get3A_665 = tpu.vector_load %get3A_662[%get3A_663, %get3A_664] {strides = array<i32>} : memref<512x64xi8, #tpu.memory_space<vmem>>, vector<64xi8>,
        %bitcast3A_666 = vector.bitcast %get3A_665 : vector<64xi8> to vector<16xi32>
        %mul3A_667 = arith.constant 17 : i32
        %mul3A_668 = arith.muli %add3A_658, %mul3A_667 : i32
        %swap3A_669 = arith.index_cast %mul3A_668 : i32 to index
        %swap3A_670 = tpu.vector_load %arg10[%swap3A_669] {strides = array<i32>} : memref<8704xi32, #tpu.memory_space<vmem>>, vector<16xi32>,
        tpu.vector_store %arg10[%swap3A_669], %bitcast3A_666 {strides = array<i32>} : memref<8704xi32, #tpu.memory_space<vmem>>, vector<16xi32>,
        %add3A_671 = arith.constant 2 : i32
        %add3A_672 = arith.addi %mul3A_645, %add3A_671 : i32
        %get3A_673 = arith.constant 0 : i32
        %get3A_674 = arith.constant 0 : i32
        %get3A_675 = tpu.memref_slice %arg7[%scan3A_247, %get3A_673, %get3A_674] : memref<2x512x64xi8, #tpu.memory_space<vmem>> -> memref<1x512x64xi8, #tpu.memory_space<vmem>>
        %get3A_676 = tpu.memref_squeeze %get3A_675 : memref<1x512x64xi8, #tpu.memory_space<vmem>> -> memref<512x64xi8, #tpu.memory_space<vmem>>
        %get3A_677 = arith.index_cast %add3A_672 : i32 to index
        %get3A_678 = arith.constant 0 : index
        %get3A_679 = tpu.vector_load %get3A_676[%get3A_677, %get3A_678] {strides = array<i32>} : memref<512x64xi8, #tpu.memory_space<vmem>>, vector<64xi8>,
        %bitcast3A_680 = vector.bitcast %get3A_679 : vector<64xi8> to vector<16xi32>
        %mul3A_681 = arith.constant 17 : i32
        %mul3A_682 = arith.muli %add3A_672, %mul3A_681 : i32
        %swap3A_683 = arith.index_cast %mul3A_682 : i32 to index
        %swap3A_684 = tpu.vector_load %arg10[%swap3A_683] {strides = array<i32>} : memref<8704xi32, #tpu.memory_space<vmem>>, vector<16xi32>,
        tpu.vector_store %arg10[%swap3A_683], %bitcast3A_680 {strides = array<i32>} : memref<8704xi32, #tpu.memory_space<vmem>>, vector<16xi32>,
        %add3A_685 = arith.constant 3 : i32
        %add3A_686 = arith.addi %mul3A_645, %add3A_685 : i32
        %get3A_687 = arith.constant 0 : i32
        %get3A_688 = arith.constant 0 : i32
        %get3A_689 = tpu.memref_slice %arg7[%scan3A_247, %get3A_687, %get3A_688] : memref<2x512x64xi8, #tpu.memory_space<vmem>> -> memref<1x512x64xi8, #tpu.memory_space<vmem>>
        %get3A_690 = tpu.memref_squeeze %get3A_689 : memref<1x512x64xi8, #tpu.memory_space<vmem>> -> memref<512x64xi8, #tpu.memory_space<vmem>>
        %get3A_691 = arith.index_cast %add3A_686 : i32 to index
        %get3A_692 = arith.constant 0 : index
        %get3A_693 = tpu.vector_load %get3A_690[%get3A_691, %get3A_692] {strides = array<i32>} : memref<512x64xi8, #tpu.memory_space<vmem>>, vector<64xi8>,
        %bitcast3A_694 = vector.bitcast %get3A_693 : vector<64xi8> to vector<16xi32>
        %mul3A_695 = arith.constant 17 : i32
        %mul3A_696 = arith.muli %add3A_686, %mul3A_695 : i32
        %swap3A_697 = arith.index_cast %mul3A_696 : i32 to index
        %swap3A_698 = tpu.vector_load %arg10[%swap3A_697] {strides = array<i32>} : memref<8704xi32, #tpu.memory_space<vmem>>, vector<16xi32>,
        tpu.vector_store %arg10[%swap3A_697], %bitcast3A_694 {strides = array<i32>} : memref<8704xi32, #tpu.memory_space<vmem>>, vector<16xi32>,
        %add3A_699 = arith.constant 4 : i32
        %add3A_700 = arith.addi %mul3A_645, %add3A_699 : i32
        %get3A_701 = arith.constant 0 : i32
        %get3A_702 = arith.constant 0 : i32
        %get3A_703 = tpu.memref_slice %arg7[%scan3A_247, %get3A_701, %get3A_702] : memref<2x512x64xi8, #tpu.memory_space<vmem>> -> memref<1x512x64xi8, #tpu.memory_space<vmem>>
        %get3A_704 = tpu.memref_squeeze %get3A_703 : memref<1x512x64xi8, #tpu.memory_space<vmem>> -> memref<512x64xi8, #tpu.memory_space<vmem>>
        %get3A_705 = arith.index_cast %add3A_700 : i32 to index
        %get3A_706 = arith.constant 0 : index
        %get3A_707 = tpu.vector_load %get3A_704[%get3A_705, %get3A_706] {strides = array<i32>} : memref<512x64xi8, #tpu.memory_space<vmem>>, vector<64xi8>,
        %bitcast3A_708 = vector.bitcast %get3A_707 : vector<64xi8> to vector<16xi32>
        %mul3A_709 = arith.constant 17 : i32
        %mul3A_710 = arith.muli %add3A_700, %mul3A_709 : i32
        %swap3A_711 = arith.index_cast %mul3A_710 : i32 to index
        %swap3A_712 = tpu.vector_load %arg10[%swap3A_711] {strides = array<i32>} : memref<8704xi32, #tpu.memory_space<vmem>>, vector<16xi32>,
        tpu.vector_store %arg10[%swap3A_711], %bitcast3A_708 {strides = array<i32>} : memref<8704xi32, #tpu.memory_space<vmem>>, vector<16xi32>,
        %add3A_713 = arith.constant 5 : i32
        %add3A_714 = arith.addi %mul3A_645, %add3A_713 : i32
        %get3A_715 = arith.constant 0 : i32
        %get3A_716 = arith.constant 0 : i32
        %get3A_717 = tpu.memref_slice %arg7[%scan3A_247, %get3A_715, %get3A_716] : memref<2x512x64xi8, #tpu.memory_space<vmem>> -> memref<1x512x64xi8, #tpu.memory_space<vmem>>
        %get3A_718 = tpu.memref_squeeze %get3A_717 : memref<1x512x64xi8, #tpu.memory_space<vmem>> -> memref<512x64xi8, #tpu.memory_space<vmem>>
        %get3A_719 = arith.index_cast %add3A_714 : i32 to index
        %get3A_720 = arith.constant 0 : index
        %get3A_721 = tpu.vector_load %get3A_718[%get3A_719, %get3A_720] {strides = array<i32>} : memref<512x64xi8, #tpu.memory_space<vmem>>, vector<64xi8>,
        %bitcast3A_722 = vector.bitcast %get3A_721 : vector<64xi8> to vector<16xi32>
        %mul3A_723 = arith.constant 17 : i32
        %mul3A_724 = arith.muli %add3A_714, %mul3A_723 : i32
        %swap3A_725 = arith.index_cast %mul3A_724 : i32 to index
        %swap3A_726 = tpu.vector_load %arg10[%swap3A_725] {strides = array<i32>} : memref<8704xi32, #tpu.memory_space<vmem>>, vector<16xi32>,
        tpu.vector_store %arg10[%swap3A_725], %bitcast3A_722 {strides = array<i32>} : memref<8704xi32, #tpu.memory_space<vmem>>, vector<16xi32>,
        %add3A_727 = arith.constant 6 : i32
        %add3A_728 = arith.addi %mul3A_645, %add3A_727 : i32
        %get3A_729 = arith.constant 0 : i32
        %get3A_730 = arith.constant 0 : i32
        %get3A_731 = tpu.memref_slice %arg7[%scan3A_247, %get3A_729, %get3A_730] : memref<2x512x64xi8, #tpu.memory_space<vmem>> -> memref<1x512x64xi8, #tpu.memory_space<vmem>>
        %get3A_732 = tpu.memref_squeeze %get3A_731 : memref<1x512x64xi8, #tpu.memory_space<vmem>> -> memref<512x64xi8, #tpu.memory_space<vmem>>
        %get3A_733 = arith.index_cast %add3A_728 : i32 to index
        %get3A_734 = arith.constant 0 : index
        %get3A_735 = tpu.vector_load %get3A_732[%get3A_733, %get3A_734] {strides = array<i32>} : memref<512x64xi8, #tpu.memory_space<vmem>>, vector<64xi8>,
        %bitcast3A_736 = vector.bitcast %get3A_735 : vector<64xi8> to vector<16xi32>
        %mul3A_737 = arith.constant 17 : i32
        %mul3A_738 = arith.muli %add3A_728, %mul3A_737 : i32
        %swap3A_739 = arith.index_cast %mul3A_738 : i32 to index
        %swap3A_740 = tpu.vector_load %arg10[%swap3A_739] {strides = array<i32>} : memref<8704xi32, #tpu.memory_space<vmem>>, vector<16xi32>,
        tpu.vector_store %arg10[%swap3A_739], %bitcast3A_736 {strides = array<i32>} : memref<8704xi32, #tpu.memory_space<vmem>>, vector<16xi32>,
        %add3A_741 = arith.constant 7 : i32
        %add3A_742 = arith.addi %mul3A_645, %add3A_741 : i32
        %get3A_743 = arith.constant 0 : i32
        %get3A_744 = arith.constant 0 : i32
        %get3A_745 = tpu.memref_slice %arg7[%scan3A_247, %get3A_743, %get3A_744] : memref<2x512x64xi8, #tpu.memory_space<vmem>> -> memref<1x512x64xi8, #tpu.memory_space<vmem>>
        %get3A_746 = tpu.memref_squeeze %get3A_745 : memref<1x512x64xi8, #tpu.memory_space<vmem>> -> memref<512x64xi8, #tpu.memory_space<vmem>>
        %get3A_747 = arith.index_cast %add3A_742 : i32 to index
        %get3A_748 = arith.constant 0 : index
        %get3A_749 = tpu.vector_load %get3A_746[%get3A_747, %get3A_748] {strides = array<i32>} : memref<512x64xi8, #tpu.memory_space<vmem>>, vector<64xi8>,
        %bitcast3A_750 = vector.bitcast %get3A_749 : vector<64xi8> to vector<16xi32>
        %mul3A_751 = arith.constant 17 : i32
        %mul3A_752 = arith.muli %add3A_742, %mul3A_751 : i32
        %swap3A_753 = arith.index_cast %mul3A_752 : i32 to index
        %swap3A_754 = tpu.vector_load %arg10[%swap3A_753] {strides = array<i32>} : memref<8704xi32, #tpu.memory_space<vmem>>, vector<16xi32>,
        tpu.vector_store %arg10[%swap3A_753], %bitcast3A_750 {strides = array<i32>} : memref<8704xi32, #tpu.memory_space<vmem>>, vector<16xi32>,
        %add3A_755 = arith.constant 8 : i32
        %add3A_756 = arith.addi %mul3A_645, %add3A_755 : i32
        %get3A_757 = arith.constant 0 : i32
        %get3A_758 = arith.constant 0 : i32
        %get3A_759 = tpu.memref_slice %arg7[%scan3A_247, %get3A_757, %get3A_758] : memref<2x512x64xi8, #tpu.memory_space<vmem>> -> memref<1x512x64xi8, #tpu.memory_space<vmem>>
        %get3A_760 = tpu.memref_squeeze %get3A_759 : memref<1x512x64xi8, #tpu.memory_space<vmem>> -> memref<512x64xi8, #tpu.memory_space<vmem>>
        %get3A_761 = arith.index_cast %add3A_756 : i32 to index
        %get3A_762 = arith.constant 0 : index
        %get3A_763 = tpu.vector_load %get3A_760[%get3A_761, %get3A_762] {strides = array<i32>} : memref<512x64xi8, #tpu.memory_space<vmem>>, vector<64xi8>,
        %bitcast3A_764 = vector.bitcast %get3A_763 : vector<64xi8> to vector<16xi32>
        %mul3A_765 = arith.constant 17 : i32
        %mul3A_766 = arith.muli %add3A_756, %mul3A_765 : i32
        %swap3A_767 = arith.index_cast %mul3A_766 : i32 to index
        %swap3A_768 = tpu.vector_load %arg10[%swap3A_767] {strides = array<i32>} : memref<8704xi32, #tpu.memory_space<vmem>>, vector<16xi32>,
        tpu.vector_store %arg10[%swap3A_767], %bitcast3A_764 {strides = array<i32>} : memref<8704xi32, #tpu.memory_space<vmem>>, vector<16xi32>,
        %add3A_769 = arith.constant 9 : i32
        %add3A_770 = arith.addi %mul3A_645, %add3A_769 : i32
        %get3A_771 = arith.constant 0 : i32
        %get3A_772 = arith.constant 0 : i32
        %get3A_773 = tpu.memref_slice %arg7[%scan3A_247, %get3A_771, %get3A_772] : memref<2x512x64xi8, #tpu.memory_space<vmem>> -> memref<1x512x64xi8, #tpu.memory_space<vmem>>
        %get3A_774 = tpu.memref_squeeze %get3A_773 : memref<1x512x64xi8, #tpu.memory_space<vmem>> -> memref<512x64xi8, #tpu.memory_space<vmem>>
        %get3A_775 = arith.index_cast %add3A_770 : i32 to index
        %get3A_776 = arith.constant 0 : index
        %get3A_777 = tpu.vector_load %get3A_774[%get3A_775, %get3A_776] {strides = array<i32>} : memref<512x64xi8, #tpu.memory_space<vmem>>, vector<64xi8>,
        %bitcast3A_778 = vector.bitcast %get3A_777 : vector<64xi8> to vector<16xi32>
        %mul3A_779 = arith.constant 17 : i32
        %mul3A_780 = arith.muli %add3A_770, %mul3A_779 : i32
        %swap3A_781 = arith.index_cast %mul3A_780 : i32 to index
        %swap3A_782 = tpu.vector_load %arg10[%swap3A_781] {strides = array<i32>} : memref<8704xi32, #tpu.memory_space<vmem>>, vector<16xi32>,
        tpu.vector_store %arg10[%swap3A_781], %bitcast3A_778 {strides = array<i32>} : memref<8704xi32, #tpu.memory_space<vmem>>, vector<16xi32>,
        %add3A_783 = arith.constant 10 : i32
        %add3A_784 = arith.addi %mul3A_645, %add3A_783 : i32
        %get3A_785 = arith.constant 0 : i32
        %get3A_786 = arith.constant 0 : i32
        %get3A_787 = tpu.memref_slice %arg7[%scan3A_247, %get3A_785, %get3A_786] : memref<2x512x64xi8, #tpu.memory_space<vmem>> -> memref<1x512x64xi8, #tpu.memory_space<vmem>>
        %get3A_788 = tpu.memref_squeeze %get3A_787 : memref<1x512x64xi8, #tpu.memory_space<vmem>> -> memref<512x64xi8, #tpu.memory_space<vmem>>
        %get3A_789 = arith.index_cast %add3A_784 : i32 to index
        %get3A_790 = arith.constant 0 : index
        %get3A_791 = tpu.vector_load %get3A_788[%get3A_789, %get3A_790] {strides = array<i32>} : memref<512x64xi8, #tpu.memory_space<vmem>>, vector<64xi8>,
        %bitcast3A_792 = vector.bitcast %get3A_791 : vector<64xi8> to vector<16xi32>
        %mul3A_793 = arith.constant 17 : i32
        %mul3A_794 = arith.muli %add3A_784, %mul3A_793 : i32
        %swap3A_795 = arith.index_cast %mul3A_794 : i32 to index
        %swap3A_796 = tpu.vector_load %arg10[%swap3A_795] {strides = array<i32>} : memref<8704xi32, #tpu.memory_space<vmem>>, vector<16xi32>,
        tpu.vector_store %arg10[%swap3A_795], %bitcast3A_792 {strides = array<i32>} : memref<8704xi32, #tpu.memory_space<vmem>>, vector<16xi32>,
        %add3A_797 = arith.constant 11 : i32
        %add3A_798 = arith.addi %mul3A_645, %add3A_797 : i32
        %get3A_799 = arith.constant 0 : i32
        %get3A_800 = arith.constant 0 : i32
        %get3A_801 = tpu.memref_slice %arg7[%scan3A_247, %get3A_799, %get3A_800] : memref<2x512x64xi8, #tpu.memory_space<vmem>> -> memref<1x512x64xi8, #tpu.memory_space<vmem>>
        %get3A_802 = tpu.memref_squeeze %get3A_801 : memref<1x512x64xi8, #tpu.memory_space<vmem>> -> memref<512x64xi8, #tpu.memory_space<vmem>>
        %get3A_803 = arith.index_cast %add3A_798 : i32 to index
        %get3A_804 = arith.constant 0 : index
        %get3A_805 = tpu.vector_load %get3A_802[%get3A_803, %get3A_804] {strides = array<i32>} : memref<512x64xi8, #tpu.memory_space<vmem>>, vector<64xi8>,
        %bitcast3A_806 = vector.bitcast %get3A_805 : vector<64xi8> to vector<16xi32>
        %mul3A_807 = arith.constant 17 : i32
        %mul3A_808 = arith.muli %add3A_798, %mul3A_807 : i32
        %swap3A_809 = arith.index_cast %mul3A_808 : i32 to index
        %swap3A_810 = tpu.vector_load %arg10[%swap3A_809] {strides = array<i32>} : memref<8704xi32, #tpu.memory_space<vmem>>, vector<16xi32>,
        tpu.vector_store %arg10[%swap3A_809], %bitcast3A_806 {strides = array<i32>} : memref<8704xi32, #tpu.memory_space<vmem>>, vector<16xi32>,
        %add3A_811 = arith.constant 12 : i32
        %add3A_812 = arith.addi %mul3A_645, %add3A_811 : i32
        %get3A_813 = arith.constant 0 : i32
        %get3A_814 = arith.constant 0 : i32
        %get3A_815 = tpu.memref_slice %arg7[%scan3A_247, %get3A_813, %get3A_814] : memref<2x512x64xi8, #tpu.memory_space<vmem>> -> memref<1x512x64xi8, #tpu.memory_space<vmem>>
        %get3A_816 = tpu.memref_squeeze %get3A_815 : memref<1x512x64xi8, #tpu.memory_space<vmem>> -> memref<512x64xi8, #tpu.memory_space<vmem>>
        %get3A_817 = arith.index_cast %add3A_812 : i32 to index
        %get3A_818 = arith.constant 0 : index
        %get3A_819 = tpu.vector_load %get3A_816[%get3A_817, %get3A_818] {strides = array<i32>} : memref<512x64xi8, #tpu.memory_space<vmem>>, vector<64xi8>,
        %bitcast3A_820 = vector.bitcast %get3A_819 : vector<64xi8> to vector<16xi32>
        %mul3A_821 = arith.constant 17 : i32
        %mul3A_822 = arith.muli %add3A_812, %mul3A_821 : i32
        %swap3A_823 = arith.index_cast %mul3A_822 : i32 to index
        %swap3A_824 = tpu.vector_load %arg10[%swap3A_823] {strides = array<i32>} : memref<8704xi32, #tpu.memory_space<vmem>>, vector<16xi32>,
        tpu.vector_store %arg10[%swap3A_823], %bitcast3A_820 {strides = array<i32>} : memref<8704xi32, #tpu.memory_space<vmem>>, vector<16xi32>,
        %add3A_825 = arith.constant 13 : i32
        %add3A_826 = arith.addi %mul3A_645, %add3A_825 : i32
        %get3A_827 = arith.constant 0 : i32
        %get3A_828 = arith.constant 0 : i32
        %get3A_829 = tpu.memref_slice %arg7[%scan3A_247, %get3A_827, %get3A_828] : memref<2x512x64xi8, #tpu.memory_space<vmem>> -> memref<1x512x64xi8, #tpu.memory_space<vmem>>
        %get3A_830 = tpu.memref_squeeze %get3A_829 : memref<1x512x64xi8, #tpu.memory_space<vmem>> -> memref<512x64xi8, #tpu.memory_space<vmem>>
        %get3A_831 = arith.index_cast %add3A_826 : i32 to index
        %get3A_832 = arith.constant 0 : index
        %get3A_833 = tpu.vector_load %get3A_830[%get3A_831, %get3A_832] {strides = array<i32>} : memref<512x64xi8, #tpu.memory_space<vmem>>, vector<64xi8>,
        %bitcast3A_834 = vector.bitcast %get3A_833 : vector<64xi8> to vector<16xi32>
        %mul3A_835 = arith.constant 17 : i32
        %mul3A_836 = arith.muli %add3A_826, %mul3A_835 : i32
        %swap3A_837 = arith.index_cast %mul3A_836 : i32 to index
        %swap3A_838 = tpu.vector_load %arg10[%swap3A_837] {strides = array<i32>} : memref<8704xi32, #tpu.memory_space<vmem>>, vector<16xi32>,
        tpu.vector_store %arg10[%swap3A_837], %bitcast3A_834 {strides = array<i32>} : memref<8704xi32, #tpu.memory_space<vmem>>, vector<16xi32>,
        %add3A_839 = arith.constant 14 : i32
        %add3A_840 = arith.addi %mul3A_645, %add3A_839 : i32
        %get3A_841 = arith.constant 0 : i32
        %get3A_842 = arith.constant 0 : i32
        %get3A_843 = tpu.memref_slice %arg7[%scan3A_247, %get3A_841, %get3A_842] : memref<2x512x64xi8, #tpu.memory_space<vmem>> -> memref<1x512x64xi8, #tpu.memory_space<vmem>>
        %get3A_844 = tpu.memref_squeeze %get3A_843 : memref<1x512x64xi8, #tpu.memory_space<vmem>> -> memref<512x64xi8, #tpu.memory_space<vmem>>
        %get3A_845 = arith.index_cast %add3A_840 : i32 to index
        %get3A_846 = arith.constant 0 : index
        %get3A_847 = tpu.vector_load %get3A_844[%get3A_845, %get3A_846] {strides = array<i32>} : memref<512x64xi8, #tpu.memory_space<vmem>>, vector<64xi8>,
        %bitcast3A_848 = vector.bitcast %get3A_847 : vector<64xi8> to vector<16xi32>
        %mul3A_849 = arith.constant 17 : i32
        %mul3A_850 = arith.muli %add3A_840, %mul3A_849 : i32
        %swap3A_851 = arith.index_cast %mul3A_850 : i32 to index
        %swap3A_852 = tpu.vector_load %arg10[%swap3A_851] {strides = array<i32>} : memref<8704xi32, #tpu.memory_space<vmem>>, vector<16xi32>,
        tpu.vector_store %arg10[%swap3A_851], %bitcast3A_848 {strides = array<i32>} : memref<8704xi32, #tpu.memory_space<vmem>>, vector<16xi32>,
        %add3A_853 = arith.constant 15 : i32
        %add3A_854 = arith.addi %mul3A_645, %add3A_853 : i32
        %get3A_855 = arith.constant 0 : i32
        %get3A_856 = arith.constant 0 : i32
        %get3A_857 = tpu.memref_slice %arg7[%scan3A_247, %get3A_855, %get3A_856] : memref<2x512x64xi8, #tpu.memory_space<vmem>> -> memref<1x512x64xi8, #tpu.memory_space<vmem>>
        %get3A_858 = tpu.memref_squeeze %get3A_857 : memref<1x512x64xi8, #tpu.memory_space<vmem>> -> memref<512x64xi8, #tpu.memory_space<vmem>>
        %get3A_859 = arith.index_cast %add3A_854 : i32 to index
        %get3A_860 = arith.constant 0 : index
        %get3A_861 = tpu.vector_load %get3A_858[%get3A_859, %get3A_860] {strides = array<i32>} : memref<512x64xi8, #tpu.memory_space<vmem>>, vector<64xi8>,
        %bitcast3A_862 = vector.bitcast %get3A_861 : vector<64xi8> to vector<16xi32>
        %mul3A_863 = arith.constant 17 : i32
        %mul3A_864 = arith.muli %add3A_854, %mul3A_863 : i32
        %swap3A_865 = arith.index_cast %mul3A_864 : i32 to index
        %swap3A_866 = tpu.vector_load %arg10[%swap3A_865] {strides = array<i32>} : memref<8704xi32, #tpu.memory_space<vmem>>, vector<16xi32>,
        tpu.vector_store %arg10[%swap3A_865], %bitcast3A_862 {strides = array<i32>} : memref<8704xi32, #tpu.memory_space<vmem>>, vector<16xi32>,
        %scan3A_867 = arith.constant 0 : i32
        scf.yield %scan3A_867 : i32
      }
      %scan3A_254 = arith.constant 32 : i32
      %scan3A_255 = arith.constant 0 : i32
      %scan3A_256 = arith.constant 0 : i32
      %scan3A_257 = arith.constant 0 : i32
      %scan3A_258 = arith.constant 32 : i32
      %scan3A_259 = arith.addi %scan3A_257, %scan3A_258 : i32
      %scan3A_260 = arith.constant 1 : i32
      %scan3A_261 = scf.for %scan3A_642 = %scan3A_257 to %scan3A_259 step %scan3A_260 iter_args(%scan3A_643 = %scan3A_256) -> (i32)  : i32 {
        %mul3A_644 = arith.constant 16 : i32
        %mul3A_645 = arith.muli %scan3A_642, %mul3A_644 : i32
        %get3A = arith.constant 0 : i32
        %get3A_646 = arith.index_cast %get3A : i32 to index
        %get3A_647 = arith.index_cast %mul3A_645 : i32 to index
        %get3A_648 = tpu.vector_load %arg8[%get3A_646, %get3A_647] {strides = array<i32>} : memref<2x512xf32, #tpu.memory_space<vmem>>, vector<16xf32>,
        %mul3A_649 = arith.constant 16 : i32
        %mul3A_650 = arith.muli %scan3A_642, %mul3A_649 : i32
        %add3A_651 = vector.broadcast %mul3A_650 : i32 to vector<16xi32>
        %add3A_652 = arith.addi %add3A_651, %iota3A : vector<16xi32>
        %mul3A_653 = arith.constant 17 : i32
        %mul3A_654 = vector.broadcast %mul3A_653 : i32 to vector<16xi32>
        %mul3A_655 = arith.muli %add3A_652, %mul3A_654 : vector<16xi32>
        %jit3A = arith.constant 8 : i32
        %div3A = arith.divsi %scan3A_642, %jit3A : i32
        %sign3A = arith.constant 0 : i32
        %sign3A_656 = arith.cmpi sgt, %scan3A_642, %sign3A : i32
        %sign3A_657 = arith.extui %sign3A_656 : i1 to i32
        %sign3A_658 = arith.constant 0 : i32
        %sign3A_659 = arith.cmpi slt, %scan3A_642, %sign3A_658 : i32
        %sign3A_660 = arith.extui %sign3A_659 : i1 to i32
        %sign3A_661 = arith.subi %sign3A_657, %sign3A_660 : i32
        %sign3A_662 = arith.constant 0 : i32
        %sign3A_663 = arith.cmpi sgt, %jit3A, %sign3A_662 : i32
        %sign3A_664 = arith.extui %sign3A_663 : i1 to i32
        %sign3A_665 = arith.constant 0 : i32
        %sign3A_666 = arith.cmpi slt, %jit3A, %sign3A_665 : i32
        %sign3A_667 = arith.extui %sign3A_666 : i1 to i32
        %sign3A_668 = arith.subi %sign3A_664, %sign3A_667 : i32
        %ne3A = arith.cmpi ne, %sign3A_661, %sign3A_668 : i32
        %rem3A = arith.remsi %scan3A_642, %jit3A : i32
        %ne3A_669 = arith.constant 0 : i32
        %ne3A_670 = arith.cmpi ne, %rem3A, %ne3A_669 : i32
        %and3A = arith.andi %ne3A, %ne3A_670 : i1
        %sub3A = arith.constant 1 : i32
        %sub3A_671 = arith.subi %div3A, %sub3A : i32
        %select_n3A = arith.select %and3A, %sub3A_671, %div3A : i32
        %mul3A_672 = arith.constant 1024 : i32
        %mul3A_673 = arith.muli %select_n3A, %mul3A_672 : i32
        %jit3A_674 = arith.constant 8 : i32
        %eq3A = arith.constant 0 : i32
        %eq3A_675 = arith.cmpi eq, %jit3A_674, %eq3A : i32
        %jit3A_676 = arith.constant 1 : i32
        %select_n3A_677 = arith.select %eq3A_675, %jit3A_676, %jit3A_674 : i32
        %rem3A_678 = arith.remsi %scan3A_642, %select_n3A_677 : i32
        %ne3A_679 = arith.constant 0 : i32
        %ne3A_680 = arith.cmpi ne, %rem3A_678, %ne3A_679 : i32
        %lt3A_681 = arith.constant 0 : i32
        %lt3A_682 = arith.cmpi slt, %rem3A_678, %lt3A_681 : i32
        %lt3A_683 = arith.constant 0 : i32
        %lt3A_684 = arith.cmpi slt, %select_n3A_677, %lt3A_683 : i32
        %ne3A_685 = arith.xori %lt3A_682, %lt3A_684 : i1
        %and3A_686 = arith.andi %ne3A_685, %ne3A_680 : i1
        %add3A_687 = arith.addi %rem3A_678, %select_n3A_677 : i32
        %select_n3A_688 = arith.select %and3A_686, %add3A_687, %rem3A_678 : i32
        %mul3A_689 = arith.constant 16 : i32
        %mul3A_690 = arith.muli %select_n3A_688, %mul3A_689 : i32
        %add3A_691 = arith.addi %mul3A_673, %mul3A_690 : i32
        %add3A_692 = arith.constant 0 : i32
        %add3A_693 = vector.broadcast %add3A_692 : i32 to vector<16xi32>
        %add3A_694 = arith.addi %mul3A_655, %add3A_693 : vector<16xi32>
        %gather3A = tpu.vector_load_idx %arg10[%add3A_694] : memref<8704xi32, #tpu.memory_space<vmem>>[vector<16xi32>], vector<16xi32>,
        %shift_left3A = arith.constant 24 : i32
        %shift_left3A_695 = vector.broadcast %shift_left3A : i32 to vector<16xi32>
        %shift_left3A_696 = arith.shli %gather3A, %shift_left3A_695 : vector<16xi32>
        %shift_right_arithmetic3A = arith.constant 24 : i32
        %shift_right_arithmetic3A_697 = vector.broadcast %shift_right_arithmetic3A : i32 to vector<16xi32>
        %shift_right_arithmetic3A_698 = arith.shrsi %shift_left3A_696, %shift_right_arithmetic3A_697 : vector<16xi32>
        %convert_element_type3A_699 = arith.sitofp %shift_right_arithmetic3A_698 : vector<16xi32> to vector<16xf32>
        %mul3A_700 = arith.mulf %convert_element_type3A_699, %get3A_648 : vector<16xf32>
        %add3A_701 = arith.constant 0 : i32
        %add3A_702 = arith.addi %add3A_691, %add3A_701 : i32
        %swap3A = arith.constant 0 : i32
        %swap3A_703 = tpu.memref_slice %arg9[%scan3A_255, %swap3A] : memref<2x32768xf32, #tpu.memory_space<vmem>> -> memref<1x32768xf32, #tpu.memory_space<vmem>>
        %swap3A_704 = tpu.memref_squeeze %swap3A_703 : memref<1x32768xf32, #tpu.memory_space<vmem>> -> memref<32768xf32, #tpu.memory_space<vmem>>
        %swap3A_705 = arith.index_cast %add3A_702 : i32 to index
        %swap3A_706 = tpu.vector_load %swap3A_704[%swap3A_705] {strides = array<i32>} : memref<32768xf32, #tpu.memory_space<vmem>>, vector<16xf32>,
        tpu.vector_store %swap3A_704[%swap3A_705], %mul3A_700 {strides = array<i32>} : memref<32768xf32, #tpu.memory_space<vmem>>, vector<16xf32>,
        %shift_left3A_707 = arith.constant 16 : i32
        %shift_left3A_708 = vector.broadcast %shift_left3A_707 : i32 to vector<16xi32>
        %shift_left3A_709 = arith.shli %gather3A, %shift_left3A_708 : vector<16xi32>
        %shift_right_arithmetic3A_710 = arith.constant 24 : i32
        %shift_right_arithmetic3A_711 = vector.broadcast %shift_right_arithmetic3A_710 : i32 to vector<16xi32>
        %shift_right_arithmetic3A_712 = arith.shrsi %shift_left3A_709, %shift_right_arithmetic3A_711 : vector<16xi32>
        %convert_element_type3A_713 = arith.sitofp %shift_right_arithmetic3A_712 : vector<16xi32> to vector<16xf32>
        %mul3A_714 = arith.mulf %convert_element_type3A_713, %get3A_648 : vector<16xf32>
        %add3A_715 = arith.constant 128 : i32
        %add3A_716 = arith.addi %add3A_691, %add3A_715 : i32
        %swap3A_717 = arith.constant 0 : i32
        %swap3A_718 = tpu.memref_slice %arg9[%scan3A_255, %swap3A_717] : memref<2x32768xf32, #tpu.memory_space<vmem>> -> memref<1x32768xf32, #tpu.memory_space<vmem>>
        %swap3A_719 = tpu.memref_squeeze %swap3A_718 : memref<1x32768xf32, #tpu.memory_space<vmem>> -> memref<32768xf32, #tpu.memory_space<vmem>>
        %swap3A_720 = arith.index_cast %add3A_716 : i32 to index
        %swap3A_721 = tpu.vector_load %swap3A_719[%swap3A_720] {strides = array<i32>} : memref<32768xf32, #tpu.memory_space<vmem>>, vector<16xf32>,
        tpu.vector_store %swap3A_719[%swap3A_720], %mul3A_714 {strides = array<i32>} : memref<32768xf32, #tpu.memory_space<vmem>>, vector<16xf32>,
        %shift_left3A_722 = arith.constant 8 : i32
        %shift_left3A_723 = vector.broadcast %shift_left3A_722 : i32 to vector<16xi32>
        %shift_left3A_724 = arith.shli %gather3A, %shift_left3A_723 : vector<16xi32>
        %shift_right_arithmetic3A_725 = arith.constant 24 : i32
        %shift_right_arithmetic3A_726 = vector.broadcast %shift_right_arithmetic3A_725 : i32 to vector<16xi32>
        %shift_right_arithmetic3A_727 = arith.shrsi %shift_left3A_724, %shift_right_arithmetic3A_726 : vector<16xi32>
        %convert_element_type3A_728 = arith.sitofp %shift_right_arithmetic3A_727 : vector<16xi32> to vector<16xf32>
        %mul3A_729 = arith.mulf %convert_element_type3A_728, %get3A_648 : vector<16xf32>
        %add3A_730 = arith.constant 256 : i32
        %add3A_731 = arith.addi %add3A_691, %add3A_730 : i32
        %swap3A_732 = arith.constant 0 : i32
        %swap3A_733 = tpu.memref_slice %arg9[%scan3A_255, %swap3A_732] : memref<2x32768xf32, #tpu.memory_space<vmem>> -> memref<1x32768xf32, #tpu.memory_space<vmem>>
        %swap3A_734 = tpu.memref_squeeze %swap3A_733 : memref<1x32768xf32, #tpu.memory_space<vmem>> -> memref<32768xf32, #tpu.memory_space<vmem>>
        %swap3A_735 = arith.index_cast %add3A_731 : i32 to index
        %swap3A_736 = tpu.vector_load %swap3A_734[%swap3A_735] {strides = array<i32>} : memref<32768xf32, #tpu.memory_space<vmem>>, vector<16xf32>,
        tpu.vector_store %swap3A_734[%swap3A_735], %mul3A_729 {strides = array<i32>} : memref<32768xf32, #tpu.memory_space<vmem>>, vector<16xf32>,
        %shift_left3A_737 = arith.constant 0 : i32
        %shift_left3A_738 = vector.broadcast %shift_left3A_737 : i32 to vector<16xi32>
        %shift_left3A_739 = arith.shli %gather3A, %shift_left3A_738 : vector<16xi32>
        %shift_right_arithmetic3A_740 = arith.constant 24 : i32
        %shift_right_arithmetic3A_741 = vector.broadcast %shift_right_arithmetic3A_740 : i32 to vector<16xi32>
        %shift_right_arithmetic3A_742 = arith.shrsi %shift_left3A_739, %shift_right_arithmetic3A_741 : vector<16xi32>
        %convert_element_type3A_743 = arith.sitofp %shift_right_arithmetic3A_742 : vector<16xi32> to vector<16xf32>
        %mul3A_744 = arith.mulf %convert_element_type3A_743, %get3A_648 : vector<16xf32>
        %add3A_745 = arith.constant 384 : i32
        %add3A_746 = arith.addi %add3A_691, %add3A_745 : i32
        %swap3A_747 = arith.constant 0 : i32
        %swap3A_748 = tpu.memref_slice %arg9[%scan3A_255, %swap3A_747] : memref<2x32768xf32, #tpu.memory_space<vmem>> -> memref<1x32768xf32, #tpu.memory_space<vmem>>
        %swap3A_749 = tpu.memref_squeeze %swap3A_748 : memref<1x32768xf32, #tpu.memory_space<vmem>> -> memref<32768xf32, #tpu.memory_space<vmem>>
        %swap3A_750 = arith.index_cast %add3A_746 : i32 to index
        %swap3A_751 = tpu.vector_load %swap3A_749[%swap3A_750] {strides = array<i32>} : memref<32768xf32, #tpu.memory_space<vmem>>, vector<16xf32>,
        tpu.vector_store %swap3A_749[%swap3A_750], %mul3A_744 {strides = array<i32>} : memref<32768xf32, #tpu.memory_space<vmem>>, vector<16xf32>,
        %add3A_752 = arith.constant 1 : i32
        %add3A_753 = vector.broadcast %add3A_752 : i32 to vector<16xi32>
        %add3A_754 = arith.addi %mul3A_655, %add3A_753 : vector<16xi32>
        %gather3A_755 = tpu.vector_load_idx %arg10[%add3A_754] : memref<8704xi32, #tpu.memory_space<vmem>>[vector<16xi32>], vector<16xi32>,
        %shift_left3A_756 = arith.constant 24 : i32
        %shift_left3A_757 = vector.broadcast %shift_left3A_756 : i32 to vector<16xi32>
        %shift_left3A_758 = arith.shli %gather3A_755, %shift_left3A_757 : vector<16xi32>
        %shift_right_arithmetic3A_759 = arith.constant 24 : i32
        %shift_right_arithmetic3A_760 = vector.broadcast %shift_right_arithmetic3A_759 : i32 to vector<16xi32>
        %shift_right_arithmetic3A_761 = arith.shrsi %shift_left3A_758, %shift_right_arithmetic3A_760 : vector<16xi32>
        %convert_element_type3A_762 = arith.sitofp %shift_right_arithmetic3A_761 : vector<16xi32> to vector<16xf32>
        %mul3A_763 = arith.mulf %convert_element_type3A_762, %get3A_648 : vector<16xf32>
        %add3A_764 = arith.constant 512 : i32
        %add3A_765 = arith.addi %add3A_691, %add3A_764 : i32
        %swap3A_766 = arith.constant 0 : i32
        %swap3A_767 = tpu.memref_slice %arg9[%scan3A_255, %swap3A_766] : memref<2x32768xf32, #tpu.memory_space<vmem>> -> memref<1x32768xf32, #tpu.memory_space<vmem>>
        %swap3A_768 = tpu.memref_squeeze %swap3A_767 : memref<1x32768xf32, #tpu.memory_space<vmem>> -> memref<32768xf32, #tpu.memory_space<vmem>>
        %swap3A_769 = arith.index_cast %add3A_765 : i32 to index
        %swap3A_770 = tpu.vector_load %swap3A_768[%swap3A_769] {strides = array<i32>} : memref<32768xf32, #tpu.memory_space<vmem>>, vector<16xf32>,
        tpu.vector_store %swap3A_768[%swap3A_769], %mul3A_763 {strides = array<i32>} : memref<32768xf32, #tpu.memory_space<vmem>>, vector<16xf32>,
        %shift_left3A_771 = arith.constant 16 : i32
        %shift_left3A_772 = vector.broadcast %shift_left3A_771 : i32 to vector<16xi32>
        %shift_left3A_773 = arith.shli %gather3A_755, %shift_left3A_772 : vector<16xi32>
        %shift_right_arithmetic3A_774 = arith.constant 24 : i32
        %shift_right_arithmetic3A_775 = vector.broadcast %shift_right_arithmetic3A_774 : i32 to vector<16xi32>
        %shift_right_arithmetic3A_776 = arith.shrsi %shift_left3A_773, %shift_right_arithmetic3A_775 : vector<16xi32>
        %convert_element_type3A_777 = arith.sitofp %shift_right_arithmetic3A_776 : vector<16xi32> to vector<16xf32>
        %mul3A_778 = arith.mulf %convert_element_type3A_777, %get3A_648 : vector<16xf32>
        %add3A_779 = arith.constant 640 : i32
        %add3A_780 = arith.addi %add3A_691, %add3A_779 : i32
        %swap3A_781 = arith.constant 0 : i32
        %swap3A_782 = tpu.memref_slice %arg9[%scan3A_255, %swap3A_781] : memref<2x32768xf32, #tpu.memory_space<vmem>> -> memref<1x32768xf32, #tpu.memory_space<vmem>>
        %swap3A_783 = tpu.memref_squeeze %swap3A_782 : memref<1x32768xf32, #tpu.memory_space<vmem>> -> memref<32768xf32, #tpu.memory_space<vmem>>
        %swap3A_784 = arith.index_cast %add3A_780 : i32 to index
        %swap3A_785 = tpu.vector_load %swap3A_783[%swap3A_784] {strides = array<i32>} : memref<32768xf32, #tpu.memory_space<vmem>>, vector<16xf32>,
        tpu.vector_store %swap3A_783[%swap3A_784], %mul3A_778 {strides = array<i32>} : memref<32768xf32, #tpu.memory_space<vmem>>, vector<16xf32>,
        %shift_left3A_786 = arith.constant 8 : i32
        %shift_left3A_787 = vector.broadcast %shift_left3A_786 : i32 to vector<16xi32>
        %shift_left3A_788 = arith.shli %gather3A_755, %shift_left3A_787 : vector<16xi32>
        %shift_right_arithmetic3A_789 = arith.constant 24 : i32
        %shift_right_arithmetic3A_790 = vector.broadcast %shift_right_arithmetic3A_789 : i32 to vector<16xi32>
        %shift_right_arithmetic3A_791 = arith.shrsi %shift_left3A_788, %shift_right_arithmetic3A_790 : vector<16xi32>
        %convert_element_type3A_792 = arith.sitofp %shift_right_arithmetic3A_791 : vector<16xi32> to vector<16xf32>
        %mul3A_793 = arith.mulf %convert_element_type3A_792, %get3A_648 : vector<16xf32>
        %add3A_794 = arith.constant 768 : i32
        %add3A_795 = arith.addi %add3A_691, %add3A_794 : i32
        %swap3A_796 = arith.constant 0 : i32
        %swap3A_797 = tpu.memref_slice %arg9[%scan3A_255, %swap3A_796] : memref<2x32768xf32, #tpu.memory_space<vmem>> -> memref<1x32768xf32, #tpu.memory_space<vmem>>
        %swap3A_798 = tpu.memref_squeeze %swap3A_797 : memref<1x32768xf32, #tpu.memory_space<vmem>> -> memref<32768xf32, #tpu.memory_space<vmem>>
        %swap3A_799 = arith.index_cast %add3A_795 : i32 to index
        %swap3A_800 = tpu.vector_load %swap3A_798[%swap3A_799] {strides = array<i32>} : memref<32768xf32, #tpu.memory_space<vmem>>, vector<16xf32>,
        tpu.vector_store %swap3A_798[%swap3A_799], %mul3A_793 {strides = array<i32>} : memref<32768xf32, #tpu.memory_space<vmem>>, vector<16xf32>,
        %shift_left3A_801 = arith.constant 0 : i32
        %shift_left3A_802 = vector.broadcast %shift_left3A_801 : i32 to vector<16xi32>
        %shift_left3A_803 = arith.shli %gather3A_755, %shift_left3A_802 : vector<16xi32>
        %shift_right_arithmetic3A_804 = arith.constant 24 : i32
        %shift_right_arithmetic3A_805 = vector.broadcast %shift_right_arithmetic3A_804 : i32 to vector<16xi32>
        %shift_right_arithmetic3A_806 = arith.shrsi %shift_left3A_803, %shift_right_arithmetic3A_805 : vector<16xi32>
        %convert_element_type3A_807 = arith.sitofp %shift_right_arithmetic3A_806 : vector<16xi32> to vector<16xf32>
        %mul3A_808 = arith.mulf %convert_element_type3A_807, %get3A_648 : vector<16xf32>
        %add3A_809 = arith.constant 896 : i32
        %add3A_810 = arith.addi %add3A_691, %add3A_809 : i32
        %swap3A_811 = arith.constant 0 : i32
        %swap3A_812 = tpu.memref_slice %arg9[%scan3A_255, %swap3A_811] : memref<2x32768xf32, #tpu.memory_space<vmem>> -> memref<1x32768xf32, #tpu.memory_space<vmem>>
        %swap3A_813 = tpu.memref_squeeze %swap3A_812 : memref<1x32768xf32, #tpu.memory_space<vmem>> -> memref<32768xf32, #tpu.memory_space<vmem>>
        %swap3A_814 = arith.index_cast %add3A_810 : i32 to index
        %swap3A_815 = tpu.vector_load %swap3A_813[%swap3A_814] {strides = array<i32>} : memref<32768xf32, #tpu.memory_space<vmem>>, vector<16xf32>,
        tpu.vector_store %swap3A_813[%swap3A_814], %mul3A_808 {strides = array<i32>} : memref<32768xf32, #tpu.memory_space<vmem>>, vector<16xf32>,
        %add3A_816 = arith.constant 2 : i32
        %add3A_817 = vector.broadcast %add3A_816 : i32 to vector<16xi32>
        %add3A_818 = arith.addi %mul3A_655, %add3A_817 : vector<16xi32>
        %gather3A_819 = tpu.vector_load_idx %arg10[%add3A_818] : memref<8704xi32, #tpu.memory_space<vmem>>[vector<16xi32>], vector<16xi32>,
        %shift_left3A_820 = arith.constant 24 : i32
        %shift_left3A_821 = vector.broadcast %shift_left3A_820 : i32 to vector<16xi32>
        %shift_left3A_822 = arith.shli %gather3A_819, %shift_left3A_821 : vector<16xi32>
        %shift_right_arithmetic3A_823 = arith.constant 24 : i32
        %shift_right_arithmetic3A_824 = vector.broadcast %shift_right_arithmetic3A_823 : i32 to vector<16xi32>
        %shift_right_arithmetic3A_825 = arith.shrsi %shift_left3A_822, %shift_right_arithmetic3A_824 : vector<16xi32>
        %convert_element_type3A_826 = arith.sitofp %shift_right_arithmetic3A_825 : vector<16xi32> to vector<16xf32>
        %mul3A_827 = arith.mulf %convert_element_type3A_826, %get3A_648 : vector<16xf32>
        %add3A_828 = arith.constant 4096 : i32
        %add3A_829 = arith.addi %add3A_691, %add3A_828 : i32
        %swap3A_830 = arith.constant 0 : i32
        %swap3A_831 = tpu.memref_slice %arg9[%scan3A_255, %swap3A_830] : memref<2x32768xf32, #tpu.memory_space<vmem>> -> memref<1x32768xf32, #tpu.memory_space<vmem>>
        %swap3A_832 = tpu.memref_squeeze %swap3A_831 : memref<1x32768xf32, #tpu.memory_space<vmem>> -> memref<32768xf32, #tpu.memory_space<vmem>>
        %swap3A_833 = arith.index_cast %add3A_829 : i32 to index
        %swap3A_834 = tpu.vector_load %swap3A_832[%swap3A_833] {strides = array<i32>} : memref<32768xf32, #tpu.memory_space<vmem>>, vector<16xf32>,
        tpu.vector_store %swap3A_832[%swap3A_833], %mul3A_827 {strides = array<i32>} : memref<32768xf32, #tpu.memory_space<vmem>>, vector<16xf32>,
        %shift_left3A_835 = arith.constant 16 : i32
        %shift_left3A_836 = vector.broadcast %shift_left3A_835 : i32 to vector<16xi32>
        %shift_left3A_837 = arith.shli %gather3A_819, %shift_left3A_836 : vector<16xi32>
        %shift_right_arithmetic3A_838 = arith.constant 24 : i32
        %shift_right_arithmetic3A_839 = vector.broadcast %shift_right_arithmetic3A_838 : i32 to vector<16xi32>
        %shift_right_arithmetic3A_840 = arith.shrsi %shift_left3A_837, %shift_right_arithmetic3A_839 : vector<16xi32>
        %convert_element_type3A_841 = arith.sitofp %shift_right_arithmetic3A_840 : vector<16xi32> to vector<16xf32>
        %mul3A_842 = arith.mulf %convert_element_type3A_841, %get3A_648 : vector<16xf32>
        %add3A_843 = arith.constant 4224 : i32
        %add3A_844 = arith.addi %add3A_691, %add3A_843 : i32
        %swap3A_845 = arith.constant 0 : i32
        %swap3A_846 = tpu.memref_slice %arg9[%scan3A_255, %swap3A_845] : memref<2x32768xf32, #tpu.memory_space<vmem>> -> memref<1x32768xf32, #tpu.memory_space<vmem>>
        %swap3A_847 = tpu.memref_squeeze %swap3A_846 : memref<1x32768xf32, #tpu.memory_space<vmem>> -> memref<32768xf32, #tpu.memory_space<vmem>>
        %swap3A_848 = arith.index_cast %add3A_844 : i32 to index
        %swap3A_849 = tpu.vector_load %swap3A_847[%swap3A_848] {strides = array<i32>} : memref<32768xf32, #tpu.memory_space<vmem>>, vector<16xf32>,
        tpu.vector_store %swap3A_847[%swap3A_848], %mul3A_842 {strides = array<i32>} : memref<32768xf32, #tpu.memory_space<vmem>>, vector<16xf32>,
        %shift_left3A_850 = arith.constant 8 : i32
        %shift_left3A_851 = vector.broadcast %shift_left3A_850 : i32 to vector<16xi32>
        %shift_left3A_852 = arith.shli %gather3A_819, %shift_left3A_851 : vector<16xi32>
        %shift_right_arithmetic3A_853 = arith.constant 24 : i32
        %shift_right_arithmetic3A_854 = vector.broadcast %shift_right_arithmetic3A_853 : i32 to vector<16xi32>
        %shift_right_arithmetic3A_855 = arith.shrsi %shift_left3A_852, %shift_right_arithmetic3A_854 : vector<16xi32>
        %convert_element_type3A_856 = arith.sitofp %shift_right_arithmetic3A_855 : vector<16xi32> to vector<16xf32>
        %mul3A_857 = arith.mulf %convert_element_type3A_856, %get3A_648 : vector<16xf32>
        %add3A_858 = arith.constant 4352 : i32
        %add3A_859 = arith.addi %add3A_691, %add3A_858 : i32
        %swap3A_860 = arith.constant 0 : i32
        %swap3A_861 = tpu.memref_slice %arg9[%scan3A_255, %swap3A_860] : memref<2x32768xf32, #tpu.memory_space<vmem>> -> memref<1x32768xf32, #tpu.memory_space<vmem>>
        %swap3A_862 = tpu.memref_squeeze %swap3A_861 : memref<1x32768xf32, #tpu.memory_space<vmem>> -> memref<32768xf32, #tpu.memory_space<vmem>>
        %swap3A_863 = arith.index_cast %add3A_859 : i32 to index
        %swap3A_864 = tpu.vector_load %swap3A_862[%swap3A_863] {strides = array<i32>} : memref<32768xf32, #tpu.memory_space<vmem>>, vector<16xf32>,
        tpu.vector_store %swap3A_862[%swap3A_863], %mul3A_857 {strides = array<i32>} : memref<32768xf32, #tpu.memory_space<vmem>>, vector<16xf32>,
        %shift_left3A_865 = arith.constant 0 : i32
        %shift_left3A_866 = vector.broadcast %shift_left3A_865 : i32 to vector<16xi32>
        %shift_left3A_867 = arith.shli %gather3A_819, %shift_left3A_866 : vector<16xi32>
        %shift_right_arithmetic3A_868 = arith.constant 24 : i32
        %shift_right_arithmetic3A_869 = vector.broadcast %shift_right_arithmetic3A_868 : i32 to vector<16xi32>
        %shift_right_arithmetic3A_870 = arith.shrsi %shift_left3A_867, %shift_right_arithmetic3A_869 : vector<16xi32>
        %convert_element_type3A_871 = arith.sitofp %shift_right_arithmetic3A_870 : vector<16xi32> to vector<16xf32>
        %mul3A_872 = arith.mulf %convert_element_type3A_871, %get3A_648 : vector<16xf32>
        %add3A_873 = arith.constant 4480 : i32
        %add3A_874 = arith.addi %add3A_691, %add3A_873 : i32
        %swap3A_875 = arith.constant 0 : i32
        %swap3A_876 = tpu.memref_slice %arg9[%scan3A_255, %swap3A_875] : memref<2x32768xf32, #tpu.memory_space<vmem>> -> memref<1x32768xf32, #tpu.memory_space<vmem>>
        %swap3A_877 = tpu.memref_squeeze %swap3A_876 : memref<1x32768xf32, #tpu.memory_space<vmem>> -> memref<32768xf32, #tpu.memory_space<vmem>>
        %swap3A_878 = arith.index_cast %add3A_874 : i32 to index
        %swap3A_879 = tpu.vector_load %swap3A_877[%swap3A_878] {strides = array<i32>} : memref<32768xf32, #tpu.memory_space<vmem>>, vector<16xf32>,
        tpu.vector_store %swap3A_877[%swap3A_878], %mul3A_872 {strides = array<i32>} : memref<32768xf32, #tpu.memory_space<vmem>>, vector<16xf32>,
        %add3A_880 = arith.constant 3 : i32
        %add3A_881 = vector.broadcast %add3A_880 : i32 to vector<16xi32>
        %add3A_882 = arith.addi %mul3A_655, %add3A_881 : vector<16xi32>
        %gather3A_883 = tpu.vector_load_idx %arg10[%add3A_882] : memref<8704xi32, #tpu.memory_space<vmem>>[vector<16xi32>], vector<16xi32>,
        %shift_left3A_884 = arith.constant 24 : i32
        %shift_left3A_885 = vector.broadcast %shift_left3A_884 : i32 to vector<16xi32>
        %shift_left3A_886 = arith.shli %gather3A_883, %shift_left3A_885 : vector<16xi32>
        %shift_right_arithmetic3A_887 = arith.constant 24 : i32
        %shift_right_arithmetic3A_888 = vector.broadcast %shift_right_arithmetic3A_887 : i32 to vector<16xi32>
        %shift_right_arithmetic3A_889 = arith.shrsi %shift_left3A_886, %shift_right_arithmetic3A_888 : vector<16xi32>
        %convert_element_type3A_890 = arith.sitofp %shift_right_arithmetic3A_889 : vector<16xi32> to vector<16xf32>
        %mul3A_891 = arith.mulf %convert_element_type3A_890, %get3A_648 : vector<16xf32>
        %add3A_892 = arith.constant 4608 : i32
        %add3A_893 = arith.addi %add3A_691, %add3A_892 : i32
        %swap3A_894 = arith.constant 0 : i32
        %swap3A_895 = tpu.memref_slice %arg9[%scan3A_255, %swap3A_894] : memref<2x32768xf32, #tpu.memory_space<vmem>> -> memref<1x32768xf32, #tpu.memory_space<vmem>>
        %swap3A_896 = tpu.memref_squeeze %swap3A_895 : memref<1x32768xf32, #tpu.memory_space<vmem>> -> memref<32768xf32, #tpu.memory_space<vmem>>
        %swap3A_897 = arith.index_cast %add3A_893 : i32 to index
        %swap3A_898 = tpu.vector_load %swap3A_896[%swap3A_897] {strides = array<i32>} : memref<32768xf32, #tpu.memory_space<vmem>>, vector<16xf32>,
        tpu.vector_store %swap3A_896[%swap3A_897], %mul3A_891 {strides = array<i32>} : memref<32768xf32, #tpu.memory_space<vmem>>, vector<16xf32>,
        %shift_left3A_899 = arith.constant 16 : i32
        %shift_left3A_900 = vector.broadcast %shift_left3A_899 : i32 to vector<16xi32>
        %shift_left3A_901 = arith.shli %gather3A_883, %shift_left3A_900 : vector<16xi32>
        %shift_right_arithmetic3A_902 = arith.constant 24 : i32
        %shift_right_arithmetic3A_903 = vector.broadcast %shift_right_arithmetic3A_902 : i32 to vector<16xi32>
        %shift_right_arithmetic3A_904 = arith.shrsi %shift_left3A_901, %shift_right_arithmetic3A_903 : vector<16xi32>
        %convert_element_type3A_905 = arith.sitofp %shift_right_arithmetic3A_904 : vector<16xi32> to vector<16xf32>
        %mul3A_906 = arith.mulf %convert_element_type3A_905, %get3A_648 : vector<16xf32>
        %add3A_907 = arith.constant 4736 : i32
        %add3A_908 = arith.addi %add3A_691, %add3A_907 : i32
        %swap3A_909 = arith.constant 0 : i32
        %swap3A_910 = tpu.memref_slice %arg9[%scan3A_255, %swap3A_909] : memref<2x32768xf32, #tpu.memory_space<vmem>> -> memref<1x32768xf32, #tpu.memory_space<vmem>>
        %swap3A_911 = tpu.memref_squeeze %swap3A_910 : memref<1x32768xf32, #tpu.memory_space<vmem>> -> memref<32768xf32, #tpu.memory_space<vmem>>
        %swap3A_912 = arith.index_cast %add3A_908 : i32 to index
        %swap3A_913 = tpu.vector_load %swap3A_911[%swap3A_912] {strides = array<i32>} : memref<32768xf32, #tpu.memory_space<vmem>>, vector<16xf32>,
        tpu.vector_store %swap3A_911[%swap3A_912], %mul3A_906 {strides = array<i32>} : memref<32768xf32, #tpu.memory_space<vmem>>, vector<16xf32>,
        %shift_left3A_914 = arith.constant 8 : i32
        %shift_left3A_915 = vector.broadcast %shift_left3A_914 : i32 to vector<16xi32>
        %shift_left3A_916 = arith.shli %gather3A_883, %shift_left3A_915 : vector<16xi32>
        %shift_right_arithmetic3A_917 = arith.constant 24 : i32
        %shift_right_arithmetic3A_918 = vector.broadcast %shift_right_arithmetic3A_917 : i32 to vector<16xi32>
        %shift_right_arithmetic3A_919 = arith.shrsi %shift_left3A_916, %shift_right_arithmetic3A_918 : vector<16xi32>
        %convert_element_type3A_920 = arith.sitofp %shift_right_arithmetic3A_919 : vector<16xi32> to vector<16xf32>
        %mul3A_921 = arith.mulf %convert_element_type3A_920, %get3A_648 : vector<16xf32>
        %add3A_922 = arith.constant 4864 : i32
        %add3A_923 = arith.addi %add3A_691, %add3A_922 : i32
        %swap3A_924 = arith.constant 0 : i32
        %swap3A_925 = tpu.memref_slice %arg9[%scan3A_255, %swap3A_924] : memref<2x32768xf32, #tpu.memory_space<vmem>> -> memref<1x32768xf32, #tpu.memory_space<vmem>>
        %swap3A_926 = tpu.memref_squeeze %swap3A_925 : memref<1x32768xf32, #tpu.memory_space<vmem>> -> memref<32768xf32, #tpu.memory_space<vmem>>
        %swap3A_927 = arith.index_cast %add3A_923 : i32 to index
        %swap3A_928 = tpu.vector_load %swap3A_926[%swap3A_927] {strides = array<i32>} : memref<32768xf32, #tpu.memory_space<vmem>>, vector<16xf32>,
        tpu.vector_store %swap3A_926[%swap3A_927], %mul3A_921 {strides = array<i32>} : memref<32768xf32, #tpu.memory_space<vmem>>, vector<16xf32>,
        %shift_left3A_929 = arith.constant 0 : i32
        %shift_left3A_930 = vector.broadcast %shift_left3A_929 : i32 to vector<16xi32>
        %shift_left3A_931 = arith.shli %gather3A_883, %shift_left3A_930 : vector<16xi32>
        %shift_right_arithmetic3A_932 = arith.constant 24 : i32
        %shift_right_arithmetic3A_933 = vector.broadcast %shift_right_arithmetic3A_932 : i32 to vector<16xi32>
        %shift_right_arithmetic3A_934 = arith.shrsi %shift_left3A_931, %shift_right_arithmetic3A_933 : vector<16xi32>
        %convert_element_type3A_935 = arith.sitofp %shift_right_arithmetic3A_934 : vector<16xi32> to vector<16xf32>
        %mul3A_936 = arith.mulf %convert_element_type3A_935, %get3A_648 : vector<16xf32>
        %add3A_937 = arith.constant 4992 : i32
        %add3A_938 = arith.addi %add3A_691, %add3A_937 : i32
        %swap3A_939 = arith.constant 0 : i32
        %swap3A_940 = tpu.memref_slice %arg9[%scan3A_255, %swap3A_939] : memref<2x32768xf32, #tpu.memory_space<vmem>> -> memref<1x32768xf32, #tpu.memory_space<vmem>>
        %swap3A_941 = tpu.memref_squeeze %swap3A_940 : memref<1x32768xf32, #tpu.memory_space<vmem>> -> memref<32768xf32, #tpu.memory_space<vmem>>
        %swap3A_942 = arith.index_cast %add3A_938 : i32 to index
        %swap3A_943 = tpu.vector_load %swap3A_941[%swap3A_942] {strides = array<i32>} : memref<32768xf32, #tpu.memory_space<vmem>>, vector<16xf32>,
        tpu.vector_store %swap3A_941[%swap3A_942], %mul3A_936 {strides = array<i32>} : memref<32768xf32, #tpu.memory_space<vmem>>, vector<16xf32>,
        %add3A_944 = arith.constant 4 : i32
        %add3A_945 = vector.broadcast %add3A_944 : i32 to vector<16xi32>
        %add3A_946 = arith.addi %mul3A_655, %add3A_945 : vector<16xi32>
        %gather3A_947 = tpu.vector_load_idx %arg10[%add3A_946] : memref<8704xi32, #tpu.memory_space<vmem>>[vector<16xi32>], vector<16xi32>,
        %shift_left3A_948 = arith.constant 24 : i32
        %shift_left3A_949 = vector.broadcast %shift_left3A_948 : i32 to vector<16xi32>
        %shift_left3A_950 = arith.shli %gather3A_947, %shift_left3A_949 : vector<16xi32>
        %shift_right_arithmetic3A_951 = arith.constant 24 : i32
        %shift_right_arithmetic3A_952 = vector.broadcast %shift_right_arithmetic3A_951 : i32 to vector<16xi32>
        %shift_right_arithmetic3A_953 = arith.shrsi %shift_left3A_950, %shift_right_arithmetic3A_952 : vector<16xi32>
        %convert_element_type3A_954 = arith.sitofp %shift_right_arithmetic3A_953 : vector<16xi32> to vector<16xf32>
        %mul3A_955 = arith.mulf %convert_element_type3A_954, %get3A_648 : vector<16xf32>
        %add3A_956 = arith.constant 8192 : i32
        %add3A_957 = arith.addi %add3A_691, %add3A_956 : i32
        %swap3A_958 = arith.constant 0 : i32
        %swap3A_959 = tpu.memref_slice %arg9[%scan3A_255, %swap3A_958] : memref<2x32768xf32, #tpu.memory_space<vmem>> -> memref<1x32768xf32, #tpu.memory_space<vmem>>
        %swap3A_960 = tpu.memref_squeeze %swap3A_959 : memref<1x32768xf32, #tpu.memory_space<vmem>> -> memref<32768xf32, #tpu.memory_space<vmem>>
        %swap3A_961 = arith.index_cast %add3A_957 : i32 to index
        %swap3A_962 = tpu.vector_load %swap3A_960[%swap3A_961] {strides = array<i32>} : memref<32768xf32, #tpu.memory_space<vmem>>, vector<16xf32>,
        tpu.vector_store %swap3A_960[%swap3A_961], %mul3A_955 {strides = array<i32>} : memref<32768xf32, #tpu.memory_space<vmem>>, vector<16xf32>,
        %shift_left3A_963 = arith.constant 16 : i32
        %shift_left3A_964 = vector.broadcast %shift_left3A_963 : i32 to vector<16xi32>
        %shift_left3A_965 = arith.shli %gather3A_947, %shift_left3A_964 : vector<16xi32>
        %shift_right_arithmetic3A_966 = arith.constant 24 : i32
        %shift_right_arithmetic3A_967 = vector.broadcast %shift_right_arithmetic3A_966 : i32 to vector<16xi32>
        %shift_right_arithmetic3A_968 = arith.shrsi %shift_left3A_965, %shift_right_arithmetic3A_967 : vector<16xi32>
        %convert_element_type3A_969 = arith.sitofp %shift_right_arithmetic3A_968 : vector<16xi32> to vector<16xf32>
        %mul3A_970 = arith.mulf %convert_element_type3A_969, %get3A_648 : vector<16xf32>
        %add3A_971 = arith.constant 8320 : i32
        %add3A_972 = arith.addi %add3A_691, %add3A_971 : i32
        %swap3A_973 = arith.constant 0 : i32
        %swap3A_974 = tpu.memref_slice %arg9[%scan3A_255, %swap3A_973] : memref<2x32768xf32, #tpu.memory_space<vmem>> -> memref<1x32768xf32, #tpu.memory_space<vmem>>
        %swap3A_975 = tpu.memref_squeeze %swap3A_974 : memref<1x32768xf32, #tpu.memory_space<vmem>> -> memref<32768xf32, #tpu.memory_space<vmem>>
        %swap3A_976 = arith.index_cast %add3A_972 : i32 to index
        %swap3A_977 = tpu.vector_load %swap3A_975[%swap3A_976] {strides = array<i32>} : memref<32768xf32, #tpu.memory_space<vmem>>, vector<16xf32>,
        tpu.vector_store %swap3A_975[%swap3A_976], %mul3A_970 {strides = array<i32>} : memref<32768xf32, #tpu.memory_space<vmem>>, vector<16xf32>,
        %shift_left3A_978 = arith.constant 8 : i32
        %shift_left3A_979 = vector.broadcast %shift_left3A_978 : i32 to vector<16xi32>
        %shift_left3A_980 = arith.shli %gather3A_947, %shift_left3A_979 : vector<16xi32>
        %shift_right_arithmetic3A_981 = arith.constant 24 : i32
        %shift_right_arithmetic3A_982 = vector.broadcast %shift_right_arithmetic3A_981 : i32 to vector<16xi32>
        %shift_right_arithmetic3A_983 = arith.shrsi %shift_left3A_980, %shift_right_arithmetic3A_982 : vector<16xi32>
        %convert_element_type3A_984 = arith.sitofp %shift_right_arithmetic3A_983 : vector<16xi32> to vector<16xf32>
        %mul3A_985 = arith.mulf %convert_element_type3A_984, %get3A_648 : vector<16xf32>
        %add3A_986 = arith.constant 8448 : i32
        %add3A_987 = arith.addi %add3A_691, %add3A_986 : i32
        %swap3A_988 = arith.constant 0 : i32
        %swap3A_989 = tpu.memref_slice %arg9[%scan3A_255, %swap3A_988] : memref<2x32768xf32, #tpu.memory_space<vmem>> -> memref<1x32768xf32, #tpu.memory_space<vmem>>
        %swap3A_990 = tpu.memref_squeeze %swap3A_989 : memref<1x32768xf32, #tpu.memory_space<vmem>> -> memref<32768xf32, #tpu.memory_space<vmem>>
        %swap3A_991 = arith.index_cast %add3A_987 : i32 to index
        %swap3A_992 = tpu.vector_load %swap3A_990[%swap3A_991] {strides = array<i32>} : memref<32768xf32, #tpu.memory_space<vmem>>, vector<16xf32>,
        tpu.vector_store %swap3A_990[%swap3A_991], %mul3A_985 {strides = array<i32>} : memref<32768xf32, #tpu.memory_space<vmem>>, vector<16xf32>,
        %shift_left3A_993 = arith.constant 0 : i32
        %shift_left3A_994 = vector.broadcast %shift_left3A_993 : i32 to vector<16xi32>
        %shift_left3A_995 = arith.shli %gather3A_947, %shift_left3A_994 : vector<16xi32>
        %shift_right_arithmetic3A_996 = arith.constant 24 : i32
        %shift_right_arithmetic3A_997 = vector.broadcast %shift_right_arithmetic3A_996 : i32 to vector<16xi32>
        %shift_right_arithmetic3A_998 = arith.shrsi %shift_left3A_995, %shift_right_arithmetic3A_997 : vector<16xi32>
        %convert_element_type3A_999 = arith.sitofp %shift_right_arithmetic3A_998 : vector<16xi32> to vector<16xf32>
        %mul3A_1000 = arith.mulf %convert_element_type3A_999, %get3A_648 : vector<16xf32>
        %add3A_1001 = arith.constant 8576 : i32
        %add3A_1002 = arith.addi %add3A_691, %add3A_1001 : i32
        %swap3A_1003 = arith.constant 0 : i32
        %swap3A_1004 = tpu.memref_slice %arg9[%scan3A_255, %swap3A_1003] : memref<2x32768xf32, #tpu.memory_space<vmem>> -> memref<1x32768xf32, #tpu.memory_space<vmem>>
        %swap3A_1005 = tpu.memref_squeeze %swap3A_1004 : memref<1x32768xf32, #tpu.memory_space<vmem>> -> memref<32768xf32, #tpu.memory_space<vmem>>
        %swap3A_1006 = arith.index_cast %add3A_1002 : i32 to index
        %swap3A_1007 = tpu.vector_load %swap3A_1005[%swap3A_1006] {strides = array<i32>} : memref<32768xf32, #tpu.memory_space<vmem>>, vector<16xf32>,
        tpu.vector_store %swap3A_1005[%swap3A_1006], %mul3A_1000 {strides = array<i32>} : memref<32768xf32, #tpu.memory_space<vmem>>, vector<16xf32>,
        %add3A_1008 = arith.constant 5 : i32
        %add3A_1009 = vector.broadcast %add3A_1008 : i32 to vector<16xi32>
        %add3A_1010 = arith.addi %mul3A_655, %add3A_1009 : vector<16xi32>
        %gather3A_1011 = tpu.vector_load_idx %arg10[%add3A_1010] : memref<8704xi32, #tpu.memory_space<vmem>>[vector<16xi32>], vector<16xi32>,
        %shift_left3A_1012 = arith.constant 24 : i32
        %shift_left3A_1013 = vector.broadcast %shift_left3A_1012 : i32 to vector<16xi32>
        %shift_left3A_1014 = arith.shli %gather3A_1011, %shift_left3A_1013 : vector<16xi32>
        %shift_right_arithmetic3A_1015 = arith.constant 24 : i32
        %shift_right_arithmetic3A_1016 = vector.broadcast %shift_right_arithmetic3A_1015 : i32 to vector<16xi32>
        %shift_right_arithmetic3A_1017 = arith.shrsi %shift_left3A_1014, %shift_right_arithmetic3A_1016 : vector<16xi32>
        %convert_element_type3A_1018 = arith.sitofp %shift_right_arithmetic3A_1017 : vector<16xi32> to vector<16xf32>
        %mul3A_1019 = arith.mulf %convert_element_type3A_1018, %get3A_648 : vector<16xf32>
        %add3A_1020 = arith.constant 8704 : i32
        %add3A_1021 = arith.addi %add3A_691, %add3A_1020 : i32
        %swap3A_1022 = arith.constant 0 : i32
        %swap3A_1023 = tpu.memref_slice %arg9[%scan3A_255, %swap3A_1022] : memref<2x32768xf32, #tpu.memory_space<vmem>> -> memref<1x32768xf32, #tpu.memory_space<vmem>>
        %swap3A_1024 = tpu.memref_squeeze %swap3A_1023 : memref<1x32768xf32, #tpu.memory_space<vmem>> -> memref<32768xf32, #tpu.memory_space<vmem>>
        %swap3A_1025 = arith.index_cast %add3A_1021 : i32 to index
        %swap3A_1026 = tpu.vector_load %swap3A_1024[%swap3A_1025] {strides = array<i32>} : memref<32768xf32, #tpu.memory_space<vmem>>, vector<16xf32>,
        tpu.vector_store %swap3A_1024[%swap3A_1025], %mul3A_1019 {strides = array<i32>} : memref<32768xf32, #tpu.memory_space<vmem>>, vector<16xf32>,
        %shift_left3A_1027 = arith.constant 16 : i32
        %shift_left3A_1028 = vector.broadcast %shift_left3A_1027 : i32 to vector<16xi32>
        %shift_left3A_1029 = arith.shli %gather3A_1011, %shift_left3A_1028 : vector<16xi32>
        %shift_right_arithmetic3A_1030 = arith.constant 24 : i32
        %shift_right_arithmetic3A_1031 = vector.broadcast %shift_right_arithmetic3A_1030 : i32 to vector<16xi32>
        %shift_right_arithmetic3A_1032 = arith.shrsi %shift_left3A_1029, %shift_right_arithmetic3A_1031 : vector<16xi32>
        %convert_element_type3A_1033 = arith.sitofp %shift_right_arithmetic3A_1032 : vector<16xi32> to vector<16xf32>
        %mul3A_1034 = arith.mulf %convert_element_type3A_1033, %get3A_648 : vector<16xf32>
        %add3A_1035 = arith.constant 8832 : i32
        %add3A_1036 = arith.addi %add3A_691, %add3A_1035 : i32
        %swap3A_1037 = arith.constant 0 : i32
        %swap3A_1038 = tpu.memref_slice %arg9[%scan3A_255, %swap3A_1037] : memref<2x32768xf32, #tpu.memory_space<vmem>> -> memref<1x32768xf32, #tpu.memory_space<vmem>>
        %swap3A_1039 = tpu.memref_squeeze %swap3A_1038 : memref<1x32768xf32, #tpu.memory_space<vmem>> -> memref<32768xf32, #tpu.memory_space<vmem>>
        %swap3A_1040 = arith.index_cast %add3A_1036 : i32 to index
        %swap3A_1041 = tpu.vector_load %swap3A_1039[%swap3A_1040] {strides = array<i32>} : memref<32768xf32, #tpu.memory_space<vmem>>, vector<16xf32>,
        tpu.vector_store %swap3A_1039[%swap3A_1040], %mul3A_1034 {strides = array<i32>} : memref<32768xf32, #tpu.memory_space<vmem>>, vector<16xf32>,
        %shift_left3A_1042 = arith.constant 8 : i32
        %shift_left3A_1043 = vector.broadcast %shift_left3A_1042 : i32 to vector<16xi32>
        %shift_left3A_1044 = arith.shli %gather3A_1011, %shift_left3A_1043 : vector<16xi32>
        %shift_right_arithmetic3A_1045 = arith.constant 24 : i32
        %shift_right_arithmetic3A_1046 = vector.broadcast %shift_right_arithmetic3A_1045 : i32 to vector<16xi32>
        %shift_right_arithmetic3A_1047 = arith.shrsi %shift_left3A_1044, %shift_right_arithmetic3A_1046 : vector<16xi32>
        %convert_element_type3A_1048 = arith.sitofp %shift_right_arithmetic3A_1047 : vector<16xi32> to vector<16xf32>
        %mul3A_1049 = arith.mulf %convert_element_type3A_1048, %get3A_648 : vector<16xf32>
        %add3A_1050 = arith.constant 8960 : i32
        %add3A_1051 = arith.addi %add3A_691, %add3A_1050 : i32
        %swap3A_1052 = arith.constant 0 : i32
        %swap3A_1053 = tpu.memref_slice %arg9[%scan3A_255, %swap3A_1052] : memref<2x32768xf32, #tpu.memory_space<vmem>> -> memref<1x32768xf32, #tpu.memory_space<vmem>>
        %swap3A_1054 = tpu.memref_squeeze %swap3A_1053 : memref<1x32768xf32, #tpu.memory_space<vmem>> -> memref<32768xf32, #tpu.memory_space<vmem>>
        %swap3A_1055 = arith.index_cast %add3A_1051 : i32 to index
        %swap3A_1056 = tpu.vector_load %swap3A_1054[%swap3A_1055] {strides = array<i32>} : memref<32768xf32, #tpu.memory_space<vmem>>, vector<16xf32>,
        tpu.vector_store %swap3A_1054[%swap3A_1055], %mul3A_1049 {strides = array<i32>} : memref<32768xf32, #tpu.memory_space<vmem>>, vector<16xf32>,
        %shift_left3A_1057 = arith.constant 0 : i32
        %shift_left3A_1058 = vector.broadcast %shift_left3A_1057 : i32 to vector<16xi32>
        %shift_left3A_1059 = arith.shli %gather3A_1011, %shift_left3A_1058 : vector<16xi32>
        %shift_right_arithmetic3A_1060 = arith.constant 24 : i32
        %shift_right_arithmetic3A_1061 = vector.broadcast %shift_right_arithmetic3A_1060 : i32 to vector<16xi32>
        %shift_right_arithmetic3A_1062 = arith.shrsi %shift_left3A_1059, %shift_right_arithmetic3A_1061 : vector<16xi32>
        %convert_element_type3A_1063 = arith.sitofp %shift_right_arithmetic3A_1062 : vector<16xi32> to vector<16xf32>
        %mul3A_1064 = arith.mulf %convert_element_type3A_1063, %get3A_648 : vector<16xf32>
        %add3A_1065 = arith.constant 9088 : i32
        %add3A_1066 = arith.addi %add3A_691, %add3A_1065 : i32
        %swap3A_1067 = arith.constant 0 : i32
        %swap3A_1068 = tpu.memref_slice %arg9[%scan3A_255, %swap3A_1067] : memref<2x32768xf32, #tpu.memory_space<vmem>> -> memref<1x32768xf32, #tpu.memory_space<vmem>>
        %swap3A_1069 = tpu.memref_squeeze %swap3A_1068 : memref<1x32768xf32, #tpu.memory_space<vmem>> -> memref<32768xf32, #tpu.memory_space<vmem>>
        %swap3A_1070 = arith.index_cast %add3A_1066 : i32 to index
        %swap3A_1071 = tpu.vector_load %swap3A_1069[%swap3A_1070] {strides = array<i32>} : memref<32768xf32, #tpu.memory_space<vmem>>, vector<16xf32>,
        tpu.vector_store %swap3A_1069[%swap3A_1070], %mul3A_1064 {strides = array<i32>} : memref<32768xf32, #tpu.memory_space<vmem>>, vector<16xf32>,
        %add3A_1072 = arith.constant 6 : i32
        %add3A_1073 = vector.broadcast %add3A_1072 : i32 to vector<16xi32>
        %add3A_1074 = arith.addi %mul3A_655, %add3A_1073 : vector<16xi32>
        %gather3A_1075 = tpu.vector_load_idx %arg10[%add3A_1074] : memref<8704xi32, #tpu.memory_space<vmem>>[vector<16xi32>], vector<16xi32>,
        %shift_left3A_1076 = arith.constant 24 : i32
        %shift_left3A_1077 = vector.broadcast %shift_left3A_1076 : i32 to vector<16xi32>
        %shift_left3A_1078 = arith.shli %gather3A_1075, %shift_left3A_1077 : vector<16xi32>
        %shift_right_arithmetic3A_1079 = arith.constant 24 : i32
        %shift_right_arithmetic3A_1080 = vector.broadcast %shift_right_arithmetic3A_1079 : i32 to vector<16xi32>
        %shift_right_arithmetic3A_1081 = arith.shrsi %shift_left3A_1078, %shift_right_arithmetic3A_1080 : vector<16xi32>
        %convert_element_type3A_1082 = arith.sitofp %shift_right_arithmetic3A_1081 : vector<16xi32> to vector<16xf32>
        %mul3A_1083 = arith.mulf %convert_element_type3A_1082, %get3A_648 : vector<16xf32>
        %add3A_1084 = arith.constant 12288 : i32
        %add3A_1085 = arith.addi %add3A_691, %add3A_1084 : i32
        %swap3A_1086 = arith.constant 0 : i32
        %swap3A_1087 = tpu.memref_slice %arg9[%scan3A_255, %swap3A_1086] : memref<2x32768xf32, #tpu.memory_space<vmem>> -> memref<1x32768xf32, #tpu.memory_space<vmem>>
        %swap3A_1088 = tpu.memref_squeeze %swap3A_1087 : memref<1x32768xf32, #tpu.memory_space<vmem>> -> memref<32768xf32, #tpu.memory_space<vmem>>
        %swap3A_1089 = arith.index_cast %add3A_1085 : i32 to index
        %swap3A_1090 = tpu.vector_load %swap3A_1088[%swap3A_1089] {strides = array<i32>} : memref<32768xf32, #tpu.memory_space<vmem>>, vector<16xf32>,
        tpu.vector_store %swap3A_1088[%swap3A_1089], %mul3A_1083 {strides = array<i32>} : memref<32768xf32, #tpu.memory_space<vmem>>, vector<16xf32>,
        %shift_left3A_1091 = arith.constant 16 : i32
        %shift_left3A_1092 = vector.broadcast %shift_left3A_1091 : i32 to vector<16xi32>
        %shift_left3A_1093 = arith.shli %gather3A_1075, %shift_left3A_1092 : vector<16xi32>
        %shift_right_arithmetic3A_1094 = arith.constant 24 : i32
        %shift_right_arithmetic3A_1095 = vector.broadcast %shift_right_arithmetic3A_1094 : i32 to vector<16xi32>
        %shift_right_arithmetic3A_1096 = arith.shrsi %shift_left3A_1093, %shift_right_arithmetic3A_1095 : vector<16xi32>
        %convert_element_type3A_1097 = arith.sitofp %shift_right_arithmetic3A_1096 : vector<16xi32> to vector<16xf32>
        %mul3A_1098 = arith.mulf %convert_element_type3A_1097, %get3A_648 : vector<16xf32>
        %add3A_1099 = arith.constant 12416 : i32
        %add3A_1100 = arith.addi %add3A_691, %add3A_1099 : i32
        %swap3A_1101 = arith.constant 0 : i32
        %swap3A_1102 = tpu.memref_slice %arg9[%scan3A_255, %swap3A_1101] : memref<2x32768xf32, #tpu.memory_space<vmem>> -> memref<1x32768xf32, #tpu.memory_space<vmem>>
        %swap3A_1103 = tpu.memref_squeeze %swap3A_1102 : memref<1x32768xf32, #tpu.memory_space<vmem>> -> memref<32768xf32, #tpu.memory_space<vmem>>
        %swap3A_1104 = arith.index_cast %add3A_1100 : i32 to index
        %swap3A_1105 = tpu.vector_load %swap3A_1103[%swap3A_1104] {strides = array<i32>} : memref<32768xf32, #tpu.memory_space<vmem>>, vector<16xf32>,
        tpu.vector_store %swap3A_1103[%swap3A_1104], %mul3A_1098 {strides = array<i32>} : memref<32768xf32, #tpu.memory_space<vmem>>, vector<16xf32>,
        %shift_left3A_1106 = arith.constant 8 : i32
        %shift_left3A_1107 = vector.broadcast %shift_left3A_1106 : i32 to vector<16xi32>
        %shift_left3A_1108 = arith.shli %gather3A_1075, %shift_left3A_1107 : vector<16xi32>
        %shift_right_arithmetic3A_1109 = arith.constant 24 : i32
        %shift_right_arithmetic3A_1110 = vector.broadcast %shift_right_arithmetic3A_1109 : i32 to vector<16xi32>
        %shift_right_arithmetic3A_1111 = arith.shrsi %shift_left3A_1108, %shift_right_arithmetic3A_1110 : vector<16xi32>
        %convert_element_type3A_1112 = arith.sitofp %shift_right_arithmetic3A_1111 : vector<16xi32> to vector<16xf32>
        %mul3A_1113 = arith.mulf %convert_element_type3A_1112, %get3A_648 : vector<16xf32>
        %add3A_1114 = arith.constant 12544 : i32
        %add3A_1115 = arith.addi %add3A_691, %add3A_1114 : i32
        %swap3A_1116 = arith.constant 0 : i32
        %swap3A_1117 = tpu.memref_slice %arg9[%scan3A_255, %swap3A_1116] : memref<2x32768xf32, #tpu.memory_space<vmem>> -> memref<1x32768xf32, #tpu.memory_space<vmem>>
        %swap3A_1118 = tpu.memref_squeeze %swap3A_1117 : memref<1x32768xf32, #tpu.memory_space<vmem>> -> memref<32768xf32, #tpu.memory_space<vmem>>
        %swap3A_1119 = arith.index_cast %add3A_1115 : i32 to index
        %swap3A_1120 = tpu.vector_load %swap3A_1118[%swap3A_1119] {strides = array<i32>} : memref<32768xf32, #tpu.memory_space<vmem>>, vector<16xf32>,
        tpu.vector_store %swap3A_1118[%swap3A_1119], %mul3A_1113 {strides = array<i32>} : memref<32768xf32, #tpu.memory_space<vmem>>, vector<16xf32>,
        %shift_left3A_1121 = arith.constant 0 : i32
        %shift_left3A_1122 = vector.broadcast %shift_left3A_1121 : i32 to vector<16xi32>
        %shift_left3A_1123 = arith.shli %gather3A_1075, %shift_left3A_1122 : vector<16xi32>
        %shift_right_arithmetic3A_1124 = arith.constant 24 : i32
        %shift_right_arithmetic3A_1125 = vector.broadcast %shift_right_arithmetic3A_1124 : i32 to vector<16xi32>
        %shift_right_arithmetic3A_1126 = arith.shrsi %shift_left3A_1123, %shift_right_arithmetic3A_1125 : vector<16xi32>
        %convert_element_type3A_1127 = arith.sitofp %shift_right_arithmetic3A_1126 : vector<16xi32> to vector<16xf32>
        %mul3A_1128 = arith.mulf %convert_element_type3A_1127, %get3A_648 : vector<16xf32>
        %add3A_1129 = arith.constant 12672 : i32
        %add3A_1130 = arith.addi %add3A_691, %add3A_1129 : i32
        %swap3A_1131 = arith.constant 0 : i32
        %swap3A_1132 = tpu.memref_slice %arg9[%scan3A_255, %swap3A_1131] : memref<2x32768xf32, #tpu.memory_space<vmem>> -> memref<1x32768xf32, #tpu.memory_space<vmem>>
        %swap3A_1133 = tpu.memref_squeeze %swap3A_1132 : memref<1x32768xf32, #tpu.memory_space<vmem>> -> memref<32768xf32, #tpu.memory_space<vmem>>
        %swap3A_1134 = arith.index_cast %add3A_1130 : i32 to index
        %swap3A_1135 = tpu.vector_load %swap3A_1133[%swap3A_1134] {strides = array<i32>} : memref<32768xf32, #tpu.memory_space<vmem>>, vector<16xf32>,
        tpu.vector_store %swap3A_1133[%swap3A_1134], %mul3A_1128 {strides = array<i32>} : memref<32768xf32, #tpu.memory_space<vmem>>, vector<16xf32>,
        %add3A_1136 = arith.constant 7 : i32
        %add3A_1137 = vector.broadcast %add3A_1136 : i32 to vector<16xi32>
        %add3A_1138 = arith.addi %mul3A_655, %add3A_1137 : vector<16xi32>
        %gather3A_1139 = tpu.vector_load_idx %arg10[%add3A_1138] : memref<8704xi32, #tpu.memory_space<vmem>>[vector<16xi32>], vector<16xi32>,
        %shift_left3A_1140 = arith.constant 24 : i32
        %shift_left3A_1141 = vector.broadcast %shift_left3A_1140 : i32 to vector<16xi32>
        %shift_left3A_1142 = arith.shli %gather3A_1139, %shift_left3A_1141 : vector<16xi32>
        %shift_right_arithmetic3A_1143 = arith.constant 24 : i32
        %shift_right_arithmetic3A_1144 = vector.broadcast %shift_right_arithmetic3A_1143 : i32 to vector<16xi32>
        %shift_right_arithmetic3A_1145 = arith.shrsi %shift_left3A_1142, %shift_right_arithmetic3A_1144 : vector<16xi32>
        %convert_element_type3A_1146 = arith.sitofp %shift_right_arithmetic3A_1145 : vector<16xi32> to vector<16xf32>
        %mul3A_1147 = arith.mulf %convert_element_type3A_1146, %get3A_648 : vector<16xf32>
        %add3A_1148 = arith.constant 12800 : i32
        %add3A_1149 = arith.addi %add3A_691, %add3A_1148 : i32
        %swap3A_1150 = arith.constant 0 : i32
        %swap3A_1151 = tpu.memref_slice %arg9[%scan3A_255, %swap3A_1150] : memref<2x32768xf32, #tpu.memory_space<vmem>> -> memref<1x32768xf32, #tpu.memory_space<vmem>>
        %swap3A_1152 = tpu.memref_squeeze %swap3A_1151 : memref<1x32768xf32, #tpu.memory_space<vmem>> -> memref<32768xf32, #tpu.memory_space<vmem>>
        %swap3A_1153 = arith.index_cast %add3A_1149 : i32 to index
        %swap3A_1154 = tpu.vector_load %swap3A_1152[%swap3A_1153] {strides = array<i32>} : memref<32768xf32, #tpu.memory_space<vmem>>, vector<16xf32>,
        tpu.vector_store %swap3A_1152[%swap3A_1153], %mul3A_1147 {strides = array<i32>} : memref<32768xf32, #tpu.memory_space<vmem>>, vector<16xf32>,
        %shift_left3A_1155 = arith.constant 16 : i32
        %shift_left3A_1156 = vector.broadcast %shift_left3A_1155 : i32 to vector<16xi32>
        %shift_left3A_1157 = arith.shli %gather3A_1139, %shift_left3A_1156 : vector<16xi32>
        %shift_right_arithmetic3A_1158 = arith.constant 24 : i32
        %shift_right_arithmetic3A_1159 = vector.broadcast %shift_right_arithmetic3A_1158 : i32 to vector<16xi32>
        %shift_right_arithmetic3A_1160 = arith.shrsi %shift_left3A_1157, %shift_right_arithmetic3A_1159 : vector<16xi32>
        %convert_element_type3A_1161 = arith.sitofp %shift_right_arithmetic3A_1160 : vector<16xi32> to vector<16xf32>
        %mul3A_1162 = arith.mulf %convert_element_type3A_1161, %get3A_648 : vector<16xf32>
        %add3A_1163 = arith.constant 12928 : i32
        %add3A_1164 = arith.addi %add3A_691, %add3A_1163 : i32
        %swap3A_1165 = arith.constant 0 : i32
        %swap3A_1166 = tpu.memref_slice %arg9[%scan3A_255, %swap3A_1165] : memref<2x32768xf32, #tpu.memory_space<vmem>> -> memref<1x32768xf32, #tpu.memory_space<vmem>>
        %swap3A_1167 = tpu.memref_squeeze %swap3A_1166 : memref<1x32768xf32, #tpu.memory_space<vmem>> -> memref<32768xf32, #tpu.memory_space<vmem>>
        %swap3A_1168 = arith.index_cast %add3A_1164 : i32 to index
        %swap3A_1169 = tpu.vector_load %swap3A_1167[%swap3A_1168] {strides = array<i32>} : memref<32768xf32, #tpu.memory_space<vmem>>, vector<16xf32>,
        tpu.vector_store %swap3A_1167[%swap3A_1168], %mul3A_1162 {strides = array<i32>} : memref<32768xf32, #tpu.memory_space<vmem>>, vector<16xf32>,
        %shift_left3A_1170 = arith.constant 8 : i32
        %shift_left3A_1171 = vector.broadcast %shift_left3A_1170 : i32 to vector<16xi32>
        %shift_left3A_1172 = arith.shli %gather3A_1139, %shift_left3A_1171 : vector<16xi32>
        %shift_right_arithmetic3A_1173 = arith.constant 24 : i32
        %shift_right_arithmetic3A_1174 = vector.broadcast %shift_right_arithmetic3A_1173 : i32 to vector<16xi32>
        %shift_right_arithmetic3A_1175 = arith.shrsi %shift_left3A_1172, %shift_right_arithmetic3A_1174 : vector<16xi32>
        %convert_element_type3A_1176 = arith.sitofp %shift_right_arithmetic3A_1175 : vector<16xi32> to vector<16xf32>
        %mul3A_1177 = arith.mulf %convert_element_type3A_1176, %get3A_648 : vector<16xf32>
        %add3A_1178 = arith.constant 13056 : i32
        %add3A_1179 = arith.addi %add3A_691, %add3A_1178 : i32
        %swap3A_1180 = arith.constant 0 : i32
        %swap3A_1181 = tpu.memref_slice %arg9[%scan3A_255, %swap3A_1180] : memref<2x32768xf32, #tpu.memory_space<vmem>> -> memref<1x32768xf32, #tpu.memory_space<vmem>>
        %swap3A_1182 = tpu.memref_squeeze %swap3A_1181 : memref<1x32768xf32, #tpu.memory_space<vmem>> -> memref<32768xf32, #tpu.memory_space<vmem>>
        %swap3A_1183 = arith.index_cast %add3A_1179 : i32 to index
        %swap3A_1184 = tpu.vector_load %swap3A_1182[%swap3A_1183] {strides = array<i32>} : memref<32768xf32, #tpu.memory_space<vmem>>, vector<16xf32>,
        tpu.vector_store %swap3A_1182[%swap3A_1183], %mul3A_1177 {strides = array<i32>} : memref<32768xf32, #tpu.memory_space<vmem>>, vector<16xf32>,
        %shift_left3A_1185 = arith.constant 0 : i32
        %shift_left3A_1186 = vector.broadcast %shift_left3A_1185 : i32 to vector<16xi32>
        %shift_left3A_1187 = arith.shli %gather3A_1139, %shift_left3A_1186 : vector<16xi32>
        %shift_right_arithmetic3A_1188 = arith.constant 24 : i32
        %shift_right_arithmetic3A_1189 = vector.broadcast %shift_right_arithmetic3A_1188 : i32 to vector<16xi32>
        %shift_right_arithmetic3A_1190 = arith.shrsi %shift_left3A_1187, %shift_right_arithmetic3A_1189 : vector<16xi32>
        %convert_element_type3A_1191 = arith.sitofp %shift_right_arithmetic3A_1190 : vector<16xi32> to vector<16xf32>
        %mul3A_1192 = arith.mulf %convert_element_type3A_1191, %get3A_648 : vector<16xf32>
        %add3A_1193 = arith.constant 13184 : i32
        %add3A_1194 = arith.addi %add3A_691, %add3A_1193 : i32
        %swap3A_1195 = arith.constant 0 : i32
        %swap3A_1196 = tpu.memref_slice %arg9[%scan3A_255, %swap3A_1195] : memref<2x32768xf32, #tpu.memory_space<vmem>> -> memref<1x32768xf32, #tpu.memory_space<vmem>>
        %swap3A_1197 = tpu.memref_squeeze %swap3A_1196 : memref<1x32768xf32, #tpu.memory_space<vmem>> -> memref<32768xf32, #tpu.memory_space<vmem>>
        %swap3A_1198 = arith.index_cast %add3A_1194 : i32 to index
        %swap3A_1199 = tpu.vector_load %swap3A_1197[%swap3A_1198] {strides = array<i32>} : memref<32768xf32, #tpu.memory_space<vmem>>, vector<16xf32>,
        tpu.vector_store %swap3A_1197[%swap3A_1198], %mul3A_1192 {strides = array<i32>} : memref<32768xf32, #tpu.memory_space<vmem>>, vector<16xf32>,
        %add3A_1200 = arith.constant 8 : i32
        %add3A_1201 = vector.broadcast %add3A_1200 : i32 to vector<16xi32>
        %add3A_1202 = arith.addi %mul3A_655, %add3A_1201 : vector<16xi32>
        %gather3A_1203 = tpu.vector_load_idx %arg10[%add3A_1202] : memref<8704xi32, #tpu.memory_space<vmem>>[vector<16xi32>], vector<16xi32>,
        %shift_left3A_1204 = arith.constant 24 : i32
        %shift_left3A_1205 = vector.broadcast %shift_left3A_1204 : i32 to vector<16xi32>
        %shift_left3A_1206 = arith.shli %gather3A_1203, %shift_left3A_1205 : vector<16xi32>
        %shift_right_arithmetic3A_1207 = arith.constant 24 : i32
        %shift_right_arithmetic3A_1208 = vector.broadcast %shift_right_arithmetic3A_1207 : i32 to vector<16xi32>
        %shift_right_arithmetic3A_1209 = arith.shrsi %shift_left3A_1206, %shift_right_arithmetic3A_1208 : vector<16xi32>
        %convert_element_type3A_1210 = arith.sitofp %shift_right_arithmetic3A_1209 : vector<16xi32> to vector<16xf32>
        %mul3A_1211 = arith.mulf %convert_element_type3A_1210, %get3A_648 : vector<16xf32>
        %add3A_1212 = arith.constant 16384 : i32
        %add3A_1213 = arith.addi %add3A_691, %add3A_1212 : i32
        %swap3A_1214 = arith.constant 0 : i32
        %swap3A_1215 = tpu.memref_slice %arg9[%scan3A_255, %swap3A_1214] : memref<2x32768xf32, #tpu.memory_space<vmem>> -> memref<1x32768xf32, #tpu.memory_space<vmem>>
        %swap3A_1216 = tpu.memref_squeeze %swap3A_1215 : memref<1x32768xf32, #tpu.memory_space<vmem>> -> memref<32768xf32, #tpu.memory_space<vmem>>
        %swap3A_1217 = arith.index_cast %add3A_1213 : i32 to index
        %swap3A_1218 = tpu.vector_load %swap3A_1216[%swap3A_1217] {strides = array<i32>} : memref<32768xf32, #tpu.memory_space<vmem>>, vector<16xf32>,
        tpu.vector_store %swap3A_1216[%swap3A_1217], %mul3A_1211 {strides = array<i32>} : memref<32768xf32, #tpu.memory_space<vmem>>, vector<16xf32>,
        %shift_left3A_1219 = arith.constant 16 : i32
        %shift_left3A_1220 = vector.broadcast %shift_left3A_1219 : i32 to vector<16xi32>
        %shift_left3A_1221 = arith.shli %gather3A_1203, %shift_left3A_1220 : vector<16xi32>
        %shift_right_arithmetic3A_1222 = arith.constant 24 : i32
        %shift_right_arithmetic3A_1223 = vector.broadcast %shift_right_arithmetic3A_1222 : i32 to vector<16xi32>
        %shift_right_arithmetic3A_1224 = arith.shrsi %shift_left3A_1221, %shift_right_arithmetic3A_1223 : vector<16xi32>
        %convert_element_type3A_1225 = arith.sitofp %shift_right_arithmetic3A_1224 : vector<16xi32> to vector<16xf32>
        %mul3A_1226 = arith.mulf %convert_element_type3A_1225, %get3A_648 : vector<16xf32>
        %add3A_1227 = arith.constant 16512 : i32
        %add3A_1228 = arith.addi %add3A_691, %add3A_1227 : i32
        %swap3A_1229 = arith.constant 0 : i32
        %swap3A_1230 = tpu.memref_slice %arg9[%scan3A_255, %swap3A_1229] : memref<2x32768xf32, #tpu.memory_space<vmem>> -> memref<1x32768xf32, #tpu.memory_space<vmem>>
        %swap3A_1231 = tpu.memref_squeeze %swap3A_1230 : memref<1x32768xf32, #tpu.memory_space<vmem>> -> memref<32768xf32, #tpu.memory_space<vmem>>
        %swap3A_1232 = arith.index_cast %add3A_1228 : i32 to index
        %swap3A_1233 = tpu.vector_load %swap3A_1231[%swap3A_1232] {strides = array<i32>} : memref<32768xf32, #tpu.memory_space<vmem>>, vector<16xf32>,
        tpu.vector_store %swap3A_1231[%swap3A_1232], %mul3A_1226 {strides = array<i32>} : memref<32768xf32, #tpu.memory_space<vmem>>, vector<16xf32>,
        %shift_left3A_1234 = arith.constant 8 : i32
        %shift_left3A_1235 = vector.broadcast %shift_left3A_1234 : i32 to vector<16xi32>
        %shift_left3A_1236 = arith.shli %gather3A_1203, %shift_left3A_1235 : vector<16xi32>
        %shift_right_arithmetic3A_1237 = arith.constant 24 : i32
        %shift_right_arithmetic3A_1238 = vector.broadcast %shift_right_arithmetic3A_1237 : i32 to vector<16xi32>
        %shift_right_arithmetic3A_1239 = arith.shrsi %shift_left3A_1236, %shift_right_arithmetic3A_1238 : vector<16xi32>
        %convert_element_type3A_1240 = arith.sitofp %shift_right_arithmetic3A_1239 : vector<16xi32> to vector<16xf32>
        %mul3A_1241 = arith.mulf %convert_element_type3A_1240, %get3A_648 : vector<16xf32>
        %add3A_1242 = arith.constant 16640 : i32
        %add3A_1243 = arith.addi %add3A_691, %add3A_1242 : i32
        %swap3A_1244 = arith.constant 0 : i32
        %swap3A_1245 = tpu.memref_slice %arg9[%scan3A_255, %swap3A_1244] : memref<2x32768xf32, #tpu.memory_space<vmem>> -> memref<1x32768xf32, #tpu.memory_space<vmem>>
        %swap3A_1246 = tpu.memref_squeeze %swap3A_1245 : memref<1x32768xf32, #tpu.memory_space<vmem>> -> memref<32768xf32, #tpu.memory_space<vmem>>
        %swap3A_1247 = arith.index_cast %add3A_1243 : i32 to index
        %swap3A_1248 = tpu.vector_load %swap3A_1246[%swap3A_1247] {strides = array<i32>} : memref<32768xf32, #tpu.memory_space<vmem>>, vector<16xf32>,
        tpu.vector_store %swap3A_1246[%swap3A_1247], %mul3A_1241 {strides = array<i32>} : memref<32768xf32, #tpu.memory_space<vmem>>, vector<16xf32>,
        %shift_left3A_1249 = arith.constant 0 : i32
        %shift_left3A_1250 = vector.broadcast %shift_left3A_1249 : i32 to vector<16xi32>
        %shift_left3A_1251 = arith.shli %gather3A_1203, %shift_left3A_1250 : vector<16xi32>
        %shift_right_arithmetic3A_1252 = arith.constant 24 : i32
        %shift_right_arithmetic3A_1253 = vector.broadcast %shift_right_arithmetic3A_1252 : i32 to vector<16xi32>
        %shift_right_arithmetic3A_1254 = arith.shrsi %shift_left3A_1251, %shift_right_arithmetic3A_1253 : vector<16xi32>
        %convert_element_type3A_1255 = arith.sitofp %shift_right_arithmetic3A_1254 : vector<16xi32> to vector<16xf32>
        %mul3A_1256 = arith.mulf %convert_element_type3A_1255, %get3A_648 : vector<16xf32>
        %add3A_1257 = arith.constant 16768 : i32
        %add3A_1258 = arith.addi %add3A_691, %add3A_1257 : i32
        %swap3A_1259 = arith.constant 0 : i32
        %swap3A_1260 = tpu.memref_slice %arg9[%scan3A_255, %swap3A_1259] : memref<2x32768xf32, #tpu.memory_space<vmem>> -> memref<1x32768xf32, #tpu.memory_space<vmem>>
        %swap3A_1261 = tpu.memref_squeeze %swap3A_1260 : memref<1x32768xf32, #tpu.memory_space<vmem>> -> memref<32768xf32, #tpu.memory_space<vmem>>
        %swap3A_1262 = arith.index_cast %add3A_1258 : i32 to index
        %swap3A_1263 = tpu.vector_load %swap3A_1261[%swap3A_1262] {strides = array<i32>} : memref<32768xf32, #tpu.memory_space<vmem>>, vector<16xf32>,
        tpu.vector_store %swap3A_1261[%swap3A_1262], %mul3A_1256 {strides = array<i32>} : memref<32768xf32, #tpu.memory_space<vmem>>, vector<16xf32>,
        %add3A_1264 = arith.constant 9 : i32
        %add3A_1265 = vector.broadcast %add3A_1264 : i32 to vector<16xi32>
        %add3A_1266 = arith.addi %mul3A_655, %add3A_1265 : vector<16xi32>
        %gather3A_1267 = tpu.vector_load_idx %arg10[%add3A_1266] : memref<8704xi32, #tpu.memory_space<vmem>>[vector<16xi32>], vector<16xi32>,
        %shift_left3A_1268 = arith.constant 24 : i32
        %shift_left3A_1269 = vector.broadcast %shift_left3A_1268 : i32 to vector<16xi32>
        %shift_left3A_1270 = arith.shli %gather3A_1267, %shift_left3A_1269 : vector<16xi32>
        %shift_right_arithmetic3A_1271 = arith.constant 24 : i32
        %shift_right_arithmetic3A_1272 = vector.broadcast %shift_right_arithmetic3A_1271 : i32 to vector<16xi32>
        %shift_right_arithmetic3A_1273 = arith.shrsi %shift_left3A_1270, %shift_right_arithmetic3A_1272 : vector<16xi32>
        %convert_element_type3A_1274 = arith.sitofp %shift_right_arithmetic3A_1273 : vector<16xi32> to vector<16xf32>
        %mul3A_1275 = arith.mulf %convert_element_type3A_1274, %get3A_648 : vector<16xf32>
        %add3A_1276 = arith.constant 16896 : i32
        %add3A_1277 = arith.addi %add3A_691, %add3A_1276 : i32
        %swap3A_1278 = arith.constant 0 : i32
        %swap3A_1279 = tpu.memref_slice %arg9[%scan3A_255, %swap3A_1278] : memref<2x32768xf32, #tpu.memory_space<vmem>> -> memref<1x32768xf32, #tpu.memory_space<vmem>>
        %swap3A_1280 = tpu.memref_squeeze %swap3A_1279 : memref<1x32768xf32, #tpu.memory_space<vmem>> -> memref<32768xf32, #tpu.memory_space<vmem>>
        %swap3A_1281 = arith.index_cast %add3A_1277 : i32 to index
        %swap3A_1282 = tpu.vector_load %swap3A_1280[%swap3A_1281] {strides = array<i32>} : memref<32768xf32, #tpu.memory_space<vmem>>, vector<16xf32>,
        tpu.vector_store %swap3A_1280[%swap3A_1281], %mul3A_1275 {strides = array<i32>} : memref<32768xf32, #tpu.memory_space<vmem>>, vector<16xf32>,
        %shift_left3A_1283 = arith.constant 16 : i32
        %shift_left3A_1284 = vector.broadcast %shift_left3A_1283 : i32 to vector<16xi32>
        %shift_left3A_1285 = arith.shli %gather3A_1267, %shift_left3A_1284 : vector<16xi32>
        %shift_right_arithmetic3A_1286 = arith.constant 24 : i32
        %shift_right_arithmetic3A_1287 = vector.broadcast %shift_right_arithmetic3A_1286 : i32 to vector<16xi32>
        %shift_right_arithmetic3A_1288 = arith.shrsi %shift_left3A_1285, %shift_right_arithmetic3A_1287 : vector<16xi32>
        %convert_element_type3A_1289 = arith.sitofp %shift_right_arithmetic3A_1288 : vector<16xi32> to vector<16xf32>
        %mul3A_1290 = arith.mulf %convert_element_type3A_1289, %get3A_648 : vector<16xf32>
        %add3A_1291 = arith.constant 17024 : i32
        %add3A_1292 = arith.addi %add3A_691, %add3A_1291 : i32
        %swap3A_1293 = arith.constant 0 : i32
        %swap3A_1294 = tpu.memref_slice %arg9[%scan3A_255, %swap3A_1293] : memref<2x32768xf32, #tpu.memory_space<vmem>> -> memref<1x32768xf32, #tpu.memory_space<vmem>>
        %swap3A_1295 = tpu.memref_squeeze %swap3A_1294 : memref<1x32768xf32, #tpu.memory_space<vmem>> -> memref<32768xf32, #tpu.memory_space<vmem>>
        %swap3A_1296 = arith.index_cast %add3A_1292 : i32 to index
        %swap3A_1297 = tpu.vector_load %swap3A_1295[%swap3A_1296] {strides = array<i32>} : memref<32768xf32, #tpu.memory_space<vmem>>, vector<16xf32>,
        tpu.vector_store %swap3A_1295[%swap3A_1296], %mul3A_1290 {strides = array<i32>} : memref<32768xf32, #tpu.memory_space<vmem>>, vector<16xf32>,
        %shift_left3A_1298 = arith.constant 8 : i32
        %shift_left3A_1299 = vector.broadcast %shift_left3A_1298 : i32 to vector<16xi32>
        %shift_left3A_1300 = arith.shli %gather3A_1267, %shift_left3A_1299 : vector<16xi32>
        %shift_right_arithmetic3A_1301 = arith.constant 24 : i32
        %shift_right_arithmetic3A_1302 = vector.broadcast %shift_right_arithmetic3A_1301 : i32 to vector<16xi32>
        %shift_right_arithmetic3A_1303 = arith.shrsi %shift_left3A_1300, %shift_right_arithmetic3A_1302 : vector<16xi32>
        %convert_element_type3A_1304 = arith.sitofp %shift_right_arithmetic3A_1303 : vector<16xi32> to vector<16xf32>
        %mul3A_1305 = arith.mulf %convert_element_type3A_1304, %get3A_648 : vector<16xf32>
        %add3A_1306 = arith.constant 17152 : i32
        %add3A_1307 = arith.addi %add3A_691, %add3A_1306 : i32
        %swap3A_1308 = arith.constant 0 : i32
        %swap3A_1309 = tpu.memref_slice %arg9[%scan3A_255, %swap3A_1308] : memref<2x32768xf32, #tpu.memory_space<vmem>> -> memref<1x32768xf32, #tpu.memory_space<vmem>>
        %swap3A_1310 = tpu.memref_squeeze %swap3A_1309 : memref<1x32768xf32, #tpu.memory_space<vmem>> -> memref<32768xf32, #tpu.memory_space<vmem>>
        %swap3A_1311 = arith.index_cast %add3A_1307 : i32 to index
        %swap3A_1312 = tpu.vector_load %swap3A_1310[%swap3A_1311] {strides = array<i32>} : memref<32768xf32, #tpu.memory_space<vmem>>, vector<16xf32>,
        tpu.vector_store %swap3A_1310[%swap3A_1311], %mul3A_1305 {strides = array<i32>} : memref<32768xf32, #tpu.memory_space<vmem>>, vector<16xf32>,
        %shift_left3A_1313 = arith.constant 0 : i32
        %shift_left3A_1314 = vector.broadcast %shift_left3A_1313 : i32 to vector<16xi32>
        %shift_left3A_1315 = arith.shli %gather3A_1267, %shift_left3A_1314 : vector<16xi32>
        %shift_right_arithmetic3A_1316 = arith.constant 24 : i32
        %shift_right_arithmetic3A_1317 = vector.broadcast %shift_right_arithmetic3A_1316 : i32 to vector<16xi32>
        %shift_right_arithmetic3A_1318 = arith.shrsi %shift_left3A_1315, %shift_right_arithmetic3A_1317 : vector<16xi32>
        %convert_element_type3A_1319 = arith.sitofp %shift_right_arithmetic3A_1318 : vector<16xi32> to vector<16xf32>
        %mul3A_1320 = arith.mulf %convert_element_type3A_1319, %get3A_648 : vector<16xf32>
        %add3A_1321 = arith.constant 17280 : i32
        %add3A_1322 = arith.addi %add3A_691, %add3A_1321 : i32
        %swap3A_1323 = arith.constant 0 : i32
        %swap3A_1324 = tpu.memref_slice %arg9[%scan3A_255, %swap3A_1323] : memref<2x32768xf32, #tpu.memory_space<vmem>> -> memref<1x32768xf32, #tpu.memory_space<vmem>>
        %swap3A_1325 = tpu.memref_squeeze %swap3A_1324 : memref<1x32768xf32, #tpu.memory_space<vmem>> -> memref<32768xf32, #tpu.memory_space<vmem>>
        %swap3A_1326 = arith.index_cast %add3A_1322 : i32 to index
        %swap3A_1327 = tpu.vector_load %swap3A_1325[%swap3A_1326] {strides = array<i32>} : memref<32768xf32, #tpu.memory_space<vmem>>, vector<16xf32>,
        tpu.vector_store %swap3A_1325[%swap3A_1326], %mul3A_1320 {strides = array<i32>} : memref<32768xf32, #tpu.memory_space<vmem>>, vector<16xf32>,
        %add3A_1328 = arith.constant 10 : i32
        %add3A_1329 = vector.broadcast %add3A_1328 : i32 to vector<16xi32>
        %add3A_1330 = arith.addi %mul3A_655, %add3A_1329 : vector<16xi32>
        %gather3A_1331 = tpu.vector_load_idx %arg10[%add3A_1330] : memref<8704xi32, #tpu.memory_space<vmem>>[vector<16xi32>], vector<16xi32>,
        %shift_left3A_1332 = arith.constant 24 : i32
        %shift_left3A_1333 = vector.broadcast %shift_left3A_1332 : i32 to vector<16xi32>
        %shift_left3A_1334 = arith.shli %gather3A_1331, %shift_left3A_1333 : vector<16xi32>
        %shift_right_arithmetic3A_1335 = arith.constant 24 : i32
        %shift_right_arithmetic3A_1336 = vector.broadcast %shift_right_arithmetic3A_1335 : i32 to vector<16xi32>
        %shift_right_arithmetic3A_1337 = arith.shrsi %shift_left3A_1334, %shift_right_arithmetic3A_1336 : vector<16xi32>
        %convert_element_type3A_1338 = arith.sitofp %shift_right_arithmetic3A_1337 : vector<16xi32> to vector<16xf32>
        %mul3A_1339 = arith.mulf %convert_element_type3A_1338, %get3A_648 : vector<16xf32>
        %add3A_1340 = arith.constant 20480 : i32
        %add3A_1341 = arith.addi %add3A_691, %add3A_1340 : i32
        %swap3A_1342 = arith.constant 0 : i32
        %swap3A_1343 = tpu.memref_slice %arg9[%scan3A_255, %swap3A_1342] : memref<2x32768xf32, #tpu.memory_space<vmem>> -> memref<1x32768xf32, #tpu.memory_space<vmem>>
        %swap3A_1344 = tpu.memref_squeeze %swap3A_1343 : memref<1x32768xf32, #tpu.memory_space<vmem>> -> memref<32768xf32, #tpu.memory_space<vmem>>
        %swap3A_1345 = arith.index_cast %add3A_1341 : i32 to index
        %swap3A_1346 = tpu.vector_load %swap3A_1344[%swap3A_1345] {strides = array<i32>} : memref<32768xf32, #tpu.memory_space<vmem>>, vector<16xf32>,
        tpu.vector_store %swap3A_1344[%swap3A_1345], %mul3A_1339 {strides = array<i32>} : memref<32768xf32, #tpu.memory_space<vmem>>, vector<16xf32>,
        %shift_left3A_1347 = arith.constant 16 : i32
        %shift_left3A_1348 = vector.broadcast %shift_left3A_1347 : i32 to vector<16xi32>
        %shift_left3A_1349 = arith.shli %gather3A_1331, %shift_left3A_1348 : vector<16xi32>
        %shift_right_arithmetic3A_1350 = arith.constant 24 : i32
        %shift_right_arithmetic3A_1351 = vector.broadcast %shift_right_arithmetic3A_1350 : i32 to vector<16xi32>
        %shift_right_arithmetic3A_1352 = arith.shrsi %shift_left3A_1349, %shift_right_arithmetic3A_1351 : vector<16xi32>
        %convert_element_type3A_1353 = arith.sitofp %shift_right_arithmetic3A_1352 : vector<16xi32> to vector<16xf32>
        %mul3A_1354 = arith.mulf %convert_element_type3A_1353, %get3A_648 : vector<16xf32>
        %add3A_1355 = arith.constant 20608 : i32
        %add3A_1356 = arith.addi %add3A_691, %add3A_1355 : i32
        %swap3A_1357 = arith.constant 0 : i32
        %swap3A_1358 = tpu.memref_slice %arg9[%scan3A_255, %swap3A_1357] : memref<2x32768xf32, #tpu.memory_space<vmem>> -> memref<1x32768xf32, #tpu.memory_space<vmem>>
        %swap3A_1359 = tpu.memref_squeeze %swap3A_1358 : memref<1x32768xf32, #tpu.memory_space<vmem>> -> memref<32768xf32, #tpu.memory_space<vmem>>
        %swap3A_1360 = arith.index_cast %add3A_1356 : i32 to index
        %swap3A_1361 = tpu.vector_load %swap3A_1359[%swap3A_1360] {strides = array<i32>} : memref<32768xf32, #tpu.memory_space<vmem>>, vector<16xf32>,
        tpu.vector_store %swap3A_1359[%swap3A_1360], %mul3A_1354 {strides = array<i32>} : memref<32768xf32, #tpu.memory_space<vmem>>, vector<16xf32>,
        %shift_left3A_1362 = arith.constant 8 : i32
        %shift_left3A_1363 = vector.broadcast %shift_left3A_1362 : i32 to vector<16xi32>
        %shift_left3A_1364 = arith.shli %gather3A_1331, %shift_left3A_1363 : vector<16xi32>
        %shift_right_arithmetic3A_1365 = arith.constant 24 : i32
        %shift_right_arithmetic3A_1366 = vector.broadcast %shift_right_arithmetic3A_1365 : i32 to vector<16xi32>
        %shift_right_arithmetic3A_1367 = arith.shrsi %shift_left3A_1364, %shift_right_arithmetic3A_1366 : vector<16xi32>
        %convert_element_type3A_1368 = arith.sitofp %shift_right_arithmetic3A_1367 : vector<16xi32> to vector<16xf32>
        %mul3A_1369 = arith.mulf %convert_element_type3A_1368, %get3A_648 : vector<16xf32>
        %add3A_1370 = arith.constant 20736 : i32
        %add3A_1371 = arith.addi %add3A_691, %add3A_1370 : i32
        %swap3A_1372 = arith.constant 0 : i32
        %swap3A_1373 = tpu.memref_slice %arg9[%scan3A_255, %swap3A_1372] : memref<2x32768xf32, #tpu.memory_space<vmem>> -> memref<1x32768xf32, #tpu.memory_space<vmem>>
        %swap3A_1374 = tpu.memref_squeeze %swap3A_1373 : memref<1x32768xf32, #tpu.memory_space<vmem>> -> memref<32768xf32, #tpu.memory_space<vmem>>
        %swap3A_1375 = arith.index_cast %add3A_1371 : i32 to index
        %swap3A_1376 = tpu.vector_load %swap3A_1374[%swap3A_1375] {strides = array<i32>} : memref<32768xf32, #tpu.memory_space<vmem>>, vector<16xf32>,
        tpu.vector_store %swap3A_1374[%swap3A_1375], %mul3A_1369 {strides = array<i32>} : memref<32768xf32, #tpu.memory_space<vmem>>, vector<16xf32>,
        %shift_left3A_1377 = arith.constant 0 : i32
        %shift_left3A_1378 = vector.broadcast %shift_left3A_1377 : i32 to vector<16xi32>
        %shift_left3A_1379 = arith.shli %gather3A_1331, %shift_left3A_1378 : vector<16xi32>
        %shift_right_arithmetic3A_1380 = arith.constant 24 : i32
        %shift_right_arithmetic3A_1381 = vector.broadcast %shift_right_arithmetic3A_1380 : i32 to vector<16xi32>
        %shift_right_arithmetic3A_1382 = arith.shrsi %shift_left3A_1379, %shift_right_arithmetic3A_1381 : vector<16xi32>
        %convert_element_type3A_1383 = arith.sitofp %shift_right_arithmetic3A_1382 : vector<16xi32> to vector<16xf32>
        %mul3A_1384 = arith.mulf %convert_element_type3A_1383, %get3A_648 : vector<16xf32>
        %add3A_1385 = arith.constant 20864 : i32
        %add3A_1386 = arith.addi %add3A_691, %add3A_1385 : i32
        %swap3A_1387 = arith.constant 0 : i32
        %swap3A_1388 = tpu.memref_slice %arg9[%scan3A_255, %swap3A_1387] : memref<2x32768xf32, #tpu.memory_space<vmem>> -> memref<1x32768xf32, #tpu.memory_space<vmem>>
        %swap3A_1389 = tpu.memref_squeeze %swap3A_1388 : memref<1x32768xf32, #tpu.memory_space<vmem>> -> memref<32768xf32, #tpu.memory_space<vmem>>
        %swap3A_1390 = arith.index_cast %add3A_1386 : i32 to index
        %swap3A_1391 = tpu.vector_load %swap3A_1389[%swap3A_1390] {strides = array<i32>} : memref<32768xf32, #tpu.memory_space<vmem>>, vector<16xf32>,
        tpu.vector_store %swap3A_1389[%swap3A_1390], %mul3A_1384 {strides = array<i32>} : memref<32768xf32, #tpu.memory_space<vmem>>, vector<16xf32>,
        %add3A_1392 = arith.constant 11 : i32
        %add3A_1393 = vector.broadcast %add3A_1392 : i32 to vector<16xi32>
        %add3A_1394 = arith.addi %mul3A_655, %add3A_1393 : vector<16xi32>
        %gather3A_1395 = tpu.vector_load_idx %arg10[%add3A_1394] : memref<8704xi32, #tpu.memory_space<vmem>>[vector<16xi32>], vector<16xi32>,
        %shift_left3A_1396 = arith.constant 24 : i32
        %shift_left3A_1397 = vector.broadcast %shift_left3A_1396 : i32 to vector<16xi32>
        %shift_left3A_1398 = arith.shli %gather3A_1395, %shift_left3A_1397 : vector<16xi32>
        %shift_right_arithmetic3A_1399 = arith.constant 24 : i32
        %shift_right_arithmetic3A_1400 = vector.broadcast %shift_right_arithmetic3A_1399 : i32 to vector<16xi32>
        %shift_right_arithmetic3A_1401 = arith.shrsi %shift_left3A_1398, %shift_right_arithmetic3A_1400 : vector<16xi32>
        %convert_element_type3A_1402 = arith.sitofp %shift_right_arithmetic3A_1401 : vector<16xi32> to vector<16xf32>
        %mul3A_1403 = arith.mulf %convert_element_type3A_1402, %get3A_648 : vector<16xf32>
        %add3A_1404 = arith.constant 20992 : i32
        %add3A_1405 = arith.addi %add3A_691, %add3A_1404 : i32
        %swap3A_1406 = arith.constant 0 : i32
        %swap3A_1407 = tpu.memref_slice %arg9[%scan3A_255, %swap3A_1406] : memref<2x32768xf32, #tpu.memory_space<vmem>> -> memref<1x32768xf32, #tpu.memory_space<vmem>>
        %swap3A_1408 = tpu.memref_squeeze %swap3A_1407 : memref<1x32768xf32, #tpu.memory_space<vmem>> -> memref<32768xf32, #tpu.memory_space<vmem>>
        %swap3A_1409 = arith.index_cast %add3A_1405 : i32 to index
        %swap3A_1410 = tpu.vector_load %swap3A_1408[%swap3A_1409] {strides = array<i32>} : memref<32768xf32, #tpu.memory_space<vmem>>, vector<16xf32>,
        tpu.vector_store %swap3A_1408[%swap3A_1409], %mul3A_1403 {strides = array<i32>} : memref<32768xf32, #tpu.memory_space<vmem>>, vector<16xf32>,
        %shift_left3A_1411 = arith.constant 16 : i32
        %shift_left3A_1412 = vector.broadcast %shift_left3A_1411 : i32 to vector<16xi32>
        %shift_left3A_1413 = arith.shli %gather3A_1395, %shift_left3A_1412 : vector<16xi32>
        %shift_right_arithmetic3A_1414 = arith.constant 24 : i32
        %shift_right_arithmetic3A_1415 = vector.broadcast %shift_right_arithmetic3A_1414 : i32 to vector<16xi32>
        %shift_right_arithmetic3A_1416 = arith.shrsi %shift_left3A_1413, %shift_right_arithmetic3A_1415 : vector<16xi32>
        %convert_element_type3A_1417 = arith.sitofp %shift_right_arithmetic3A_1416 : vector<16xi32> to vector<16xf32>
        %mul3A_1418 = arith.mulf %convert_element_type3A_1417, %get3A_648 : vector<16xf32>
        %add3A_1419 = arith.constant 21120 : i32
        %add3A_1420 = arith.addi %add3A_691, %add3A_1419 : i32
        %swap3A_1421 = arith.constant 0 : i32
        %swap3A_1422 = tpu.memref_slice %arg9[%scan3A_255, %swap3A_1421] : memref<2x32768xf32, #tpu.memory_space<vmem>> -> memref<1x32768xf32, #tpu.memory_space<vmem>>
        %swap3A_1423 = tpu.memref_squeeze %swap3A_1422 : memref<1x32768xf32, #tpu.memory_space<vmem>> -> memref<32768xf32, #tpu.memory_space<vmem>>
        %swap3A_1424 = arith.index_cast %add3A_1420 : i32 to index
        %swap3A_1425 = tpu.vector_load %swap3A_1423[%swap3A_1424] {strides = array<i32>} : memref<32768xf32, #tpu.memory_space<vmem>>, vector<16xf32>,
        tpu.vector_store %swap3A_1423[%swap3A_1424], %mul3A_1418 {strides = array<i32>} : memref<32768xf32, #tpu.memory_space<vmem>>, vector<16xf32>,
        %shift_left3A_1426 = arith.constant 8 : i32
        %shift_left3A_1427 = vector.broadcast %shift_left3A_1426 : i32 to vector<16xi32>
        %shift_left3A_1428 = arith.shli %gather3A_1395, %shift_left3A_1427 : vector<16xi32>
        %shift_right_arithmetic3A_1429 = arith.constant 24 : i32
        %shift_right_arithmetic3A_1430 = vector.broadcast %shift_right_arithmetic3A_1429 : i32 to vector<16xi32>
        %shift_right_arithmetic3A_1431 = arith.shrsi %shift_left3A_1428, %shift_right_arithmetic3A_1430 : vector<16xi32>
        %convert_element_type3A_1432 = arith.sitofp %shift_right_arithmetic3A_1431 : vector<16xi32> to vector<16xf32>
        %mul3A_1433 = arith.mulf %convert_element_type3A_1432, %get3A_648 : vector<16xf32>
        %add3A_1434 = arith.constant 21248 : i32
        %add3A_1435 = arith.addi %add3A_691, %add3A_1434 : i32
        %swap3A_1436 = arith.constant 0 : i32
        %swap3A_1437 = tpu.memref_slice %arg9[%scan3A_255, %swap3A_1436] : memref<2x32768xf32, #tpu.memory_space<vmem>> -> memref<1x32768xf32, #tpu.memory_space<vmem>>
        %swap3A_1438 = tpu.memref_squeeze %swap3A_1437 : memref<1x32768xf32, #tpu.memory_space<vmem>> -> memref<32768xf32, #tpu.memory_space<vmem>>
        %swap3A_1439 = arith.index_cast %add3A_1435 : i32 to index
        %swap3A_1440 = tpu.vector_load %swap3A_1438[%swap3A_1439] {strides = array<i32>} : memref<32768xf32, #tpu.memory_space<vmem>>, vector<16xf32>,
        tpu.vector_store %swap3A_1438[%swap3A_1439], %mul3A_1433 {strides = array<i32>} : memref<32768xf32, #tpu.memory_space<vmem>>, vector<16xf32>,
        %shift_left3A_1441 = arith.constant 0 : i32
        %shift_left3A_1442 = vector.broadcast %shift_left3A_1441 : i32 to vector<16xi32>
        %shift_left3A_1443 = arith.shli %gather3A_1395, %shift_left3A_1442 : vector<16xi32>
        %shift_right_arithmetic3A_1444 = arith.constant 24 : i32
        %shift_right_arithmetic3A_1445 = vector.broadcast %shift_right_arithmetic3A_1444 : i32 to vector<16xi32>
        %shift_right_arithmetic3A_1446 = arith.shrsi %shift_left3A_1443, %shift_right_arithmetic3A_1445 : vector<16xi32>
        %convert_element_type3A_1447 = arith.sitofp %shift_right_arithmetic3A_1446 : vector<16xi32> to vector<16xf32>
        %mul3A_1448 = arith.mulf %convert_element_type3A_1447, %get3A_648 : vector<16xf32>
        %add3A_1449 = arith.constant 21376 : i32
        %add3A_1450 = arith.addi %add3A_691, %add3A_1449 : i32
        %swap3A_1451 = arith.constant 0 : i32
        %swap3A_1452 = tpu.memref_slice %arg9[%scan3A_255, %swap3A_1451] : memref<2x32768xf32, #tpu.memory_space<vmem>> -> memref<1x32768xf32, #tpu.memory_space<vmem>>
        %swap3A_1453 = tpu.memref_squeeze %swap3A_1452 : memref<1x32768xf32, #tpu.memory_space<vmem>> -> memref<32768xf32, #tpu.memory_space<vmem>>
        %swap3A_1454 = arith.index_cast %add3A_1450 : i32 to index
        %swap3A_1455 = tpu.vector_load %swap3A_1453[%swap3A_1454] {strides = array<i32>} : memref<32768xf32, #tpu.memory_space<vmem>>, vector<16xf32>,
        tpu.vector_store %swap3A_1453[%swap3A_1454], %mul3A_1448 {strides = array<i32>} : memref<32768xf32, #tpu.memory_space<vmem>>, vector<16xf32>,
        %add3A_1456 = arith.constant 12 : i32
        %add3A_1457 = vector.broadcast %add3A_1456 : i32 to vector<16xi32>
        %add3A_1458 = arith.addi %mul3A_655, %add3A_1457 : vector<16xi32>
        %gather3A_1459 = tpu.vector_load_idx %arg10[%add3A_1458] : memref<8704xi32, #tpu.memory_space<vmem>>[vector<16xi32>], vector<16xi32>,
        %shift_left3A_1460 = arith.constant 24 : i32
        %shift_left3A_1461 = vector.broadcast %shift_left3A_1460 : i32 to vector<16xi32>
        %shift_left3A_1462 = arith.shli %gather3A_1459, %shift_left3A_1461 : vector<16xi32>
        %shift_right_arithmetic3A_1463 = arith.constant 24 : i32
        %shift_right_arithmetic3A_1464 = vector.broadcast %shift_right_arithmetic3A_1463 : i32 to vector<16xi32>
        %shift_right_arithmetic3A_1465 = arith.shrsi %shift_left3A_1462, %shift_right_arithmetic3A_1464 : vector<16xi32>
        %convert_element_type3A_1466 = arith.sitofp %shift_right_arithmetic3A_1465 : vector<16xi32> to vector<16xf32>
        %mul3A_1467 = arith.mulf %convert_element_type3A_1466, %get3A_648 : vector<16xf32>
        %add3A_1468 = arith.constant 24576 : i32
        %add3A_1469 = arith.addi %add3A_691, %add3A_1468 : i32
        %swap3A_1470 = arith.constant 0 : i32
        %swap3A_1471 = tpu.memref_slice %arg9[%scan3A_255, %swap3A_1470] : memref<2x32768xf32, #tpu.memory_space<vmem>> -> memref<1x32768xf32, #tpu.memory_space<vmem>>
        %swap3A_1472 = tpu.memref_squeeze %swap3A_1471 : memref<1x32768xf32, #tpu.memory_space<vmem>> -> memref<32768xf32, #tpu.memory_space<vmem>>
        %swap3A_1473 = arith.index_cast %add3A_1469 : i32 to index
        %swap3A_1474 = tpu.vector_load %swap3A_1472[%swap3A_1473] {strides = array<i32>} : memref<32768xf32, #tpu.memory_space<vmem>>, vector<16xf32>,
        tpu.vector_store %swap3A_1472[%swap3A_1473], %mul3A_1467 {strides = array<i32>} : memref<32768xf32, #tpu.memory_space<vmem>>, vector<16xf32>,
        %shift_left3A_1475 = arith.constant 16 : i32
        %shift_left3A_1476 = vector.broadcast %shift_left3A_1475 : i32 to vector<16xi32>
        %shift_left3A_1477 = arith.shli %gather3A_1459, %shift_left3A_1476 : vector<16xi32>
        %shift_right_arithmetic3A_1478 = arith.constant 24 : i32
        %shift_right_arithmetic3A_1479 = vector.broadcast %shift_right_arithmetic3A_1478 : i32 to vector<16xi32>
        %shift_right_arithmetic3A_1480 = arith.shrsi %shift_left3A_1477, %shift_right_arithmetic3A_1479 : vector<16xi32>
        %convert_element_type3A_1481 = arith.sitofp %shift_right_arithmetic3A_1480 : vector<16xi32> to vector<16xf32>
        %mul3A_1482 = arith.mulf %convert_element_type3A_1481, %get3A_648 : vector<16xf32>
        %add3A_1483 = arith.constant 24704 : i32
        %add3A_1484 = arith.addi %add3A_691, %add3A_1483 : i32
        %swap3A_1485 = arith.constant 0 : i32
        %swap3A_1486 = tpu.memref_slice %arg9[%scan3A_255, %swap3A_1485] : memref<2x32768xf32, #tpu.memory_space<vmem>> -> memref<1x32768xf32, #tpu.memory_space<vmem>>
        %swap3A_1487 = tpu.memref_squeeze %swap3A_1486 : memref<1x32768xf32, #tpu.memory_space<vmem>> -> memref<32768xf32, #tpu.memory_space<vmem>>
        %swap3A_1488 = arith.index_cast %add3A_1484 : i32 to index
        %swap3A_1489 = tpu.vector_load %swap3A_1487[%swap3A_1488] {strides = array<i32>} : memref<32768xf32, #tpu.memory_space<vmem>>, vector<16xf32>,
        tpu.vector_store %swap3A_1487[%swap3A_1488], %mul3A_1482 {strides = array<i32>} : memref<32768xf32, #tpu.memory_space<vmem>>, vector<16xf32>,
        %shift_left3A_1490 = arith.constant 8 : i32
        %shift_left3A_1491 = vector.broadcast %shift_left3A_1490 : i32 to vector<16xi32>
        %shift_left3A_1492 = arith.shli %gather3A_1459, %shift_left3A_1491 : vector<16xi32>
        %shift_right_arithmetic3A_1493 = arith.constant 24 : i32
        %shift_right_arithmetic3A_1494 = vector.broadcast %shift_right_arithmetic3A_1493 : i32 to vector<16xi32>
        %shift_right_arithmetic3A_1495 = arith.shrsi %shift_left3A_1492, %shift_right_arithmetic3A_1494 : vector<16xi32>
        %convert_element_type3A_1496 = arith.sitofp %shift_right_arithmetic3A_1495 : vector<16xi32> to vector<16xf32>
        %mul3A_1497 = arith.mulf %convert_element_type3A_1496, %get3A_648 : vector<16xf32>
        %add3A_1498 = arith.constant 24832 : i32
        %add3A_1499 = arith.addi %add3A_691, %add3A_1498 : i32
        %swap3A_1500 = arith.constant 0 : i32
        %swap3A_1501 = tpu.memref_slice %arg9[%scan3A_255, %swap3A_1500] : memref<2x32768xf32, #tpu.memory_space<vmem>> -> memref<1x32768xf32, #tpu.memory_space<vmem>>
        %swap3A_1502 = tpu.memref_squeeze %swap3A_1501 : memref<1x32768xf32, #tpu.memory_space<vmem>> -> memref<32768xf32, #tpu.memory_space<vmem>>
        %swap3A_1503 = arith.index_cast %add3A_1499 : i32 to index
        %swap3A_1504 = tpu.vector_load %swap3A_1502[%swap3A_1503] {strides = array<i32>} : memref<32768xf32, #tpu.memory_space<vmem>>, vector<16xf32>,
        tpu.vector_store %swap3A_1502[%swap3A_1503], %mul3A_1497 {strides = array<i32>} : memref<32768xf32, #tpu.memory_space<vmem>>, vector<16xf32>,
        %shift_left3A_1505 = arith.constant 0 : i32
        %shift_left3A_1506 = vector.broadcast %shift_left3A_1505 : i32 to vector<16xi32>
        %shift_left3A_1507 = arith.shli %gather3A_1459, %shift_left3A_1506 : vector<16xi32>
        %shift_right_arithmetic3A_1508 = arith.constant 24 : i32
        %shift_right_arithmetic3A_1509 = vector.broadcast %shift_right_arithmetic3A_1508 : i32 to vector<16xi32>
        %shift_right_arithmetic3A_1510 = arith.shrsi %shift_left3A_1507, %shift_right_arithmetic3A_1509 : vector<16xi32>
        %convert_element_type3A_1511 = arith.sitofp %shift_right_arithmetic3A_1510 : vector<16xi32> to vector<16xf32>
        %mul3A_1512 = arith.mulf %convert_element_type3A_1511, %get3A_648 : vector<16xf32>
        %add3A_1513 = arith.constant 24960 : i32
        %add3A_1514 = arith.addi %add3A_691, %add3A_1513 : i32
        %swap3A_1515 = arith.constant 0 : i32
        %swap3A_1516 = tpu.memref_slice %arg9[%scan3A_255, %swap3A_1515] : memref<2x32768xf32, #tpu.memory_space<vmem>> -> memref<1x32768xf32, #tpu.memory_space<vmem>>
        %swap3A_1517 = tpu.memref_squeeze %swap3A_1516 : memref<1x32768xf32, #tpu.memory_space<vmem>> -> memref<32768xf32, #tpu.memory_space<vmem>>
        %swap3A_1518 = arith.index_cast %add3A_1514 : i32 to index
        %swap3A_1519 = tpu.vector_load %swap3A_1517[%swap3A_1518] {strides = array<i32>} : memref<32768xf32, #tpu.memory_space<vmem>>, vector<16xf32>,
        tpu.vector_store %swap3A_1517[%swap3A_1518], %mul3A_1512 {strides = array<i32>} : memref<32768xf32, #tpu.memory_space<vmem>>, vector<16xf32>,
        %add3A_1520 = arith.constant 13 : i32
        %add3A_1521 = vector.broadcast %add3A_1520 : i32 to vector<16xi32>
        %add3A_1522 = arith.addi %mul3A_655, %add3A_1521 : vector<16xi32>
        %gather3A_1523 = tpu.vector_load_idx %arg10[%add3A_1522] : memref<8704xi32, #tpu.memory_space<vmem>>[vector<16xi32>], vector<16xi32>,
        %shift_left3A_1524 = arith.constant 24 : i32
        %shift_left3A_1525 = vector.broadcast %shift_left3A_1524 : i32 to vector<16xi32>
        %shift_left3A_1526 = arith.shli %gather3A_1523, %shift_left3A_1525 : vector<16xi32>
        %shift_right_arithmetic3A_1527 = arith.constant 24 : i32
        %shift_right_arithmetic3A_1528 = vector.broadcast %shift_right_arithmetic3A_1527 : i32 to vector<16xi32>
        %shift_right_arithmetic3A_1529 = arith.shrsi %shift_left3A_1526, %shift_right_arithmetic3A_1528 : vector<16xi32>
        %convert_element_type3A_1530 = arith.sitofp %shift_right_arithmetic3A_1529 : vector<16xi32> to vector<16xf32>
        %mul3A_1531 = arith.mulf %convert_element_type3A_1530, %get3A_648 : vector<16xf32>
        %add3A_1532 = arith.constant 25088 : i32
        %add3A_1533 = arith.addi %add3A_691, %add3A_1532 : i32
        %swap3A_1534 = arith.constant 0 : i32
        %swap3A_1535 = tpu.memref_slice %arg9[%scan3A_255, %swap3A_1534] : memref<2x32768xf32, #tpu.memory_space<vmem>> -> memref<1x32768xf32, #tpu.memory_space<vmem>>
        %swap3A_1536 = tpu.memref_squeeze %swap3A_1535 : memref<1x32768xf32, #tpu.memory_space<vmem>> -> memref<32768xf32, #tpu.memory_space<vmem>>
        %swap3A_1537 = arith.index_cast %add3A_1533 : i32 to index
        %swap3A_1538 = tpu.vector_load %swap3A_1536[%swap3A_1537] {strides = array<i32>} : memref<32768xf32, #tpu.memory_space<vmem>>, vector<16xf32>,
        tpu.vector_store %swap3A_1536[%swap3A_1537], %mul3A_1531 {strides = array<i32>} : memref<32768xf32, #tpu.memory_space<vmem>>, vector<16xf32>,
        %shift_left3A_1539 = arith.constant 16 : i32
        %shift_left3A_1540 = vector.broadcast %shift_left3A_1539 : i32 to vector<16xi32>
        %shift_left3A_1541 = arith.shli %gather3A_1523, %shift_left3A_1540 : vector<16xi32>
        %shift_right_arithmetic3A_1542 = arith.constant 24 : i32
        %shift_right_arithmetic3A_1543 = vector.broadcast %shift_right_arithmetic3A_1542 : i32 to vector<16xi32>
        %shift_right_arithmetic3A_1544 = arith.shrsi %shift_left3A_1541, %shift_right_arithmetic3A_1543 : vector<16xi32>
        %convert_element_type3A_1545 = arith.sitofp %shift_right_arithmetic3A_1544 : vector<16xi32> to vector<16xf32>
        %mul3A_1546 = arith.mulf %convert_element_type3A_1545, %get3A_648 : vector<16xf32>
        %add3A_1547 = arith.constant 25216 : i32
        %add3A_1548 = arith.addi %add3A_691, %add3A_1547 : i32
        %swap3A_1549 = arith.constant 0 : i32
        %swap3A_1550 = tpu.memref_slice %arg9[%scan3A_255, %swap3A_1549] : memref<2x32768xf32, #tpu.memory_space<vmem>> -> memref<1x32768xf32, #tpu.memory_space<vmem>>
        %swap3A_1551 = tpu.memref_squeeze %swap3A_1550 : memref<1x32768xf32, #tpu.memory_space<vmem>> -> memref<32768xf32, #tpu.memory_space<vmem>>
        %swap3A_1552 = arith.index_cast %add3A_1548 : i32 to index
        %swap3A_1553 = tpu.vector_load %swap3A_1551[%swap3A_1552] {strides = array<i32>} : memref<32768xf32, #tpu.memory_space<vmem>>, vector<16xf32>,
        tpu.vector_store %swap3A_1551[%swap3A_1552], %mul3A_1546 {strides = array<i32>} : memref<32768xf32, #tpu.memory_space<vmem>>, vector<16xf32>,
        %shift_left3A_1554 = arith.constant 8 : i32
        %shift_left3A_1555 = vector.broadcast %shift_left3A_1554 : i32 to vector<16xi32>
        %shift_left3A_1556 = arith.shli %gather3A_1523, %shift_left3A_1555 : vector<16xi32>
        %shift_right_arithmetic3A_1557 = arith.constant 24 : i32
        %shift_right_arithmetic3A_1558 = vector.broadcast %shift_right_arithmetic3A_1557 : i32 to vector<16xi32>
        %shift_right_arithmetic3A_1559 = arith.shrsi %shift_left3A_1556, %shift_right_arithmetic3A_1558 : vector<16xi32>
        %convert_element_type3A_1560 = arith.sitofp %shift_right_arithmetic3A_1559 : vector<16xi32> to vector<16xf32>
        %mul3A_1561 = arith.mulf %convert_element_type3A_1560, %get3A_648 : vector<16xf32>
        %add3A_1562 = arith.constant 25344 : i32
        %add3A_1563 = arith.addi %add3A_691, %add3A_1562 : i32
        %swap3A_1564 = arith.constant 0 : i32
        %swap3A_1565 = tpu.memref_slice %arg9[%scan3A_255, %swap3A_1564] : memref<2x32768xf32, #tpu.memory_space<vmem>> -> memref<1x32768xf32, #tpu.memory_space<vmem>>
        %swap3A_1566 = tpu.memref_squeeze %swap3A_1565 : memref<1x32768xf32, #tpu.memory_space<vmem>> -> memref<32768xf32, #tpu.memory_space<vmem>>
        %swap3A_1567 = arith.index_cast %add3A_1563 : i32 to index
        %swap3A_1568 = tpu.vector_load %swap3A_1566[%swap3A_1567] {strides = array<i32>} : memref<32768xf32, #tpu.memory_space<vmem>>, vector<16xf32>,
        tpu.vector_store %swap3A_1566[%swap3A_1567], %mul3A_1561 {strides = array<i32>} : memref<32768xf32, #tpu.memory_space<vmem>>, vector<16xf32>,
        %shift_left3A_1569 = arith.constant 0 : i32
        %shift_left3A_1570 = vector.broadcast %shift_left3A_1569 : i32 to vector<16xi32>
        %shift_left3A_1571 = arith.shli %gather3A_1523, %shift_left3A_1570 : vector<16xi32>
        %shift_right_arithmetic3A_1572 = arith.constant 24 : i32
        %shift_right_arithmetic3A_1573 = vector.broadcast %shift_right_arithmetic3A_1572 : i32 to vector<16xi32>
        %shift_right_arithmetic3A_1574 = arith.shrsi %shift_left3A_1571, %shift_right_arithmetic3A_1573 : vector<16xi32>
        %convert_element_type3A_1575 = arith.sitofp %shift_right_arithmetic3A_1574 : vector<16xi32> to vector<16xf32>
        %mul3A_1576 = arith.mulf %convert_element_type3A_1575, %get3A_648 : vector<16xf32>
        %add3A_1577 = arith.constant 25472 : i32
        %add3A_1578 = arith.addi %add3A_691, %add3A_1577 : i32
        %swap3A_1579 = arith.constant 0 : i32
        %swap3A_1580 = tpu.memref_slice %arg9[%scan3A_255, %swap3A_1579] : memref<2x32768xf32, #tpu.memory_space<vmem>> -> memref<1x32768xf32, #tpu.memory_space<vmem>>
        %swap3A_1581 = tpu.memref_squeeze %swap3A_1580 : memref<1x32768xf32, #tpu.memory_space<vmem>> -> memref<32768xf32, #tpu.memory_space<vmem>>
        %swap3A_1582 = arith.index_cast %add3A_1578 : i32 to index
        %swap3A_1583 = tpu.vector_load %swap3A_1581[%swap3A_1582] {strides = array<i32>} : memref<32768xf32, #tpu.memory_space<vmem>>, vector<16xf32>,
        tpu.vector_store %swap3A_1581[%swap3A_1582], %mul3A_1576 {strides = array<i32>} : memref<32768xf32, #tpu.memory_space<vmem>>, vector<16xf32>,
        %add3A_1584 = arith.constant 14 : i32
        %add3A_1585 = vector.broadcast %add3A_1584 : i32 to vector<16xi32>
        %add3A_1586 = arith.addi %mul3A_655, %add3A_1585 : vector<16xi32>
        %gather3A_1587 = tpu.vector_load_idx %arg10[%add3A_1586] : memref<8704xi32, #tpu.memory_space<vmem>>[vector<16xi32>], vector<16xi32>,
        %shift_left3A_1588 = arith.constant 24 : i32
        %shift_left3A_1589 = vector.broadcast %shift_left3A_1588 : i32 to vector<16xi32>
        %shift_left3A_1590 = arith.shli %gather3A_1587, %shift_left3A_1589 : vector<16xi32>
        %shift_right_arithmetic3A_1591 = arith.constant 24 : i32
        %shift_right_arithmetic3A_1592 = vector.broadcast %shift_right_arithmetic3A_1591 : i32 to vector<16xi32>
        %shift_right_arithmetic3A_1593 = arith.shrsi %shift_left3A_1590, %shift_right_arithmetic3A_1592 : vector<16xi32>
        %convert_element_type3A_1594 = arith.sitofp %shift_right_arithmetic3A_1593 : vector<16xi32> to vector<16xf32>
        %mul3A_1595 = arith.mulf %convert_element_type3A_1594, %get3A_648 : vector<16xf32>
        %add3A_1596 = arith.constant 28672 : i32
        %add3A_1597 = arith.addi %add3A_691, %add3A_1596 : i32
        %swap3A_1598 = arith.constant 0 : i32
        %swap3A_1599 = tpu.memref_slice %arg9[%scan3A_255, %swap3A_1598] : memref<2x32768xf32, #tpu.memory_space<vmem>> -> memref<1x32768xf32, #tpu.memory_space<vmem>>
        %swap3A_1600 = tpu.memref_squeeze %swap3A_1599 : memref<1x32768xf32, #tpu.memory_space<vmem>> -> memref<32768xf32, #tpu.memory_space<vmem>>
        %swap3A_1601 = arith.index_cast %add3A_1597 : i32 to index
        %swap3A_1602 = tpu.vector_load %swap3A_1600[%swap3A_1601] {strides = array<i32>} : memref<32768xf32, #tpu.memory_space<vmem>>, vector<16xf32>,
        tpu.vector_store %swap3A_1600[%swap3A_1601], %mul3A_1595 {strides = array<i32>} : memref<32768xf32, #tpu.memory_space<vmem>>, vector<16xf32>,
        %shift_left3A_1603 = arith.constant 16 : i32
        %shift_left3A_1604 = vector.broadcast %shift_left3A_1603 : i32 to vector<16xi32>
        %shift_left3A_1605 = arith.shli %gather3A_1587, %shift_left3A_1604 : vector<16xi32>
        %shift_right_arithmetic3A_1606 = arith.constant 24 : i32
        %shift_right_arithmetic3A_1607 = vector.broadcast %shift_right_arithmetic3A_1606 : i32 to vector<16xi32>
        %shift_right_arithmetic3A_1608 = arith.shrsi %shift_left3A_1605, %shift_right_arithmetic3A_1607 : vector<16xi32>
        %convert_element_type3A_1609 = arith.sitofp %shift_right_arithmetic3A_1608 : vector<16xi32> to vector<16xf32>
        %mul3A_1610 = arith.mulf %convert_element_type3A_1609, %get3A_648 : vector<16xf32>
        %add3A_1611 = arith.constant 28800 : i32
        %add3A_1612 = arith.addi %add3A_691, %add3A_1611 : i32
        %swap3A_1613 = arith.constant 0 : i32
        %swap3A_1614 = tpu.memref_slice %arg9[%scan3A_255, %swap3A_1613] : memref<2x32768xf32, #tpu.memory_space<vmem>> -> memref<1x32768xf32, #tpu.memory_space<vmem>>
        %swap3A_1615 = tpu.memref_squeeze %swap3A_1614 : memref<1x32768xf32, #tpu.memory_space<vmem>> -> memref<32768xf32, #tpu.memory_space<vmem>>
        %swap3A_1616 = arith.index_cast %add3A_1612 : i32 to index
        %swap3A_1617 = tpu.vector_load %swap3A_1615[%swap3A_1616] {strides = array<i32>} : memref<32768xf32, #tpu.memory_space<vmem>>, vector<16xf32>,
        tpu.vector_store %swap3A_1615[%swap3A_1616], %mul3A_1610 {strides = array<i32>} : memref<32768xf32, #tpu.memory_space<vmem>>, vector<16xf32>,
        %shift_left3A_1618 = arith.constant 8 : i32
        %shift_left3A_1619 = vector.broadcast %shift_left3A_1618 : i32 to vector<16xi32>
        %shift_left3A_1620 = arith.shli %gather3A_1587, %shift_left3A_1619 : vector<16xi32>
        %shift_right_arithmetic3A_1621 = arith.constant 24 : i32
        %shift_right_arithmetic3A_1622 = vector.broadcast %shift_right_arithmetic3A_1621 : i32 to vector<16xi32>
        %shift_right_arithmetic3A_1623 = arith.shrsi %shift_left3A_1620, %shift_right_arithmetic3A_1622 : vector<16xi32>
        %convert_element_type3A_1624 = arith.sitofp %shift_right_arithmetic3A_1623 : vector<16xi32> to vector<16xf32>
        %mul3A_1625 = arith.mulf %convert_element_type3A_1624, %get3A_648 : vector<16xf32>
        %add3A_1626 = arith.constant 28928 : i32
        %add3A_1627 = arith.addi %add3A_691, %add3A_1626 : i32
        %swap3A_1628 = arith.constant 0 : i32
        %swap3A_1629 = tpu.memref_slice %arg9[%scan3A_255, %swap3A_1628] : memref<2x32768xf32, #tpu.memory_space<vmem>> -> memref<1x32768xf32, #tpu.memory_space<vmem>>
        %swap3A_1630 = tpu.memref_squeeze %swap3A_1629 : memref<1x32768xf32, #tpu.memory_space<vmem>> -> memref<32768xf32, #tpu.memory_space<vmem>>
        %swap3A_1631 = arith.index_cast %add3A_1627 : i32 to index
        %swap3A_1632 = tpu.vector_load %swap3A_1630[%swap3A_1631] {strides = array<i32>} : memref<32768xf32, #tpu.memory_space<vmem>>, vector<16xf32>,
        tpu.vector_store %swap3A_1630[%swap3A_1631], %mul3A_1625 {strides = array<i32>} : memref<32768xf32, #tpu.memory_space<vmem>>, vector<16xf32>,
        %shift_left3A_1633 = arith.constant 0 : i32
        %shift_left3A_1634 = vector.broadcast %shift_left3A_1633 : i32 to vector<16xi32>
        %shift_left3A_1635 = arith.shli %gather3A_1587, %shift_left3A_1634 : vector<16xi32>
        %shift_right_arithmetic3A_1636 = arith.constant 24 : i32
        %shift_right_arithmetic3A_1637 = vector.broadcast %shift_right_arithmetic3A_1636 : i32 to vector<16xi32>
        %shift_right_arithmetic3A_1638 = arith.shrsi %shift_left3A_1635, %shift_right_arithmetic3A_1637 : vector<16xi32>
        %convert_element_type3A_1639 = arith.sitofp %shift_right_arithmetic3A_1638 : vector<16xi32> to vector<16xf32>
        %mul3A_1640 = arith.mulf %convert_element_type3A_1639, %get3A_648 : vector<16xf32>
        %add3A_1641 = arith.constant 29056 : i32
        %add3A_1642 = arith.addi %add3A_691, %add3A_1641 : i32
        %swap3A_1643 = arith.constant 0 : i32
        %swap3A_1644 = tpu.memref_slice %arg9[%scan3A_255, %swap3A_1643] : memref<2x32768xf32, #tpu.memory_space<vmem>> -> memref<1x32768xf32, #tpu.memory_space<vmem>>
        %swap3A_1645 = tpu.memref_squeeze %swap3A_1644 : memref<1x32768xf32, #tpu.memory_space<vmem>> -> memref<32768xf32, #tpu.memory_space<vmem>>
        %swap3A_1646 = arith.index_cast %add3A_1642 : i32 to index
        %swap3A_1647 = tpu.vector_load %swap3A_1645[%swap3A_1646] {strides = array<i32>} : memref<32768xf32, #tpu.memory_space<vmem>>, vector<16xf32>,
        tpu.vector_store %swap3A_1645[%swap3A_1646], %mul3A_1640 {strides = array<i32>} : memref<32768xf32, #tpu.memory_space<vmem>>, vector<16xf32>,
        %add3A_1648 = arith.constant 15 : i32
        %add3A_1649 = vector.broadcast %add3A_1648 : i32 to vector<16xi32>
        %add3A_1650 = arith.addi %mul3A_655, %add3A_1649 : vector<16xi32>
        %gather3A_1651 = tpu.vector_load_idx %arg10[%add3A_1650] : memref<8704xi32, #tpu.memory_space<vmem>>[vector<16xi32>], vector<16xi32>,
        %shift_left3A_1652 = arith.constant 24 : i32
        %shift_left3A_1653 = vector.broadcast %shift_left3A_1652 : i32 to vector<16xi32>
        %shift_left3A_1654 = arith.shli %gather3A_1651, %shift_left3A_1653 : vector<16xi32>
        %shift_right_arithmetic3A_1655 = arith.constant 24 : i32
        %shift_right_arithmetic3A_1656 = vector.broadcast %shift_right_arithmetic3A_1655 : i32 to vector<16xi32>
        %shift_right_arithmetic3A_1657 = arith.shrsi %shift_left3A_1654, %shift_right_arithmetic3A_1656 : vector<16xi32>
        %convert_element_type3A_1658 = arith.sitofp %shift_right_arithmetic3A_1657 : vector<16xi32> to vector<16xf32>
        %mul3A_1659 = arith.mulf %convert_element_type3A_1658, %get3A_648 : vector<16xf32>
        %add3A_1660 = arith.constant 29184 : i32
        %add3A_1661 = arith.addi %add3A_691, %add3A_1660 : i32
        %swap3A_1662 = arith.constant 0 : i32
        %swap3A_1663 = tpu.memref_slice %arg9[%scan3A_255, %swap3A_1662] : memref<2x32768xf32, #tpu.memory_space<vmem>> -> memref<1x32768xf32, #tpu.memory_space<vmem>>
        %swap3A_1664 = tpu.memref_squeeze %swap3A_1663 : memref<1x32768xf32, #tpu.memory_space<vmem>> -> memref<32768xf32, #tpu.memory_space<vmem>>
        %swap3A_1665 = arith.index_cast %add3A_1661 : i32 to index
        %swap3A_1666 = tpu.vector_load %swap3A_1664[%swap3A_1665] {strides = array<i32>} : memref<32768xf32, #tpu.memory_space<vmem>>, vector<16xf32>,
        tpu.vector_store %swap3A_1664[%swap3A_1665], %mul3A_1659 {strides = array<i32>} : memref<32768xf32, #tpu.memory_space<vmem>>, vector<16xf32>,
        %shift_left3A_1667 = arith.constant 16 : i32
        %shift_left3A_1668 = vector.broadcast %shift_left3A_1667 : i32 to vector<16xi32>
        %shift_left3A_1669 = arith.shli %gather3A_1651, %shift_left3A_1668 : vector<16xi32>
        %shift_right_arithmetic3A_1670 = arith.constant 24 : i32
        %shift_right_arithmetic3A_1671 = vector.broadcast %shift_right_arithmetic3A_1670 : i32 to vector<16xi32>
        %shift_right_arithmetic3A_1672 = arith.shrsi %shift_left3A_1669, %shift_right_arithmetic3A_1671 : vector<16xi32>
        %convert_element_type3A_1673 = arith.sitofp %shift_right_arithmetic3A_1672 : vector<16xi32> to vector<16xf32>
        %mul3A_1674 = arith.mulf %convert_element_type3A_1673, %get3A_648 : vector<16xf32>
        %add3A_1675 = arith.constant 29312 : i32
        %add3A_1676 = arith.addi %add3A_691, %add3A_1675 : i32
        %swap3A_1677 = arith.constant 0 : i32
        %swap3A_1678 = tpu.memref_slice %arg9[%scan3A_255, %swap3A_1677] : memref<2x32768xf32, #tpu.memory_space<vmem>> -> memref<1x32768xf32, #tpu.memory_space<vmem>>
        %swap3A_1679 = tpu.memref_squeeze %swap3A_1678 : memref<1x32768xf32, #tpu.memory_space<vmem>> -> memref<32768xf32, #tpu.memory_space<vmem>>
        %swap3A_1680 = arith.index_cast %add3A_1676 : i32 to index
        %swap3A_1681 = tpu.vector_load %swap3A_1679[%swap3A_1680] {strides = array<i32>} : memref<32768xf32, #tpu.memory_space<vmem>>, vector<16xf32>,
        tpu.vector_store %swap3A_1679[%swap3A_1680], %mul3A_1674 {strides = array<i32>} : memref<32768xf32, #tpu.memory_space<vmem>>, vector<16xf32>,
        %shift_left3A_1682 = arith.constant 8 : i32
        %shift_left3A_1683 = vector.broadcast %shift_left3A_1682 : i32 to vector<16xi32>
        %shift_left3A_1684 = arith.shli %gather3A_1651, %shift_left3A_1683 : vector<16xi32>
        %shift_right_arithmetic3A_1685 = arith.constant 24 : i32
        %shift_right_arithmetic3A_1686 = vector.broadcast %shift_right_arithmetic3A_1685 : i32 to vector<16xi32>
        %shift_right_arithmetic3A_1687 = arith.shrsi %shift_left3A_1684, %shift_right_arithmetic3A_1686 : vector<16xi32>
        %convert_element_type3A_1688 = arith.sitofp %shift_right_arithmetic3A_1687 : vector<16xi32> to vector<16xf32>
        %mul3A_1689 = arith.mulf %convert_element_type3A_1688, %get3A_648 : vector<16xf32>
        %add3A_1690 = arith.constant 29440 : i32
        %add3A_1691 = arith.addi %add3A_691, %add3A_1690 : i32
        %swap3A_1692 = arith.constant 0 : i32
        %swap3A_1693 = tpu.memref_slice %arg9[%scan3A_255, %swap3A_1692] : memref<2x32768xf32, #tpu.memory_space<vmem>> -> memref<1x32768xf32, #tpu.memory_space<vmem>>
        %swap3A_1694 = tpu.memref_squeeze %swap3A_1693 : memref<1x32768xf32, #tpu.memory_space<vmem>> -> memref<32768xf32, #tpu.memory_space<vmem>>
        %swap3A_1695 = arith.index_cast %add3A_1691 : i32 to index
        %swap3A_1696 = tpu.vector_load %swap3A_1694[%swap3A_1695] {strides = array<i32>} : memref<32768xf32, #tpu.memory_space<vmem>>, vector<16xf32>,
        tpu.vector_store %swap3A_1694[%swap3A_1695], %mul3A_1689 {strides = array<i32>} : memref<32768xf32, #tpu.memory_space<vmem>>, vector<16xf32>,
        %shift_left3A_1697 = arith.constant 0 : i32
        %shift_left3A_1698 = vector.broadcast %shift_left3A_1697 : i32 to vector<16xi32>
        %shift_left3A_1699 = arith.shli %gather3A_1651, %shift_left3A_1698 : vector<16xi32>
        %shift_right_arithmetic3A_1700 = arith.constant 24 : i32
        %shift_right_arithmetic3A_1701 = vector.broadcast %shift_right_arithmetic3A_1700 : i32 to vector<16xi32>
        %shift_right_arithmetic3A_1702 = arith.shrsi %shift_left3A_1699, %shift_right_arithmetic3A_1701 : vector<16xi32>
        %convert_element_type3A_1703 = arith.sitofp %shift_right_arithmetic3A_1702 : vector<16xi32> to vector<16xf32>
        %mul3A_1704 = arith.mulf %convert_element_type3A_1703, %get3A_648 : vector<16xf32>
        %add3A_1705 = arith.constant 29568 : i32
        %add3A_1706 = arith.addi %add3A_691, %add3A_1705 : i32
        %swap3A_1707 = arith.constant 0 : i32
        %swap3A_1708 = tpu.memref_slice %arg9[%scan3A_255, %swap3A_1707] : memref<2x32768xf32, #tpu.memory_space<vmem>> -> memref<1x32768xf32, #tpu.memory_space<vmem>>
        %swap3A_1709 = tpu.memref_squeeze %swap3A_1708 : memref<1x32768xf32, #tpu.memory_space<vmem>> -> memref<32768xf32, #tpu.memory_space<vmem>>
        %swap3A_1710 = arith.index_cast %add3A_1706 : i32 to index
        %swap3A_1711 = tpu.vector_load %swap3A_1709[%swap3A_1710] {strides = array<i32>} : memref<32768xf32, #tpu.memory_space<vmem>>, vector<16xf32>,
        tpu.vector_store %swap3A_1709[%swap3A_1710], %mul3A_1704 {strides = array<i32>} : memref<32768xf32, #tpu.memory_space<vmem>>, vector<16xf32>,
        %scan3A_1712 = arith.constant 0 : i32
        scf.yield %scan3A_1712 : i32
      }
      %scan3A_262 = arith.constant 32 : i32
      %mul3A_263 = arith.constant 8 : i32
      %mul3A_264 = arith.muli %add3A_212, %mul3A_263 : i32
      %add3A_265 = arith.constant 0 : i32
      %add3A_266 = arith.addi %mul3A_264, %add3A_265 : i32
      %mul3A_267 = arith.constant 128 : i32
      %mul3A_268 = arith.muli %add3A_266, %mul3A_267 : i32
      %mul3A_269 = arith.constant 4 : i32
      %mul3A_270 = arith.muli %add3A, %mul3A_269 : i32
      %add3A_271 = arith.addi %mul3A_268, %mul3A_270 : i32
      %mul3A_272 = arith.constant 1024 : i32
      %mul3A_273 = arith.muli %add3A_271, %mul3A_272 : i32
      %dma_start3A_274 = arith.constant 0 : i32
      %dma_start3A_275 = arith.constant 0 : i32
      %dma_start3A_276 = tpu.memref_slice %arg9[%dma_start3A_274, %dma_start3A_275] : memref<2x32768xf32, #tpu.memory_space<vmem>> -> memref<1x4096xf32, #tpu.memory_space<vmem>>
      %dma_start3A_277 = tpu.memref_squeeze %dma_start3A_276 : memref<1x4096xf32, #tpu.memory_space<vmem>> -> memref<4096xf32, #tpu.memory_space<vmem>>
      %dma_start3A_278 = tpu.memref_slice %arg5[%mul3A_273] : memref<52428800xf32, #tpu.memory_space<hbm>> -> memref<4096xf32, #tpu.memory_space<hbm>>
      %dma_start3A_279 = tpu.memref_slice %arg5[%mul3A_273] : memref<52428800xf32, #tpu.memory_space<hbm>> -> memref<4096xf32, #tpu.memory_space<hbm>>
      %dma_start3A_280 = arith.constant 0 : i32
      %dma_start3A_281 = tpu.memref_slice %arg9[%dma_start3A_274, %dma_start3A_280] : memref<2x32768xf32, #tpu.memory_space<vmem>> -> memref<1x4096xf32, #tpu.memory_space<vmem>>
      %dma_start3A_282 = tpu.memref_squeeze %dma_start3A_281 : memref<1x4096xf32, #tpu.memory_space<vmem>> -> memref<4096xf32, #tpu.memory_space<vmem>>
      tpu.enqueue_dma source(%dma_start3A_282 : memref<4096xf32, #tpu.memory_space<vmem>>) target(%dma_start3A_279 : memref<4096xf32, #tpu.memory_space<hbm>>) target_semaphore(%arg15 : memref<!tpu.dma_semaphore, #tpu.memory_space<semaphore_mem>>)
      %mul3A_283 = arith.constant 8 : i32
      %mul3A_284 = arith.muli %add3A_212, %mul3A_283 : i32
      %add3A_285 = arith.constant 1 : i32
      %add3A_286 = arith.addi %mul3A_284, %add3A_285 : i32
      %mul3A_287 = arith.constant 128 : i32
      %mul3A_288 = arith.muli %add3A_286, %mul3A_287 : i32
      %mul3A_289 = arith.constant 4 : i32
      %mul3A_290 = arith.muli %add3A, %mul3A_289 : i32
      %add3A_291 = arith.addi %mul3A_288, %mul3A_290 : i32
      %mul3A_292 = arith.constant 1024 : i32
      %mul3A_293 = arith.muli %add3A_291, %mul3A_292 : i32
      %dma_start3A_294 = arith.constant 0 : i32
      %dma_start3A_295 = arith.constant 4096 : i32
      %dma_start3A_296 = tpu.memref_slice %arg9[%dma_start3A_294, %dma_start3A_295] : memref<2x32768xf32, #tpu.memory_space<vmem>> -> memref<1x4096xf32, #tpu.memory_space<vmem>>
      %dma_start3A_297 = tpu.memref_squeeze %dma_start3A_296 : memref<1x4096xf32, #tpu.memory_space<vmem>> -> memref<4096xf32, #tpu.memory_space<vmem>>
      %dma_start3A_298 = tpu.memref_slice %arg5[%mul3A_293] : memref<52428800xf32, #tpu.memory_space<hbm>> -> memref<4096xf32, #tpu.memory_space<hbm>>
      %dma_start3A_299 = tpu.memref_slice %arg5[%mul3A_293] : memref<52428800xf32, #tpu.memory_space<hbm>> -> memref<4096xf32, #tpu.memory_space<hbm>>
      %dma_start3A_300 = arith.constant 4096 : i32
      %dma_start3A_301 = tpu.memref_slice %arg9[%dma_start3A_294, %dma_start3A_300] : memref<2x32768xf32, #tpu.memory_space<vmem>> -> memref<1x4096xf32, #tpu.memory_space<vmem>>
      %dma_start3A_302 = tpu.memref_squeeze %dma_start3A_301 : memref<1x4096xf32, #tpu.memory_space<vmem>> -> memref<4096xf32, #tpu.memory_space<vmem>>
      tpu.enqueue_dma source(%dma_start3A_302 : memref<4096xf32, #tpu.memory_space<vmem>>) target(%dma_start3A_299 : memref<4096xf32, #tpu.memory_space<hbm>>) target_semaphore(%arg15 : memref<!tpu.dma_semaphore, #tpu.memory_space<semaphore_mem>>)
      %mul3A_303 = arith.constant 8 : i32
      %mul3A_304 = arith.muli %add3A_212, %mul3A_303 : i32
      %add3A_305 = arith.constant 2 : i32
      %add3A_306 = arith.addi %mul3A_304, %add3A_305 : i32
      %mul3A_307 = arith.constant 128 : i32
      %mul3A_308 = arith.muli %add3A_306, %mul3A_307 : i32
      %mul3A_309 = arith.constant 4 : i32
      %mul3A_310 = arith.muli %add3A, %mul3A_309 : i32
      %add3A_311 = arith.addi %mul3A_308, %mul3A_310 : i32
      %mul3A_312 = arith.constant 1024 : i32
      %mul3A_313 = arith.muli %add3A_311, %mul3A_312 : i32
      %dma_start3A_314 = arith.constant 0 : i32
      %dma_start3A_315 = arith.constant 8192 : i32
      %dma_start3A_316 = tpu.memref_slice %arg9[%dma_start3A_314, %dma_start3A_315] : memref<2x32768xf32, #tpu.memory_space<vmem>> -> memref<1x4096xf32, #tpu.memory_space<vmem>>
      %dma_start3A_317 = tpu.memref_squeeze %dma_start3A_316 : memref<1x4096xf32, #tpu.memory_space<vmem>> -> memref<4096xf32, #tpu.memory_space<vmem>>
      %dma_start3A_318 = tpu.memref_slice %arg5[%mul3A_313] : memref<52428800xf32, #tpu.memory_space<hbm>> -> memref<4096xf32, #tpu.memory_space<hbm>>
      %dma_start3A_319 = tpu.memref_slice %arg5[%mul3A_313] : memref<52428800xf32, #tpu.memory_space<hbm>> -> memref<4096xf32, #tpu.memory_space<hbm>>
      %dma_start3A_320 = arith.constant 8192 : i32
      %dma_start3A_321 = tpu.memref_slice %arg9[%dma_start3A_314, %dma_start3A_320] : memref<2x32768xf32, #tpu.memory_space<vmem>> -> memref<1x4096xf32, #tpu.memory_space<vmem>>
      %dma_start3A_322 = tpu.memref_squeeze %dma_start3A_321 : memref<1x4096xf32, #tpu.memory_space<vmem>> -> memref<4096xf32, #tpu.memory_space<vmem>>
      tpu.enqueue_dma source(%dma_start3A_322 : memref<4096xf32, #tpu.memory_space<vmem>>) target(%dma_start3A_319 : memref<4096xf32, #tpu.memory_space<hbm>>) target_semaphore(%arg15 : memref<!tpu.dma_semaphore, #tpu.memory_space<semaphore_mem>>)
      %mul3A_323 = arith.constant 8 : i32
      %mul3A_324 = arith.muli %add3A_212, %mul3A_323 : i32
      %add3A_325 = arith.constant 3 : i32
      %add3A_326 = arith.addi %mul3A_324, %add3A_325 : i32
      %mul3A_327 = arith.constant 128 : i32
      %mul3A_328 = arith.muli %add3A_326, %mul3A_327 : i32
      %mul3A_329 = arith.constant 4 : i32
      %mul3A_330 = arith.muli %add3A, %mul3A_329 : i32
      %add3A_331 = arith.addi %mul3A_328, %mul3A_330 : i32
      %mul3A_332 = arith.constant 1024 : i32
      %mul3A_333 = arith.muli %add3A_331, %mul3A_332 : i32
      %dma_start3A_334 = arith.constant 0 : i32
      %dma_start3A_335 = arith.constant 12288 : i32
      %dma_start3A_336 = tpu.memref_slice %arg9[%dma_start3A_334, %dma_start3A_335] : memref<2x32768xf32, #tpu.memory_space<vmem>> -> memref<1x4096xf32, #tpu.memory_space<vmem>>
      %dma_start3A_337 = tpu.memref_squeeze %dma_start3A_336 : memref<1x4096xf32, #tpu.memory_space<vmem>> -> memref<4096xf32, #tpu.memory_space<vmem>>
      %dma_start3A_338 = tpu.memref_slice %arg5[%mul3A_333] : memref<52428800xf32, #tpu.memory_space<hbm>> -> memref<4096xf32, #tpu.memory_space<hbm>>
      %dma_start3A_339 = tpu.memref_slice %arg5[%mul3A_333] : memref<52428800xf32, #tpu.memory_space<hbm>> -> memref<4096xf32, #tpu.memory_space<hbm>>
      %dma_start3A_340 = arith.constant 12288 : i32
      %dma_start3A_341 = tpu.memref_slice %arg9[%dma_start3A_334, %dma_start3A_340] : memref<2x32768xf32, #tpu.memory_space<vmem>> -> memref<1x4096xf32, #tpu.memory_space<vmem>>
      %dma_start3A_342 = tpu.memref_squeeze %dma_start3A_341 : memref<1x4096xf32, #tpu.memory_space<vmem>> -> memref<4096xf32, #tpu.memory_space<vmem>>
      tpu.enqueue_dma source(%dma_start3A_342 : memref<4096xf32, #tpu.memory_space<vmem>>) target(%dma_start3A_339 : memref<4096xf32, #tpu.memory_space<hbm>>) target_semaphore(%arg15 : memref<!tpu.dma_semaphore, #tpu.memory_space<semaphore_mem>>)
      %mul3A_343 = arith.constant 8 : i32
      %mul3A_344 = arith.muli %add3A_212, %mul3A_343 : i32
      %add3A_345 = arith.constant 4 : i32
      %add3A_346 = arith.addi %mul3A_344, %add3A_345 : i32
      %mul3A_347 = arith.constant 128 : i32
      %mul3A_348 = arith.muli %add3A_346, %mul3A_347 : i32
      %mul3A_349 = arith.constant 4 : i32
      %mul3A_350 = arith.muli %add3A, %mul3A_349 : i32
      %add3A_351 = arith.addi %mul3A_348, %mul3A_350 : i32
      %mul3A_352 = arith.constant 1024 : i32
      %mul3A_353 = arith.muli %add3A_351, %mul3A_352 : i32
      %dma_start3A_354 = arith.constant 0 : i32
      %dma_start3A_355 = arith.constant 16384 : i32
      %dma_start3A_356 = tpu.memref_slice %arg9[%dma_start3A_354, %dma_start3A_355] : memref<2x32768xf32, #tpu.memory_space<vmem>> -> memref<1x4096xf32, #tpu.memory_space<vmem>>
      %dma_start3A_357 = tpu.memref_squeeze %dma_start3A_356 : memref<1x4096xf32, #tpu.memory_space<vmem>> -> memref<4096xf32, #tpu.memory_space<vmem>>
      %dma_start3A_358 = tpu.memref_slice %arg5[%mul3A_353] : memref<52428800xf32, #tpu.memory_space<hbm>> -> memref<4096xf32, #tpu.memory_space<hbm>>
      %dma_start3A_359 = tpu.memref_slice %arg5[%mul3A_353] : memref<52428800xf32, #tpu.memory_space<hbm>> -> memref<4096xf32, #tpu.memory_space<hbm>>
      %dma_start3A_360 = arith.constant 16384 : i32
      %dma_start3A_361 = tpu.memref_slice %arg9[%dma_start3A_354, %dma_start3A_360] : memref<2x32768xf32, #tpu.memory_space<vmem>> -> memref<1x4096xf32, #tpu.memory_space<vmem>>
      %dma_start3A_362 = tpu.memref_squeeze %dma_start3A_361 : memref<1x4096xf32, #tpu.memory_space<vmem>> -> memref<4096xf32, #tpu.memory_space<vmem>>
      tpu.enqueue_dma source(%dma_start3A_362 : memref<4096xf32, #tpu.memory_space<vmem>>) target(%dma_start3A_359 : memref<4096xf32, #tpu.memory_space<hbm>>) target_semaphore(%arg15 : memref<!tpu.dma_semaphore, #tpu.memory_space<semaphore_mem>>)
      %mul3A_363 = arith.constant 8 : i32
      %mul3A_364 = arith.muli %add3A_212, %mul3A_363 : i32
      %add3A_365 = arith.constant 5 : i32
      %add3A_366 = arith.addi %mul3A_364, %add3A_365 : i32
      %mul3A_367 = arith.constant 128 : i32
      %mul3A_368 = arith.muli %add3A_366, %mul3A_367 : i32
      %mul3A_369 = arith.constant 4 : i32
      %mul3A_370 = arith.muli %add3A, %mul3A_369 : i32
      %add3A_371 = arith.addi %mul3A_368, %mul3A_370 : i32
      %mul3A_372 = arith.constant 1024 : i32
      %mul3A_373 = arith.muli %add3A_371, %mul3A_372 : i32
      %dma_start3A_374 = arith.constant 0 : i32
      %dma_start3A_375 = arith.constant 20480 : i32
      %dma_start3A_376 = tpu.memref_slice %arg9[%dma_start3A_374, %dma_start3A_375] : memref<2x32768xf32, #tpu.memory_space<vmem>> -> memref<1x4096xf32, #tpu.memory_space<vmem>>
      %dma_start3A_377 = tpu.memref_squeeze %dma_start3A_376 : memref<1x4096xf32, #tpu.memory_space<vmem>> -> memref<4096xf32, #tpu.memory_space<vmem>>
      %dma_start3A_378 = tpu.memref_slice %arg5[%mul3A_373] : memref<52428800xf32, #tpu.memory_space<hbm>> -> memref<4096xf32, #tpu.memory_space<hbm>>
      %dma_start3A_379 = tpu.memref_slice %arg5[%mul3A_373] : memref<52428800xf32, #tpu.memory_space<hbm>> -> memref<4096xf32, #tpu.memory_space<hbm>>
      %dma_start3A_380 = arith.constant 20480 : i32
      %dma_start3A_381 = tpu.memref_slice %arg9[%dma_start3A_374, %dma_start3A_380] : memref<2x32768xf32, #tpu.memory_space<vmem>> -> memref<1x4096xf32, #tpu.memory_space<vmem>>
      %dma_start3A_382 = tpu.memref_squeeze %dma_start3A_381 : memref<1x4096xf32, #tpu.memory_space<vmem>> -> memref<4096xf32, #tpu.memory_space<vmem>>
      tpu.enqueue_dma source(%dma_start3A_382 : memref<4096xf32, #tpu.memory_space<vmem>>) target(%dma_start3A_379 : memref<4096xf32, #tpu.memory_space<hbm>>) target_semaphore(%arg15 : memref<!tpu.dma_semaphore, #tpu.memory_space<semaphore_mem>>)
      %mul3A_383 = arith.constant 8 : i32
      %mul3A_384 = arith.muli %add3A_212, %mul3A_383 : i32
      %add3A_385 = arith.constant 6 : i32
      %add3A_386 = arith.addi %mul3A_384, %add3A_385 : i32
      %mul3A_387 = arith.constant 128 : i32
      %mul3A_388 = arith.muli %add3A_386, %mul3A_387 : i32
      %mul3A_389 = arith.constant 4 : i32
      %mul3A_390 = arith.muli %add3A, %mul3A_389 : i32
      %add3A_391 = arith.addi %mul3A_388, %mul3A_390 : i32
      %mul3A_392 = arith.constant 1024 : i32
      %mul3A_393 = arith.muli %add3A_391, %mul3A_392 : i32
      %dma_start3A_394 = arith.constant 0 : i32
      %dma_start3A_395 = arith.constant 24576 : i32
      %dma_start3A_396 = tpu.memref_slice %arg9[%dma_start3A_394, %dma_start3A_395] : memref<2x32768xf32, #tpu.memory_space<vmem>> -> memref<1x4096xf32, #tpu.memory_space<vmem>>
      %dma_start3A_397 = tpu.memref_squeeze %dma_start3A_396 : memref<1x4096xf32, #tpu.memory_space<vmem>> -> memref<4096xf32, #tpu.memory_space<vmem>>
      %dma_start3A_398 = tpu.memref_slice %arg5[%mul3A_393] : memref<52428800xf32, #tpu.memory_space<hbm>> -> memref<4096xf32, #tpu.memory_space<hbm>>
      %dma_start3A_399 = tpu.memref_slice %arg5[%mul3A_393] : memref<52428800xf32, #tpu.memory_space<hbm>> -> memref<4096xf32, #tpu.memory_space<hbm>>
      %dma_start3A_400 = arith.constant 24576 : i32
      %dma_start3A_401 = tpu.memref_slice %arg9[%dma_start3A_394, %dma_start3A_400] : memref<2x32768xf32, #tpu.memory_space<vmem>> -> memref<1x4096xf32, #tpu.memory_space<vmem>>
      %dma_start3A_402 = tpu.memref_squeeze %dma_start3A_401 : memref<1x4096xf32, #tpu.memory_space<vmem>> -> memref<4096xf32, #tpu.memory_space<vmem>>
      tpu.enqueue_dma source(%dma_start3A_402 : memref<4096xf32, #tpu.memory_space<vmem>>) target(%dma_start3A_399 : memref<4096xf32, #tpu.memory_space<hbm>>) target_semaphore(%arg15 : memref<!tpu.dma_semaphore, #tpu.memory_space<semaphore_mem>>)
      %mul3A_403 = arith.constant 8 : i32
      %mul3A_404 = arith.muli %add3A_212, %mul3A_403 : i32
      %add3A_405 = arith.constant 7 : i32
      %add3A_406 = arith.addi %mul3A_404, %add3A_405 : i32
      %mul3A_407 = arith.constant 128 : i32
      %mul3A_408 = arith.muli %add3A_406, %mul3A_407 : i32
      %mul3A_409 = arith.constant 4 : i32
      %mul3A_410 = arith.muli %add3A, %mul3A_409 : i32
      %add3A_411 = arith.addi %mul3A_408, %mul3A_410 : i32
      %mul3A_412 = arith.constant 1024 : i32
      %mul3A_413 = arith.muli %add3A_411, %mul3A_412 : i32
      %dma_start3A_414 = arith.constant 0 : i32
      %dma_start3A_415 = arith.constant 28672 : i32
      %dma_start3A_416 = tpu.memref_slice %arg9[%dma_start3A_414, %dma_start3A_415] : memref<2x32768xf32, #tpu.memory_space<vmem>> -> memref<1x4096xf32, #tpu.memory_space<vmem>>
      %dma_start3A_417 = tpu.memref_squeeze %dma_start3A_416 : memref<1x4096xf32, #tpu.memory_space<vmem>> -> memref<4096xf32, #tpu.memory_space<vmem>>
      %dma_start3A_418 = tpu.memref_slice %arg5[%mul3A_413] : memref<52428800xf32, #tpu.memory_space<hbm>> -> memref<4096xf32, #tpu.memory_space<hbm>>
      %dma_start3A_419 = tpu.memref_slice %arg5[%mul3A_413] : memref<52428800xf32, #tpu.memory_space<hbm>> -> memref<4096xf32, #tpu.memory_space<hbm>>
      %dma_start3A_420 = arith.constant 28672 : i32
      %dma_start3A_421 = tpu.memref_slice %arg9[%dma_start3A_414, %dma_start3A_420] : memref<2x32768xf32, #tpu.memory_space<vmem>> -> memref<1x4096xf32, #tpu.memory_space<vmem>>
      %dma_start3A_422 = tpu.memref_squeeze %dma_start3A_421 : memref<1x4096xf32, #tpu.memory_space<vmem>> -> memref<4096xf32, #tpu.memory_space<vmem>>
      tpu.enqueue_dma source(%dma_start3A_422 : memref<4096xf32, #tpu.memory_space<vmem>>) target(%dma_start3A_419 : memref<4096xf32, #tpu.memory_space<hbm>>) target_semaphore(%arg15 : memref<!tpu.dma_semaphore, #tpu.memory_space<semaphore_mem>>)
      %mul3A_423 = arith.constant 2 : i32
      %mul3A_424 = arith.muli %scan3A_207, %mul3A_423 : i32
      %add3A_425 = arith.constant 1 : i32
      %add3A_426 = arith.addi %mul3A_424, %add3A_425 : i32
      %dma_wait3A_427 = arith.constant 1 : i32
      %dma_wait3A_428 = arith.constant 0 : i32
      %dma_wait3A_429 = arith.constant 0 : i32
      %dma_wait3A_430 = tpu.memref_slice %arg7[%dma_wait3A_427, %dma_wait3A_428, %dma_wait3A_429] : memref<2x512x64xi8, #tpu.memory_space<vmem>> -> memref<1x512x64xi8, #tpu.memory_space<vmem>>
      %dma_wait3A_431 = tpu.memref_squeeze %dma_wait3A_430 : memref<1x512x64xi8, #tpu.memory_space<vmem>> -> memref<512x64xi8, #tpu.memory_space<vmem>>
      %dma_wait3A_432 = arith.constant 0 : i32
      %dma_wait3A_433 = arith.constant 0 : i32
      %dma_wait3A_434 = tpu.memref_slice %arg3[%dma_wait3A_432, %dma_wait3A_433] : memref<1000000x64xi8, #tpu.memory_space<hbm>> -> memref<512x64xi8, #tpu.memory_space<hbm>>
      %dma_wait3A_435 = arith.constant 0 : i32
      %dma_wait3A_436 = arith.constant 0 : i32
      %dma_wait3A_437 = tpu.memref_slice %arg7[%dma_wait3A_427, %dma_wait3A_435, %dma_wait3A_436] : memref<2x512x64xi8, #tpu.memory_space<vmem>> -> memref<1x512x64xi8, #tpu.memory_space<vmem>>
      %dma_wait3A_438 = tpu.memref_squeeze %dma_wait3A_437 : memref<1x512x64xi8, #tpu.memory_space<vmem>> -> memref<512x64xi8, #tpu.memory_space<vmem>>
      %dma_wait3A_439 = arith.constant 0 : i32
      %dma_wait3A_440 = arith.constant 0 : i32
      %dma_wait3A_441 = tpu.memref_slice %arg3[%dma_wait3A_439, %dma_wait3A_440] : memref<1000000x64xi8, #tpu.memory_space<hbm>> -> memref<512x64xi8, #tpu.memory_space<hbm>>
      tpu.wait_dma2 semaphore(%arg12 : memref<!tpu.dma_semaphore, #tpu.memory_space<semaphore_mem>>) src(%dma_wait3A_441 : memref<512x64xi8, #tpu.memory_space<hbm>>) dst(%dma_wait3A_438 : memref<512x64xi8, #tpu.memory_space<vmem>>)
      %dma_wait3A_442 = arith.constant 1 : i32
      %dma_wait3A_443 = arith.constant 0 : i32
      %dma_wait3A_444 = tpu.memref_slice %arg8[%dma_wait3A_442, %dma_wait3A_443] : memref<2x512xf32, #tpu.memory_space<vmem>> -> memref<1x512xf32, #tpu.memory_space<vmem>>
      %dma_wait3A_445 = tpu.memref_squeeze %dma_wait3A_444 : memref<1x512xf32, #tpu.memory_space<vmem>> -> memref<512xf32, #tpu.memory_space<vmem>>
      %dma_wait3A_446 = arith.constant 0 : i32
      %dma_wait3A_447 = tpu.memref_slice %arg4[%dma_wait3A_446] : memref<1000000xf32, #tpu.memory_space<hbm>> -> memref<512xf32, #tpu.memory_space<hbm>>
      %dma_wait3A_448 = arith.constant 0 : i32
      %dma_wait3A_449 = tpu.memref_slice %arg8[%dma_wait3A_442, %dma_wait3A_448] : memref<2x512xf32, #tpu.memory_space<vmem>> -> memref<1x512xf32, #tpu.memory_space<vmem>>
      %dma_wait3A_450 = tpu.memref_squeeze %dma_wait3A_449 : memref<1x512xf32, #tpu.memory_space<vmem>> -> memref<512xf32, #tpu.memory_space<vmem>>
      %dma_wait3A_451 = arith.constant 0 : i32
      %dma_wait3A_452 = tpu.memref_slice %arg4[%dma_wait3A_451] : memref<1000000xf32, #tpu.memory_space<hbm>> -> memref<512xf32, #tpu.memory_space<hbm>>
      tpu.wait_dma2 semaphore(%arg14 : memref<!tpu.dma_semaphore, #tpu.memory_space<semaphore_mem>>) src(%dma_wait3A_452 : memref<512xf32, #tpu.memory_space<hbm>>) dst(%dma_wait3A_450 : memref<512xf32, #tpu.memory_space<vmem>>)
      %add3A_453 = arith.constant 1 : i32
      %add3A_454 = arith.addi %add3A_426, %add3A_453 : i32
      %lt3A_455 = arith.constant 50 : i32
      %lt3A_456 = arith.cmpi slt, %add3A_454, %lt3A_455 : i32
      %convert_element_type3A_457 = arith.extui %lt3A_456 : i1 to i32
      %cond3A_458 = arith.constant 0 : i32
      %cond3A_459 = arith.cmpi ne, %convert_element_type3A_457, %cond3A_458 : i32
      scf.if %cond3A_459 {
        %add3A_642 = arith.constant 1 : i32
        %add3A_643 = arith.addi %add3A_426, %add3A_642 : i32
        %mul3A_644 = arith.constant 16384 : i32
        %mul3A_645 = arith.muli %add3A_643, %mul3A_644 : i32
        %add3A_646 = arith.addi %mul3A_645, %mul3A_2 : i32
        %run_scoped3A_647 = arith.constant 0 : i32
        "tpu.region"() ({
          %run_scoped3A_670 = tpu.sem_alloc : memref<!tpu.dma_semaphore, #tpu.memory_space<semaphore_mem>>
          %dma_start3A_671 = arith.constant 0 : i32
          %dma_start3A_672 = tpu.memref_slice %arg6[%run_scoped3A_647, %dma_start3A_671] : memref<2x512xi32, #tpu.memory_space<vmem>> -> memref<1x512xi32, #tpu.memory_space<vmem>>
          %dma_start3A_673 = tpu.memref_squeeze %dma_start3A_672 : memref<1x512xi32, #tpu.memory_space<vmem>> -> memref<512xi32, #tpu.memory_space<vmem>>
          %dma_start3A_674 = tpu.memref_slice %arg2[%add3A_646] : memref<819200xi32, #tpu.memory_space<hbm>> -> memref<512xi32, #tpu.memory_space<hbm>>
          %dma_start3A_675 = arith.constant 0 : i32
          %dma_start3A_676 = tpu.memref_slice %arg6[%run_scoped3A_647, %dma_start3A_675] : memref<2x512xi32, #tpu.memory_space<vmem>> -> memref<1x512xi32, #tpu.memory_space<vmem>>
          %dma_start3A_677 = tpu.memref_squeeze %dma_start3A_676 : memref<1x512xi32, #tpu.memory_space<vmem>> -> memref<512xi32, #tpu.memory_space<vmem>>
          %dma_start3A_678 = tpu.memref_slice %arg2[%add3A_646] : memref<819200xi32, #tpu.memory_space<hbm>> -> memref<512xi32, #tpu.memory_space<hbm>>
          tpu.enqueue_dma source(%dma_start3A_678 : memref<512xi32, #tpu.memory_space<hbm>>) target(%dma_start3A_677 : memref<512xi32, #tpu.memory_space<vmem>>) target_semaphore(%run_scoped3A_670 : memref<!tpu.dma_semaphore, #tpu.memory_space<semaphore_mem>>)
          %dma_wait3A_679 = arith.constant 0 : i32
          %dma_wait3A_680 = tpu.memref_slice %arg6[%run_scoped3A_647, %dma_wait3A_679] : memref<2x512xi32, #tpu.memory_space<vmem>> -> memref<1x512xi32, #tpu.memory_space<vmem>>
          %dma_wait3A_681 = tpu.memref_squeeze %dma_wait3A_680 : memref<1x512xi32, #tpu.memory_space<vmem>> -> memref<512xi32, #tpu.memory_space<vmem>>
          %dma_wait3A_682 = tpu.memref_slice %arg2[%add3A_646] : memref<819200xi32, #tpu.memory_space<hbm>> -> memref<512xi32, #tpu.memory_space<hbm>>
          %dma_wait3A_683 = arith.constant 0 : i32
          %dma_wait3A_684 = tpu.memref_slice %arg6[%run_scoped3A_647, %dma_wait3A_683] : memref<2x512xi32, #tpu.memory_space<vmem>> -> memref<1x512xi32, #tpu.memory_space<vmem>>
          %dma_wait3A_685 = tpu.memref_squeeze %dma_wait3A_684 : memref<1x512xi32, #tpu.memory_space<vmem>> -> memref<512xi32, #tpu.memory_space<vmem>>
          %dma_wait3A_686 = tpu.memref_slice %arg2[%add3A_646] : memref<819200xi32, #tpu.memory_space<hbm>> -> memref<512xi32, #tpu.memory_space<hbm>>
          tpu.wait_dma2 semaphore(%run_scoped3A_670 : memref<!tpu.dma_semaphore, #tpu.memory_space<semaphore_mem>>) src(%dma_wait3A_686 : memref<512xi32, #tpu.memory_space<hbm>>) dst(%dma_wait3A_685 : memref<512xi32, #tpu.memory_space<vmem>>)
          tpu.yield
        }) : () -> ()
        %dma_start3A_648 = arith.constant 0 : i32
        %dma_start3A_649 = arith.constant 0 : i32
        %dma_start3A_650 = arith.constant 0 : i32
        %dma_start3A_651 = arith.constant 0 : i32
        %dma_start3A_652 = tpu.memref_slice %arg7[%dma_start3A_649, %dma_start3A_650, %dma_start3A_651] : memref<2x512x64xi8, #tpu.memory_space<vmem>> -> memref<1x512x64xi8, #tpu.memory_space<vmem>>
        %dma_start3A_653 = tpu.memref_squeeze %dma_start3A_652 : memref<1x512x64xi8, #tpu.memory_space<vmem>> -> memref<512x64xi8, #tpu.memory_space<vmem>>
        %dma_start3A_654 = arith.constant 0 : i32
        %dma_start3A_655 = tpu.memref_slice %arg6[%dma_start3A_648, %dma_start3A_654] : memref<2x512xi32, #tpu.memory_space<vmem>> -> memref<1x512xi32, #tpu.memory_space<vmem>>
        %dma_start3A_656 = tpu.memref_squeeze %dma_start3A_655 : memref<1x512xi32, #tpu.memory_space<vmem>> -> memref<512xi32, #tpu.memory_space<vmem>>
        %dma_start3A_657 = arith.constant 0 : i32
        %dma_start3A_658 = arith.constant 0 : i32
        %dma_start3A_659 = tpu.memref_slice %arg3[%dma_start3A_657, %dma_start3A_658] : memref<1000000x64xi8, #tpu.memory_space<hbm>> -> memref<1000000x64xi8, #tpu.memory_space<hbm>>
        tpu.enqueue_indirect_dma source(%dma_start3A_659 : memref<1000000x64xi8, #tpu.memory_space<hbm>>) target(%dma_start3A_653 : memref<512x64xi8, #tpu.memory_space<vmem>>) offsets(%dma_start3A_656 : memref<512xi32, #tpu.memory_space<vmem>>) semaphore(%arg11 : memref<!tpu.dma_semaphore, #tpu.memory_space<semaphore_mem>>)
        %dma_start3A_660 = arith.constant 0 : i32
        %dma_start3A_661 = arith.constant 0 : i32
        %dma_start3A_662 = arith.constant 0 : i32
        %dma_start3A_663 = tpu.memref_slice %arg8[%dma_start3A_661, %dma_start3A_662] : memref<2x512xf32, #tpu.memory_space<vmem>> -> memref<1x512xf32, #tpu.memory_space<vmem>>
        %dma_start3A_664 = tpu.memref_squeeze %dma_start3A_663 : memref<1x512xf32, #tpu.memory_space<vmem>> -> memref<512xf32, #tpu.memory_space<vmem>>
        %dma_start3A_665 = arith.constant 0 : i32
        %dma_start3A_666 = tpu.memref_slice %arg6[%dma_start3A_660, %dma_start3A_665] : memref<2x512xi32, #tpu.memory_space<vmem>> -> memref<1x512xi32, #tpu.memory_space<vmem>>
        %dma_start3A_667 = tpu.memref_squeeze %dma_start3A_666 : memref<1x512xi32, #tpu.memory_space<vmem>> -> memref<512xi32, #tpu.memory_space<vmem>>
        %dma_start3A_668 = arith.constant 0 : i32
        %dma_start3A_669 = tpu.memref_slice %arg4[%dma_start3A_668] : memref<1000000xf32, #tpu.memory_space<hbm>> -> memref<1000000xf32, #tpu.memory_space<hbm>>
        tpu.enqueue_indirect_dma source(%dma_start3A_669 : memref<1000000xf32, #tpu.memory_space<hbm>>) target(%dma_start3A_664 : memref<512xf32, #tpu.memory_space<vmem>>) offsets(%dma_start3A_667 : memref<512xi32, #tpu.memory_space<vmem>>) semaphore(%arg13 : memref<!tpu.dma_semaphore, #tpu.memory_space<semaphore_mem>>)
      } else {
      }
      %ge3A_460 = arith.constant 2 : i32
      %ge3A_461 = arith.cmpi sge, %add3A_426, %ge3A_460 : i32
      %convert_element_type3A_462 = arith.extui %ge3A_461 : i1 to i32
      %cond3A_463 = arith.constant 0 : i32
      %cond3A_464 = arith.cmpi ne, %convert_element_type3A_462, %cond3A_463 : i32
      scf.if %cond3A_464 {
        %dma_wait3A_642 = arith.constant 1 : i32
        %dma_wait3A_643 = arith.constant 0 : i32
        %dma_wait3A_644 = tpu.memref_slice %arg9[%dma_wait3A_642, %dma_wait3A_643] : memref<2x32768xf32, #tpu.memory_space<vmem>> -> memref<1x4096xf32, #tpu.memory_space<vmem>>
        %dma_wait3A_645 = tpu.memref_squeeze %dma_wait3A_644 : memref<1x4096xf32, #tpu.memory_space<vmem>> -> memref<4096xf32, #tpu.memory_space<vmem>>
        %dma_wait3A_646 = arith.constant 0 : i32
        %dma_wait3A_647 = tpu.memref_slice %arg5[%dma_wait3A_646] : memref<52428800xf32, #tpu.memory_space<hbm>> -> memref<4096xf32, #tpu.memory_space<hbm>>
        %dma_wait3A_648 = arith.constant 0 : i32
        %dma_wait3A_649 = tpu.memref_slice %arg9[%dma_wait3A_642, %dma_wait3A_648] : memref<2x32768xf32, #tpu.memory_space<vmem>> -> memref<1x4096xf32, #tpu.memory_space<vmem>>
        %dma_wait3A_650 = tpu.memref_squeeze %dma_wait3A_649 : memref<1x4096xf32, #tpu.memory_space<vmem>> -> memref<4096xf32, #tpu.memory_space<vmem>>
        %dma_wait3A_651 = arith.constant 0 : i32
        %dma_wait3A_652 = tpu.memref_slice %arg5[%dma_wait3A_651] : memref<52428800xf32, #tpu.memory_space<hbm>> -> memref<4096xf32, #tpu.memory_space<hbm>>
        tpu.wait_dma2 semaphore(%arg16 : memref<!tpu.dma_semaphore, #tpu.memory_space<semaphore_mem>>) src(%dma_wait3A_652 : memref<4096xf32, #tpu.memory_space<hbm>>) dst(%dma_wait3A_650 : memref<4096xf32, #tpu.memory_space<vmem>>)
        %dma_wait3A_653 = arith.constant 1 : i32
        %dma_wait3A_654 = arith.constant 4096 : i32
        %dma_wait3A_655 = tpu.memref_slice %arg9[%dma_wait3A_653, %dma_wait3A_654] : memref<2x32768xf32, #tpu.memory_space<vmem>> -> memref<1x4096xf32, #tpu.memory_space<vmem>>
        %dma_wait3A_656 = tpu.memref_squeeze %dma_wait3A_655 : memref<1x4096xf32, #tpu.memory_space<vmem>> -> memref<4096xf32, #tpu.memory_space<vmem>>
        %dma_wait3A_657 = arith.constant 0 : i32
        %dma_wait3A_658 = tpu.memref_slice %arg5[%dma_wait3A_657] : memref<52428800xf32, #tpu.memory_space<hbm>> -> memref<4096xf32, #tpu.memory_space<hbm>>
        %dma_wait3A_659 = arith.constant 4096 : i32
        %dma_wait3A_660 = tpu.memref_slice %arg9[%dma_wait3A_653, %dma_wait3A_659] : memref<2x32768xf32, #tpu.memory_space<vmem>> -> memref<1x4096xf32, #tpu.memory_space<vmem>>
        %dma_wait3A_661 = tpu.memref_squeeze %dma_wait3A_660 : memref<1x4096xf32, #tpu.memory_space<vmem>> -> memref<4096xf32, #tpu.memory_space<vmem>>
        %dma_wait3A_662 = arith.constant 0 : i32
        %dma_wait3A_663 = tpu.memref_slice %arg5[%dma_wait3A_662] : memref<52428800xf32, #tpu.memory_space<hbm>> -> memref<4096xf32, #tpu.memory_space<hbm>>
        tpu.wait_dma2 semaphore(%arg16 : memref<!tpu.dma_semaphore, #tpu.memory_space<semaphore_mem>>) src(%dma_wait3A_663 : memref<4096xf32, #tpu.memory_space<hbm>>) dst(%dma_wait3A_661 : memref<4096xf32, #tpu.memory_space<vmem>>)
        %dma_wait3A_664 = arith.constant 1 : i32
        %dma_wait3A_665 = arith.constant 8192 : i32
        %dma_wait3A_666 = tpu.memref_slice %arg9[%dma_wait3A_664, %dma_wait3A_665] : memref<2x32768xf32, #tpu.memory_space<vmem>> -> memref<1x4096xf32, #tpu.memory_space<vmem>>
        %dma_wait3A_667 = tpu.memref_squeeze %dma_wait3A_666 : memref<1x4096xf32, #tpu.memory_space<vmem>> -> memref<4096xf32, #tpu.memory_space<vmem>>
        %dma_wait3A_668 = arith.constant 0 : i32
        %dma_wait3A_669 = tpu.memref_slice %arg5[%dma_wait3A_668] : memref<52428800xf32, #tpu.memory_space<hbm>> -> memref<4096xf32, #tpu.memory_space<hbm>>
        %dma_wait3A_670 = arith.constant 8192 : i32
        %dma_wait3A_671 = tpu.memref_slice %arg9[%dma_wait3A_664, %dma_wait3A_670] : memref<2x32768xf32, #tpu.memory_space<vmem>> -> memref<1x4096xf32, #tpu.memory_space<vmem>>
        %dma_wait3A_672 = tpu.memref_squeeze %dma_wait3A_671 : memref<1x4096xf32, #tpu.memory_space<vmem>> -> memref<4096xf32, #tpu.memory_space<vmem>>
        %dma_wait3A_673 = arith.constant 0 : i32
        %dma_wait3A_674 = tpu.memref_slice %arg5[%dma_wait3A_673] : memref<52428800xf32, #tpu.memory_space<hbm>> -> memref<4096xf32, #tpu.memory_space<hbm>>
        tpu.wait_dma2 semaphore(%arg16 : memref<!tpu.dma_semaphore, #tpu.memory_space<semaphore_mem>>) src(%dma_wait3A_674 : memref<4096xf32, #tpu.memory_space<hbm>>) dst(%dma_wait3A_672 : memref<4096xf32, #tpu.memory_space<vmem>>)
        %dma_wait3A_675 = arith.constant 1 : i32
        %dma_wait3A_676 = arith.constant 12288 : i32
        %dma_wait3A_677 = tpu.memref_slice %arg9[%dma_wait3A_675, %dma_wait3A_676] : memref<2x32768xf32, #tpu.memory_space<vmem>> -> memref<1x4096xf32, #tpu.memory_space<vmem>>
        %dma_wait3A_678 = tpu.memref_squeeze %dma_wait3A_677 : memref<1x4096xf32, #tpu.memory_space<vmem>> -> memref<4096xf32, #tpu.memory_space<vmem>>
        %dma_wait3A_679 = arith.constant 0 : i32
        %dma_wait3A_680 = tpu.memref_slice %arg5[%dma_wait3A_679] : memref<52428800xf32, #tpu.memory_space<hbm>> -> memref<4096xf32, #tpu.memory_space<hbm>>
        %dma_wait3A_681 = arith.constant 12288 : i32
        %dma_wait3A_682 = tpu.memref_slice %arg9[%dma_wait3A_675, %dma_wait3A_681] : memref<2x32768xf32, #tpu.memory_space<vmem>> -> memref<1x4096xf32, #tpu.memory_space<vmem>>
        %dma_wait3A_683 = tpu.memref_squeeze %dma_wait3A_682 : memref<1x4096xf32, #tpu.memory_space<vmem>> -> memref<4096xf32, #tpu.memory_space<vmem>>
        %dma_wait3A_684 = arith.constant 0 : i32
        %dma_wait3A_685 = tpu.memref_slice %arg5[%dma_wait3A_684] : memref<52428800xf32, #tpu.memory_space<hbm>> -> memref<4096xf32, #tpu.memory_space<hbm>>
        tpu.wait_dma2 semaphore(%arg16 : memref<!tpu.dma_semaphore, #tpu.memory_space<semaphore_mem>>) src(%dma_wait3A_685 : memref<4096xf32, #tpu.memory_space<hbm>>) dst(%dma_wait3A_683 : memref<4096xf32, #tpu.memory_space<vmem>>)
        %dma_wait3A_686 = arith.constant 1 : i32
        %dma_wait3A_687 = arith.constant 16384 : i32
        %dma_wait3A_688 = tpu.memref_slice %arg9[%dma_wait3A_686, %dma_wait3A_687] : memref<2x32768xf32, #tpu.memory_space<vmem>> -> memref<1x4096xf32, #tpu.memory_space<vmem>>
        %dma_wait3A_689 = tpu.memref_squeeze %dma_wait3A_688 : memref<1x4096xf32, #tpu.memory_space<vmem>> -> memref<4096xf32, #tpu.memory_space<vmem>>
        %dma_wait3A_690 = arith.constant 0 : i32
        %dma_wait3A_691 = tpu.memref_slice %arg5[%dma_wait3A_690] : memref<52428800xf32, #tpu.memory_space<hbm>> -> memref<4096xf32, #tpu.memory_space<hbm>>
        %dma_wait3A_692 = arith.constant 16384 : i32
        %dma_wait3A_693 = tpu.memref_slice %arg9[%dma_wait3A_686, %dma_wait3A_692] : memref<2x32768xf32, #tpu.memory_space<vmem>> -> memref<1x4096xf32, #tpu.memory_space<vmem>>
        %dma_wait3A_694 = tpu.memref_squeeze %dma_wait3A_693 : memref<1x4096xf32, #tpu.memory_space<vmem>> -> memref<4096xf32, #tpu.memory_space<vmem>>
        %dma_wait3A_695 = arith.constant 0 : i32
        %dma_wait3A_696 = tpu.memref_slice %arg5[%dma_wait3A_695] : memref<52428800xf32, #tpu.memory_space<hbm>> -> memref<4096xf32, #tpu.memory_space<hbm>>
        tpu.wait_dma2 semaphore(%arg16 : memref<!tpu.dma_semaphore, #tpu.memory_space<semaphore_mem>>) src(%dma_wait3A_696 : memref<4096xf32, #tpu.memory_space<hbm>>) dst(%dma_wait3A_694 : memref<4096xf32, #tpu.memory_space<vmem>>)
        %dma_wait3A_697 = arith.constant 1 : i32
        %dma_wait3A_698 = arith.constant 20480 : i32
        %dma_wait3A_699 = tpu.memref_slice %arg9[%dma_wait3A_697, %dma_wait3A_698] : memref<2x32768xf32, #tpu.memory_space<vmem>> -> memref<1x4096xf32, #tpu.memory_space<vmem>>
        %dma_wait3A_700 = tpu.memref_squeeze %dma_wait3A_699 : memref<1x4096xf32, #tpu.memory_space<vmem>> -> memref<4096xf32, #tpu.memory_space<vmem>>
        %dma_wait3A_701 = arith.constant 0 : i32
        %dma_wait3A_702 = tpu.memref_slice %arg5[%dma_wait3A_701] : memref<52428800xf32, #tpu.memory_space<hbm>> -> memref<4096xf32, #tpu.memory_space<hbm>>
        %dma_wait3A_703 = arith.constant 20480 : i32
        %dma_wait3A_704 = tpu.memref_slice %arg9[%dma_wait3A_697, %dma_wait3A_703] : memref<2x32768xf32, #tpu.memory_space<vmem>> -> memref<1x4096xf32, #tpu.memory_space<vmem>>
        %dma_wait3A_705 = tpu.memref_squeeze %dma_wait3A_704 : memref<1x4096xf32, #tpu.memory_space<vmem>> -> memref<4096xf32, #tpu.memory_space<vmem>>
        %dma_wait3A_706 = arith.constant 0 : i32
        %dma_wait3A_707 = tpu.memref_slice %arg5[%dma_wait3A_706] : memref<52428800xf32, #tpu.memory_space<hbm>> -> memref<4096xf32, #tpu.memory_space<hbm>>
        tpu.wait_dma2 semaphore(%arg16 : memref<!tpu.dma_semaphore, #tpu.memory_space<semaphore_mem>>) src(%dma_wait3A_707 : memref<4096xf32, #tpu.memory_space<hbm>>) dst(%dma_wait3A_705 : memref<4096xf32, #tpu.memory_space<vmem>>)
        %dma_wait3A_708 = arith.constant 1 : i32
        %dma_wait3A_709 = arith.constant 24576 : i32
        %dma_wait3A_710 = tpu.memref_slice %arg9[%dma_wait3A_708, %dma_wait3A_709] : memref<2x32768xf32, #tpu.memory_space<vmem>> -> memref<1x4096xf32, #tpu.memory_space<vmem>>
        %dma_wait3A_711 = tpu.memref_squeeze %dma_wait3A_710 : memref<1x4096xf32, #tpu.memory_space<vmem>> -> memref<4096xf32, #tpu.memory_space<vmem>>
        %dma_wait3A_712 = arith.constant 0 : i32
        %dma_wait3A_713 = tpu.memref_slice %arg5[%dma_wait3A_712] : memref<52428800xf32, #tpu.memory_space<hbm>> -> memref<4096xf32, #tpu.memory_space<hbm>>
        %dma_wait3A_714 = arith.constant 24576 : i32
        %dma_wait3A_715 = tpu.memref_slice %arg9[%dma_wait3A_708, %dma_wait3A_714] : memref<2x32768xf32, #tpu.memory_space<vmem>> -> memref<1x4096xf32, #tpu.memory_space<vmem>>
        %dma_wait3A_716 = tpu.memref_squeeze %dma_wait3A_715 : memref<1x4096xf32, #tpu.memory_space<vmem>> -> memref<4096xf32, #tpu.memory_space<vmem>>
        %dma_wait3A_717 = arith.constant 0 : i32
        %dma_wait3A_718 = tpu.memref_slice %arg5[%dma_wait3A_717] : memref<52428800xf32, #tpu.memory_space<hbm>> -> memref<4096xf32, #tpu.memory_space<hbm>>
        tpu.wait_dma2 semaphore(%arg16 : memref<!tpu.dma_semaphore, #tpu.memory_space<semaphore_mem>>) src(%dma_wait3A_718 : memref<4096xf32, #tpu.memory_space<hbm>>) dst(%dma_wait3A_716 : memref<4096xf32, #tpu.memory_space<vmem>>)
        %dma_wait3A_719 = arith.constant 1 : i32
        %dma_wait3A_720 = arith.constant 28672 : i32
        %dma_wait3A_721 = tpu.memref_slice %arg9[%dma_wait3A_719, %dma_wait3A_720] : memref<2x32768xf32, #tpu.memory_space<vmem>> -> memref<1x4096xf32, #tpu.memory_space<vmem>>
        %dma_wait3A_722 = tpu.memref_squeeze %dma_wait3A_721 : memref<1x4096xf32, #tpu.memory_space<vmem>> -> memref<4096xf32, #tpu.memory_space<vmem>>
        %dma_wait3A_723 = arith.constant 0 : i32
        %dma_wait3A_724 = tpu.memref_slice %arg5[%dma_wait3A_723] : memref<52428800xf32, #tpu.memory_space<hbm>> -> memref<4096xf32, #tpu.memory_space<hbm>>
        %dma_wait3A_725 = arith.constant 28672 : i32
        %dma_wait3A_726 = tpu.memref_slice %arg9[%dma_wait3A_719, %dma_wait3A_725] : memref<2x32768xf32, #tpu.memory_space<vmem>> -> memref<1x4096xf32, #tpu.memory_space<vmem>>
        %dma_wait3A_727 = tpu.memref_squeeze %dma_wait3A_726 : memref<1x4096xf32, #tpu.memory_space<vmem>> -> memref<4096xf32, #tpu.memory_space<vmem>>
        %dma_wait3A_728 = arith.constant 0 : i32
        %dma_wait3A_729 = tpu.memref_slice %arg5[%dma_wait3A_728] : memref<52428800xf32, #tpu.memory_space<hbm>> -> memref<4096xf32, #tpu.memory_space<hbm>>
        tpu.wait_dma2 semaphore(%arg16 : memref<!tpu.dma_semaphore, #tpu.memory_space<semaphore_mem>>) src(%dma_wait3A_729 : memref<4096xf32, #tpu.memory_space<hbm>>) dst(%dma_wait3A_727 : memref<4096xf32, #tpu.memory_space<vmem>>)
      } else {
      }
      %scan3A_465 = arith.constant 1 : i32
      %scan3A_466 = arith.constant 0 : i32
      %scan3A_467 = arith.constant 0 : i32
      %scan3A_468 = arith.constant 32 : i32
      %scan3A_469 = arith.addi %scan3A_467, %scan3A_468 : i32
      %scan3A_470 = arith.constant 1 : i32
      %scan3A_471 = scf.for %scan3A_642 = %scan3A_467 to %scan3A_469 step %scan3A_470 iter_args(%scan3A_643 = %scan3A_466) -> (i32)  : i32 {
        %mul3A_644 = arith.constant 16 : i32
        %mul3A_645 = arith.muli %scan3A_642, %mul3A_644 : i32
        %add3A_646 = arith.constant 0 : i32
        %add3A_647 = arith.addi %mul3A_645, %add3A_646 : i32
        %get3A = arith.constant 0 : i32
        %get3A_648 = arith.constant 0 : i32
        %get3A_649 = tpu.memref_slice %arg7[%scan3A_465, %get3A, %get3A_648] : memref<2x512x64xi8, #tpu.memory_space<vmem>> -> memref<1x512x64xi8, #tpu.memory_space<vmem>>
        %get3A_650 = tpu.memref_squeeze %get3A_649 : memref<1x512x64xi8, #tpu.memory_space<vmem>> -> memref<512x64xi8, #tpu.memory_space<vmem>>
        %get3A_651 = arith.index_cast %add3A_647 : i32 to index
        %get3A_652 = arith.constant 0 : index
        %get3A_653 = tpu.vector_load %get3A_650[%get3A_651, %get3A_652] {strides = array<i32>} : memref<512x64xi8, #tpu.memory_space<vmem>>, vector<64xi8>,
        %bitcast3A = vector.bitcast %get3A_653 : vector<64xi8> to vector<16xi32>
        %mul3A_654 = arith.constant 17 : i32
        %mul3A_655 = arith.muli %add3A_647, %mul3A_654 : i32
        %swap3A = arith.index_cast %mul3A_655 : i32 to index
        %swap3A_656 = tpu.vector_load %arg10[%swap3A] {strides = array<i32>} : memref<8704xi32, #tpu.memory_space<vmem>>, vector<16xi32>,
        tpu.vector_store %arg10[%swap3A], %bitcast3A {strides = array<i32>} : memref<8704xi32, #tpu.memory_space<vmem>>, vector<16xi32>,
        %add3A_657 = arith.constant 1 : i32
        %add3A_658 = arith.addi %mul3A_645, %add3A_657 : i32
        %get3A_659 = arith.constant 0 : i32
        %get3A_660 = arith.constant 0 : i32
        %get3A_661 = tpu.memref_slice %arg7[%scan3A_465, %get3A_659, %get3A_660] : memref<2x512x64xi8, #tpu.memory_space<vmem>> -> memref<1x512x64xi8, #tpu.memory_space<vmem>>
        %get3A_662 = tpu.memref_squeeze %get3A_661 : memref<1x512x64xi8, #tpu.memory_space<vmem>> -> memref<512x64xi8, #tpu.memory_space<vmem>>
        %get3A_663 = arith.index_cast %add3A_658 : i32 to index
        %get3A_664 = arith.constant 0 : index
        %get3A_665 = tpu.vector_load %get3A_662[%get3A_663, %get3A_664] {strides = array<i32>} : memref<512x64xi8, #tpu.memory_space<vmem>>, vector<64xi8>,
        %bitcast3A_666 = vector.bitcast %get3A_665 : vector<64xi8> to vector<16xi32>
        %mul3A_667 = arith.constant 17 : i32
        %mul3A_668 = arith.muli %add3A_658, %mul3A_667 : i32
        %swap3A_669 = arith.index_cast %mul3A_668 : i32 to index
        %swap3A_670 = tpu.vector_load %arg10[%swap3A_669] {strides = array<i32>} : memref<8704xi32, #tpu.memory_space<vmem>>, vector<16xi32>,
        tpu.vector_store %arg10[%swap3A_669], %bitcast3A_666 {strides = array<i32>} : memref<8704xi32, #tpu.memory_space<vmem>>, vector<16xi32>,
        %add3A_671 = arith.constant 2 : i32
        %add3A_672 = arith.addi %mul3A_645, %add3A_671 : i32
        %get3A_673 = arith.constant 0 : i32
        %get3A_674 = arith.constant 0 : i32
        %get3A_675 = tpu.memref_slice %arg7[%scan3A_465, %get3A_673, %get3A_674] : memref<2x512x64xi8, #tpu.memory_space<vmem>> -> memref<1x512x64xi8, #tpu.memory_space<vmem>>
        %get3A_676 = tpu.memref_squeeze %get3A_675 : memref<1x512x64xi8, #tpu.memory_space<vmem>> -> memref<512x64xi8, #tpu.memory_space<vmem>>
        %get3A_677 = arith.index_cast %add3A_672 : i32 to index
        %get3A_678 = arith.constant 0 : index
        %get3A_679 = tpu.vector_load %get3A_676[%get3A_677, %get3A_678] {strides = array<i32>} : memref<512x64xi8, #tpu.memory_space<vmem>>, vector<64xi8>,
        %bitcast3A_680 = vector.bitcast %get3A_679 : vector<64xi8> to vector<16xi32>
        %mul3A_681 = arith.constant 17 : i32
        %mul3A_682 = arith.muli %add3A_672, %mul3A_681 : i32
        %swap3A_683 = arith.index_cast %mul3A_682 : i32 to index
        %swap3A_684 = tpu.vector_load %arg10[%swap3A_683] {strides = array<i32>} : memref<8704xi32, #tpu.memory_space<vmem>>, vector<16xi32>,
        tpu.vector_store %arg10[%swap3A_683], %bitcast3A_680 {strides = array<i32>} : memref<8704xi32, #tpu.memory_space<vmem>>, vector<16xi32>,
        %add3A_685 = arith.constant 3 : i32
        %add3A_686 = arith.addi %mul3A_645, %add3A_685 : i32
        %get3A_687 = arith.constant 0 : i32
        %get3A_688 = arith.constant 0 : i32
        %get3A_689 = tpu.memref_slice %arg7[%scan3A_465, %get3A_687, %get3A_688] : memref<2x512x64xi8, #tpu.memory_space<vmem>> -> memref<1x512x64xi8, #tpu.memory_space<vmem>>
        %get3A_690 = tpu.memref_squeeze %get3A_689 : memref<1x512x64xi8, #tpu.memory_space<vmem>> -> memref<512x64xi8, #tpu.memory_space<vmem>>
        %get3A_691 = arith.index_cast %add3A_686 : i32 to index
        %get3A_692 = arith.constant 0 : index
        %get3A_693 = tpu.vector_load %get3A_690[%get3A_691, %get3A_692] {strides = array<i32>} : memref<512x64xi8, #tpu.memory_space<vmem>>, vector<64xi8>,
        %bitcast3A_694 = vector.bitcast %get3A_693 : vector<64xi8> to vector<16xi32>
        %mul3A_695 = arith.constant 17 : i32
        %mul3A_696 = arith.muli %add3A_686, %mul3A_695 : i32
        %swap3A_697 = arith.index_cast %mul3A_696 : i32 to index
        %swap3A_698 = tpu.vector_load %arg10[%swap3A_697] {strides = array<i32>} : memref<8704xi32, #tpu.memory_space<vmem>>, vector<16xi32>,
        tpu.vector_store %arg10[%swap3A_697], %bitcast3A_694 {strides = array<i32>} : memref<8704xi32, #tpu.memory_space<vmem>>, vector<16xi32>,
        %add3A_699 = arith.constant 4 : i32
        %add3A_700 = arith.addi %mul3A_645, %add3A_699 : i32
        %get3A_701 = arith.constant 0 : i32
        %get3A_702 = arith.constant 0 : i32
        %get3A_703 = tpu.memref_slice %arg7[%scan3A_465, %get3A_701, %get3A_702] : memref<2x512x64xi8, #tpu.memory_space<vmem>> -> memref<1x512x64xi8, #tpu.memory_space<vmem>>
        %get3A_704 = tpu.memref_squeeze %get3A_703 : memref<1x512x64xi8, #tpu.memory_space<vmem>> -> memref<512x64xi8, #tpu.memory_space<vmem>>
        %get3A_705 = arith.index_cast %add3A_700 : i32 to index
        %get3A_706 = arith.constant 0 : index
        %get3A_707 = tpu.vector_load %get3A_704[%get3A_705, %get3A_706] {strides = array<i32>} : memref<512x64xi8, #tpu.memory_space<vmem>>, vector<64xi8>,
        %bitcast3A_708 = vector.bitcast %get3A_707 : vector<64xi8> to vector<16xi32>
        %mul3A_709 = arith.constant 17 : i32
        %mul3A_710 = arith.muli %add3A_700, %mul3A_709 : i32
        %swap3A_711 = arith.index_cast %mul3A_710 : i32 to index
        %swap3A_712 = tpu.vector_load %arg10[%swap3A_711] {strides = array<i32>} : memref<8704xi32, #tpu.memory_space<vmem>>, vector<16xi32>,
        tpu.vector_store %arg10[%swap3A_711], %bitcast3A_708 {strides = array<i32>} : memref<8704xi32, #tpu.memory_space<vmem>>, vector<16xi32>,
        %add3A_713 = arith.constant 5 : i32
        %add3A_714 = arith.addi %mul3A_645, %add3A_713 : i32
        %get3A_715 = arith.constant 0 : i32
        %get3A_716 = arith.constant 0 : i32
        %get3A_717 = tpu.memref_slice %arg7[%scan3A_465, %get3A_715, %get3A_716] : memref<2x512x64xi8, #tpu.memory_space<vmem>> -> memref<1x512x64xi8, #tpu.memory_space<vmem>>
        %get3A_718 = tpu.memref_squeeze %get3A_717 : memref<1x512x64xi8, #tpu.memory_space<vmem>> -> memref<512x64xi8, #tpu.memory_space<vmem>>
        %get3A_719 = arith.index_cast %add3A_714 : i32 to index
        %get3A_720 = arith.constant 0 : index
        %get3A_721 = tpu.vector_load %get3A_718[%get3A_719, %get3A_720] {strides = array<i32>} : memref<512x64xi8, #tpu.memory_space<vmem>>, vector<64xi8>,
        %bitcast3A_722 = vector.bitcast %get3A_721 : vector<64xi8> to vector<16xi32>
        %mul3A_723 = arith.constant 17 : i32
        %mul3A_724 = arith.muli %add3A_714, %mul3A_723 : i32
        %swap3A_725 = arith.index_cast %mul3A_724 : i32 to index
        %swap3A_726 = tpu.vector_load %arg10[%swap3A_725] {strides = array<i32>} : memref<8704xi32, #tpu.memory_space<vmem>>, vector<16xi32>,
        tpu.vector_store %arg10[%swap3A_725], %bitcast3A_722 {strides = array<i32>} : memref<8704xi32, #tpu.memory_space<vmem>>, vector<16xi32>,
        %add3A_727 = arith.constant 6 : i32
        %add3A_728 = arith.addi %mul3A_645, %add3A_727 : i32
        %get3A_729 = arith.constant 0 : i32
        %get3A_730 = arith.constant 0 : i32
        %get3A_731 = tpu.memref_slice %arg7[%scan3A_465, %get3A_729, %get3A_730] : memref<2x512x64xi8, #tpu.memory_space<vmem>> -> memref<1x512x64xi8, #tpu.memory_space<vmem>>
        %get3A_732 = tpu.memref_squeeze %get3A_731 : memref<1x512x64xi8, #tpu.memory_space<vmem>> -> memref<512x64xi8, #tpu.memory_space<vmem>>
        %get3A_733 = arith.index_cast %add3A_728 : i32 to index
        %get3A_734 = arith.constant 0 : index
        %get3A_735 = tpu.vector_load %get3A_732[%get3A_733, %get3A_734] {strides = array<i32>} : memref<512x64xi8, #tpu.memory_space<vmem>>, vector<64xi8>,
        %bitcast3A_736 = vector.bitcast %get3A_735 : vector<64xi8> to vector<16xi32>
        %mul3A_737 = arith.constant 17 : i32
        %mul3A_738 = arith.muli %add3A_728, %mul3A_737 : i32
        %swap3A_739 = arith.index_cast %mul3A_738 : i32 to index
        %swap3A_740 = tpu.vector_load %arg10[%swap3A_739] {strides = array<i32>} : memref<8704xi32, #tpu.memory_space<vmem>>, vector<16xi32>,
        tpu.vector_store %arg10[%swap3A_739], %bitcast3A_736 {strides = array<i32>} : memref<8704xi32, #tpu.memory_space<vmem>>, vector<16xi32>,
        %add3A_741 = arith.constant 7 : i32
        %add3A_742 = arith.addi %mul3A_645, %add3A_741 : i32
        %get3A_743 = arith.constant 0 : i32
        %get3A_744 = arith.constant 0 : i32
        %get3A_745 = tpu.memref_slice %arg7[%scan3A_465, %get3A_743, %get3A_744] : memref<2x512x64xi8, #tpu.memory_space<vmem>> -> memref<1x512x64xi8, #tpu.memory_space<vmem>>
        %get3A_746 = tpu.memref_squeeze %get3A_745 : memref<1x512x64xi8, #tpu.memory_space<vmem>> -> memref<512x64xi8, #tpu.memory_space<vmem>>
        %get3A_747 = arith.index_cast %add3A_742 : i32 to index
        %get3A_748 = arith.constant 0 : index
        %get3A_749 = tpu.vector_load %get3A_746[%get3A_747, %get3A_748] {strides = array<i32>} : memref<512x64xi8, #tpu.memory_space<vmem>>, vector<64xi8>,
        %bitcast3A_750 = vector.bitcast %get3A_749 : vector<64xi8> to vector<16xi32>
        %mul3A_751 = arith.constant 17 : i32
        %mul3A_752 = arith.muli %add3A_742, %mul3A_751 : i32
        %swap3A_753 = arith.index_cast %mul3A_752 : i32 to index
        %swap3A_754 = tpu.vector_load %arg10[%swap3A_753] {strides = array<i32>} : memref<8704xi32, #tpu.memory_space<vmem>>, vector<16xi32>,
        tpu.vector_store %arg10[%swap3A_753], %bitcast3A_750 {strides = array<i32>} : memref<8704xi32, #tpu.memory_space<vmem>>, vector<16xi32>,
        %add3A_755 = arith.constant 8 : i32
        %add3A_756 = arith.addi %mul3A_645, %add3A_755 : i32
        %get3A_757 = arith.constant 0 : i32
        %get3A_758 = arith.constant 0 : i32
        %get3A_759 = tpu.memref_slice %arg7[%scan3A_465, %get3A_757, %get3A_758] : memref<2x512x64xi8, #tpu.memory_space<vmem>> -> memref<1x512x64xi8, #tpu.memory_space<vmem>>
        %get3A_760 = tpu.memref_squeeze %get3A_759 : memref<1x512x64xi8, #tpu.memory_space<vmem>> -> memref<512x64xi8, #tpu.memory_space<vmem>>
        %get3A_761 = arith.index_cast %add3A_756 : i32 to index
        %get3A_762 = arith.constant 0 : index
        %get3A_763 = tpu.vector_load %get3A_760[%get3A_761, %get3A_762] {strides = array<i32>} : memref<512x64xi8, #tpu.memory_space<vmem>>, vector<64xi8>,
        %bitcast3A_764 = vector.bitcast %get3A_763 : vector<64xi8> to vector<16xi32>
        %mul3A_765 = arith.constant 17 : i32
        %mul3A_766 = arith.muli %add3A_756, %mul3A_765 : i32
        %swap3A_767 = arith.index_cast %mul3A_766 : i32 to index
        %swap3A_768 = tpu.vector_load %arg10[%swap3A_767] {strides = array<i32>} : memref<8704xi32, #tpu.memory_space<vmem>>, vector<16xi32>,
        tpu.vector_store %arg10[%swap3A_767], %bitcast3A_764 {strides = array<i32>} : memref<8704xi32, #tpu.memory_space<vmem>>, vector<16xi32>,
        %add3A_769 = arith.constant 9 : i32
        %add3A_770 = arith.addi %mul3A_645, %add3A_769 : i32
        %get3A_771 = arith.constant 0 : i32
        %get3A_772 = arith.constant 0 : i32
        %get3A_773 = tpu.memref_slice %arg7[%scan3A_465, %get3A_771, %get3A_772] : memref<2x512x64xi8, #tpu.memory_space<vmem>> -> memref<1x512x64xi8, #tpu.memory_space<vmem>>
        %get3A_774 = tpu.memref_squeeze %get3A_773 : memref<1x512x64xi8, #tpu.memory_space<vmem>> -> memref<512x64xi8, #tpu.memory_space<vmem>>
        %get3A_775 = arith.index_cast %add3A_770 : i32 to index
        %get3A_776 = arith.constant 0 : index
        %get3A_777 = tpu.vector_load %get3A_774[%get3A_775, %get3A_776] {strides = array<i32>} : memref<512x64xi8, #tpu.memory_space<vmem>>, vector<64xi8>,
        %bitcast3A_778 = vector.bitcast %get3A_777 : vector<64xi8> to vector<16xi32>
        %mul3A_779 = arith.constant 17 : i32
        %mul3A_780 = arith.muli %add3A_770, %mul3A_779 : i32
        %swap3A_781 = arith.index_cast %mul3A_780 : i32 to index
        %swap3A_782 = tpu.vector_load %arg10[%swap3A_781] {strides = array<i32>} : memref<8704xi32, #tpu.memory_space<vmem>>, vector<16xi32>,
        tpu.vector_store %arg10[%swap3A_781], %bitcast3A_778 {strides = array<i32>} : memref<8704xi32, #tpu.memory_space<vmem>>, vector<16xi32>,
        %add3A_783 = arith.constant 10 : i32
        %add3A_784 = arith.addi %mul3A_645, %add3A_783 : i32
        %get3A_785 = arith.constant 0 : i32
        %get3A_786 = arith.constant 0 : i32
        %get3A_787 = tpu.memref_slice %arg7[%scan3A_465, %get3A_785, %get3A_786] : memref<2x512x64xi8, #tpu.memory_space<vmem>> -> memref<1x512x64xi8, #tpu.memory_space<vmem>>
        %get3A_788 = tpu.memref_squeeze %get3A_787 : memref<1x512x64xi8, #tpu.memory_space<vmem>> -> memref<512x64xi8, #tpu.memory_space<vmem>>
        %get3A_789 = arith.index_cast %add3A_784 : i32 to index
        %get3A_790 = arith.constant 0 : index
        %get3A_791 = tpu.vector_load %get3A_788[%get3A_789, %get3A_790] {strides = array<i32>} : memref<512x64xi8, #tpu.memory_space<vmem>>, vector<64xi8>,
        %bitcast3A_792 = vector.bitcast %get3A_791 : vector<64xi8> to vector<16xi32>
        %mul3A_793 = arith.constant 17 : i32
        %mul3A_794 = arith.muli %add3A_784, %mul3A_793 : i32
        %swap3A_795 = arith.index_cast %mul3A_794 : i32 to index
        %swap3A_796 = tpu.vector_load %arg10[%swap3A_795] {strides = array<i32>} : memref<8704xi32, #tpu.memory_space<vmem>>, vector<16xi32>,
        tpu.vector_store %arg10[%swap3A_795], %bitcast3A_792 {strides = array<i32>} : memref<8704xi32, #tpu.memory_space<vmem>>, vector<16xi32>,
        %add3A_797 = arith.constant 11 : i32
        %add3A_798 = arith.addi %mul3A_645, %add3A_797 : i32
        %get3A_799 = arith.constant 0 : i32
        %get3A_800 = arith.constant 0 : i32
        %get3A_801 = tpu.memref_slice %arg7[%scan3A_465, %get3A_799, %get3A_800] : memref<2x512x64xi8, #tpu.memory_space<vmem>> -> memref<1x512x64xi8, #tpu.memory_space<vmem>>
        %get3A_802 = tpu.memref_squeeze %get3A_801 : memref<1x512x64xi8, #tpu.memory_space<vmem>> -> memref<512x64xi8, #tpu.memory_space<vmem>>
        %get3A_803 = arith.index_cast %add3A_798 : i32 to index
        %get3A_804 = arith.constant 0 : index
        %get3A_805 = tpu.vector_load %get3A_802[%get3A_803, %get3A_804] {strides = array<i32>} : memref<512x64xi8, #tpu.memory_space<vmem>>, vector<64xi8>,
        %bitcast3A_806 = vector.bitcast %get3A_805 : vector<64xi8> to vector<16xi32>
        %mul3A_807 = arith.constant 17 : i32
        %mul3A_808 = arith.muli %add3A_798, %mul3A_807 : i32
        %swap3A_809 = arith.index_cast %mul3A_808 : i32 to index
        %swap3A_810 = tpu.vector_load %arg10[%swap3A_809] {strides = array<i32>} : memref<8704xi32, #tpu.memory_space<vmem>>, vector<16xi32>,
        tpu.vector_store %arg10[%swap3A_809], %bitcast3A_806 {strides = array<i32>} : memref<8704xi32, #tpu.memory_space<vmem>>, vector<16xi32>,
        %add3A_811 = arith.constant 12 : i32
        %add3A_812 = arith.addi %mul3A_645, %add3A_811 : i32
        %get3A_813 = arith.constant 0 : i32
        %get3A_814 = arith.constant 0 : i32
        %get3A_815 = tpu.memref_slice %arg7[%scan3A_465, %get3A_813, %get3A_814] : memref<2x512x64xi8, #tpu.memory_space<vmem>> -> memref<1x512x64xi8, #tpu.memory_space<vmem>>
        %get3A_816 = tpu.memref_squeeze %get3A_815 : memref<1x512x64xi8, #tpu.memory_space<vmem>> -> memref<512x64xi8, #tpu.memory_space<vmem>>
        %get3A_817 = arith.index_cast %add3A_812 : i32 to index
        %get3A_818 = arith.constant 0 : index
        %get3A_819 = tpu.vector_load %get3A_816[%get3A_817, %get3A_818] {strides = array<i32>} : memref<512x64xi8, #tpu.memory_space<vmem>>, vector<64xi8>,
        %bitcast3A_820 = vector.bitcast %get3A_819 : vector<64xi8> to vector<16xi32>
        %mul3A_821 = arith.constant 17 : i32
        %mul3A_822 = arith.muli %add3A_812, %mul3A_821 : i32
        %swap3A_823 = arith.index_cast %mul3A_822 : i32 to index
        %swap3A_824 = tpu.vector_load %arg10[%swap3A_823] {strides = array<i32>} : memref<8704xi32, #tpu.memory_space<vmem>>, vector<16xi32>,
        tpu.vector_store %arg10[%swap3A_823], %bitcast3A_820 {strides = array<i32>} : memref<8704xi32, #tpu.memory_space<vmem>>, vector<16xi32>,
        %add3A_825 = arith.constant 13 : i32
        %add3A_826 = arith.addi %mul3A_645, %add3A_825 : i32
        %get3A_827 = arith.constant 0 : i32
        %get3A_828 = arith.constant 0 : i32
        %get3A_829 = tpu.memref_slice %arg7[%scan3A_465, %get3A_827, %get3A_828] : memref<2x512x64xi8, #tpu.memory_space<vmem>> -> memref<1x512x64xi8, #tpu.memory_space<vmem>>
        %get3A_830 = tpu.memref_squeeze %get3A_829 : memref<1x512x64xi8, #tpu.memory_space<vmem>> -> memref<512x64xi8, #tpu.memory_space<vmem>>
        %get3A_831 = arith.index_cast %add3A_826 : i32 to index
        %get3A_832 = arith.constant 0 : index
        %get3A_833 = tpu.vector_load %get3A_830[%get3A_831, %get3A_832] {strides = array<i32>} : memref<512x64xi8, #tpu.memory_space<vmem>>, vector<64xi8>,
        %bitcast3A_834 = vector.bitcast %get3A_833 : vector<64xi8> to vector<16xi32>
        %mul3A_835 = arith.constant 17 : i32
        %mul3A_836 = arith.muli %add3A_826, %mul3A_835 : i32
        %swap3A_837 = arith.index_cast %mul3A_836 : i32 to index
        %swap3A_838 = tpu.vector_load %arg10[%swap3A_837] {strides = array<i32>} : memref<8704xi32, #tpu.memory_space<vmem>>, vector<16xi32>,
        tpu.vector_store %arg10[%swap3A_837], %bitcast3A_834 {strides = array<i32>} : memref<8704xi32, #tpu.memory_space<vmem>>, vector<16xi32>,
        %add3A_839 = arith.constant 14 : i32
        %add3A_840 = arith.addi %mul3A_645, %add3A_839 : i32
        %get3A_841 = arith.constant 0 : i32
        %get3A_842 = arith.constant 0 : i32
        %get3A_843 = tpu.memref_slice %arg7[%scan3A_465, %get3A_841, %get3A_842] : memref<2x512x64xi8, #tpu.memory_space<vmem>> -> memref<1x512x64xi8, #tpu.memory_space<vmem>>
        %get3A_844 = tpu.memref_squeeze %get3A_843 : memref<1x512x64xi8, #tpu.memory_space<vmem>> -> memref<512x64xi8, #tpu.memory_space<vmem>>
        %get3A_845 = arith.index_cast %add3A_840 : i32 to index
        %get3A_846 = arith.constant 0 : index
        %get3A_847 = tpu.vector_load %get3A_844[%get3A_845, %get3A_846] {strides = array<i32>} : memref<512x64xi8, #tpu.memory_space<vmem>>, vector<64xi8>,
        %bitcast3A_848 = vector.bitcast %get3A_847 : vector<64xi8> to vector<16xi32>
        %mul3A_849 = arith.constant 17 : i32
        %mul3A_850 = arith.muli %add3A_840, %mul3A_849 : i32
        %swap3A_851 = arith.index_cast %mul3A_850 : i32 to index
        %swap3A_852 = tpu.vector_load %arg10[%swap3A_851] {strides = array<i32>} : memref<8704xi32, #tpu.memory_space<vmem>>, vector<16xi32>,
        tpu.vector_store %arg10[%swap3A_851], %bitcast3A_848 {strides = array<i32>} : memref<8704xi32, #tpu.memory_space<vmem>>, vector<16xi32>,
        %add3A_853 = arith.constant 15 : i32
        %add3A_854 = arith.addi %mul3A_645, %add3A_853 : i32
        %get3A_855 = arith.constant 0 : i32
        %get3A_856 = arith.constant 0 : i32
        %get3A_857 = tpu.memref_slice %arg7[%scan3A_465, %get3A_855, %get3A_856] : memref<2x512x64xi8, #tpu.memory_space<vmem>> -> memref<1x512x64xi8, #tpu.memory_space<vmem>>
        %get3A_858 = tpu.memref_squeeze %get3A_857 : memref<1x512x64xi8, #tpu.memory_space<vmem>> -> memref<512x64xi8, #tpu.memory_space<vmem>>
        %get3A_859 = arith.index_cast %add3A_854 : i32 to index
        %get3A_860 = arith.constant 0 : index
        %get3A_861 = tpu.vector_load %get3A_858[%get3A_859, %get3A_860] {strides = array<i32>} : memref<512x64xi8, #tpu.memory_space<vmem>>, vector<64xi8>,
        %bitcast3A_862 = vector.bitcast %get3A_861 : vector<64xi8> to vector<16xi32>
        %mul3A_863 = arith.constant 17 : i32
        %mul3A_864 = arith.muli %add3A_854, %mul3A_863 : i32
        %swap3A_865 = arith.index_cast %mul3A_864 : i32 to index
        %swap3A_866 = tpu.vector_load %arg10[%swap3A_865] {strides = array<i32>} : memref<8704xi32, #tpu.memory_space<vmem>>, vector<16xi32>,
        tpu.vector_store %arg10[%swap3A_865], %bitcast3A_862 {strides = array<i32>} : memref<8704xi32, #tpu.memory_space<vmem>>, vector<16xi32>,
        %scan3A_867 = arith.constant 0 : i32
        scf.yield %scan3A_867 : i32
      }
      %scan3A_472 = arith.constant 32 : i32
      %scan3A_473 = arith.constant 1 : i32
      %scan3A_474 = arith.constant 0 : i32
      %scan3A_475 = arith.constant 0 : i32
      %scan3A_476 = arith.constant 32 : i32
      %scan3A_477 = arith.addi %scan3A_475, %scan3A_476 : i32
      %scan3A_478 = arith.constant 1 : i32
      %scan3A_479 = scf.for %scan3A_642 = %scan3A_475 to %scan3A_477 step %scan3A_478 iter_args(%scan3A_643 = %scan3A_474) -> (i32)  : i32 {
        %mul3A_644 = arith.constant 16 : i32
        %mul3A_645 = arith.muli %scan3A_642, %mul3A_644 : i32
        %get3A = arith.constant 1 : i32
        %get3A_646 = arith.index_cast %get3A : i32 to index
        %get3A_647 = arith.index_cast %mul3A_645 : i32 to index
        %get3A_648 = tpu.vector_load %arg8[%get3A_646, %get3A_647] {strides = array<i32>} : memref<2x512xf32, #tpu.memory_space<vmem>>, vector<16xf32>,
        %mul3A_649 = arith.constant 16 : i32
        %mul3A_650 = arith.muli %scan3A_642, %mul3A_649 : i32
        %add3A_651 = vector.broadcast %mul3A_650 : i32 to vector<16xi32>
        %add3A_652 = arith.addi %add3A_651, %iota3A : vector<16xi32>
        %mul3A_653 = arith.constant 17 : i32
        %mul3A_654 = vector.broadcast %mul3A_653 : i32 to vector<16xi32>
        %mul3A_655 = arith.muli %add3A_652, %mul3A_654 : vector<16xi32>
        %jit3A = arith.constant 8 : i32
        %div3A = arith.divsi %scan3A_642, %jit3A : i32
        %sign3A = arith.constant 0 : i32
        %sign3A_656 = arith.cmpi sgt, %scan3A_642, %sign3A : i32
        %sign3A_657 = arith.extui %sign3A_656 : i1 to i32
        %sign3A_658 = arith.constant 0 : i32
        %sign3A_659 = arith.cmpi slt, %scan3A_642, %sign3A_658 : i32
        %sign3A_660 = arith.extui %sign3A_659 : i1 to i32
        %sign3A_661 = arith.subi %sign3A_657, %sign3A_660 : i32
        %sign3A_662 = arith.constant 0 : i32
        %sign3A_663 = arith.cmpi sgt, %jit3A, %sign3A_662 : i32
        %sign3A_664 = arith.extui %sign3A_663 : i1 to i32
        %sign3A_665 = arith.constant 0 : i32
        %sign3A_666 = arith.cmpi slt, %jit3A, %sign3A_665 : i32
        %sign3A_667 = arith.extui %sign3A_666 : i1 to i32
        %sign3A_668 = arith.subi %sign3A_664, %sign3A_667 : i32
        %ne3A = arith.cmpi ne, %sign3A_661, %sign3A_668 : i32
        %rem3A = arith.remsi %scan3A_642, %jit3A : i32
        %ne3A_669 = arith.constant 0 : i32
        %ne3A_670 = arith.cmpi ne, %rem3A, %ne3A_669 : i32
        %and3A = arith.andi %ne3A, %ne3A_670 : i1
        %sub3A = arith.constant 1 : i32
        %sub3A_671 = arith.subi %div3A, %sub3A : i32
        %select_n3A = arith.select %and3A, %sub3A_671, %div3A : i32
        %mul3A_672 = arith.constant 1024 : i32
        %mul3A_673 = arith.muli %select_n3A, %mul3A_672 : i32
        %jit3A_674 = arith.constant 8 : i32
        %eq3A = arith.constant 0 : i32
        %eq3A_675 = arith.cmpi eq, %jit3A_674, %eq3A : i32
        %jit3A_676 = arith.constant 1 : i32
        %select_n3A_677 = arith.select %eq3A_675, %jit3A_676, %jit3A_674 : i32
        %rem3A_678 = arith.remsi %scan3A_642, %select_n3A_677 : i32
        %ne3A_679 = arith.constant 0 : i32
        %ne3A_680 = arith.cmpi ne, %rem3A_678, %ne3A_679 : i32
        %lt3A_681 = arith.constant 0 : i32
        %lt3A_682 = arith.cmpi slt, %rem3A_678, %lt3A_681 : i32
        %lt3A_683 = arith.constant 0 : i32
        %lt3A_684 = arith.cmpi slt, %select_n3A_677, %lt3A_683 : i32
        %ne3A_685 = arith.xori %lt3A_682, %lt3A_684 : i1
        %and3A_686 = arith.andi %ne3A_685, %ne3A_680 : i1
        %add3A_687 = arith.addi %rem3A_678, %select_n3A_677 : i32
        %select_n3A_688 = arith.select %and3A_686, %add3A_687, %rem3A_678 : i32
        %mul3A_689 = arith.constant 16 : i32
        %mul3A_690 = arith.muli %select_n3A_688, %mul3A_689 : i32
        %add3A_691 = arith.addi %mul3A_673, %mul3A_690 : i32
        %add3A_692 = arith.constant 0 : i32
        %add3A_693 = vector.broadcast %add3A_692 : i32 to vector<16xi32>
        %add3A_694 = arith.addi %mul3A_655, %add3A_693 : vector<16xi32>
        %gather3A = tpu.vector_load_idx %arg10[%add3A_694] : memref<8704xi32, #tpu.memory_space<vmem>>[vector<16xi32>], vector<16xi32>,
        %shift_left3A = arith.constant 24 : i32
        %shift_left3A_695 = vector.broadcast %shift_left3A : i32 to vector<16xi32>
        %shift_left3A_696 = arith.shli %gather3A, %shift_left3A_695 : vector<16xi32>
        %shift_right_arithmetic3A = arith.constant 24 : i32
        %shift_right_arithmetic3A_697 = vector.broadcast %shift_right_arithmetic3A : i32 to vector<16xi32>
        %shift_right_arithmetic3A_698 = arith.shrsi %shift_left3A_696, %shift_right_arithmetic3A_697 : vector<16xi32>
        %convert_element_type3A_699 = arith.sitofp %shift_right_arithmetic3A_698 : vector<16xi32> to vector<16xf32>
        %mul3A_700 = arith.mulf %convert_element_type3A_699, %get3A_648 : vector<16xf32>
        %add3A_701 = arith.constant 0 : i32
        %add3A_702 = arith.addi %add3A_691, %add3A_701 : i32
        %swap3A = arith.constant 0 : i32
        %swap3A_703 = tpu.memref_slice %arg9[%scan3A_473, %swap3A] : memref<2x32768xf32, #tpu.memory_space<vmem>> -> memref<1x32768xf32, #tpu.memory_space<vmem>>
        %swap3A_704 = tpu.memref_squeeze %swap3A_703 : memref<1x32768xf32, #tpu.memory_space<vmem>> -> memref<32768xf32, #tpu.memory_space<vmem>>
        %swap3A_705 = arith.index_cast %add3A_702 : i32 to index
        %swap3A_706 = tpu.vector_load %swap3A_704[%swap3A_705] {strides = array<i32>} : memref<32768xf32, #tpu.memory_space<vmem>>, vector<16xf32>,
        tpu.vector_store %swap3A_704[%swap3A_705], %mul3A_700 {strides = array<i32>} : memref<32768xf32, #tpu.memory_space<vmem>>, vector<16xf32>,
        %shift_left3A_707 = arith.constant 16 : i32
        %shift_left3A_708 = vector.broadcast %shift_left3A_707 : i32 to vector<16xi32>
        %shift_left3A_709 = arith.shli %gather3A, %shift_left3A_708 : vector<16xi32>
        %shift_right_arithmetic3A_710 = arith.constant 24 : i32
        %shift_right_arithmetic3A_711 = vector.broadcast %shift_right_arithmetic3A_710 : i32 to vector<16xi32>
        %shift_right_arithmetic3A_712 = arith.shrsi %shift_left3A_709, %shift_right_arithmetic3A_711 : vector<16xi32>
        %convert_element_type3A_713 = arith.sitofp %shift_right_arithmetic3A_712 : vector<16xi32> to vector<16xf32>
        %mul3A_714 = arith.mulf %convert_element_type3A_713, %get3A_648 : vector<16xf32>
        %add3A_715 = arith.constant 128 : i32
        %add3A_716 = arith.addi %add3A_691, %add3A_715 : i32
        %swap3A_717 = arith.constant 0 : i32
        %swap3A_718 = tpu.memref_slice %arg9[%scan3A_473, %swap3A_717] : memref<2x32768xf32, #tpu.memory_space<vmem>> -> memref<1x32768xf32, #tpu.memory_space<vmem>>
        %swap3A_719 = tpu.memref_squeeze %swap3A_718 : memref<1x32768xf32, #tpu.memory_space<vmem>> -> memref<32768xf32, #tpu.memory_space<vmem>>
        %swap3A_720 = arith.index_cast %add3A_716 : i32 to index
        %swap3A_721 = tpu.vector_load %swap3A_719[%swap3A_720] {strides = array<i32>} : memref<32768xf32, #tpu.memory_space<vmem>>, vector<16xf32>,
        tpu.vector_store %swap3A_719[%swap3A_720], %mul3A_714 {strides = array<i32>} : memref<32768xf32, #tpu.memory_space<vmem>>, vector<16xf32>,
        %shift_left3A_722 = arith.constant 8 : i32
        %shift_left3A_723 = vector.broadcast %shift_left3A_722 : i32 to vector<16xi32>
        %shift_left3A_724 = arith.shli %gather3A, %shift_left3A_723 : vector<16xi32>
        %shift_right_arithmetic3A_725 = arith.constant 24 : i32
        %shift_right_arithmetic3A_726 = vector.broadcast %shift_right_arithmetic3A_725 : i32 to vector<16xi32>
        %shift_right_arithmetic3A_727 = arith.shrsi %shift_left3A_724, %shift_right_arithmetic3A_726 : vector<16xi32>
        %convert_element_type3A_728 = arith.sitofp %shift_right_arithmetic3A_727 : vector<16xi32> to vector<16xf32>
        %mul3A_729 = arith.mulf %convert_element_type3A_728, %get3A_648 : vector<16xf32>
        %add3A_730 = arith.constant 256 : i32
        %add3A_731 = arith.addi %add3A_691, %add3A_730 : i32
        %swap3A_732 = arith.constant 0 : i32
        %swap3A_733 = tpu.memref_slice %arg9[%scan3A_473, %swap3A_732] : memref<2x32768xf32, #tpu.memory_space<vmem>> -> memref<1x32768xf32, #tpu.memory_space<vmem>>
        %swap3A_734 = tpu.memref_squeeze %swap3A_733 : memref<1x32768xf32, #tpu.memory_space<vmem>> -> memref<32768xf32, #tpu.memory_space<vmem>>
        %swap3A_735 = arith.index_cast %add3A_731 : i32 to index
        %swap3A_736 = tpu.vector_load %swap3A_734[%swap3A_735] {strides = array<i32>} : memref<32768xf32, #tpu.memory_space<vmem>>, vector<16xf32>,
        tpu.vector_store %swap3A_734[%swap3A_735], %mul3A_729 {strides = array<i32>} : memref<32768xf32, #tpu.memory_space<vmem>>, vector<16xf32>,
        %shift_left3A_737 = arith.constant 0 : i32
        %shift_left3A_738 = vector.broadcast %shift_left3A_737 : i32 to vector<16xi32>
        %shift_left3A_739 = arith.shli %gather3A, %shift_left3A_738 : vector<16xi32>
        %shift_right_arithmetic3A_740 = arith.constant 24 : i32
        %shift_right_arithmetic3A_741 = vector.broadcast %shift_right_arithmetic3A_740 : i32 to vector<16xi32>
        %shift_right_arithmetic3A_742 = arith.shrsi %shift_left3A_739, %shift_right_arithmetic3A_741 : vector<16xi32>
        %convert_element_type3A_743 = arith.sitofp %shift_right_arithmetic3A_742 : vector<16xi32> to vector<16xf32>
        %mul3A_744 = arith.mulf %convert_element_type3A_743, %get3A_648 : vector<16xf32>
        %add3A_745 = arith.constant 384 : i32
        %add3A_746 = arith.addi %add3A_691, %add3A_745 : i32
        %swap3A_747 = arith.constant 0 : i32
        %swap3A_748 = tpu.memref_slice %arg9[%scan3A_473, %swap3A_747] : memref<2x32768xf32, #tpu.memory_space<vmem>> -> memref<1x32768xf32, #tpu.memory_space<vmem>>
        %swap3A_749 = tpu.memref_squeeze %swap3A_748 : memref<1x32768xf32, #tpu.memory_space<vmem>> -> memref<32768xf32, #tpu.memory_space<vmem>>
        %swap3A_750 = arith.index_cast %add3A_746 : i32 to index
        %swap3A_751 = tpu.vector_load %swap3A_749[%swap3A_750] {strides = array<i32>} : memref<32768xf32, #tpu.memory_space<vmem>>, vector<16xf32>,
        tpu.vector_store %swap3A_749[%swap3A_750], %mul3A_744 {strides = array<i32>} : memref<32768xf32, #tpu.memory_space<vmem>>, vector<16xf32>,
        %add3A_752 = arith.constant 1 : i32
        %add3A_753 = vector.broadcast %add3A_752 : i32 to vector<16xi32>
        %add3A_754 = arith.addi %mul3A_655, %add3A_753 : vector<16xi32>
        %gather3A_755 = tpu.vector_load_idx %arg10[%add3A_754] : memref<8704xi32, #tpu.memory_space<vmem>>[vector<16xi32>], vector<16xi32>,
        %shift_left3A_756 = arith.constant 24 : i32
        %shift_left3A_757 = vector.broadcast %shift_left3A_756 : i32 to vector<16xi32>
        %shift_left3A_758 = arith.shli %gather3A_755, %shift_left3A_757 : vector<16xi32>
        %shift_right_arithmetic3A_759 = arith.constant 24 : i32
        %shift_right_arithmetic3A_760 = vector.broadcast %shift_right_arithmetic3A_759 : i32 to vector<16xi32>
        %shift_right_arithmetic3A_761 = arith.shrsi %shift_left3A_758, %shift_right_arithmetic3A_760 : vector<16xi32>
        %convert_element_type3A_762 = arith.sitofp %shift_right_arithmetic3A_761 : vector<16xi32> to vector<16xf32>
        %mul3A_763 = arith.mulf %convert_element_type3A_762, %get3A_648 : vector<16xf32>
        %add3A_764 = arith.constant 512 : i32
        %add3A_765 = arith.addi %add3A_691, %add3A_764 : i32
        %swap3A_766 = arith.constant 0 : i32
        %swap3A_767 = tpu.memref_slice %arg9[%scan3A_473, %swap3A_766] : memref<2x32768xf32, #tpu.memory_space<vmem>> -> memref<1x32768xf32, #tpu.memory_space<vmem>>
        %swap3A_768 = tpu.memref_squeeze %swap3A_767 : memref<1x32768xf32, #tpu.memory_space<vmem>> -> memref<32768xf32, #tpu.memory_space<vmem>>
        %swap3A_769 = arith.index_cast %add3A_765 : i32 to index
        %swap3A_770 = tpu.vector_load %swap3A_768[%swap3A_769] {strides = array<i32>} : memref<32768xf32, #tpu.memory_space<vmem>>, vector<16xf32>,
        tpu.vector_store %swap3A_768[%swap3A_769], %mul3A_763 {strides = array<i32>} : memref<32768xf32, #tpu.memory_space<vmem>>, vector<16xf32>,
        %shift_left3A_771 = arith.constant 16 : i32
        %shift_left3A_772 = vector.broadcast %shift_left3A_771 : i32 to vector<16xi32>
        %shift_left3A_773 = arith.shli %gather3A_755, %shift_left3A_772 : vector<16xi32>
        %shift_right_arithmetic3A_774 = arith.constant 24 : i32
        %shift_right_arithmetic3A_775 = vector.broadcast %shift_right_arithmetic3A_774 : i32 to vector<16xi32>
        %shift_right_arithmetic3A_776 = arith.shrsi %shift_left3A_773, %shift_right_arithmetic3A_775 : vector<16xi32>
        %convert_element_type3A_777 = arith.sitofp %shift_right_arithmetic3A_776 : vector<16xi32> to vector<16xf32>
        %mul3A_778 = arith.mulf %convert_element_type3A_777, %get3A_648 : vector<16xf32>
        %add3A_779 = arith.constant 640 : i32
        %add3A_780 = arith.addi %add3A_691, %add3A_779 : i32
        %swap3A_781 = arith.constant 0 : i32
        %swap3A_782 = tpu.memref_slice %arg9[%scan3A_473, %swap3A_781] : memref<2x32768xf32, #tpu.memory_space<vmem>> -> memref<1x32768xf32, #tpu.memory_space<vmem>>
        %swap3A_783 = tpu.memref_squeeze %swap3A_782 : memref<1x32768xf32, #tpu.memory_space<vmem>> -> memref<32768xf32, #tpu.memory_space<vmem>>
        %swap3A_784 = arith.index_cast %add3A_780 : i32 to index
        %swap3A_785 = tpu.vector_load %swap3A_783[%swap3A_784] {strides = array<i32>} : memref<32768xf32, #tpu.memory_space<vmem>>, vector<16xf32>,
        tpu.vector_store %swap3A_783[%swap3A_784], %mul3A_778 {strides = array<i32>} : memref<32768xf32, #tpu.memory_space<vmem>>, vector<16xf32>,
        %shift_left3A_786 = arith.constant 8 : i32
        %shift_left3A_787 = vector.broadcast %shift_left3A_786 : i32 to vector<16xi32>
        %shift_left3A_788 = arith.shli %gather3A_755, %shift_left3A_787 : vector<16xi32>
        %shift_right_arithmetic3A_789 = arith.constant 24 : i32
        %shift_right_arithmetic3A_790 = vector.broadcast %shift_right_arithmetic3A_789 : i32 to vector<16xi32>
        %shift_right_arithmetic3A_791 = arith.shrsi %shift_left3A_788, %shift_right_arithmetic3A_790 : vector<16xi32>
        %convert_element_type3A_792 = arith.sitofp %shift_right_arithmetic3A_791 : vector<16xi32> to vector<16xf32>
        %mul3A_793 = arith.mulf %convert_element_type3A_792, %get3A_648 : vector<16xf32>
        %add3A_794 = arith.constant 768 : i32
        %add3A_795 = arith.addi %add3A_691, %add3A_794 : i32
        %swap3A_796 = arith.constant 0 : i32
        %swap3A_797 = tpu.memref_slice %arg9[%scan3A_473, %swap3A_796] : memref<2x32768xf32, #tpu.memory_space<vmem>> -> memref<1x32768xf32, #tpu.memory_space<vmem>>
        %swap3A_798 = tpu.memref_squeeze %swap3A_797 : memref<1x32768xf32, #tpu.memory_space<vmem>> -> memref<32768xf32, #tpu.memory_space<vmem>>
        %swap3A_799 = arith.index_cast %add3A_795 : i32 to index
        %swap3A_800 = tpu.vector_load %swap3A_798[%swap3A_799] {strides = array<i32>} : memref<32768xf32, #tpu.memory_space<vmem>>, vector<16xf32>,
        tpu.vector_store %swap3A_798[%swap3A_799], %mul3A_793 {strides = array<i32>} : memref<32768xf32, #tpu.memory_space<vmem>>, vector<16xf32>,
        %shift_left3A_801 = arith.constant 0 : i32
        %shift_left3A_802 = vector.broadcast %shift_left3A_801 : i32 to vector<16xi32>
        %shift_left3A_803 = arith.shli %gather3A_755, %shift_left3A_802 : vector<16xi32>
        %shift_right_arithmetic3A_804 = arith.constant 24 : i32
        %shift_right_arithmetic3A_805 = vector.broadcast %shift_right_arithmetic3A_804 : i32 to vector<16xi32>
        %shift_right_arithmetic3A_806 = arith.shrsi %shift_left3A_803, %shift_right_arithmetic3A_805 : vector<16xi32>
        %convert_element_type3A_807 = arith.sitofp %shift_right_arithmetic3A_806 : vector<16xi32> to vector<16xf32>
        %mul3A_808 = arith.mulf %convert_element_type3A_807, %get3A_648 : vector<16xf32>
        %add3A_809 = arith.constant 896 : i32
        %add3A_810 = arith.addi %add3A_691, %add3A_809 : i32
        %swap3A_811 = arith.constant 0 : i32
        %swap3A_812 = tpu.memref_slice %arg9[%scan3A_473, %swap3A_811] : memref<2x32768xf32, #tpu.memory_space<vmem>> -> memref<1x32768xf32, #tpu.memory_space<vmem>>
        %swap3A_813 = tpu.memref_squeeze %swap3A_812 : memref<1x32768xf32, #tpu.memory_space<vmem>> -> memref<32768xf32, #tpu.memory_space<vmem>>
        %swap3A_814 = arith.index_cast %add3A_810 : i32 to index
        %swap3A_815 = tpu.vector_load %swap3A_813[%swap3A_814] {strides = array<i32>} : memref<32768xf32, #tpu.memory_space<vmem>>, vector<16xf32>,
        tpu.vector_store %swap3A_813[%swap3A_814], %mul3A_808 {strides = array<i32>} : memref<32768xf32, #tpu.memory_space<vmem>>, vector<16xf32>,
        %add3A_816 = arith.constant 2 : i32
        %add3A_817 = vector.broadcast %add3A_816 : i32 to vector<16xi32>
        %add3A_818 = arith.addi %mul3A_655, %add3A_817 : vector<16xi32>
        %gather3A_819 = tpu.vector_load_idx %arg10[%add3A_818] : memref<8704xi32, #tpu.memory_space<vmem>>[vector<16xi32>], vector<16xi32>,
        %shift_left3A_820 = arith.constant 24 : i32
        %shift_left3A_821 = vector.broadcast %shift_left3A_820 : i32 to vector<16xi32>
        %shift_left3A_822 = arith.shli %gather3A_819, %shift_left3A_821 : vector<16xi32>
        %shift_right_arithmetic3A_823 = arith.constant 24 : i32
        %shift_right_arithmetic3A_824 = vector.broadcast %shift_right_arithmetic3A_823 : i32 to vector<16xi32>
        %shift_right_arithmetic3A_825 = arith.shrsi %shift_left3A_822, %shift_right_arithmetic3A_824 : vector<16xi32>
        %convert_element_type3A_826 = arith.sitofp %shift_right_arithmetic3A_825 : vector<16xi32> to vector<16xf32>
        %mul3A_827 = arith.mulf %convert_element_type3A_826, %get3A_648 : vector<16xf32>
        %add3A_828 = arith.constant 4096 : i32
        %add3A_829 = arith.addi %add3A_691, %add3A_828 : i32
        %swap3A_830 = arith.constant 0 : i32
        %swap3A_831 = tpu.memref_slice %arg9[%scan3A_473, %swap3A_830] : memref<2x32768xf32, #tpu.memory_space<vmem>> -> memref<1x32768xf32, #tpu.memory_space<vmem>>
        %swap3A_832 = tpu.memref_squeeze %swap3A_831 : memref<1x32768xf32, #tpu.memory_space<vmem>> -> memref<32768xf32, #tpu.memory_space<vmem>>
        %swap3A_833 = arith.index_cast %add3A_829 : i32 to index
        %swap3A_834 = tpu.vector_load %swap3A_832[%swap3A_833] {strides = array<i32>} : memref<32768xf32, #tpu.memory_space<vmem>>, vector<16xf32>,
        tpu.vector_store %swap3A_832[%swap3A_833], %mul3A_827 {strides = array<i32>} : memref<32768xf32, #tpu.memory_space<vmem>>, vector<16xf32>,
        %shift_left3A_835 = arith.constant 16 : i32
        %shift_left3A_836 = vector.broadcast %shift_left3A_835 : i32 to vector<16xi32>
        %shift_left3A_837 = arith.shli %gather3A_819, %shift_left3A_836 : vector<16xi32>
        %shift_right_arithmetic3A_838 = arith.constant 24 : i32
        %shift_right_arithmetic3A_839 = vector.broadcast %shift_right_arithmetic3A_838 : i32 to vector<16xi32>
        %shift_right_arithmetic3A_840 = arith.shrsi %shift_left3A_837, %shift_right_arithmetic3A_839 : vector<16xi32>
        %convert_element_type3A_841 = arith.sitofp %shift_right_arithmetic3A_840 : vector<16xi32> to vector<16xf32>
        %mul3A_842 = arith.mulf %convert_element_type3A_841, %get3A_648 : vector<16xf32>
        %add3A_843 = arith.constant 4224 : i32
        %add3A_844 = arith.addi %add3A_691, %add3A_843 : i32
        %swap3A_845 = arith.constant 0 : i32
        %swap3A_846 = tpu.memref_slice %arg9[%scan3A_473, %swap3A_845] : memref<2x32768xf32, #tpu.memory_space<vmem>> -> memref<1x32768xf32, #tpu.memory_space<vmem>>
        %swap3A_847 = tpu.memref_squeeze %swap3A_846 : memref<1x32768xf32, #tpu.memory_space<vmem>> -> memref<32768xf32, #tpu.memory_space<vmem>>
        %swap3A_848 = arith.index_cast %add3A_844 : i32 to index
        %swap3A_849 = tpu.vector_load %swap3A_847[%swap3A_848] {strides = array<i32>} : memref<32768xf32, #tpu.memory_space<vmem>>, vector<16xf32>,
        tpu.vector_store %swap3A_847[%swap3A_848], %mul3A_842 {strides = array<i32>} : memref<32768xf32, #tpu.memory_space<vmem>>, vector<16xf32>,
        %shift_left3A_850 = arith.constant 8 : i32
        %shift_left3A_851 = vector.broadcast %shift_left3A_850 : i32 to vector<16xi32>
        %shift_left3A_852 = arith.shli %gather3A_819, %shift_left3A_851 : vector<16xi32>
        %shift_right_arithmetic3A_853 = arith.constant 24 : i32
        %shift_right_arithmetic3A_854 = vector.broadcast %shift_right_arithmetic3A_853 : i32 to vector<16xi32>
        %shift_right_arithmetic3A_855 = arith.shrsi %shift_left3A_852, %shift_right_arithmetic3A_854 : vector<16xi32>
        %convert_element_type3A_856 = arith.sitofp %shift_right_arithmetic3A_855 : vector<16xi32> to vector<16xf32>
        %mul3A_857 = arith.mulf %convert_element_type3A_856, %get3A_648 : vector<16xf32>
        %add3A_858 = arith.constant 4352 : i32
        %add3A_859 = arith.addi %add3A_691, %add3A_858 : i32
        %swap3A_860 = arith.constant 0 : i32
        %swap3A_861 = tpu.memref_slice %arg9[%scan3A_473, %swap3A_860] : memref<2x32768xf32, #tpu.memory_space<vmem>> -> memref<1x32768xf32, #tpu.memory_space<vmem>>
        %swap3A_862 = tpu.memref_squeeze %swap3A_861 : memref<1x32768xf32, #tpu.memory_space<vmem>> -> memref<32768xf32, #tpu.memory_space<vmem>>
        %swap3A_863 = arith.index_cast %add3A_859 : i32 to index
        %swap3A_864 = tpu.vector_load %swap3A_862[%swap3A_863] {strides = array<i32>} : memref<32768xf32, #tpu.memory_space<vmem>>, vector<16xf32>,
        tpu.vector_store %swap3A_862[%swap3A_863], %mul3A_857 {strides = array<i32>} : memref<32768xf32, #tpu.memory_space<vmem>>, vector<16xf32>,
        %shift_left3A_865 = arith.constant 0 : i32
        %shift_left3A_866 = vector.broadcast %shift_left3A_865 : i32 to vector<16xi32>
        %shift_left3A_867 = arith.shli %gather3A_819, %shift_left3A_866 : vector<16xi32>
        %shift_right_arithmetic3A_868 = arith.constant 24 : i32
        %shift_right_arithmetic3A_869 = vector.broadcast %shift_right_arithmetic3A_868 : i32 to vector<16xi32>
        %shift_right_arithmetic3A_870 = arith.shrsi %shift_left3A_867, %shift_right_arithmetic3A_869 : vector<16xi32>
        %convert_element_type3A_871 = arith.sitofp %shift_right_arithmetic3A_870 : vector<16xi32> to vector<16xf32>
        %mul3A_872 = arith.mulf %convert_element_type3A_871, %get3A_648 : vector<16xf32>
        %add3A_873 = arith.constant 4480 : i32
        %add3A_874 = arith.addi %add3A_691, %add3A_873 : i32
        %swap3A_875 = arith.constant 0 : i32
        %swap3A_876 = tpu.memref_slice %arg9[%scan3A_473, %swap3A_875] : memref<2x32768xf32, #tpu.memory_space<vmem>> -> memref<1x32768xf32, #tpu.memory_space<vmem>>
        %swap3A_877 = tpu.memref_squeeze %swap3A_876 : memref<1x32768xf32, #tpu.memory_space<vmem>> -> memref<32768xf32, #tpu.memory_space<vmem>>
        %swap3A_878 = arith.index_cast %add3A_874 : i32 to index
        %swap3A_879 = tpu.vector_load %swap3A_877[%swap3A_878] {strides = array<i32>} : memref<32768xf32, #tpu.memory_space<vmem>>, vector<16xf32>,
        tpu.vector_store %swap3A_877[%swap3A_878], %mul3A_872 {strides = array<i32>} : memref<32768xf32, #tpu.memory_space<vmem>>, vector<16xf32>,
        %add3A_880 = arith.constant 3 : i32
        %add3A_881 = vector.broadcast %add3A_880 : i32 to vector<16xi32>
        %add3A_882 = arith.addi %mul3A_655, %add3A_881 : vector<16xi32>
        %gather3A_883 = tpu.vector_load_idx %arg10[%add3A_882] : memref<8704xi32, #tpu.memory_space<vmem>>[vector<16xi32>], vector<16xi32>,
        %shift_left3A_884 = arith.constant 24 : i32
        %shift_left3A_885 = vector.broadcast %shift_left3A_884 : i32 to vector<16xi32>
        %shift_left3A_886 = arith.shli %gather3A_883, %shift_left3A_885 : vector<16xi32>
        %shift_right_arithmetic3A_887 = arith.constant 24 : i32
        %shift_right_arithmetic3A_888 = vector.broadcast %shift_right_arithmetic3A_887 : i32 to vector<16xi32>
        %shift_right_arithmetic3A_889 = arith.shrsi %shift_left3A_886, %shift_right_arithmetic3A_888 : vector<16xi32>
        %convert_element_type3A_890 = arith.sitofp %shift_right_arithmetic3A_889 : vector<16xi32> to vector<16xf32>
        %mul3A_891 = arith.mulf %convert_element_type3A_890, %get3A_648 : vector<16xf32>
        %add3A_892 = arith.constant 4608 : i32
        %add3A_893 = arith.addi %add3A_691, %add3A_892 : i32
        %swap3A_894 = arith.constant 0 : i32
        %swap3A_895 = tpu.memref_slice %arg9[%scan3A_473, %swap3A_894] : memref<2x32768xf32, #tpu.memory_space<vmem>> -> memref<1x32768xf32, #tpu.memory_space<vmem>>
        %swap3A_896 = tpu.memref_squeeze %swap3A_895 : memref<1x32768xf32, #tpu.memory_space<vmem>> -> memref<32768xf32, #tpu.memory_space<vmem>>
        %swap3A_897 = arith.index_cast %add3A_893 : i32 to index
        %swap3A_898 = tpu.vector_load %swap3A_896[%swap3A_897] {strides = array<i32>} : memref<32768xf32, #tpu.memory_space<vmem>>, vector<16xf32>,
        tpu.vector_store %swap3A_896[%swap3A_897], %mul3A_891 {strides = array<i32>} : memref<32768xf32, #tpu.memory_space<vmem>>, vector<16xf32>,
        %shift_left3A_899 = arith.constant 16 : i32
        %shift_left3A_900 = vector.broadcast %shift_left3A_899 : i32 to vector<16xi32>
        %shift_left3A_901 = arith.shli %gather3A_883, %shift_left3A_900 : vector<16xi32>
        %shift_right_arithmetic3A_902 = arith.constant 24 : i32
        %shift_right_arithmetic3A_903 = vector.broadcast %shift_right_arithmetic3A_902 : i32 to vector<16xi32>
        %shift_right_arithmetic3A_904 = arith.shrsi %shift_left3A_901, %shift_right_arithmetic3A_903 : vector<16xi32>
        %convert_element_type3A_905 = arith.sitofp %shift_right_arithmetic3A_904 : vector<16xi32> to vector<16xf32>
        %mul3A_906 = arith.mulf %convert_element_type3A_905, %get3A_648 : vector<16xf32>
        %add3A_907 = arith.constant 4736 : i32
        %add3A_908 = arith.addi %add3A_691, %add3A_907 : i32
        %swap3A_909 = arith.constant 0 : i32
        %swap3A_910 = tpu.memref_slice %arg9[%scan3A_473, %swap3A_909] : memref<2x32768xf32, #tpu.memory_space<vmem>> -> memref<1x32768xf32, #tpu.memory_space<vmem>>
        %swap3A_911 = tpu.memref_squeeze %swap3A_910 : memref<1x32768xf32, #tpu.memory_space<vmem>> -> memref<32768xf32, #tpu.memory_space<vmem>>
        %swap3A_912 = arith.index_cast %add3A_908 : i32 to index
        %swap3A_913 = tpu.vector_load %swap3A_911[%swap3A_912] {strides = array<i32>} : memref<32768xf32, #tpu.memory_space<vmem>>, vector<16xf32>,
        tpu.vector_store %swap3A_911[%swap3A_912], %mul3A_906 {strides = array<i32>} : memref<32768xf32, #tpu.memory_space<vmem>>, vector<16xf32>,
        %shift_left3A_914 = arith.constant 8 : i32
        %shift_left3A_915 = vector.broadcast %shift_left3A_914 : i32 to vector<16xi32>
        %shift_left3A_916 = arith.shli %gather3A_883, %shift_left3A_915 : vector<16xi32>
        %shift_right_arithmetic3A_917 = arith.constant 24 : i32
        %shift_right_arithmetic3A_918 = vector.broadcast %shift_right_arithmetic3A_917 : i32 to vector<16xi32>
        %shift_right_arithmetic3A_919 = arith.shrsi %shift_left3A_916, %shift_right_arithmetic3A_918 : vector<16xi32>
        %convert_element_type3A_920 = arith.sitofp %shift_right_arithmetic3A_919 : vector<16xi32> to vector<16xf32>
        %mul3A_921 = arith.mulf %convert_element_type3A_920, %get3A_648 : vector<16xf32>
        %add3A_922 = arith.constant 4864 : i32
        %add3A_923 = arith.addi %add3A_691, %add3A_922 : i32
        %swap3A_924 = arith.constant 0 : i32
        %swap3A_925 = tpu.memref_slice %arg9[%scan3A_473, %swap3A_924] : memref<2x32768xf32, #tpu.memory_space<vmem>> -> memref<1x32768xf32, #tpu.memory_space<vmem>>
        %swap3A_926 = tpu.memref_squeeze %swap3A_925 : memref<1x32768xf32, #tpu.memory_space<vmem>> -> memref<32768xf32, #tpu.memory_space<vmem>>
        %swap3A_927 = arith.index_cast %add3A_923 : i32 to index
        %swap3A_928 = tpu.vector_load %swap3A_926[%swap3A_927] {strides = array<i32>} : memref<32768xf32, #tpu.memory_space<vmem>>, vector<16xf32>,
        tpu.vector_store %swap3A_926[%swap3A_927], %mul3A_921 {strides = array<i32>} : memref<32768xf32, #tpu.memory_space<vmem>>, vector<16xf32>,
        %shift_left3A_929 = arith.constant 0 : i32
        %shift_left3A_930 = vector.broadcast %shift_left3A_929 : i32 to vector<16xi32>
        %shift_left3A_931 = arith.shli %gather3A_883, %shift_left3A_930 : vector<16xi32>
        %shift_right_arithmetic3A_932 = arith.constant 24 : i32
        %shift_right_arithmetic3A_933 = vector.broadcast %shift_right_arithmetic3A_932 : i32 to vector<16xi32>
        %shift_right_arithmetic3A_934 = arith.shrsi %shift_left3A_931, %shift_right_arithmetic3A_933 : vector<16xi32>
        %convert_element_type3A_935 = arith.sitofp %shift_right_arithmetic3A_934 : vector<16xi32> to vector<16xf32>
        %mul3A_936 = arith.mulf %convert_element_type3A_935, %get3A_648 : vector<16xf32>
        %add3A_937 = arith.constant 4992 : i32
        %add3A_938 = arith.addi %add3A_691, %add3A_937 : i32
        %swap3A_939 = arith.constant 0 : i32
        %swap3A_940 = tpu.memref_slice %arg9[%scan3A_473, %swap3A_939] : memref<2x32768xf32, #tpu.memory_space<vmem>> -> memref<1x32768xf32, #tpu.memory_space<vmem>>
        %swap3A_941 = tpu.memref_squeeze %swap3A_940 : memref<1x32768xf32, #tpu.memory_space<vmem>> -> memref<32768xf32, #tpu.memory_space<vmem>>
        %swap3A_942 = arith.index_cast %add3A_938 : i32 to index
        %swap3A_943 = tpu.vector_load %swap3A_941[%swap3A_942] {strides = array<i32>} : memref<32768xf32, #tpu.memory_space<vmem>>, vector<16xf32>,
        tpu.vector_store %swap3A_941[%swap3A_942], %mul3A_936 {strides = array<i32>} : memref<32768xf32, #tpu.memory_space<vmem>>, vector<16xf32>,
        %add3A_944 = arith.constant 4 : i32
        %add3A_945 = vector.broadcast %add3A_944 : i32 to vector<16xi32>
        %add3A_946 = arith.addi %mul3A_655, %add3A_945 : vector<16xi32>
        %gather3A_947 = tpu.vector_load_idx %arg10[%add3A_946] : memref<8704xi32, #tpu.memory_space<vmem>>[vector<16xi32>], vector<16xi32>,
        %shift_left3A_948 = arith.constant 24 : i32
        %shift_left3A_949 = vector.broadcast %shift_left3A_948 : i32 to vector<16xi32>
        %shift_left3A_950 = arith.shli %gather3A_947, %shift_left3A_949 : vector<16xi32>
        %shift_right_arithmetic3A_951 = arith.constant 24 : i32
        %shift_right_arithmetic3A_952 = vector.broadcast %shift_right_arithmetic3A_951 : i32 to vector<16xi32>
        %shift_right_arithmetic3A_953 = arith.shrsi %shift_left3A_950, %shift_right_arithmetic3A_952 : vector<16xi32>
        %convert_element_type3A_954 = arith.sitofp %shift_right_arithmetic3A_953 : vector<16xi32> to vector<16xf32>
        %mul3A_955 = arith.mulf %convert_element_type3A_954, %get3A_648 : vector<16xf32>
        %add3A_956 = arith.constant 8192 : i32
        %add3A_957 = arith.addi %add3A_691, %add3A_956 : i32
        %swap3A_958 = arith.constant 0 : i32
        %swap3A_959 = tpu.memref_slice %arg9[%scan3A_473, %swap3A_958] : memref<2x32768xf32, #tpu.memory_space<vmem>> -> memref<1x32768xf32, #tpu.memory_space<vmem>>
        %swap3A_960 = tpu.memref_squeeze %swap3A_959 : memref<1x32768xf32, #tpu.memory_space<vmem>> -> memref<32768xf32, #tpu.memory_space<vmem>>
        %swap3A_961 = arith.index_cast %add3A_957 : i32 to index
        %swap3A_962 = tpu.vector_load %swap3A_960[%swap3A_961] {strides = array<i32>} : memref<32768xf32, #tpu.memory_space<vmem>>, vector<16xf32>,
        tpu.vector_store %swap3A_960[%swap3A_961], %mul3A_955 {strides = array<i32>} : memref<32768xf32, #tpu.memory_space<vmem>>, vector<16xf32>,
        %shift_left3A_963 = arith.constant 16 : i32
        %shift_left3A_964 = vector.broadcast %shift_left3A_963 : i32 to vector<16xi32>
        %shift_left3A_965 = arith.shli %gather3A_947, %shift_left3A_964 : vector<16xi32>
        %shift_right_arithmetic3A_966 = arith.constant 24 : i32
        %shift_right_arithmetic3A_967 = vector.broadcast %shift_right_arithmetic3A_966 : i32 to vector<16xi32>
        %shift_right_arithmetic3A_968 = arith.shrsi %shift_left3A_965, %shift_right_arithmetic3A_967 : vector<16xi32>
        %convert_element_type3A_969 = arith.sitofp %shift_right_arithmetic3A_968 : vector<16xi32> to vector<16xf32>
        %mul3A_970 = arith.mulf %convert_element_type3A_969, %get3A_648 : vector<16xf32>
        %add3A_971 = arith.constant 8320 : i32
        %add3A_972 = arith.addi %add3A_691, %add3A_971 : i32
        %swap3A_973 = arith.constant 0 : i32
        %swap3A_974 = tpu.memref_slice %arg9[%scan3A_473, %swap3A_973] : memref<2x32768xf32, #tpu.memory_space<vmem>> -> memref<1x32768xf32, #tpu.memory_space<vmem>>
        %swap3A_975 = tpu.memref_squeeze %swap3A_974 : memref<1x32768xf32, #tpu.memory_space<vmem>> -> memref<32768xf32, #tpu.memory_space<vmem>>
        %swap3A_976 = arith.index_cast %add3A_972 : i32 to index
        %swap3A_977 = tpu.vector_load %swap3A_975[%swap3A_976] {strides = array<i32>} : memref<32768xf32, #tpu.memory_space<vmem>>, vector<16xf32>,
        tpu.vector_store %swap3A_975[%swap3A_976], %mul3A_970 {strides = array<i32>} : memref<32768xf32, #tpu.memory_space<vmem>>, vector<16xf32>,
        %shift_left3A_978 = arith.constant 8 : i32
        %shift_left3A_979 = vector.broadcast %shift_left3A_978 : i32 to vector<16xi32>
        %shift_left3A_980 = arith.shli %gather3A_947, %shift_left3A_979 : vector<16xi32>
        %shift_right_arithmetic3A_981 = arith.constant 24 : i32
        %shift_right_arithmetic3A_982 = vector.broadcast %shift_right_arithmetic3A_981 : i32 to vector<16xi32>
        %shift_right_arithmetic3A_983 = arith.shrsi %shift_left3A_980, %shift_right_arithmetic3A_982 : vector<16xi32>
        %convert_element_type3A_984 = arith.sitofp %shift_right_arithmetic3A_983 : vector<16xi32> to vector<16xf32>
        %mul3A_985 = arith.mulf %convert_element_type3A_984, %get3A_648 : vector<16xf32>
        %add3A_986 = arith.constant 8448 : i32
        %add3A_987 = arith.addi %add3A_691, %add3A_986 : i32
        %swap3A_988 = arith.constant 0 : i32
        %swap3A_989 = tpu.memref_slice %arg9[%scan3A_473, %swap3A_988] : memref<2x32768xf32, #tpu.memory_space<vmem>> -> memref<1x32768xf32, #tpu.memory_space<vmem>>
        %swap3A_990 = tpu.memref_squeeze %swap3A_989 : memref<1x32768xf32, #tpu.memory_space<vmem>> -> memref<32768xf32, #tpu.memory_space<vmem>>
        %swap3A_991 = arith.index_cast %add3A_987 : i32 to index
        %swap3A_992 = tpu.vector_load %swap3A_990[%swap3A_991] {strides = array<i32>} : memref<32768xf32, #tpu.memory_space<vmem>>, vector<16xf32>,
        tpu.vector_store %swap3A_990[%swap3A_991], %mul3A_985 {strides = array<i32>} : memref<32768xf32, #tpu.memory_space<vmem>>, vector<16xf32>,
        %shift_left3A_993 = arith.constant 0 : i32
        %shift_left3A_994 = vector.broadcast %shift_left3A_993 : i32 to vector<16xi32>
        %shift_left3A_995 = arith.shli %gather3A_947, %shift_left3A_994 : vector<16xi32>
        %shift_right_arithmetic3A_996 = arith.constant 24 : i32
        %shift_right_arithmetic3A_997 = vector.broadcast %shift_right_arithmetic3A_996 : i32 to vector<16xi32>
        %shift_right_arithmetic3A_998 = arith.shrsi %shift_left3A_995, %shift_right_arithmetic3A_997 : vector<16xi32>
        %convert_element_type3A_999 = arith.sitofp %shift_right_arithmetic3A_998 : vector<16xi32> to vector<16xf32>
        %mul3A_1000 = arith.mulf %convert_element_type3A_999, %get3A_648 : vector<16xf32>
        %add3A_1001 = arith.constant 8576 : i32
        %add3A_1002 = arith.addi %add3A_691, %add3A_1001 : i32
        %swap3A_1003 = arith.constant 0 : i32
        %swap3A_1004 = tpu.memref_slice %arg9[%scan3A_473, %swap3A_1003] : memref<2x32768xf32, #tpu.memory_space<vmem>> -> memref<1x32768xf32, #tpu.memory_space<vmem>>
        %swap3A_1005 = tpu.memref_squeeze %swap3A_1004 : memref<1x32768xf32, #tpu.memory_space<vmem>> -> memref<32768xf32, #tpu.memory_space<vmem>>
        %swap3A_1006 = arith.index_cast %add3A_1002 : i32 to index
        %swap3A_1007 = tpu.vector_load %swap3A_1005[%swap3A_1006] {strides = array<i32>} : memref<32768xf32, #tpu.memory_space<vmem>>, vector<16xf32>,
        tpu.vector_store %swap3A_1005[%swap3A_1006], %mul3A_1000 {strides = array<i32>} : memref<32768xf32, #tpu.memory_space<vmem>>, vector<16xf32>,
        %add3A_1008 = arith.constant 5 : i32
        %add3A_1009 = vector.broadcast %add3A_1008 : i32 to vector<16xi32>
        %add3A_1010 = arith.addi %mul3A_655, %add3A_1009 : vector<16xi32>
        %gather3A_1011 = tpu.vector_load_idx %arg10[%add3A_1010] : memref<8704xi32, #tpu.memory_space<vmem>>[vector<16xi32>], vector<16xi32>,
        %shift_left3A_1012 = arith.constant 24 : i32
        %shift_left3A_1013 = vector.broadcast %shift_left3A_1012 : i32 to vector<16xi32>
        %shift_left3A_1014 = arith.shli %gather3A_1011, %shift_left3A_1013 : vector<16xi32>
        %shift_right_arithmetic3A_1015 = arith.constant 24 : i32
        %shift_right_arithmetic3A_1016 = vector.broadcast %shift_right_arithmetic3A_1015 : i32 to vector<16xi32>
        %shift_right_arithmetic3A_1017 = arith.shrsi %shift_left3A_1014, %shift_right_arithmetic3A_1016 : vector<16xi32>
        %convert_element_type3A_1018 = arith.sitofp %shift_right_arithmetic3A_1017 : vector<16xi32> to vector<16xf32>
        %mul3A_1019 = arith.mulf %convert_element_type3A_1018, %get3A_648 : vector<16xf32>
        %add3A_1020 = arith.constant 8704 : i32
        %add3A_1021 = arith.addi %add3A_691, %add3A_1020 : i32
        %swap3A_1022 = arith.constant 0 : i32
        %swap3A_1023 = tpu.memref_slice %arg9[%scan3A_473, %swap3A_1022] : memref<2x32768xf32, #tpu.memory_space<vmem>> -> memref<1x32768xf32, #tpu.memory_space<vmem>>
        %swap3A_1024 = tpu.memref_squeeze %swap3A_1023 : memref<1x32768xf32, #tpu.memory_space<vmem>> -> memref<32768xf32, #tpu.memory_space<vmem>>
        %swap3A_1025 = arith.index_cast %add3A_1021 : i32 to index
        %swap3A_1026 = tpu.vector_load %swap3A_1024[%swap3A_1025] {strides = array<i32>} : memref<32768xf32, #tpu.memory_space<vmem>>, vector<16xf32>,
        tpu.vector_store %swap3A_1024[%swap3A_1025], %mul3A_1019 {strides = array<i32>} : memref<32768xf32, #tpu.memory_space<vmem>>, vector<16xf32>,
        %shift_left3A_1027 = arith.constant 16 : i32
        %shift_left3A_1028 = vector.broadcast %shift_left3A_1027 : i32 to vector<16xi32>
        %shift_left3A_1029 = arith.shli %gather3A_1011, %shift_left3A_1028 : vector<16xi32>
        %shift_right_arithmetic3A_1030 = arith.constant 24 : i32
        %shift_right_arithmetic3A_1031 = vector.broadcast %shift_right_arithmetic3A_1030 : i32 to vector<16xi32>
        %shift_right_arithmetic3A_1032 = arith.shrsi %shift_left3A_1029, %shift_right_arithmetic3A_1031 : vector<16xi32>
        %convert_element_type3A_1033 = arith.sitofp %shift_right_arithmetic3A_1032 : vector<16xi32> to vector<16xf32>
        %mul3A_1034 = arith.mulf %convert_element_type3A_1033, %get3A_648 : vector<16xf32>
        %add3A_1035 = arith.constant 8832 : i32
        %add3A_1036 = arith.addi %add3A_691, %add3A_1035 : i32
        %swap3A_1037 = arith.constant 0 : i32
        %swap3A_1038 = tpu.memref_slice %arg9[%scan3A_473, %swap3A_1037] : memref<2x32768xf32, #tpu.memory_space<vmem>> -> memref<1x32768xf32, #tpu.memory_space<vmem>>
        %swap3A_1039 = tpu.memref_squeeze %swap3A_1038 : memref<1x32768xf32, #tpu.memory_space<vmem>> -> memref<32768xf32, #tpu.memory_space<vmem>>
        %swap3A_1040 = arith.index_cast %add3A_1036 : i32 to index
        %swap3A_1041 = tpu.vector_load %swap3A_1039[%swap3A_1040] {strides = array<i32>} : memref<32768xf32, #tpu.memory_space<vmem>>, vector<16xf32>,
        tpu.vector_store %swap3A_1039[%swap3A_1040], %mul3A_1034 {strides = array<i32>} : memref<32768xf32, #tpu.memory_space<vmem>>, vector<16xf32>,
        %shift_left3A_1042 = arith.constant 8 : i32
        %shift_left3A_1043 = vector.broadcast %shift_left3A_1042 : i32 to vector<16xi32>
        %shift_left3A_1044 = arith.shli %gather3A_1011, %shift_left3A_1043 : vector<16xi32>
        %shift_right_arithmetic3A_1045 = arith.constant 24 : i32
        %shift_right_arithmetic3A_1046 = vector.broadcast %shift_right_arithmetic3A_1045 : i32 to vector<16xi32>
        %shift_right_arithmetic3A_1047 = arith.shrsi %shift_left3A_1044, %shift_right_arithmetic3A_1046 : vector<16xi32>
        %convert_element_type3A_1048 = arith.sitofp %shift_right_arithmetic3A_1047 : vector<16xi32> to vector<16xf32>
        %mul3A_1049 = arith.mulf %convert_element_type3A_1048, %get3A_648 : vector<16xf32>
        %add3A_1050 = arith.constant 8960 : i32
        %add3A_1051 = arith.addi %add3A_691, %add3A_1050 : i32
        %swap3A_1052 = arith.constant 0 : i32
        %swap3A_1053 = tpu.memref_slice %arg9[%scan3A_473, %swap3A_1052] : memref<2x32768xf32, #tpu.memory_space<vmem>> -> memref<1x32768xf32, #tpu.memory_space<vmem>>
        %swap3A_1054 = tpu.memref_squeeze %swap3A_1053 : memref<1x32768xf32, #tpu.memory_space<vmem>> -> memref<32768xf32, #tpu.memory_space<vmem>>
        %swap3A_1055 = arith.index_cast %add3A_1051 : i32 to index
        %swap3A_1056 = tpu.vector_load %swap3A_1054[%swap3A_1055] {strides = array<i32>} : memref<32768xf32, #tpu.memory_space<vmem>>, vector<16xf32>,
        tpu.vector_store %swap3A_1054[%swap3A_1055], %mul3A_1049 {strides = array<i32>} : memref<32768xf32, #tpu.memory_space<vmem>>, vector<16xf32>,
        %shift_left3A_1057 = arith.constant 0 : i32
        %shift_left3A_1058 = vector.broadcast %shift_left3A_1057 : i32 to vector<16xi32>
        %shift_left3A_1059 = arith.shli %gather3A_1011, %shift_left3A_1058 : vector<16xi32>
        %shift_right_arithmetic3A_1060 = arith.constant 24 : i32
        %shift_right_arithmetic3A_1061 = vector.broadcast %shift_right_arithmetic3A_1060 : i32 to vector<16xi32>
        %shift_right_arithmetic3A_1062 = arith.shrsi %shift_left3A_1059, %shift_right_arithmetic3A_1061 : vector<16xi32>
        %convert_element_type3A_1063 = arith.sitofp %shift_right_arithmetic3A_1062 : vector<16xi32> to vector<16xf32>
        %mul3A_1064 = arith.mulf %convert_element_type3A_1063, %get3A_648 : vector<16xf32>
        %add3A_1065 = arith.constant 9088 : i32
        %add3A_1066 = arith.addi %add3A_691, %add3A_1065 : i32
        %swap3A_1067 = arith.constant 0 : i32
        %swap3A_1068 = tpu.memref_slice %arg9[%scan3A_473, %swap3A_1067] : memref<2x32768xf32, #tpu.memory_space<vmem>> -> memref<1x32768xf32, #tpu.memory_space<vmem>>
        %swap3A_1069 = tpu.memref_squeeze %swap3A_1068 : memref<1x32768xf32, #tpu.memory_space<vmem>> -> memref<32768xf32, #tpu.memory_space<vmem>>
        %swap3A_1070 = arith.index_cast %add3A_1066 : i32 to index
        %swap3A_1071 = tpu.vector_load %swap3A_1069[%swap3A_1070] {strides = array<i32>} : memref<32768xf32, #tpu.memory_space<vmem>>, vector<16xf32>,
        tpu.vector_store %swap3A_1069[%swap3A_1070], %mul3A_1064 {strides = array<i32>} : memref<32768xf32, #tpu.memory_space<vmem>>, vector<16xf32>,
        %add3A_1072 = arith.constant 6 : i32
        %add3A_1073 = vector.broadcast %add3A_1072 : i32 to vector<16xi32>
        %add3A_1074 = arith.addi %mul3A_655, %add3A_1073 : vector<16xi32>
        %gather3A_1075 = tpu.vector_load_idx %arg10[%add3A_1074] : memref<8704xi32, #tpu.memory_space<vmem>>[vector<16xi32>], vector<16xi32>,
        %shift_left3A_1076 = arith.constant 24 : i32
        %shift_left3A_1077 = vector.broadcast %shift_left3A_1076 : i32 to vector<16xi32>
        %shift_left3A_1078 = arith.shli %gather3A_1075, %shift_left3A_1077 : vector<16xi32>
        %shift_right_arithmetic3A_1079 = arith.constant 24 : i32
        %shift_right_arithmetic3A_1080 = vector.broadcast %shift_right_arithmetic3A_1079 : i32 to vector<16xi32>
        %shift_right_arithmetic3A_1081 = arith.shrsi %shift_left3A_1078, %shift_right_arithmetic3A_1080 : vector<16xi32>
        %convert_element_type3A_1082 = arith.sitofp %shift_right_arithmetic3A_1081 : vector<16xi32> to vector<16xf32>
        %mul3A_1083 = arith.mulf %convert_element_type3A_1082, %get3A_648 : vector<16xf32>
        %add3A_1084 = arith.constant 12288 : i32
        %add3A_1085 = arith.addi %add3A_691, %add3A_1084 : i32
        %swap3A_1086 = arith.constant 0 : i32
        %swap3A_1087 = tpu.memref_slice %arg9[%scan3A_473, %swap3A_1086] : memref<2x32768xf32, #tpu.memory_space<vmem>> -> memref<1x32768xf32, #tpu.memory_space<vmem>>
        %swap3A_1088 = tpu.memref_squeeze %swap3A_1087 : memref<1x32768xf32, #tpu.memory_space<vmem>> -> memref<32768xf32, #tpu.memory_space<vmem>>
        %swap3A_1089 = arith.index_cast %add3A_1085 : i32 to index
        %swap3A_1090 = tpu.vector_load %swap3A_1088[%swap3A_1089] {strides = array<i32>} : memref<32768xf32, #tpu.memory_space<vmem>>, vector<16xf32>,
        tpu.vector_store %swap3A_1088[%swap3A_1089], %mul3A_1083 {strides = array<i32>} : memref<32768xf32, #tpu.memory_space<vmem>>, vector<16xf32>,
        %shift_left3A_1091 = arith.constant 16 : i32
        %shift_left3A_1092 = vector.broadcast %shift_left3A_1091 : i32 to vector<16xi32>
        %shift_left3A_1093 = arith.shli %gather3A_1075, %shift_left3A_1092 : vector<16xi32>
        %shift_right_arithmetic3A_1094 = arith.constant 24 : i32
        %shift_right_arithmetic3A_1095 = vector.broadcast %shift_right_arithmetic3A_1094 : i32 to vector<16xi32>
        %shift_right_arithmetic3A_1096 = arith.shrsi %shift_left3A_1093, %shift_right_arithmetic3A_1095 : vector<16xi32>
        %convert_element_type3A_1097 = arith.sitofp %shift_right_arithmetic3A_1096 : vector<16xi32> to vector<16xf32>
        %mul3A_1098 = arith.mulf %convert_element_type3A_1097, %get3A_648 : vector<16xf32>
        %add3A_1099 = arith.constant 12416 : i32
        %add3A_1100 = arith.addi %add3A_691, %add3A_1099 : i32
        %swap3A_1101 = arith.constant 0 : i32
        %swap3A_1102 = tpu.memref_slice %arg9[%scan3A_473, %swap3A_1101] : memref<2x32768xf32, #tpu.memory_space<vmem>> -> memref<1x32768xf32, #tpu.memory_space<vmem>>
        %swap3A_1103 = tpu.memref_squeeze %swap3A_1102 : memref<1x32768xf32, #tpu.memory_space<vmem>> -> memref<32768xf32, #tpu.memory_space<vmem>>
        %swap3A_1104 = arith.index_cast %add3A_1100 : i32 to index
        %swap3A_1105 = tpu.vector_load %swap3A_1103[%swap3A_1104] {strides = array<i32>} : memref<32768xf32, #tpu.memory_space<vmem>>, vector<16xf32>,
        tpu.vector_store %swap3A_1103[%swap3A_1104], %mul3A_1098 {strides = array<i32>} : memref<32768xf32, #tpu.memory_space<vmem>>, vector<16xf32>,
        %shift_left3A_1106 = arith.constant 8 : i32
        %shift_left3A_1107 = vector.broadcast %shift_left3A_1106 : i32 to vector<16xi32>
        %shift_left3A_1108 = arith.shli %gather3A_1075, %shift_left3A_1107 : vector<16xi32>
        %shift_right_arithmetic3A_1109 = arith.constant 24 : i32
        %shift_right_arithmetic3A_1110 = vector.broadcast %shift_right_arithmetic3A_1109 : i32 to vector<16xi32>
        %shift_right_arithmetic3A_1111 = arith.shrsi %shift_left3A_1108, %shift_right_arithmetic3A_1110 : vector<16xi32>
        %convert_element_type3A_1112 = arith.sitofp %shift_right_arithmetic3A_1111 : vector<16xi32> to vector<16xf32>
        %mul3A_1113 = arith.mulf %convert_element_type3A_1112, %get3A_648 : vector<16xf32>
        %add3A_1114 = arith.constant 12544 : i32
        %add3A_1115 = arith.addi %add3A_691, %add3A_1114 : i32
        %swap3A_1116 = arith.constant 0 : i32
        %swap3A_1117 = tpu.memref_slice %arg9[%scan3A_473, %swap3A_1116] : memref<2x32768xf32, #tpu.memory_space<vmem>> -> memref<1x32768xf32, #tpu.memory_space<vmem>>
        %swap3A_1118 = tpu.memref_squeeze %swap3A_1117 : memref<1x32768xf32, #tpu.memory_space<vmem>> -> memref<32768xf32, #tpu.memory_space<vmem>>
        %swap3A_1119 = arith.index_cast %add3A_1115 : i32 to index
        %swap3A_1120 = tpu.vector_load %swap3A_1118[%swap3A_1119] {strides = array<i32>} : memref<32768xf32, #tpu.memory_space<vmem>>, vector<16xf32>,
        tpu.vector_store %swap3A_1118[%swap3A_1119], %mul3A_1113 {strides = array<i32>} : memref<32768xf32, #tpu.memory_space<vmem>>, vector<16xf32>,
        %shift_left3A_1121 = arith.constant 0 : i32
        %shift_left3A_1122 = vector.broadcast %shift_left3A_1121 : i32 to vector<16xi32>
        %shift_left3A_1123 = arith.shli %gather3A_1075, %shift_left3A_1122 : vector<16xi32>
        %shift_right_arithmetic3A_1124 = arith.constant 24 : i32
        %shift_right_arithmetic3A_1125 = vector.broadcast %shift_right_arithmetic3A_1124 : i32 to vector<16xi32>
        %shift_right_arithmetic3A_1126 = arith.shrsi %shift_left3A_1123, %shift_right_arithmetic3A_1125 : vector<16xi32>
        %convert_element_type3A_1127 = arith.sitofp %shift_right_arithmetic3A_1126 : vector<16xi32> to vector<16xf32>
        %mul3A_1128 = arith.mulf %convert_element_type3A_1127, %get3A_648 : vector<16xf32>
        %add3A_1129 = arith.constant 12672 : i32
        %add3A_1130 = arith.addi %add3A_691, %add3A_1129 : i32
        %swap3A_1131 = arith.constant 0 : i32
        %swap3A_1132 = tpu.memref_slice %arg9[%scan3A_473, %swap3A_1131] : memref<2x32768xf32, #tpu.memory_space<vmem>> -> memref<1x32768xf32, #tpu.memory_space<vmem>>
        %swap3A_1133 = tpu.memref_squeeze %swap3A_1132 : memref<1x32768xf32, #tpu.memory_space<vmem>> -> memref<32768xf32, #tpu.memory_space<vmem>>
        %swap3A_1134 = arith.index_cast %add3A_1130 : i32 to index
        %swap3A_1135 = tpu.vector_load %swap3A_1133[%swap3A_1134] {strides = array<i32>} : memref<32768xf32, #tpu.memory_space<vmem>>, vector<16xf32>,
        tpu.vector_store %swap3A_1133[%swap3A_1134], %mul3A_1128 {strides = array<i32>} : memref<32768xf32, #tpu.memory_space<vmem>>, vector<16xf32>,
        %add3A_1136 = arith.constant 7 : i32
        %add3A_1137 = vector.broadcast %add3A_1136 : i32 to vector<16xi32>
        %add3A_1138 = arith.addi %mul3A_655, %add3A_1137 : vector<16xi32>
        %gather3A_1139 = tpu.vector_load_idx %arg10[%add3A_1138] : memref<8704xi32, #tpu.memory_space<vmem>>[vector<16xi32>], vector<16xi32>,
        %shift_left3A_1140 = arith.constant 24 : i32
        %shift_left3A_1141 = vector.broadcast %shift_left3A_1140 : i32 to vector<16xi32>
        %shift_left3A_1142 = arith.shli %gather3A_1139, %shift_left3A_1141 : vector<16xi32>
        %shift_right_arithmetic3A_1143 = arith.constant 24 : i32
        %shift_right_arithmetic3A_1144 = vector.broadcast %shift_right_arithmetic3A_1143 : i32 to vector<16xi32>
        %shift_right_arithmetic3A_1145 = arith.shrsi %shift_left3A_1142, %shift_right_arithmetic3A_1144 : vector<16xi32>
        %convert_element_type3A_1146 = arith.sitofp %shift_right_arithmetic3A_1145 : vector<16xi32> to vector<16xf32>
        %mul3A_1147 = arith.mulf %convert_element_type3A_1146, %get3A_648 : vector<16xf32>
        %add3A_1148 = arith.constant 12800 : i32
        %add3A_1149 = arith.addi %add3A_691, %add3A_1148 : i32
        %swap3A_1150 = arith.constant 0 : i32
        %swap3A_1151 = tpu.memref_slice %arg9[%scan3A_473, %swap3A_1150] : memref<2x32768xf32, #tpu.memory_space<vmem>> -> memref<1x32768xf32, #tpu.memory_space<vmem>>
        %swap3A_1152 = tpu.memref_squeeze %swap3A_1151 : memref<1x32768xf32, #tpu.memory_space<vmem>> -> memref<32768xf32, #tpu.memory_space<vmem>>
        %swap3A_1153 = arith.index_cast %add3A_1149 : i32 to index
        %swap3A_1154 = tpu.vector_load %swap3A_1152[%swap3A_1153] {strides = array<i32>} : memref<32768xf32, #tpu.memory_space<vmem>>, vector<16xf32>,
        tpu.vector_store %swap3A_1152[%swap3A_1153], %mul3A_1147 {strides = array<i32>} : memref<32768xf32, #tpu.memory_space<vmem>>, vector<16xf32>,
        %shift_left3A_1155 = arith.constant 16 : i32
        %shift_left3A_1156 = vector.broadcast %shift_left3A_1155 : i32 to vector<16xi32>
        %shift_left3A_1157 = arith.shli %gather3A_1139, %shift_left3A_1156 : vector<16xi32>
        %shift_right_arithmetic3A_1158 = arith.constant 24 : i32
        %shift_right_arithmetic3A_1159 = vector.broadcast %shift_right_arithmetic3A_1158 : i32 to vector<16xi32>
        %shift_right_arithmetic3A_1160 = arith.shrsi %shift_left3A_1157, %shift_right_arithmetic3A_1159 : vector<16xi32>
        %convert_element_type3A_1161 = arith.sitofp %shift_right_arithmetic3A_1160 : vector<16xi32> to vector<16xf32>
        %mul3A_1162 = arith.mulf %convert_element_type3A_1161, %get3A_648 : vector<16xf32>
        %add3A_1163 = arith.constant 12928 : i32
        %add3A_1164 = arith.addi %add3A_691, %add3A_1163 : i32
        %swap3A_1165 = arith.constant 0 : i32
        %swap3A_1166 = tpu.memref_slice %arg9[%scan3A_473, %swap3A_1165] : memref<2x32768xf32, #tpu.memory_space<vmem>> -> memref<1x32768xf32, #tpu.memory_space<vmem>>
        %swap3A_1167 = tpu.memref_squeeze %swap3A_1166 : memref<1x32768xf32, #tpu.memory_space<vmem>> -> memref<32768xf32, #tpu.memory_space<vmem>>
        %swap3A_1168 = arith.index_cast %add3A_1164 : i32 to index
        %swap3A_1169 = tpu.vector_load %swap3A_1167[%swap3A_1168] {strides = array<i32>} : memref<32768xf32, #tpu.memory_space<vmem>>, vector<16xf32>,
        tpu.vector_store %swap3A_1167[%swap3A_1168], %mul3A_1162 {strides = array<i32>} : memref<32768xf32, #tpu.memory_space<vmem>>, vector<16xf32>,
        %shift_left3A_1170 = arith.constant 8 : i32
        %shift_left3A_1171 = vector.broadcast %shift_left3A_1170 : i32 to vector<16xi32>
        %shift_left3A_1172 = arith.shli %gather3A_1139, %shift_left3A_1171 : vector<16xi32>
        %shift_right_arithmetic3A_1173 = arith.constant 24 : i32
        %shift_right_arithmetic3A_1174 = vector.broadcast %shift_right_arithmetic3A_1173 : i32 to vector<16xi32>
        %shift_right_arithmetic3A_1175 = arith.shrsi %shift_left3A_1172, %shift_right_arithmetic3A_1174 : vector<16xi32>
        %convert_element_type3A_1176 = arith.sitofp %shift_right_arithmetic3A_1175 : vector<16xi32> to vector<16xf32>
        %mul3A_1177 = arith.mulf %convert_element_type3A_1176, %get3A_648 : vector<16xf32>
        %add3A_1178 = arith.constant 13056 : i32
        %add3A_1179 = arith.addi %add3A_691, %add3A_1178 : i32
        %swap3A_1180 = arith.constant 0 : i32
        %swap3A_1181 = tpu.memref_slice %arg9[%scan3A_473, %swap3A_1180] : memref<2x32768xf32, #tpu.memory_space<vmem>> -> memref<1x32768xf32, #tpu.memory_space<vmem>>
        %swap3A_1182 = tpu.memref_squeeze %swap3A_1181 : memref<1x32768xf32, #tpu.memory_space<vmem>> -> memref<32768xf32, #tpu.memory_space<vmem>>
        %swap3A_1183 = arith.index_cast %add3A_1179 : i32 to index
        %swap3A_1184 = tpu.vector_load %swap3A_1182[%swap3A_1183] {strides = array<i32>} : memref<32768xf32, #tpu.memory_space<vmem>>, vector<16xf32>,
        tpu.vector_store %swap3A_1182[%swap3A_1183], %mul3A_1177 {strides = array<i32>} : memref<32768xf32, #tpu.memory_space<vmem>>, vector<16xf32>,
        %shift_left3A_1185 = arith.constant 0 : i32
        %shift_left3A_1186 = vector.broadcast %shift_left3A_1185 : i32 to vector<16xi32>
        %shift_left3A_1187 = arith.shli %gather3A_1139, %shift_left3A_1186 : vector<16xi32>
        %shift_right_arithmetic3A_1188 = arith.constant 24 : i32
        %shift_right_arithmetic3A_1189 = vector.broadcast %shift_right_arithmetic3A_1188 : i32 to vector<16xi32>
        %shift_right_arithmetic3A_1190 = arith.shrsi %shift_left3A_1187, %shift_right_arithmetic3A_1189 : vector<16xi32>
        %convert_element_type3A_1191 = arith.sitofp %shift_right_arithmetic3A_1190 : vector<16xi32> to vector<16xf32>
        %mul3A_1192 = arith.mulf %convert_element_type3A_1191, %get3A_648 : vector<16xf32>
        %add3A_1193 = arith.constant 13184 : i32
        %add3A_1194 = arith.addi %add3A_691, %add3A_1193 : i32
        %swap3A_1195 = arith.constant 0 : i32
        %swap3A_1196 = tpu.memref_slice %arg9[%scan3A_473, %swap3A_1195] : memref<2x32768xf32, #tpu.memory_space<vmem>> -> memref<1x32768xf32, #tpu.memory_space<vmem>>
        %swap3A_1197 = tpu.memref_squeeze %swap3A_1196 : memref<1x32768xf32, #tpu.memory_space<vmem>> -> memref<32768xf32, #tpu.memory_space<vmem>>
        %swap3A_1198 = arith.index_cast %add3A_1194 : i32 to index
        %swap3A_1199 = tpu.vector_load %swap3A_1197[%swap3A_1198] {strides = array<i32>} : memref<32768xf32, #tpu.memory_space<vmem>>, vector<16xf32>,
        tpu.vector_store %swap3A_1197[%swap3A_1198], %mul3A_1192 {strides = array<i32>} : memref<32768xf32, #tpu.memory_space<vmem>>, vector<16xf32>,
        %add3A_1200 = arith.constant 8 : i32
        %add3A_1201 = vector.broadcast %add3A_1200 : i32 to vector<16xi32>
        %add3A_1202 = arith.addi %mul3A_655, %add3A_1201 : vector<16xi32>
        %gather3A_1203 = tpu.vector_load_idx %arg10[%add3A_1202] : memref<8704xi32, #tpu.memory_space<vmem>>[vector<16xi32>], vector<16xi32>,
        %shift_left3A_1204 = arith.constant 24 : i32
        %shift_left3A_1205 = vector.broadcast %shift_left3A_1204 : i32 to vector<16xi32>
        %shift_left3A_1206 = arith.shli %gather3A_1203, %shift_left3A_1205 : vector<16xi32>
        %shift_right_arithmetic3A_1207 = arith.constant 24 : i32
        %shift_right_arithmetic3A_1208 = vector.broadcast %shift_right_arithmetic3A_1207 : i32 to vector<16xi32>
        %shift_right_arithmetic3A_1209 = arith.shrsi %shift_left3A_1206, %shift_right_arithmetic3A_1208 : vector<16xi32>
        %convert_element_type3A_1210 = arith.sitofp %shift_right_arithmetic3A_1209 : vector<16xi32> to vector<16xf32>
        %mul3A_1211 = arith.mulf %convert_element_type3A_1210, %get3A_648 : vector<16xf32>
        %add3A_1212 = arith.constant 16384 : i32
        %add3A_1213 = arith.addi %add3A_691, %add3A_1212 : i32
        %swap3A_1214 = arith.constant 0 : i32
        %swap3A_1215 = tpu.memref_slice %arg9[%scan3A_473, %swap3A_1214] : memref<2x32768xf32, #tpu.memory_space<vmem>> -> memref<1x32768xf32, #tpu.memory_space<vmem>>
        %swap3A_1216 = tpu.memref_squeeze %swap3A_1215 : memref<1x32768xf32, #tpu.memory_space<vmem>> -> memref<32768xf32, #tpu.memory_space<vmem>>
        %swap3A_1217 = arith.index_cast %add3A_1213 : i32 to index
        %swap3A_1218 = tpu.vector_load %swap3A_1216[%swap3A_1217] {strides = array<i32>} : memref<32768xf32, #tpu.memory_space<vmem>>, vector<16xf32>,
        tpu.vector_store %swap3A_1216[%swap3A_1217], %mul3A_1211 {strides = array<i32>} : memref<32768xf32, #tpu.memory_space<vmem>>, vector<16xf32>,
        %shift_left3A_1219 = arith.constant 16 : i32
        %shift_left3A_1220 = vector.broadcast %shift_left3A_1219 : i32 to vector<16xi32>
        %shift_left3A_1221 = arith.shli %gather3A_1203, %shift_left3A_1220 : vector<16xi32>
        %shift_right_arithmetic3A_1222 = arith.constant 24 : i32
        %shift_right_arithmetic3A_1223 = vector.broadcast %shift_right_arithmetic3A_1222 : i32 to vector<16xi32>
        %shift_right_arithmetic3A_1224 = arith.shrsi %shift_left3A_1221, %shift_right_arithmetic3A_1223 : vector<16xi32>
        %convert_element_type3A_1225 = arith.sitofp %shift_right_arithmetic3A_1224 : vector<16xi32> to vector<16xf32>
        %mul3A_1226 = arith.mulf %convert_element_type3A_1225, %get3A_648 : vector<16xf32>
        %add3A_1227 = arith.constant 16512 : i32
        %add3A_1228 = arith.addi %add3A_691, %add3A_1227 : i32
        %swap3A_1229 = arith.constant 0 : i32
        %swap3A_1230 = tpu.memref_slice %arg9[%scan3A_473, %swap3A_1229] : memref<2x32768xf32, #tpu.memory_space<vmem>> -> memref<1x32768xf32, #tpu.memory_space<vmem>>
        %swap3A_1231 = tpu.memref_squeeze %swap3A_1230 : memref<1x32768xf32, #tpu.memory_space<vmem>> -> memref<32768xf32, #tpu.memory_space<vmem>>
        %swap3A_1232 = arith.index_cast %add3A_1228 : i32 to index
        %swap3A_1233 = tpu.vector_load %swap3A_1231[%swap3A_1232] {strides = array<i32>} : memref<32768xf32, #tpu.memory_space<vmem>>, vector<16xf32>,
        tpu.vector_store %swap3A_1231[%swap3A_1232], %mul3A_1226 {strides = array<i32>} : memref<32768xf32, #tpu.memory_space<vmem>>, vector<16xf32>,
        %shift_left3A_1234 = arith.constant 8 : i32
        %shift_left3A_1235 = vector.broadcast %shift_left3A_1234 : i32 to vector<16xi32>
        %shift_left3A_1236 = arith.shli %gather3A_1203, %shift_left3A_1235 : vector<16xi32>
        %shift_right_arithmetic3A_1237 = arith.constant 24 : i32
        %shift_right_arithmetic3A_1238 = vector.broadcast %shift_right_arithmetic3A_1237 : i32 to vector<16xi32>
        %shift_right_arithmetic3A_1239 = arith.shrsi %shift_left3A_1236, %shift_right_arithmetic3A_1238 : vector<16xi32>
        %convert_element_type3A_1240 = arith.sitofp %shift_right_arithmetic3A_1239 : vector<16xi32> to vector<16xf32>
        %mul3A_1241 = arith.mulf %convert_element_type3A_1240, %get3A_648 : vector<16xf32>
        %add3A_1242 = arith.constant 16640 : i32
        %add3A_1243 = arith.addi %add3A_691, %add3A_1242 : i32
        %swap3A_1244 = arith.constant 0 : i32
        %swap3A_1245 = tpu.memref_slice %arg9[%scan3A_473, %swap3A_1244] : memref<2x32768xf32, #tpu.memory_space<vmem>> -> memref<1x32768xf32, #tpu.memory_space<vmem>>
        %swap3A_1246 = tpu.memref_squeeze %swap3A_1245 : memref<1x32768xf32, #tpu.memory_space<vmem>> -> memref<32768xf32, #tpu.memory_space<vmem>>
        %swap3A_1247 = arith.index_cast %add3A_1243 : i32 to index
        %swap3A_1248 = tpu.vector_load %swap3A_1246[%swap3A_1247] {strides = array<i32>} : memref<32768xf32, #tpu.memory_space<vmem>>, vector<16xf32>,
        tpu.vector_store %swap3A_1246[%swap3A_1247], %mul3A_1241 {strides = array<i32>} : memref<32768xf32, #tpu.memory_space<vmem>>, vector<16xf32>,
        %shift_left3A_1249 = arith.constant 0 : i32
        %shift_left3A_1250 = vector.broadcast %shift_left3A_1249 : i32 to vector<16xi32>
        %shift_left3A_1251 = arith.shli %gather3A_1203, %shift_left3A_1250 : vector<16xi32>
        %shift_right_arithmetic3A_1252 = arith.constant 24 : i32
        %shift_right_arithmetic3A_1253 = vector.broadcast %shift_right_arithmetic3A_1252 : i32 to vector<16xi32>
        %shift_right_arithmetic3A_1254 = arith.shrsi %shift_left3A_1251, %shift_right_arithmetic3A_1253 : vector<16xi32>
        %convert_element_type3A_1255 = arith.sitofp %shift_right_arithmetic3A_1254 : vector<16xi32> to vector<16xf32>
        %mul3A_1256 = arith.mulf %convert_element_type3A_1255, %get3A_648 : vector<16xf32>
        %add3A_1257 = arith.constant 16768 : i32
        %add3A_1258 = arith.addi %add3A_691, %add3A_1257 : i32
        %swap3A_1259 = arith.constant 0 : i32
        %swap3A_1260 = tpu.memref_slice %arg9[%scan3A_473, %swap3A_1259] : memref<2x32768xf32, #tpu.memory_space<vmem>> -> memref<1x32768xf32, #tpu.memory_space<vmem>>
        %swap3A_1261 = tpu.memref_squeeze %swap3A_1260 : memref<1x32768xf32, #tpu.memory_space<vmem>> -> memref<32768xf32, #tpu.memory_space<vmem>>
        %swap3A_1262 = arith.index_cast %add3A_1258 : i32 to index
        %swap3A_1263 = tpu.vector_load %swap3A_1261[%swap3A_1262] {strides = array<i32>} : memref<32768xf32, #tpu.memory_space<vmem>>, vector<16xf32>,
        tpu.vector_store %swap3A_1261[%swap3A_1262], %mul3A_1256 {strides = array<i32>} : memref<32768xf32, #tpu.memory_space<vmem>>, vector<16xf32>,
        %add3A_1264 = arith.constant 9 : i32
        %add3A_1265 = vector.broadcast %add3A_1264 : i32 to vector<16xi32>
        %add3A_1266 = arith.addi %mul3A_655, %add3A_1265 : vector<16xi32>
        %gather3A_1267 = tpu.vector_load_idx %arg10[%add3A_1266] : memref<8704xi32, #tpu.memory_space<vmem>>[vector<16xi32>], vector<16xi32>,
        %shift_left3A_1268 = arith.constant 24 : i32
        %shift_left3A_1269 = vector.broadcast %shift_left3A_1268 : i32 to vector<16xi32>
        %shift_left3A_1270 = arith.shli %gather3A_1267, %shift_left3A_1269 : vector<16xi32>
        %shift_right_arithmetic3A_1271 = arith.constant 24 : i32
        %shift_right_arithmetic3A_1272 = vector.broadcast %shift_right_arithmetic3A_1271 : i32 to vector<16xi32>
        %shift_right_arithmetic3A_1273 = arith.shrsi %shift_left3A_1270, %shift_right_arithmetic3A_1272 : vector<16xi32>
        %convert_element_type3A_1274 = arith.sitofp %shift_right_arithmetic3A_1273 : vector<16xi32> to vector<16xf32>
        %mul3A_1275 = arith.mulf %convert_element_type3A_1274, %get3A_648 : vector<16xf32>
        %add3A_1276 = arith.constant 16896 : i32
        %add3A_1277 = arith.addi %add3A_691, %add3A_1276 : i32
        %swap3A_1278 = arith.constant 0 : i32
        %swap3A_1279 = tpu.memref_slice %arg9[%scan3A_473, %swap3A_1278] : memref<2x32768xf32, #tpu.memory_space<vmem>> -> memref<1x32768xf32, #tpu.memory_space<vmem>>
        %swap3A_1280 = tpu.memref_squeeze %swap3A_1279 : memref<1x32768xf32, #tpu.memory_space<vmem>> -> memref<32768xf32, #tpu.memory_space<vmem>>
        %swap3A_1281 = arith.index_cast %add3A_1277 : i32 to index
        %swap3A_1282 = tpu.vector_load %swap3A_1280[%swap3A_1281] {strides = array<i32>} : memref<32768xf32, #tpu.memory_space<vmem>>, vector<16xf32>,
        tpu.vector_store %swap3A_1280[%swap3A_1281], %mul3A_1275 {strides = array<i32>} : memref<32768xf32, #tpu.memory_space<vmem>>, vector<16xf32>,
        %shift_left3A_1283 = arith.constant 16 : i32
        %shift_left3A_1284 = vector.broadcast %shift_left3A_1283 : i32 to vector<16xi32>
        %shift_left3A_1285 = arith.shli %gather3A_1267, %shift_left3A_1284 : vector<16xi32>
        %shift_right_arithmetic3A_1286 = arith.constant 24 : i32
        %shift_right_arithmetic3A_1287 = vector.broadcast %shift_right_arithmetic3A_1286 : i32 to vector<16xi32>
        %shift_right_arithmetic3A_1288 = arith.shrsi %shift_left3A_1285, %shift_right_arithmetic3A_1287 : vector<16xi32>
        %convert_element_type3A_1289 = arith.sitofp %shift_right_arithmetic3A_1288 : vector<16xi32> to vector<16xf32>
        %mul3A_1290 = arith.mulf %convert_element_type3A_1289, %get3A_648 : vector<16xf32>
        %add3A_1291 = arith.constant 17024 : i32
        %add3A_1292 = arith.addi %add3A_691, %add3A_1291 : i32
        %swap3A_1293 = arith.constant 0 : i32
        %swap3A_1294 = tpu.memref_slice %arg9[%scan3A_473, %swap3A_1293] : memref<2x32768xf32, #tpu.memory_space<vmem>> -> memref<1x32768xf32, #tpu.memory_space<vmem>>
        %swap3A_1295 = tpu.memref_squeeze %swap3A_1294 : memref<1x32768xf32, #tpu.memory_space<vmem>> -> memref<32768xf32, #tpu.memory_space<vmem>>
        %swap3A_1296 = arith.index_cast %add3A_1292 : i32 to index
        %swap3A_1297 = tpu.vector_load %swap3A_1295[%swap3A_1296] {strides = array<i32>} : memref<32768xf32, #tpu.memory_space<vmem>>, vector<16xf32>,
        tpu.vector_store %swap3A_1295[%swap3A_1296], %mul3A_1290 {strides = array<i32>} : memref<32768xf32, #tpu.memory_space<vmem>>, vector<16xf32>,
        %shift_left3A_1298 = arith.constant 8 : i32
        %shift_left3A_1299 = vector.broadcast %shift_left3A_1298 : i32 to vector<16xi32>
        %shift_left3A_1300 = arith.shli %gather3A_1267, %shift_left3A_1299 : vector<16xi32>
        %shift_right_arithmetic3A_1301 = arith.constant 24 : i32
        %shift_right_arithmetic3A_1302 = vector.broadcast %shift_right_arithmetic3A_1301 : i32 to vector<16xi32>
        %shift_right_arithmetic3A_1303 = arith.shrsi %shift_left3A_1300, %shift_right_arithmetic3A_1302 : vector<16xi32>
        %convert_element_type3A_1304 = arith.sitofp %shift_right_arithmetic3A_1303 : vector<16xi32> to vector<16xf32>
        %mul3A_1305 = arith.mulf %convert_element_type3A_1304, %get3A_648 : vector<16xf32>
        %add3A_1306 = arith.constant 17152 : i32
        %add3A_1307 = arith.addi %add3A_691, %add3A_1306 : i32
        %swap3A_1308 = arith.constant 0 : i32
        %swap3A_1309 = tpu.memref_slice %arg9[%scan3A_473, %swap3A_1308] : memref<2x32768xf32, #tpu.memory_space<vmem>> -> memref<1x32768xf32, #tpu.memory_space<vmem>>
        %swap3A_1310 = tpu.memref_squeeze %swap3A_1309 : memref<1x32768xf32, #tpu.memory_space<vmem>> -> memref<32768xf32, #tpu.memory_space<vmem>>
        %swap3A_1311 = arith.index_cast %add3A_1307 : i32 to index
        %swap3A_1312 = tpu.vector_load %swap3A_1310[%swap3A_1311] {strides = array<i32>} : memref<32768xf32, #tpu.memory_space<vmem>>, vector<16xf32>,
        tpu.vector_store %swap3A_1310[%swap3A_1311], %mul3A_1305 {strides = array<i32>} : memref<32768xf32, #tpu.memory_space<vmem>>, vector<16xf32>,
        %shift_left3A_1313 = arith.constant 0 : i32
        %shift_left3A_1314 = vector.broadcast %shift_left3A_1313 : i32 to vector<16xi32>
        %shift_left3A_1315 = arith.shli %gather3A_1267, %shift_left3A_1314 : vector<16xi32>
        %shift_right_arithmetic3A_1316 = arith.constant 24 : i32
        %shift_right_arithmetic3A_1317 = vector.broadcast %shift_right_arithmetic3A_1316 : i32 to vector<16xi32>
        %shift_right_arithmetic3A_1318 = arith.shrsi %shift_left3A_1315, %shift_right_arithmetic3A_1317 : vector<16xi32>
        %convert_element_type3A_1319 = arith.sitofp %shift_right_arithmetic3A_1318 : vector<16xi32> to vector<16xf32>
        %mul3A_1320 = arith.mulf %convert_element_type3A_1319, %get3A_648 : vector<16xf32>
        %add3A_1321 = arith.constant 17280 : i32
        %add3A_1322 = arith.addi %add3A_691, %add3A_1321 : i32
        %swap3A_1323 = arith.constant 0 : i32
        %swap3A_1324 = tpu.memref_slice %arg9[%scan3A_473, %swap3A_1323] : memref<2x32768xf32, #tpu.memory_space<vmem>> -> memref<1x32768xf32, #tpu.memory_space<vmem>>
        %swap3A_1325 = tpu.memref_squeeze %swap3A_1324 : memref<1x32768xf32, #tpu.memory_space<vmem>> -> memref<32768xf32, #tpu.memory_space<vmem>>
        %swap3A_1326 = arith.index_cast %add3A_1322 : i32 to index
        %swap3A_1327 = tpu.vector_load %swap3A_1325[%swap3A_1326] {strides = array<i32>} : memref<32768xf32, #tpu.memory_space<vmem>>, vector<16xf32>,
        tpu.vector_store %swap3A_1325[%swap3A_1326], %mul3A_1320 {strides = array<i32>} : memref<32768xf32, #tpu.memory_space<vmem>>, vector<16xf32>,
        %add3A_1328 = arith.constant 10 : i32
        %add3A_1329 = vector.broadcast %add3A_1328 : i32 to vector<16xi32>
        %add3A_1330 = arith.addi %mul3A_655, %add3A_1329 : vector<16xi32>
        %gather3A_1331 = tpu.vector_load_idx %arg10[%add3A_1330] : memref<8704xi32, #tpu.memory_space<vmem>>[vector<16xi32>], vector<16xi32>,
        %shift_left3A_1332 = arith.constant 24 : i32
        %shift_left3A_1333 = vector.broadcast %shift_left3A_1332 : i32 to vector<16xi32>
        %shift_left3A_1334 = arith.shli %gather3A_1331, %shift_left3A_1333 : vector<16xi32>
        %shift_right_arithmetic3A_1335 = arith.constant 24 : i32
        %shift_right_arithmetic3A_1336 = vector.broadcast %shift_right_arithmetic3A_1335 : i32 to vector<16xi32>
        %shift_right_arithmetic3A_1337 = arith.shrsi %shift_left3A_1334, %shift_right_arithmetic3A_1336 : vector<16xi32>
        %convert_element_type3A_1338 = arith.sitofp %shift_right_arithmetic3A_1337 : vector<16xi32> to vector<16xf32>
        %mul3A_1339 = arith.mulf %convert_element_type3A_1338, %get3A_648 : vector<16xf32>
        %add3A_1340 = arith.constant 20480 : i32
        %add3A_1341 = arith.addi %add3A_691, %add3A_1340 : i32
        %swap3A_1342 = arith.constant 0 : i32
        %swap3A_1343 = tpu.memref_slice %arg9[%scan3A_473, %swap3A_1342] : memref<2x32768xf32, #tpu.memory_space<vmem>> -> memref<1x32768xf32, #tpu.memory_space<vmem>>
        %swap3A_1344 = tpu.memref_squeeze %swap3A_1343 : memref<1x32768xf32, #tpu.memory_space<vmem>> -> memref<32768xf32, #tpu.memory_space<vmem>>
        %swap3A_1345 = arith.index_cast %add3A_1341 : i32 to index
        %swap3A_1346 = tpu.vector_load %swap3A_1344[%swap3A_1345] {strides = array<i32>} : memref<32768xf32, #tpu.memory_space<vmem>>, vector<16xf32>,
        tpu.vector_store %swap3A_1344[%swap3A_1345], %mul3A_1339 {strides = array<i32>} : memref<32768xf32, #tpu.memory_space<vmem>>, vector<16xf32>,
        %shift_left3A_1347 = arith.constant 16 : i32
        %shift_left3A_1348 = vector.broadcast %shift_left3A_1347 : i32 to vector<16xi32>
        %shift_left3A_1349 = arith.shli %gather3A_1331, %shift_left3A_1348 : vector<16xi32>
        %shift_right_arithmetic3A_1350 = arith.constant 24 : i32
        %shift_right_arithmetic3A_1351 = vector.broadcast %shift_right_arithmetic3A_1350 : i32 to vector<16xi32>
        %shift_right_arithmetic3A_1352 = arith.shrsi %shift_left3A_1349, %shift_right_arithmetic3A_1351 : vector<16xi32>
        %convert_element_type3A_1353 = arith.sitofp %shift_right_arithmetic3A_1352 : vector<16xi32> to vector<16xf32>
        %mul3A_1354 = arith.mulf %convert_element_type3A_1353, %get3A_648 : vector<16xf32>
        %add3A_1355 = arith.constant 20608 : i32
        %add3A_1356 = arith.addi %add3A_691, %add3A_1355 : i32
        %swap3A_1357 = arith.constant 0 : i32
        %swap3A_1358 = tpu.memref_slice %arg9[%scan3A_473, %swap3A_1357] : memref<2x32768xf32, #tpu.memory_space<vmem>> -> memref<1x32768xf32, #tpu.memory_space<vmem>>
        %swap3A_1359 = tpu.memref_squeeze %swap3A_1358 : memref<1x32768xf32, #tpu.memory_space<vmem>> -> memref<32768xf32, #tpu.memory_space<vmem>>
        %swap3A_1360 = arith.index_cast %add3A_1356 : i32 to index
        %swap3A_1361 = tpu.vector_load %swap3A_1359[%swap3A_1360] {strides = array<i32>} : memref<32768xf32, #tpu.memory_space<vmem>>, vector<16xf32>,
        tpu.vector_store %swap3A_1359[%swap3A_1360], %mul3A_1354 {strides = array<i32>} : memref<32768xf32, #tpu.memory_space<vmem>>, vector<16xf32>,
        %shift_left3A_1362 = arith.constant 8 : i32
        %shift_left3A_1363 = vector.broadcast %shift_left3A_1362 : i32 to vector<16xi32>
        %shift_left3A_1364 = arith.shli %gather3A_1331, %shift_left3A_1363 : vector<16xi32>
        %shift_right_arithmetic3A_1365 = arith.constant 24 : i32
        %shift_right_arithmetic3A_1366 = vector.broadcast %shift_right_arithmetic3A_1365 : i32 to vector<16xi32>
        %shift_right_arithmetic3A_1367 = arith.shrsi %shift_left3A_1364, %shift_right_arithmetic3A_1366 : vector<16xi32>
        %convert_element_type3A_1368 = arith.sitofp %shift_right_arithmetic3A_1367 : vector<16xi32> to vector<16xf32>
        %mul3A_1369 = arith.mulf %convert_element_type3A_1368, %get3A_648 : vector<16xf32>
        %add3A_1370 = arith.constant 20736 : i32
        %add3A_1371 = arith.addi %add3A_691, %add3A_1370 : i32
        %swap3A_1372 = arith.constant 0 : i32
        %swap3A_1373 = tpu.memref_slice %arg9[%scan3A_473, %swap3A_1372] : memref<2x32768xf32, #tpu.memory_space<vmem>> -> memref<1x32768xf32, #tpu.memory_space<vmem>>
        %swap3A_1374 = tpu.memref_squeeze %swap3A_1373 : memref<1x32768xf32, #tpu.memory_space<vmem>> -> memref<32768xf32, #tpu.memory_space<vmem>>
        %swap3A_1375 = arith.index_cast %add3A_1371 : i32 to index
        %swap3A_1376 = tpu.vector_load %swap3A_1374[%swap3A_1375] {strides = array<i32>} : memref<32768xf32, #tpu.memory_space<vmem>>, vector<16xf32>,
        tpu.vector_store %swap3A_1374[%swap3A_1375], %mul3A_1369 {strides = array<i32>} : memref<32768xf32, #tpu.memory_space<vmem>>, vector<16xf32>,
        %shift_left3A_1377 = arith.constant 0 : i32
        %shift_left3A_1378 = vector.broadcast %shift_left3A_1377 : i32 to vector<16xi32>
        %shift_left3A_1379 = arith.shli %gather3A_1331, %shift_left3A_1378 : vector<16xi32>
        %shift_right_arithmetic3A_1380 = arith.constant 24 : i32
        %shift_right_arithmetic3A_1381 = vector.broadcast %shift_right_arithmetic3A_1380 : i32 to vector<16xi32>
        %shift_right_arithmetic3A_1382 = arith.shrsi %shift_left3A_1379, %shift_right_arithmetic3A_1381 : vector<16xi32>
        %convert_element_type3A_1383 = arith.sitofp %shift_right_arithmetic3A_1382 : vector<16xi32> to vector<16xf32>
        %mul3A_1384 = arith.mulf %convert_element_type3A_1383, %get3A_648 : vector<16xf32>
        %add3A_1385 = arith.constant 20864 : i32
        %add3A_1386 = arith.addi %add3A_691, %add3A_1385 : i32
        %swap3A_1387 = arith.constant 0 : i32
        %swap3A_1388 = tpu.memref_slice %arg9[%scan3A_473, %swap3A_1387] : memref<2x32768xf32, #tpu.memory_space<vmem>> -> memref<1x32768xf32, #tpu.memory_space<vmem>>
        %swap3A_1389 = tpu.memref_squeeze %swap3A_1388 : memref<1x32768xf32, #tpu.memory_space<vmem>> -> memref<32768xf32, #tpu.memory_space<vmem>>
        %swap3A_1390 = arith.index_cast %add3A_1386 : i32 to index
        %swap3A_1391 = tpu.vector_load %swap3A_1389[%swap3A_1390] {strides = array<i32>} : memref<32768xf32, #tpu.memory_space<vmem>>, vector<16xf32>,
        tpu.vector_store %swap3A_1389[%swap3A_1390], %mul3A_1384 {strides = array<i32>} : memref<32768xf32, #tpu.memory_space<vmem>>, vector<16xf32>,
        %add3A_1392 = arith.constant 11 : i32
        %add3A_1393 = vector.broadcast %add3A_1392 : i32 to vector<16xi32>
        %add3A_1394 = arith.addi %mul3A_655, %add3A_1393 : vector<16xi32>
        %gather3A_1395 = tpu.vector_load_idx %arg10[%add3A_1394] : memref<8704xi32, #tpu.memory_space<vmem>>[vector<16xi32>], vector<16xi32>,
        %shift_left3A_1396 = arith.constant 24 : i32
        %shift_left3A_1397 = vector.broadcast %shift_left3A_1396 : i32 to vector<16xi32>
        %shift_left3A_1398 = arith.shli %gather3A_1395, %shift_left3A_1397 : vector<16xi32>
        %shift_right_arithmetic3A_1399 = arith.constant 24 : i32
        %shift_right_arithmetic3A_1400 = vector.broadcast %shift_right_arithmetic3A_1399 : i32 to vector<16xi32>
        %shift_right_arithmetic3A_1401 = arith.shrsi %shift_left3A_1398, %shift_right_arithmetic3A_1400 : vector<16xi32>
        %convert_element_type3A_1402 = arith.sitofp %shift_right_arithmetic3A_1401 : vector<16xi32> to vector<16xf32>
        %mul3A_1403 = arith.mulf %convert_element_type3A_1402, %get3A_648 : vector<16xf32>
        %add3A_1404 = arith.constant 20992 : i32
        %add3A_1405 = arith.addi %add3A_691, %add3A_1404 : i32
        %swap3A_1406 = arith.constant 0 : i32
        %swap3A_1407 = tpu.memref_slice %arg9[%scan3A_473, %swap3A_1406] : memref<2x32768xf32, #tpu.memory_space<vmem>> -> memref<1x32768xf32, #tpu.memory_space<vmem>>
        %swap3A_1408 = tpu.memref_squeeze %swap3A_1407 : memref<1x32768xf32, #tpu.memory_space<vmem>> -> memref<32768xf32, #tpu.memory_space<vmem>>
        %swap3A_1409 = arith.index_cast %add3A_1405 : i32 to index
        %swap3A_1410 = tpu.vector_load %swap3A_1408[%swap3A_1409] {strides = array<i32>} : memref<32768xf32, #tpu.memory_space<vmem>>, vector<16xf32>,
        tpu.vector_store %swap3A_1408[%swap3A_1409], %mul3A_1403 {strides = array<i32>} : memref<32768xf32, #tpu.memory_space<vmem>>, vector<16xf32>,
        %shift_left3A_1411 = arith.constant 16 : i32
        %shift_left3A_1412 = vector.broadcast %shift_left3A_1411 : i32 to vector<16xi32>
        %shift_left3A_1413 = arith.shli %gather3A_1395, %shift_left3A_1412 : vector<16xi32>
        %shift_right_arithmetic3A_1414 = arith.constant 24 : i32
        %shift_right_arithmetic3A_1415 = vector.broadcast %shift_right_arithmetic3A_1414 : i32 to vector<16xi32>
        %shift_right_arithmetic3A_1416 = arith.shrsi %shift_left3A_1413, %shift_right_arithmetic3A_1415 : vector<16xi32>
        %convert_element_type3A_1417 = arith.sitofp %shift_right_arithmetic3A_1416 : vector<16xi32> to vector<16xf32>
        %mul3A_1418 = arith.mulf %convert_element_type3A_1417, %get3A_648 : vector<16xf32>
        %add3A_1419 = arith.constant 21120 : i32
        %add3A_1420 = arith.addi %add3A_691, %add3A_1419 : i32
        %swap3A_1421 = arith.constant 0 : i32
        %swap3A_1422 = tpu.memref_slice %arg9[%scan3A_473, %swap3A_1421] : memref<2x32768xf32, #tpu.memory_space<vmem>> -> memref<1x32768xf32, #tpu.memory_space<vmem>>
        %swap3A_1423 = tpu.memref_squeeze %swap3A_1422 : memref<1x32768xf32, #tpu.memory_space<vmem>> -> memref<32768xf32, #tpu.memory_space<vmem>>
        %swap3A_1424 = arith.index_cast %add3A_1420 : i32 to index
        %swap3A_1425 = tpu.vector_load %swap3A_1423[%swap3A_1424] {strides = array<i32>} : memref<32768xf32, #tpu.memory_space<vmem>>, vector<16xf32>,
        tpu.vector_store %swap3A_1423[%swap3A_1424], %mul3A_1418 {strides = array<i32>} : memref<32768xf32, #tpu.memory_space<vmem>>, vector<16xf32>,
        %shift_left3A_1426 = arith.constant 8 : i32
        %shift_left3A_1427 = vector.broadcast %shift_left3A_1426 : i32 to vector<16xi32>
        %shift_left3A_1428 = arith.shli %gather3A_1395, %shift_left3A_1427 : vector<16xi32>
        %shift_right_arithmetic3A_1429 = arith.constant 24 : i32
        %shift_right_arithmetic3A_1430 = vector.broadcast %shift_right_arithmetic3A_1429 : i32 to vector<16xi32>
        %shift_right_arithmetic3A_1431 = arith.shrsi %shift_left3A_1428, %shift_right_arithmetic3A_1430 : vector<16xi32>
        %convert_element_type3A_1432 = arith.sitofp %shift_right_arithmetic3A_1431 : vector<16xi32> to vector<16xf32>
        %mul3A_1433 = arith.mulf %convert_element_type3A_1432, %get3A_648 : vector<16xf32>
        %add3A_1434 = arith.constant 21248 : i32
        %add3A_1435 = arith.addi %add3A_691, %add3A_1434 : i32
        %swap3A_1436 = arith.constant 0 : i32
        %swap3A_1437 = tpu.memref_slice %arg9[%scan3A_473, %swap3A_1436] : memref<2x32768xf32, #tpu.memory_space<vmem>> -> memref<1x32768xf32, #tpu.memory_space<vmem>>
        %swap3A_1438 = tpu.memref_squeeze %swap3A_1437 : memref<1x32768xf32, #tpu.memory_space<vmem>> -> memref<32768xf32, #tpu.memory_space<vmem>>
        %swap3A_1439 = arith.index_cast %add3A_1435 : i32 to index
        %swap3A_1440 = tpu.vector_load %swap3A_1438[%swap3A_1439] {strides = array<i32>} : memref<32768xf32, #tpu.memory_space<vmem>>, vector<16xf32>,
        tpu.vector_store %swap3A_1438[%swap3A_1439], %mul3A_1433 {strides = array<i32>} : memref<32768xf32, #tpu.memory_space<vmem>>, vector<16xf32>,
        %shift_left3A_1441 = arith.constant 0 : i32
        %shift_left3A_1442 = vector.broadcast %shift_left3A_1441 : i32 to vector<16xi32>
        %shift_left3A_1443 = arith.shli %gather3A_1395, %shift_left3A_1442 : vector<16xi32>
        %shift_right_arithmetic3A_1444 = arith.constant 24 : i32
        %shift_right_arithmetic3A_1445 = vector.broadcast %shift_right_arithmetic3A_1444 : i32 to vector<16xi32>
        %shift_right_arithmetic3A_1446 = arith.shrsi %shift_left3A_1443, %shift_right_arithmetic3A_1445 : vector<16xi32>
        %convert_element_type3A_1447 = arith.sitofp %shift_right_arithmetic3A_1446 : vector<16xi32> to vector<16xf32>
        %mul3A_1448 = arith.mulf %convert_element_type3A_1447, %get3A_648 : vector<16xf32>
        %add3A_1449 = arith.constant 21376 : i32
        %add3A_1450 = arith.addi %add3A_691, %add3A_1449 : i32
        %swap3A_1451 = arith.constant 0 : i32
        %swap3A_1452 = tpu.memref_slice %arg9[%scan3A_473, %swap3A_1451] : memref<2x32768xf32, #tpu.memory_space<vmem>> -> memref<1x32768xf32, #tpu.memory_space<vmem>>
        %swap3A_1453 = tpu.memref_squeeze %swap3A_1452 : memref<1x32768xf32, #tpu.memory_space<vmem>> -> memref<32768xf32, #tpu.memory_space<vmem>>
        %swap3A_1454 = arith.index_cast %add3A_1450 : i32 to index
        %swap3A_1455 = tpu.vector_load %swap3A_1453[%swap3A_1454] {strides = array<i32>} : memref<32768xf32, #tpu.memory_space<vmem>>, vector<16xf32>,
        tpu.vector_store %swap3A_1453[%swap3A_1454], %mul3A_1448 {strides = array<i32>} : memref<32768xf32, #tpu.memory_space<vmem>>, vector<16xf32>,
        %add3A_1456 = arith.constant 12 : i32
        %add3A_1457 = vector.broadcast %add3A_1456 : i32 to vector<16xi32>
        %add3A_1458 = arith.addi %mul3A_655, %add3A_1457 : vector<16xi32>
        %gather3A_1459 = tpu.vector_load_idx %arg10[%add3A_1458] : memref<8704xi32, #tpu.memory_space<vmem>>[vector<16xi32>], vector<16xi32>,
        %shift_left3A_1460 = arith.constant 24 : i32
        %shift_left3A_1461 = vector.broadcast %shift_left3A_1460 : i32 to vector<16xi32>
        %shift_left3A_1462 = arith.shli %gather3A_1459, %shift_left3A_1461 : vector<16xi32>
        %shift_right_arithmetic3A_1463 = arith.constant 24 : i32
        %shift_right_arithmetic3A_1464 = vector.broadcast %shift_right_arithmetic3A_1463 : i32 to vector<16xi32>
        %shift_right_arithmetic3A_1465 = arith.shrsi %shift_left3A_1462, %shift_right_arithmetic3A_1464 : vector<16xi32>
        %convert_element_type3A_1466 = arith.sitofp %shift_right_arithmetic3A_1465 : vector<16xi32> to vector<16xf32>
        %mul3A_1467 = arith.mulf %convert_element_type3A_1466, %get3A_648 : vector<16xf32>
        %add3A_1468 = arith.constant 24576 : i32
        %add3A_1469 = arith.addi %add3A_691, %add3A_1468 : i32
        %swap3A_1470 = arith.constant 0 : i32
        %swap3A_1471 = tpu.memref_slice %arg9[%scan3A_473, %swap3A_1470] : memref<2x32768xf32, #tpu.memory_space<vmem>> -> memref<1x32768xf32, #tpu.memory_space<vmem>>
        %swap3A_1472 = tpu.memref_squeeze %swap3A_1471 : memref<1x32768xf32, #tpu.memory_space<vmem>> -> memref<32768xf32, #tpu.memory_space<vmem>>
        %swap3A_1473 = arith.index_cast %add3A_1469 : i32 to index
        %swap3A_1474 = tpu.vector_load %swap3A_1472[%swap3A_1473] {strides = array<i32>} : memref<32768xf32, #tpu.memory_space<vmem>>, vector<16xf32>,
        tpu.vector_store %swap3A_1472[%swap3A_1473], %mul3A_1467 {strides = array<i32>} : memref<32768xf32, #tpu.memory_space<vmem>>, vector<16xf32>,
        %shift_left3A_1475 = arith.constant 16 : i32
        %shift_left3A_1476 = vector.broadcast %shift_left3A_1475 : i32 to vector<16xi32>
        %shift_left3A_1477 = arith.shli %gather3A_1459, %shift_left3A_1476 : vector<16xi32>
        %shift_right_arithmetic3A_1478 = arith.constant 24 : i32
        %shift_right_arithmetic3A_1479 = vector.broadcast %shift_right_arithmetic3A_1478 : i32 to vector<16xi32>
        %shift_right_arithmetic3A_1480 = arith.shrsi %shift_left3A_1477, %shift_right_arithmetic3A_1479 : vector<16xi32>
        %convert_element_type3A_1481 = arith.sitofp %shift_right_arithmetic3A_1480 : vector<16xi32> to vector<16xf32>
        %mul3A_1482 = arith.mulf %convert_element_type3A_1481, %get3A_648 : vector<16xf32>
        %add3A_1483 = arith.constant 24704 : i32
        %add3A_1484 = arith.addi %add3A_691, %add3A_1483 : i32
        %swap3A_1485 = arith.constant 0 : i32
        %swap3A_1486 = tpu.memref_slice %arg9[%scan3A_473, %swap3A_1485] : memref<2x32768xf32, #tpu.memory_space<vmem>> -> memref<1x32768xf32, #tpu.memory_space<vmem>>
        %swap3A_1487 = tpu.memref_squeeze %swap3A_1486 : memref<1x32768xf32, #tpu.memory_space<vmem>> -> memref<32768xf32, #tpu.memory_space<vmem>>
        %swap3A_1488 = arith.index_cast %add3A_1484 : i32 to index
        %swap3A_1489 = tpu.vector_load %swap3A_1487[%swap3A_1488] {strides = array<i32>} : memref<32768xf32, #tpu.memory_space<vmem>>, vector<16xf32>,
        tpu.vector_store %swap3A_1487[%swap3A_1488], %mul3A_1482 {strides = array<i32>} : memref<32768xf32, #tpu.memory_space<vmem>>, vector<16xf32>,
        %shift_left3A_1490 = arith.constant 8 : i32
        %shift_left3A_1491 = vector.broadcast %shift_left3A_1490 : i32 to vector<16xi32>
        %shift_left3A_1492 = arith.shli %gather3A_1459, %shift_left3A_1491 : vector<16xi32>
        %shift_right_arithmetic3A_1493 = arith.constant 24 : i32
        %shift_right_arithmetic3A_1494 = vector.broadcast %shift_right_arithmetic3A_1493 : i32 to vector<16xi32>
        %shift_right_arithmetic3A_1495 = arith.shrsi %shift_left3A_1492, %shift_right_arithmetic3A_1494 : vector<16xi32>
        %convert_element_type3A_1496 = arith.sitofp %shift_right_arithmetic3A_1495 : vector<16xi32> to vector<16xf32>
        %mul3A_1497 = arith.mulf %convert_element_type3A_1496, %get3A_648 : vector<16xf32>
        %add3A_1498 = arith.constant 24832 : i32
        %add3A_1499 = arith.addi %add3A_691, %add3A_1498 : i32
        %swap3A_1500 = arith.constant 0 : i32
        %swap3A_1501 = tpu.memref_slice %arg9[%scan3A_473, %swap3A_1500] : memref<2x32768xf32, #tpu.memory_space<vmem>> -> memref<1x32768xf32, #tpu.memory_space<vmem>>
        %swap3A_1502 = tpu.memref_squeeze %swap3A_1501 : memref<1x32768xf32, #tpu.memory_space<vmem>> -> memref<32768xf32, #tpu.memory_space<vmem>>
        %swap3A_1503 = arith.index_cast %add3A_1499 : i32 to index
        %swap3A_1504 = tpu.vector_load %swap3A_1502[%swap3A_1503] {strides = array<i32>} : memref<32768xf32, #tpu.memory_space<vmem>>, vector<16xf32>,
        tpu.vector_store %swap3A_1502[%swap3A_1503], %mul3A_1497 {strides = array<i32>} : memref<32768xf32, #tpu.memory_space<vmem>>, vector<16xf32>,
        %shift_left3A_1505 = arith.constant 0 : i32
        %shift_left3A_1506 = vector.broadcast %shift_left3A_1505 : i32 to vector<16xi32>
        %shift_left3A_1507 = arith.shli %gather3A_1459, %shift_left3A_1506 : vector<16xi32>
        %shift_right_arithmetic3A_1508 = arith.constant 24 : i32
        %shift_right_arithmetic3A_1509 = vector.broadcast %shift_right_arithmetic3A_1508 : i32 to vector<16xi32>
        %shift_right_arithmetic3A_1510 = arith.shrsi %shift_left3A_1507, %shift_right_arithmetic3A_1509 : vector<16xi32>
        %convert_element_type3A_1511 = arith.sitofp %shift_right_arithmetic3A_1510 : vector<16xi32> to vector<16xf32>
        %mul3A_1512 = arith.mulf %convert_element_type3A_1511, %get3A_648 : vector<16xf32>
        %add3A_1513 = arith.constant 24960 : i32
        %add3A_1514 = arith.addi %add3A_691, %add3A_1513 : i32
        %swap3A_1515 = arith.constant 0 : i32
        %swap3A_1516 = tpu.memref_slice %arg9[%scan3A_473, %swap3A_1515] : memref<2x32768xf32, #tpu.memory_space<vmem>> -> memref<1x32768xf32, #tpu.memory_space<vmem>>
        %swap3A_1517 = tpu.memref_squeeze %swap3A_1516 : memref<1x32768xf32, #tpu.memory_space<vmem>> -> memref<32768xf32, #tpu.memory_space<vmem>>
        %swap3A_1518 = arith.index_cast %add3A_1514 : i32 to index
        %swap3A_1519 = tpu.vector_load %swap3A_1517[%swap3A_1518] {strides = array<i32>} : memref<32768xf32, #tpu.memory_space<vmem>>, vector<16xf32>,
        tpu.vector_store %swap3A_1517[%swap3A_1518], %mul3A_1512 {strides = array<i32>} : memref<32768xf32, #tpu.memory_space<vmem>>, vector<16xf32>,
        %add3A_1520 = arith.constant 13 : i32
        %add3A_1521 = vector.broadcast %add3A_1520 : i32 to vector<16xi32>
        %add3A_1522 = arith.addi %mul3A_655, %add3A_1521 : vector<16xi32>
        %gather3A_1523 = tpu.vector_load_idx %arg10[%add3A_1522] : memref<8704xi32, #tpu.memory_space<vmem>>[vector<16xi32>], vector<16xi32>,
        %shift_left3A_1524 = arith.constant 24 : i32
        %shift_left3A_1525 = vector.broadcast %shift_left3A_1524 : i32 to vector<16xi32>
        %shift_left3A_1526 = arith.shli %gather3A_1523, %shift_left3A_1525 : vector<16xi32>
        %shift_right_arithmetic3A_1527 = arith.constant 24 : i32
        %shift_right_arithmetic3A_1528 = vector.broadcast %shift_right_arithmetic3A_1527 : i32 to vector<16xi32>
        %shift_right_arithmetic3A_1529 = arith.shrsi %shift_left3A_1526, %shift_right_arithmetic3A_1528 : vector<16xi32>
        %convert_element_type3A_1530 = arith.sitofp %shift_right_arithmetic3A_1529 : vector<16xi32> to vector<16xf32>
        %mul3A_1531 = arith.mulf %convert_element_type3A_1530, %get3A_648 : vector<16xf32>
        %add3A_1532 = arith.constant 25088 : i32
        %add3A_1533 = arith.addi %add3A_691, %add3A_1532 : i32
        %swap3A_1534 = arith.constant 0 : i32
        %swap3A_1535 = tpu.memref_slice %arg9[%scan3A_473, %swap3A_1534] : memref<2x32768xf32, #tpu.memory_space<vmem>> -> memref<1x32768xf32, #tpu.memory_space<vmem>>
        %swap3A_1536 = tpu.memref_squeeze %swap3A_1535 : memref<1x32768xf32, #tpu.memory_space<vmem>> -> memref<32768xf32, #tpu.memory_space<vmem>>
        %swap3A_1537 = arith.index_cast %add3A_1533 : i32 to index
        %swap3A_1538 = tpu.vector_load %swap3A_1536[%swap3A_1537] {strides = array<i32>} : memref<32768xf32, #tpu.memory_space<vmem>>, vector<16xf32>,
        tpu.vector_store %swap3A_1536[%swap3A_1537], %mul3A_1531 {strides = array<i32>} : memref<32768xf32, #tpu.memory_space<vmem>>, vector<16xf32>,
        %shift_left3A_1539 = arith.constant 16 : i32
        %shift_left3A_1540 = vector.broadcast %shift_left3A_1539 : i32 to vector<16xi32>
        %shift_left3A_1541 = arith.shli %gather3A_1523, %shift_left3A_1540 : vector<16xi32>
        %shift_right_arithmetic3A_1542 = arith.constant 24 : i32
        %shift_right_arithmetic3A_1543 = vector.broadcast %shift_right_arithmetic3A_1542 : i32 to vector<16xi32>
        %shift_right_arithmetic3A_1544 = arith.shrsi %shift_left3A_1541, %shift_right_arithmetic3A_1543 : vector<16xi32>
        %convert_element_type3A_1545 = arith.sitofp %shift_right_arithmetic3A_1544 : vector<16xi32> to vector<16xf32>
        %mul3A_1546 = arith.mulf %convert_element_type3A_1545, %get3A_648 : vector<16xf32>
        %add3A_1547 = arith.constant 25216 : i32
        %add3A_1548 = arith.addi %add3A_691, %add3A_1547 : i32
        %swap3A_1549 = arith.constant 0 : i32
        %swap3A_1550 = tpu.memref_slice %arg9[%scan3A_473, %swap3A_1549] : memref<2x32768xf32, #tpu.memory_space<vmem>> -> memref<1x32768xf32, #tpu.memory_space<vmem>>
        %swap3A_1551 = tpu.memref_squeeze %swap3A_1550 : memref<1x32768xf32, #tpu.memory_space<vmem>> -> memref<32768xf32, #tpu.memory_space<vmem>>
        %swap3A_1552 = arith.index_cast %add3A_1548 : i32 to index
        %swap3A_1553 = tpu.vector_load %swap3A_1551[%swap3A_1552] {strides = array<i32>} : memref<32768xf32, #tpu.memory_space<vmem>>, vector<16xf32>,
        tpu.vector_store %swap3A_1551[%swap3A_1552], %mul3A_1546 {strides = array<i32>} : memref<32768xf32, #tpu.memory_space<vmem>>, vector<16xf32>,
        %shift_left3A_1554 = arith.constant 8 : i32
        %shift_left3A_1555 = vector.broadcast %shift_left3A_1554 : i32 to vector<16xi32>
        %shift_left3A_1556 = arith.shli %gather3A_1523, %shift_left3A_1555 : vector<16xi32>
        %shift_right_arithmetic3A_1557 = arith.constant 24 : i32
        %shift_right_arithmetic3A_1558 = vector.broadcast %shift_right_arithmetic3A_1557 : i32 to vector<16xi32>
        %shift_right_arithmetic3A_1559 = arith.shrsi %shift_left3A_1556, %shift_right_arithmetic3A_1558 : vector<16xi32>
        %convert_element_type3A_1560 = arith.sitofp %shift_right_arithmetic3A_1559 : vector<16xi32> to vector<16xf32>
        %mul3A_1561 = arith.mulf %convert_element_type3A_1560, %get3A_648 : vector<16xf32>
        %add3A_1562 = arith.constant 25344 : i32
        %add3A_1563 = arith.addi %add3A_691, %add3A_1562 : i32
        %swap3A_1564 = arith.constant 0 : i32
        %swap3A_1565 = tpu.memref_slice %arg9[%scan3A_473, %swap3A_1564] : memref<2x32768xf32, #tpu.memory_space<vmem>> -> memref<1x32768xf32, #tpu.memory_space<vmem>>
        %swap3A_1566 = tpu.memref_squeeze %swap3A_1565 : memref<1x32768xf32, #tpu.memory_space<vmem>> -> memref<32768xf32, #tpu.memory_space<vmem>>
        %swap3A_1567 = arith.index_cast %add3A_1563 : i32 to index
        %swap3A_1568 = tpu.vector_load %swap3A_1566[%swap3A_1567] {strides = array<i32>} : memref<32768xf32, #tpu.memory_space<vmem>>, vector<16xf32>,
        tpu.vector_store %swap3A_1566[%swap3A_1567], %mul3A_1561 {strides = array<i32>} : memref<32768xf32, #tpu.memory_space<vmem>>, vector<16xf32>,
        %shift_left3A_1569 = arith.constant 0 : i32
        %shift_left3A_1570 = vector.broadcast %shift_left3A_1569 : i32 to vector<16xi32>
        %shift_left3A_1571 = arith.shli %gather3A_1523, %shift_left3A_1570 : vector<16xi32>
        %shift_right_arithmetic3A_1572 = arith.constant 24 : i32
        %shift_right_arithmetic3A_1573 = vector.broadcast %shift_right_arithmetic3A_1572 : i32 to vector<16xi32>
        %shift_right_arithmetic3A_1574 = arith.shrsi %shift_left3A_1571, %shift_right_arithmetic3A_1573 : vector<16xi32>
        %convert_element_type3A_1575 = arith.sitofp %shift_right_arithmetic3A_1574 : vector<16xi32> to vector<16xf32>
        %mul3A_1576 = arith.mulf %convert_element_type3A_1575, %get3A_648 : vector<16xf32>
        %add3A_1577 = arith.constant 25472 : i32
        %add3A_1578 = arith.addi %add3A_691, %add3A_1577 : i32
        %swap3A_1579 = arith.constant 0 : i32
        %swap3A_1580 = tpu.memref_slice %arg9[%scan3A_473, %swap3A_1579] : memref<2x32768xf32, #tpu.memory_space<vmem>> -> memref<1x32768xf32, #tpu.memory_space<vmem>>
        %swap3A_1581 = tpu.memref_squeeze %swap3A_1580 : memref<1x32768xf32, #tpu.memory_space<vmem>> -> memref<32768xf32, #tpu.memory_space<vmem>>
        %swap3A_1582 = arith.index_cast %add3A_1578 : i32 to index
        %swap3A_1583 = tpu.vector_load %swap3A_1581[%swap3A_1582] {strides = array<i32>} : memref<32768xf32, #tpu.memory_space<vmem>>, vector<16xf32>,
        tpu.vector_store %swap3A_1581[%swap3A_1582], %mul3A_1576 {strides = array<i32>} : memref<32768xf32, #tpu.memory_space<vmem>>, vector<16xf32>,
        %add3A_1584 = arith.constant 14 : i32
        %add3A_1585 = vector.broadcast %add3A_1584 : i32 to vector<16xi32>
        %add3A_1586 = arith.addi %mul3A_655, %add3A_1585 : vector<16xi32>
        %gather3A_1587 = tpu.vector_load_idx %arg10[%add3A_1586] : memref<8704xi32, #tpu.memory_space<vmem>>[vector<16xi32>], vector<16xi32>,
        %shift_left3A_1588 = arith.constant 24 : i32
        %shift_left3A_1589 = vector.broadcast %shift_left3A_1588 : i32 to vector<16xi32>
        %shift_left3A_1590 = arith.shli %gather3A_1587, %shift_left3A_1589 : vector<16xi32>
        %shift_right_arithmetic3A_1591 = arith.constant 24 : i32
        %shift_right_arithmetic3A_1592 = vector.broadcast %shift_right_arithmetic3A_1591 : i32 to vector<16xi32>
        %shift_right_arithmetic3A_1593 = arith.shrsi %shift_left3A_1590, %shift_right_arithmetic3A_1592 : vector<16xi32>
        %convert_element_type3A_1594 = arith.sitofp %shift_right_arithmetic3A_1593 : vector<16xi32> to vector<16xf32>
        %mul3A_1595 = arith.mulf %convert_element_type3A_1594, %get3A_648 : vector<16xf32>
        %add3A_1596 = arith.constant 28672 : i32
        %add3A_1597 = arith.addi %add3A_691, %add3A_1596 : i32
        %swap3A_1598 = arith.constant 0 : i32
        %swap3A_1599 = tpu.memref_slice %arg9[%scan3A_473, %swap3A_1598] : memref<2x32768xf32, #tpu.memory_space<vmem>> -> memref<1x32768xf32, #tpu.memory_space<vmem>>
        %swap3A_1600 = tpu.memref_squeeze %swap3A_1599 : memref<1x32768xf32, #tpu.memory_space<vmem>> -> memref<32768xf32, #tpu.memory_space<vmem>>
        %swap3A_1601 = arith.index_cast %add3A_1597 : i32 to index
        %swap3A_1602 = tpu.vector_load %swap3A_1600[%swap3A_1601] {strides = array<i32>} : memref<32768xf32, #tpu.memory_space<vmem>>, vector<16xf32>,
        tpu.vector_store %swap3A_1600[%swap3A_1601], %mul3A_1595 {strides = array<i32>} : memref<32768xf32, #tpu.memory_space<vmem>>, vector<16xf32>,
        %shift_left3A_1603 = arith.constant 16 : i32
        %shift_left3A_1604 = vector.broadcast %shift_left3A_1603 : i32 to vector<16xi32>
        %shift_left3A_1605 = arith.shli %gather3A_1587, %shift_left3A_1604 : vector<16xi32>
        %shift_right_arithmetic3A_1606 = arith.constant 24 : i32
        %shift_right_arithmetic3A_1607 = vector.broadcast %shift_right_arithmetic3A_1606 : i32 to vector<16xi32>
        %shift_right_arithmetic3A_1608 = arith.shrsi %shift_left3A_1605, %shift_right_arithmetic3A_1607 : vector<16xi32>
        %convert_element_type3A_1609 = arith.sitofp %shift_right_arithmetic3A_1608 : vector<16xi32> to vector<16xf32>
        %mul3A_1610 = arith.mulf %convert_element_type3A_1609, %get3A_648 : vector<16xf32>
        %add3A_1611 = arith.constant 28800 : i32
        %add3A_1612 = arith.addi %add3A_691, %add3A_1611 : i32
        %swap3A_1613 = arith.constant 0 : i32
        %swap3A_1614 = tpu.memref_slice %arg9[%scan3A_473, %swap3A_1613] : memref<2x32768xf32, #tpu.memory_space<vmem>> -> memref<1x32768xf32, #tpu.memory_space<vmem>>
        %swap3A_1615 = tpu.memref_squeeze %swap3A_1614 : memref<1x32768xf32, #tpu.memory_space<vmem>> -> memref<32768xf32, #tpu.memory_space<vmem>>
        %swap3A_1616 = arith.index_cast %add3A_1612 : i32 to index
        %swap3A_1617 = tpu.vector_load %swap3A_1615[%swap3A_1616] {strides = array<i32>} : memref<32768xf32, #tpu.memory_space<vmem>>, vector<16xf32>,
        tpu.vector_store %swap3A_1615[%swap3A_1616], %mul3A_1610 {strides = array<i32>} : memref<32768xf32, #tpu.memory_space<vmem>>, vector<16xf32>,
        %shift_left3A_1618 = arith.constant 8 : i32
        %shift_left3A_1619 = vector.broadcast %shift_left3A_1618 : i32 to vector<16xi32>
        %shift_left3A_1620 = arith.shli %gather3A_1587, %shift_left3A_1619 : vector<16xi32>
        %shift_right_arithmetic3A_1621 = arith.constant 24 : i32
        %shift_right_arithmetic3A_1622 = vector.broadcast %shift_right_arithmetic3A_1621 : i32 to vector<16xi32>
        %shift_right_arithmetic3A_1623 = arith.shrsi %shift_left3A_1620, %shift_right_arithmetic3A_1622 : vector<16xi32>
        %convert_element_type3A_1624 = arith.sitofp %shift_right_arithmetic3A_1623 : vector<16xi32> to vector<16xf32>
        %mul3A_1625 = arith.mulf %convert_element_type3A_1624, %get3A_648 : vector<16xf32>
        %add3A_1626 = arith.constant 28928 : i32
        %add3A_1627 = arith.addi %add3A_691, %add3A_1626 : i32
        %swap3A_1628 = arith.constant 0 : i32
        %swap3A_1629 = tpu.memref_slice %arg9[%scan3A_473, %swap3A_1628] : memref<2x32768xf32, #tpu.memory_space<vmem>> -> memref<1x32768xf32, #tpu.memory_space<vmem>>
        %swap3A_1630 = tpu.memref_squeeze %swap3A_1629 : memref<1x32768xf32, #tpu.memory_space<vmem>> -> memref<32768xf32, #tpu.memory_space<vmem>>
        %swap3A_1631 = arith.index_cast %add3A_1627 : i32 to index
        %swap3A_1632 = tpu.vector_load %swap3A_1630[%swap3A_1631] {strides = array<i32>} : memref<32768xf32, #tpu.memory_space<vmem>>, vector<16xf32>,
        tpu.vector_store %swap3A_1630[%swap3A_1631], %mul3A_1625 {strides = array<i32>} : memref<32768xf32, #tpu.memory_space<vmem>>, vector<16xf32>,
        %shift_left3A_1633 = arith.constant 0 : i32
        %shift_left3A_1634 = vector.broadcast %shift_left3A_1633 : i32 to vector<16xi32>
        %shift_left3A_1635 = arith.shli %gather3A_1587, %shift_left3A_1634 : vector<16xi32>
        %shift_right_arithmetic3A_1636 = arith.constant 24 : i32
        %shift_right_arithmetic3A_1637 = vector.broadcast %shift_right_arithmetic3A_1636 : i32 to vector<16xi32>
        %shift_right_arithmetic3A_1638 = arith.shrsi %shift_left3A_1635, %shift_right_arithmetic3A_1637 : vector<16xi32>
        %convert_element_type3A_1639 = arith.sitofp %shift_right_arithmetic3A_1638 : vector<16xi32> to vector<16xf32>
        %mul3A_1640 = arith.mulf %convert_element_type3A_1639, %get3A_648 : vector<16xf32>
        %add3A_1641 = arith.constant 29056 : i32
        %add3A_1642 = arith.addi %add3A_691, %add3A_1641 : i32
        %swap3A_1643 = arith.constant 0 : i32
        %swap3A_1644 = tpu.memref_slice %arg9[%scan3A_473, %swap3A_1643] : memref<2x32768xf32, #tpu.memory_space<vmem>> -> memref<1x32768xf32, #tpu.memory_space<vmem>>
        %swap3A_1645 = tpu.memref_squeeze %swap3A_1644 : memref<1x32768xf32, #tpu.memory_space<vmem>> -> memref<32768xf32, #tpu.memory_space<vmem>>
        %swap3A_1646 = arith.index_cast %add3A_1642 : i32 to index
        %swap3A_1647 = tpu.vector_load %swap3A_1645[%swap3A_1646] {strides = array<i32>} : memref<32768xf32, #tpu.memory_space<vmem>>, vector<16xf32>,
        tpu.vector_store %swap3A_1645[%swap3A_1646], %mul3A_1640 {strides = array<i32>} : memref<32768xf32, #tpu.memory_space<vmem>>, vector<16xf32>,
        %add3A_1648 = arith.constant 15 : i32
        %add3A_1649 = vector.broadcast %add3A_1648 : i32 to vector<16xi32>
        %add3A_1650 = arith.addi %mul3A_655, %add3A_1649 : vector<16xi32>
        %gather3A_1651 = tpu.vector_load_idx %arg10[%add3A_1650] : memref<8704xi32, #tpu.memory_space<vmem>>[vector<16xi32>], vector<16xi32>,
        %shift_left3A_1652 = arith.constant 24 : i32
        %shift_left3A_1653 = vector.broadcast %shift_left3A_1652 : i32 to vector<16xi32>
        %shift_left3A_1654 = arith.shli %gather3A_1651, %shift_left3A_1653 : vector<16xi32>
        %shift_right_arithmetic3A_1655 = arith.constant 24 : i32
        %shift_right_arithmetic3A_1656 = vector.broadcast %shift_right_arithmetic3A_1655 : i32 to vector<16xi32>
        %shift_right_arithmetic3A_1657 = arith.shrsi %shift_left3A_1654, %shift_right_arithmetic3A_1656 : vector<16xi32>
        %convert_element_type3A_1658 = arith.sitofp %shift_right_arithmetic3A_1657 : vector<16xi32> to vector<16xf32>
        %mul3A_1659 = arith.mulf %convert_element_type3A_1658, %get3A_648 : vector<16xf32>
        %add3A_1660 = arith.constant 29184 : i32
        %add3A_1661 = arith.addi %add3A_691, %add3A_1660 : i32
        %swap3A_1662 = arith.constant 0 : i32
        %swap3A_1663 = tpu.memref_slice %arg9[%scan3A_473, %swap3A_1662] : memref<2x32768xf32, #tpu.memory_space<vmem>> -> memref<1x32768xf32, #tpu.memory_space<vmem>>
        %swap3A_1664 = tpu.memref_squeeze %swap3A_1663 : memref<1x32768xf32, #tpu.memory_space<vmem>> -> memref<32768xf32, #tpu.memory_space<vmem>>
        %swap3A_1665 = arith.index_cast %add3A_1661 : i32 to index
        %swap3A_1666 = tpu.vector_load %swap3A_1664[%swap3A_1665] {strides = array<i32>} : memref<32768xf32, #tpu.memory_space<vmem>>, vector<16xf32>,
        tpu.vector_store %swap3A_1664[%swap3A_1665], %mul3A_1659 {strides = array<i32>} : memref<32768xf32, #tpu.memory_space<vmem>>, vector<16xf32>,
        %shift_left3A_1667 = arith.constant 16 : i32
        %shift_left3A_1668 = vector.broadcast %shift_left3A_1667 : i32 to vector<16xi32>
        %shift_left3A_1669 = arith.shli %gather3A_1651, %shift_left3A_1668 : vector<16xi32>
        %shift_right_arithmetic3A_1670 = arith.constant 24 : i32
        %shift_right_arithmetic3A_1671 = vector.broadcast %shift_right_arithmetic3A_1670 : i32 to vector<16xi32>
        %shift_right_arithmetic3A_1672 = arith.shrsi %shift_left3A_1669, %shift_right_arithmetic3A_1671 : vector<16xi32>
        %convert_element_type3A_1673 = arith.sitofp %shift_right_arithmetic3A_1672 : vector<16xi32> to vector<16xf32>
        %mul3A_1674 = arith.mulf %convert_element_type3A_1673, %get3A_648 : vector<16xf32>
        %add3A_1675 = arith.constant 29312 : i32
        %add3A_1676 = arith.addi %add3A_691, %add3A_1675 : i32
        %swap3A_1677 = arith.constant 0 : i32
        %swap3A_1678 = tpu.memref_slice %arg9[%scan3A_473, %swap3A_1677] : memref<2x32768xf32, #tpu.memory_space<vmem>> -> memref<1x32768xf32, #tpu.memory_space<vmem>>
        %swap3A_1679 = tpu.memref_squeeze %swap3A_1678 : memref<1x32768xf32, #tpu.memory_space<vmem>> -> memref<32768xf32, #tpu.memory_space<vmem>>
        %swap3A_1680 = arith.index_cast %add3A_1676 : i32 to index
        %swap3A_1681 = tpu.vector_load %swap3A_1679[%swap3A_1680] {strides = array<i32>} : memref<32768xf32, #tpu.memory_space<vmem>>, vector<16xf32>,
        tpu.vector_store %swap3A_1679[%swap3A_1680], %mul3A_1674 {strides = array<i32>} : memref<32768xf32, #tpu.memory_space<vmem>>, vector<16xf32>,
        %shift_left3A_1682 = arith.constant 8 : i32
        %shift_left3A_1683 = vector.broadcast %shift_left3A_1682 : i32 to vector<16xi32>
        %shift_left3A_1684 = arith.shli %gather3A_1651, %shift_left3A_1683 : vector<16xi32>
        %shift_right_arithmetic3A_1685 = arith.constant 24 : i32
        %shift_right_arithmetic3A_1686 = vector.broadcast %shift_right_arithmetic3A_1685 : i32 to vector<16xi32>
        %shift_right_arithmetic3A_1687 = arith.shrsi %shift_left3A_1684, %shift_right_arithmetic3A_1686 : vector<16xi32>
        %convert_element_type3A_1688 = arith.sitofp %shift_right_arithmetic3A_1687 : vector<16xi32> to vector<16xf32>
        %mul3A_1689 = arith.mulf %convert_element_type3A_1688, %get3A_648 : vector<16xf32>
        %add3A_1690 = arith.constant 29440 : i32
        %add3A_1691 = arith.addi %add3A_691, %add3A_1690 : i32
        %swap3A_1692 = arith.constant 0 : i32
        %swap3A_1693 = tpu.memref_slice %arg9[%scan3A_473, %swap3A_1692] : memref<2x32768xf32, #tpu.memory_space<vmem>> -> memref<1x32768xf32, #tpu.memory_space<vmem>>
        %swap3A_1694 = tpu.memref_squeeze %swap3A_1693 : memref<1x32768xf32, #tpu.memory_space<vmem>> -> memref<32768xf32, #tpu.memory_space<vmem>>
        %swap3A_1695 = arith.index_cast %add3A_1691 : i32 to index
        %swap3A_1696 = tpu.vector_load %swap3A_1694[%swap3A_1695] {strides = array<i32>} : memref<32768xf32, #tpu.memory_space<vmem>>, vector<16xf32>,
        tpu.vector_store %swap3A_1694[%swap3A_1695], %mul3A_1689 {strides = array<i32>} : memref<32768xf32, #tpu.memory_space<vmem>>, vector<16xf32>,
        %shift_left3A_1697 = arith.constant 0 : i32
        %shift_left3A_1698 = vector.broadcast %shift_left3A_1697 : i32 to vector<16xi32>
        %shift_left3A_1699 = arith.shli %gather3A_1651, %shift_left3A_1698 : vector<16xi32>
        %shift_right_arithmetic3A_1700 = arith.constant 24 : i32
        %shift_right_arithmetic3A_1701 = vector.broadcast %shift_right_arithmetic3A_1700 : i32 to vector<16xi32>
        %shift_right_arithmetic3A_1702 = arith.shrsi %shift_left3A_1699, %shift_right_arithmetic3A_1701 : vector<16xi32>
        %convert_element_type3A_1703 = arith.sitofp %shift_right_arithmetic3A_1702 : vector<16xi32> to vector<16xf32>
        %mul3A_1704 = arith.mulf %convert_element_type3A_1703, %get3A_648 : vector<16xf32>
        %add3A_1705 = arith.constant 29568 : i32
        %add3A_1706 = arith.addi %add3A_691, %add3A_1705 : i32
        %swap3A_1707 = arith.constant 0 : i32
        %swap3A_1708 = tpu.memref_slice %arg9[%scan3A_473, %swap3A_1707] : memref<2x32768xf32, #tpu.memory_space<vmem>> -> memref<1x32768xf32, #tpu.memory_space<vmem>>
        %swap3A_1709 = tpu.memref_squeeze %swap3A_1708 : memref<1x32768xf32, #tpu.memory_space<vmem>> -> memref<32768xf32, #tpu.memory_space<vmem>>
        %swap3A_1710 = arith.index_cast %add3A_1706 : i32 to index
        %swap3A_1711 = tpu.vector_load %swap3A_1709[%swap3A_1710] {strides = array<i32>} : memref<32768xf32, #tpu.memory_space<vmem>>, vector<16xf32>,
        tpu.vector_store %swap3A_1709[%swap3A_1710], %mul3A_1704 {strides = array<i32>} : memref<32768xf32, #tpu.memory_space<vmem>>, vector<16xf32>,
        %scan3A_1712 = arith.constant 0 : i32
        scf.yield %scan3A_1712 : i32
      }
      %scan3A_480 = arith.constant 32 : i32
      %mul3A_481 = arith.constant 8 : i32
      %mul3A_482 = arith.muli %add3A_426, %mul3A_481 : i32
      %add3A_483 = arith.constant 0 : i32
      %add3A_484 = arith.addi %mul3A_482, %add3A_483 : i32
      %mul3A_485 = arith.constant 128 : i32
      %mul3A_486 = arith.muli %add3A_484, %mul3A_485 : i32
      %mul3A_487 = arith.constant 4 : i32
      %mul3A_488 = arith.muli %add3A, %mul3A_487 : i32
      %add3A_489 = arith.addi %mul3A_486, %mul3A_488 : i32
      %mul3A_490 = arith.constant 1024 : i32
      %mul3A_491 = arith.muli %add3A_489, %mul3A_490 : i32
      %dma_start3A_492 = arith.constant 1 : i32
      %dma_start3A_493 = arith.constant 0 : i32
      %dma_start3A_494 = tpu.memref_slice %arg9[%dma_start3A_492, %dma_start3A_493] : memref<2x32768xf32, #tpu.memory_space<vmem>> -> memref<1x4096xf32, #tpu.memory_space<vmem>>
      %dma_start3A_495 = tpu.memref_squeeze %dma_start3A_494 : memref<1x4096xf32, #tpu.memory_space<vmem>> -> memref<4096xf32, #tpu.memory_space<vmem>>
      %dma_start3A_496 = tpu.memref_slice %arg5[%mul3A_491] : memref<52428800xf32, #tpu.memory_space<hbm>> -> memref<4096xf32, #tpu.memory_space<hbm>>
      %dma_start3A_497 = tpu.memref_slice %arg5[%mul3A_491] : memref<52428800xf32, #tpu.memory_space<hbm>> -> memref<4096xf32, #tpu.memory_space<hbm>>
      %dma_start3A_498 = arith.constant 0 : i32
      %dma_start3A_499 = tpu.memref_slice %arg9[%dma_start3A_492, %dma_start3A_498] : memref<2x32768xf32, #tpu.memory_space<vmem>> -> memref<1x4096xf32, #tpu.memory_space<vmem>>
      %dma_start3A_500 = tpu.memref_squeeze %dma_start3A_499 : memref<1x4096xf32, #tpu.memory_space<vmem>> -> memref<4096xf32, #tpu.memory_space<vmem>>
      tpu.enqueue_dma source(%dma_start3A_500 : memref<4096xf32, #tpu.memory_space<vmem>>) target(%dma_start3A_497 : memref<4096xf32, #tpu.memory_space<hbm>>) target_semaphore(%arg16 : memref<!tpu.dma_semaphore, #tpu.memory_space<semaphore_mem>>)
      %mul3A_501 = arith.constant 8 : i32
      %mul3A_502 = arith.muli %add3A_426, %mul3A_501 : i32
      %add3A_503 = arith.constant 1 : i32
      %add3A_504 = arith.addi %mul3A_502, %add3A_503 : i32
      %mul3A_505 = arith.constant 128 : i32
      %mul3A_506 = arith.muli %add3A_504, %mul3A_505 : i32
      %mul3A_507 = arith.constant 4 : i32
      %mul3A_508 = arith.muli %add3A, %mul3A_507 : i32
      %add3A_509 = arith.addi %mul3A_506, %mul3A_508 : i32
      %mul3A_510 = arith.constant 1024 : i32
      %mul3A_511 = arith.muli %add3A_509, %mul3A_510 : i32
      %dma_start3A_512 = arith.constant 1 : i32
      %dma_start3A_513 = arith.constant 4096 : i32
      %dma_start3A_514 = tpu.memref_slice %arg9[%dma_start3A_512, %dma_start3A_513] : memref<2x32768xf32, #tpu.memory_space<vmem>> -> memref<1x4096xf32, #tpu.memory_space<vmem>>
      %dma_start3A_515 = tpu.memref_squeeze %dma_start3A_514 : memref<1x4096xf32, #tpu.memory_space<vmem>> -> memref<4096xf32, #tpu.memory_space<vmem>>
      %dma_start3A_516 = tpu.memref_slice %arg5[%mul3A_511] : memref<52428800xf32, #tpu.memory_space<hbm>> -> memref<4096xf32, #tpu.memory_space<hbm>>
      %dma_start3A_517 = tpu.memref_slice %arg5[%mul3A_511] : memref<52428800xf32, #tpu.memory_space<hbm>> -> memref<4096xf32, #tpu.memory_space<hbm>>
      %dma_start3A_518 = arith.constant 4096 : i32
      %dma_start3A_519 = tpu.memref_slice %arg9[%dma_start3A_512, %dma_start3A_518] : memref<2x32768xf32, #tpu.memory_space<vmem>> -> memref<1x4096xf32, #tpu.memory_space<vmem>>
      %dma_start3A_520 = tpu.memref_squeeze %dma_start3A_519 : memref<1x4096xf32, #tpu.memory_space<vmem>> -> memref<4096xf32, #tpu.memory_space<vmem>>
      tpu.enqueue_dma source(%dma_start3A_520 : memref<4096xf32, #tpu.memory_space<vmem>>) target(%dma_start3A_517 : memref<4096xf32, #tpu.memory_space<hbm>>) target_semaphore(%arg16 : memref<!tpu.dma_semaphore, #tpu.memory_space<semaphore_mem>>)
      %mul3A_521 = arith.constant 8 : i32
      %mul3A_522 = arith.muli %add3A_426, %mul3A_521 : i32
      %add3A_523 = arith.constant 2 : i32
      %add3A_524 = arith.addi %mul3A_522, %add3A_523 : i32
      %mul3A_525 = arith.constant 128 : i32
      %mul3A_526 = arith.muli %add3A_524, %mul3A_525 : i32
      %mul3A_527 = arith.constant 4 : i32
      %mul3A_528 = arith.muli %add3A, %mul3A_527 : i32
      %add3A_529 = arith.addi %mul3A_526, %mul3A_528 : i32
      %mul3A_530 = arith.constant 1024 : i32
      %mul3A_531 = arith.muli %add3A_529, %mul3A_530 : i32
      %dma_start3A_532 = arith.constant 1 : i32
      %dma_start3A_533 = arith.constant 8192 : i32
      %dma_start3A_534 = tpu.memref_slice %arg9[%dma_start3A_532, %dma_start3A_533] : memref<2x32768xf32, #tpu.memory_space<vmem>> -> memref<1x4096xf32, #tpu.memory_space<vmem>>
      %dma_start3A_535 = tpu.memref_squeeze %dma_start3A_534 : memref<1x4096xf32, #tpu.memory_space<vmem>> -> memref<4096xf32, #tpu.memory_space<vmem>>
      %dma_start3A_536 = tpu.memref_slice %arg5[%mul3A_531] : memref<52428800xf32, #tpu.memory_space<hbm>> -> memref<4096xf32, #tpu.memory_space<hbm>>
      %dma_start3A_537 = tpu.memref_slice %arg5[%mul3A_531] : memref<52428800xf32, #tpu.memory_space<hbm>> -> memref<4096xf32, #tpu.memory_space<hbm>>
      %dma_start3A_538 = arith.constant 8192 : i32
      %dma_start3A_539 = tpu.memref_slice %arg9[%dma_start3A_532, %dma_start3A_538] : memref<2x32768xf32, #tpu.memory_space<vmem>> -> memref<1x4096xf32, #tpu.memory_space<vmem>>
      %dma_start3A_540 = tpu.memref_squeeze %dma_start3A_539 : memref<1x4096xf32, #tpu.memory_space<vmem>> -> memref<4096xf32, #tpu.memory_space<vmem>>
      tpu.enqueue_dma source(%dma_start3A_540 : memref<4096xf32, #tpu.memory_space<vmem>>) target(%dma_start3A_537 : memref<4096xf32, #tpu.memory_space<hbm>>) target_semaphore(%arg16 : memref<!tpu.dma_semaphore, #tpu.memory_space<semaphore_mem>>)
      %mul3A_541 = arith.constant 8 : i32
      %mul3A_542 = arith.muli %add3A_426, %mul3A_541 : i32
      %add3A_543 = arith.constant 3 : i32
      %add3A_544 = arith.addi %mul3A_542, %add3A_543 : i32
      %mul3A_545 = arith.constant 128 : i32
      %mul3A_546 = arith.muli %add3A_544, %mul3A_545 : i32
      %mul3A_547 = arith.constant 4 : i32
      %mul3A_548 = arith.muli %add3A, %mul3A_547 : i32
      %add3A_549 = arith.addi %mul3A_546, %mul3A_548 : i32
      %mul3A_550 = arith.constant 1024 : i32
      %mul3A_551 = arith.muli %add3A_549, %mul3A_550 : i32
      %dma_start3A_552 = arith.constant 1 : i32
      %dma_start3A_553 = arith.constant 12288 : i32
      %dma_start3A_554 = tpu.memref_slice %arg9[%dma_start3A_552, %dma_start3A_553] : memref<2x32768xf32, #tpu.memory_space<vmem>> -> memref<1x4096xf32, #tpu.memory_space<vmem>>
      %dma_start3A_555 = tpu.memref_squeeze %dma_start3A_554 : memref<1x4096xf32, #tpu.memory_space<vmem>> -> memref<4096xf32, #tpu.memory_space<vmem>>
      %dma_start3A_556 = tpu.memref_slice %arg5[%mul3A_551] : memref<52428800xf32, #tpu.memory_space<hbm>> -> memref<4096xf32, #tpu.memory_space<hbm>>
      %dma_start3A_557 = tpu.memref_slice %arg5[%mul3A_551] : memref<52428800xf32, #tpu.memory_space<hbm>> -> memref<4096xf32, #tpu.memory_space<hbm>>
      %dma_start3A_558 = arith.constant 12288 : i32
      %dma_start3A_559 = tpu.memref_slice %arg9[%dma_start3A_552, %dma_start3A_558] : memref<2x32768xf32, #tpu.memory_space<vmem>> -> memref<1x4096xf32, #tpu.memory_space<vmem>>
      %dma_start3A_560 = tpu.memref_squeeze %dma_start3A_559 : memref<1x4096xf32, #tpu.memory_space<vmem>> -> memref<4096xf32, #tpu.memory_space<vmem>>
      tpu.enqueue_dma source(%dma_start3A_560 : memref<4096xf32, #tpu.memory_space<vmem>>) target(%dma_start3A_557 : memref<4096xf32, #tpu.memory_space<hbm>>) target_semaphore(%arg16 : memref<!tpu.dma_semaphore, #tpu.memory_space<semaphore_mem>>)
      %mul3A_561 = arith.constant 8 : i32
      %mul3A_562 = arith.muli %add3A_426, %mul3A_561 : i32
      %add3A_563 = arith.constant 4 : i32
      %add3A_564 = arith.addi %mul3A_562, %add3A_563 : i32
      %mul3A_565 = arith.constant 128 : i32
      %mul3A_566 = arith.muli %add3A_564, %mul3A_565 : i32
      %mul3A_567 = arith.constant 4 : i32
      %mul3A_568 = arith.muli %add3A, %mul3A_567 : i32
      %add3A_569 = arith.addi %mul3A_566, %mul3A_568 : i32
      %mul3A_570 = arith.constant 1024 : i32
      %mul3A_571 = arith.muli %add3A_569, %mul3A_570 : i32
      %dma_start3A_572 = arith.constant 1 : i32
      %dma_start3A_573 = arith.constant 16384 : i32
      %dma_start3A_574 = tpu.memref_slice %arg9[%dma_start3A_572, %dma_start3A_573] : memref<2x32768xf32, #tpu.memory_space<vmem>> -> memref<1x4096xf32, #tpu.memory_space<vmem>>
      %dma_start3A_575 = tpu.memref_squeeze %dma_start3A_574 : memref<1x4096xf32, #tpu.memory_space<vmem>> -> memref<4096xf32, #tpu.memory_space<vmem>>
      %dma_start3A_576 = tpu.memref_slice %arg5[%mul3A_571] : memref<52428800xf32, #tpu.memory_space<hbm>> -> memref<4096xf32, #tpu.memory_space<hbm>>
      %dma_start3A_577 = tpu.memref_slice %arg5[%mul3A_571] : memref<52428800xf32, #tpu.memory_space<hbm>> -> memref<4096xf32, #tpu.memory_space<hbm>>
      %dma_start3A_578 = arith.constant 16384 : i32
      %dma_start3A_579 = tpu.memref_slice %arg9[%dma_start3A_572, %dma_start3A_578] : memref<2x32768xf32, #tpu.memory_space<vmem>> -> memref<1x4096xf32, #tpu.memory_space<vmem>>
      %dma_start3A_580 = tpu.memref_squeeze %dma_start3A_579 : memref<1x4096xf32, #tpu.memory_space<vmem>> -> memref<4096xf32, #tpu.memory_space<vmem>>
      tpu.enqueue_dma source(%dma_start3A_580 : memref<4096xf32, #tpu.memory_space<vmem>>) target(%dma_start3A_577 : memref<4096xf32, #tpu.memory_space<hbm>>) target_semaphore(%arg16 : memref<!tpu.dma_semaphore, #tpu.memory_space<semaphore_mem>>)
      %mul3A_581 = arith.constant 8 : i32
      %mul3A_582 = arith.muli %add3A_426, %mul3A_581 : i32
      %add3A_583 = arith.constant 5 : i32
      %add3A_584 = arith.addi %mul3A_582, %add3A_583 : i32
      %mul3A_585 = arith.constant 128 : i32
      %mul3A_586 = arith.muli %add3A_584, %mul3A_585 : i32
      %mul3A_587 = arith.constant 4 : i32
      %mul3A_588 = arith.muli %add3A, %mul3A_587 : i32
      %add3A_589 = arith.addi %mul3A_586, %mul3A_588 : i32
      %mul3A_590 = arith.constant 1024 : i32
      %mul3A_591 = arith.muli %add3A_589, %mul3A_590 : i32
      %dma_start3A_592 = arith.constant 1 : i32
      %dma_start3A_593 = arith.constant 20480 : i32
      %dma_start3A_594 = tpu.memref_slice %arg9[%dma_start3A_592, %dma_start3A_593] : memref<2x32768xf32, #tpu.memory_space<vmem>> -> memref<1x4096xf32, #tpu.memory_space<vmem>>
      %dma_start3A_595 = tpu.memref_squeeze %dma_start3A_594 : memref<1x4096xf32, #tpu.memory_space<vmem>> -> memref<4096xf32, #tpu.memory_space<vmem>>
      %dma_start3A_596 = tpu.memref_slice %arg5[%mul3A_591] : memref<52428800xf32, #tpu.memory_space<hbm>> -> memref<4096xf32, #tpu.memory_space<hbm>>
      %dma_start3A_597 = tpu.memref_slice %arg5[%mul3A_591] : memref<52428800xf32, #tpu.memory_space<hbm>> -> memref<4096xf32, #tpu.memory_space<hbm>>
      %dma_start3A_598 = arith.constant 20480 : i32
      %dma_start3A_599 = tpu.memref_slice %arg9[%dma_start3A_592, %dma_start3A_598] : memref<2x32768xf32, #tpu.memory_space<vmem>> -> memref<1x4096xf32, #tpu.memory_space<vmem>>
      %dma_start3A_600 = tpu.memref_squeeze %dma_start3A_599 : memref<1x4096xf32, #tpu.memory_space<vmem>> -> memref<4096xf32, #tpu.memory_space<vmem>>
      tpu.enqueue_dma source(%dma_start3A_600 : memref<4096xf32, #tpu.memory_space<vmem>>) target(%dma_start3A_597 : memref<4096xf32, #tpu.memory_space<hbm>>) target_semaphore(%arg16 : memref<!tpu.dma_semaphore, #tpu.memory_space<semaphore_mem>>)
      %mul3A_601 = arith.constant 8 : i32
      %mul3A_602 = arith.muli %add3A_426, %mul3A_601 : i32
      %add3A_603 = arith.constant 6 : i32
      %add3A_604 = arith.addi %mul3A_602, %add3A_603 : i32
      %mul3A_605 = arith.constant 128 : i32
      %mul3A_606 = arith.muli %add3A_604, %mul3A_605 : i32
      %mul3A_607 = arith.constant 4 : i32
      %mul3A_608 = arith.muli %add3A, %mul3A_607 : i32
      %add3A_609 = arith.addi %mul3A_606, %mul3A_608 : i32
      %mul3A_610 = arith.constant 1024 : i32
      %mul3A_611 = arith.muli %add3A_609, %mul3A_610 : i32
      %dma_start3A_612 = arith.constant 1 : i32
      %dma_start3A_613 = arith.constant 24576 : i32
      %dma_start3A_614 = tpu.memref_slice %arg9[%dma_start3A_612, %dma_start3A_613] : memref<2x32768xf32, #tpu.memory_space<vmem>> -> memref<1x4096xf32, #tpu.memory_space<vmem>>
      %dma_start3A_615 = tpu.memref_squeeze %dma_start3A_614 : memref<1x4096xf32, #tpu.memory_space<vmem>> -> memref<4096xf32, #tpu.memory_space<vmem>>
      %dma_start3A_616 = tpu.memref_slice %arg5[%mul3A_611] : memref<52428800xf32, #tpu.memory_space<hbm>> -> memref<4096xf32, #tpu.memory_space<hbm>>
      %dma_start3A_617 = tpu.memref_slice %arg5[%mul3A_611] : memref<52428800xf32, #tpu.memory_space<hbm>> -> memref<4096xf32, #tpu.memory_space<hbm>>
      %dma_start3A_618 = arith.constant 24576 : i32
      %dma_start3A_619 = tpu.memref_slice %arg9[%dma_start3A_612, %dma_start3A_618] : memref<2x32768xf32, #tpu.memory_space<vmem>> -> memref<1x4096xf32, #tpu.memory_space<vmem>>
      %dma_start3A_620 = tpu.memref_squeeze %dma_start3A_619 : memref<1x4096xf32, #tpu.memory_space<vmem>> -> memref<4096xf32, #tpu.memory_space<vmem>>
      tpu.enqueue_dma source(%dma_start3A_620 : memref<4096xf32, #tpu.memory_space<vmem>>) target(%dma_start3A_617 : memref<4096xf32, #tpu.memory_space<hbm>>) target_semaphore(%arg16 : memref<!tpu.dma_semaphore, #tpu.memory_space<semaphore_mem>>)
      %mul3A_621 = arith.constant 8 : i32
      %mul3A_622 = arith.muli %add3A_426, %mul3A_621 : i32
      %add3A_623 = arith.constant 7 : i32
      %add3A_624 = arith.addi %mul3A_622, %add3A_623 : i32
      %mul3A_625 = arith.constant 128 : i32
      %mul3A_626 = arith.muli %add3A_624, %mul3A_625 : i32
      %mul3A_627 = arith.constant 4 : i32
      %mul3A_628 = arith.muli %add3A, %mul3A_627 : i32
      %add3A_629 = arith.addi %mul3A_626, %mul3A_628 : i32
      %mul3A_630 = arith.constant 1024 : i32
      %mul3A_631 = arith.muli %add3A_629, %mul3A_630 : i32
      %dma_start3A_632 = arith.constant 1 : i32
      %dma_start3A_633 = arith.constant 28672 : i32
      %dma_start3A_634 = tpu.memref_slice %arg9[%dma_start3A_632, %dma_start3A_633] : memref<2x32768xf32, #tpu.memory_space<vmem>> -> memref<1x4096xf32, #tpu.memory_space<vmem>>
      %dma_start3A_635 = tpu.memref_squeeze %dma_start3A_634 : memref<1x4096xf32, #tpu.memory_space<vmem>> -> memref<4096xf32, #tpu.memory_space<vmem>>
      %dma_start3A_636 = tpu.memref_slice %arg5[%mul3A_631] : memref<52428800xf32, #tpu.memory_space<hbm>> -> memref<4096xf32, #tpu.memory_space<hbm>>
      %dma_start3A_637 = tpu.memref_slice %arg5[%mul3A_631] : memref<52428800xf32, #tpu.memory_space<hbm>> -> memref<4096xf32, #tpu.memory_space<hbm>>
      %dma_start3A_638 = arith.constant 28672 : i32
      %dma_start3A_639 = tpu.memref_slice %arg9[%dma_start3A_632, %dma_start3A_638] : memref<2x32768xf32, #tpu.memory_space<vmem>> -> memref<1x4096xf32, #tpu.memory_space<vmem>>
      %dma_start3A_640 = tpu.memref_squeeze %dma_start3A_639 : memref<1x4096xf32, #tpu.memory_space<vmem>> -> memref<4096xf32, #tpu.memory_space<vmem>>
      tpu.enqueue_dma source(%dma_start3A_640 : memref<4096xf32, #tpu.memory_space<vmem>>) target(%dma_start3A_637 : memref<4096xf32, #tpu.memory_space<hbm>>) target_semaphore(%arg16 : memref<!tpu.dma_semaphore, #tpu.memory_space<semaphore_mem>>)
      %scan3A_641 = arith.constant 0 : i32
      scf.yield %scan3A_641 : i32
    }
    %scan3A_31 = arith.constant 25 : i32
    %dma_wait3A = arith.constant 0 : i32
    %dma_wait3A_32 = arith.constant 0 : i32
    %dma_wait3A_33 = tpu.memref_slice %arg9[%dma_wait3A, %dma_wait3A_32] : memref<2x32768xf32, #tpu.memory_space<vmem>> -> memref<1x4096xf32, #tpu.memory_space<vmem>>
    %dma_wait3A_34 = tpu.memref_squeeze %dma_wait3A_33 : memref<1x4096xf32, #tpu.memory_space<vmem>> -> memref<4096xf32, #tpu.memory_space<vmem>>
    %dma_wait3A_35 = arith.constant 0 : i32
    %dma_wait3A_36 = tpu.memref_slice %arg5[%dma_wait3A_35] : memref<52428800xf32, #tpu.memory_space<hbm>> -> memref<4096xf32, #tpu.memory_space<hbm>>
    %dma_wait3A_37 = arith.constant 0 : i32
    %dma_wait3A_38 = tpu.memref_slice %arg9[%dma_wait3A, %dma_wait3A_37] : memref<2x32768xf32, #tpu.memory_space<vmem>> -> memref<1x4096xf32, #tpu.memory_space<vmem>>
    %dma_wait3A_39 = tpu.memref_squeeze %dma_wait3A_38 : memref<1x4096xf32, #tpu.memory_space<vmem>> -> memref<4096xf32, #tpu.memory_space<vmem>>
    %dma_wait3A_40 = arith.constant 0 : i32
    %dma_wait3A_41 = tpu.memref_slice %arg5[%dma_wait3A_40] : memref<52428800xf32, #tpu.memory_space<hbm>> -> memref<4096xf32, #tpu.memory_space<hbm>>
    tpu.wait_dma2 semaphore(%arg15 : memref<!tpu.dma_semaphore, #tpu.memory_space<semaphore_mem>>) src(%dma_wait3A_41 : memref<4096xf32, #tpu.memory_space<hbm>>) dst(%dma_wait3A_39 : memref<4096xf32, #tpu.memory_space<vmem>>)
    %dma_wait3A_42 = arith.constant 0 : i32
    %dma_wait3A_43 = arith.constant 4096 : i32
    %dma_wait3A_44 = tpu.memref_slice %arg9[%dma_wait3A_42, %dma_wait3A_43] : memref<2x32768xf32, #tpu.memory_space<vmem>> -> memref<1x4096xf32, #tpu.memory_space<vmem>>
    %dma_wait3A_45 = tpu.memref_squeeze %dma_wait3A_44 : memref<1x4096xf32, #tpu.memory_space<vmem>> -> memref<4096xf32, #tpu.memory_space<vmem>>
    %dma_wait3A_46 = arith.constant 0 : i32
    %dma_wait3A_47 = tpu.memref_slice %arg5[%dma_wait3A_46] : memref<52428800xf32, #tpu.memory_space<hbm>> -> memref<4096xf32, #tpu.memory_space<hbm>>
    %dma_wait3A_48 = arith.constant 4096 : i32
    %dma_wait3A_49 = tpu.memref_slice %arg9[%dma_wait3A_42, %dma_wait3A_48] : memref<2x32768xf32, #tpu.memory_space<vmem>> -> memref<1x4096xf32, #tpu.memory_space<vmem>>
    %dma_wait3A_50 = tpu.memref_squeeze %dma_wait3A_49 : memref<1x4096xf32, #tpu.memory_space<vmem>> -> memref<4096xf32, #tpu.memory_space<vmem>>
    %dma_wait3A_51 = arith.constant 0 : i32
    %dma_wait3A_52 = tpu.memref_slice %arg5[%dma_wait3A_51] : memref<52428800xf32, #tpu.memory_space<hbm>> -> memref<4096xf32, #tpu.memory_space<hbm>>
    tpu.wait_dma2 semaphore(%arg15 : memref<!tpu.dma_semaphore, #tpu.memory_space<semaphore_mem>>) src(%dma_wait3A_52 : memref<4096xf32, #tpu.memory_space<hbm>>) dst(%dma_wait3A_50 : memref<4096xf32, #tpu.memory_space<vmem>>)
    %dma_wait3A_53 = arith.constant 0 : i32
    %dma_wait3A_54 = arith.constant 8192 : i32
    %dma_wait3A_55 = tpu.memref_slice %arg9[%dma_wait3A_53, %dma_wait3A_54] : memref<2x32768xf32, #tpu.memory_space<vmem>> -> memref<1x4096xf32, #tpu.memory_space<vmem>>
    %dma_wait3A_56 = tpu.memref_squeeze %dma_wait3A_55 : memref<1x4096xf32, #tpu.memory_space<vmem>> -> memref<4096xf32, #tpu.memory_space<vmem>>
    %dma_wait3A_57 = arith.constant 0 : i32
    %dma_wait3A_58 = tpu.memref_slice %arg5[%dma_wait3A_57] : memref<52428800xf32, #tpu.memory_space<hbm>> -> memref<4096xf32, #tpu.memory_space<hbm>>
    %dma_wait3A_59 = arith.constant 8192 : i32
    %dma_wait3A_60 = tpu.memref_slice %arg9[%dma_wait3A_53, %dma_wait3A_59] : memref<2x32768xf32, #tpu.memory_space<vmem>> -> memref<1x4096xf32, #tpu.memory_space<vmem>>
    %dma_wait3A_61 = tpu.memref_squeeze %dma_wait3A_60 : memref<1x4096xf32, #tpu.memory_space<vmem>> -> memref<4096xf32, #tpu.memory_space<vmem>>
    %dma_wait3A_62 = arith.constant 0 : i32
    %dma_wait3A_63 = tpu.memref_slice %arg5[%dma_wait3A_62] : memref<52428800xf32, #tpu.memory_space<hbm>> -> memref<4096xf32, #tpu.memory_space<hbm>>
    tpu.wait_dma2 semaphore(%arg15 : memref<!tpu.dma_semaphore, #tpu.memory_space<semaphore_mem>>) src(%dma_wait3A_63 : memref<4096xf32, #tpu.memory_space<hbm>>) dst(%dma_wait3A_61 : memref<4096xf32, #tpu.memory_space<vmem>>)
    %dma_wait3A_64 = arith.constant 0 : i32
    %dma_wait3A_65 = arith.constant 12288 : i32
    %dma_wait3A_66 = tpu.memref_slice %arg9[%dma_wait3A_64, %dma_wait3A_65] : memref<2x32768xf32, #tpu.memory_space<vmem>> -> memref<1x4096xf32, #tpu.memory_space<vmem>>
    %dma_wait3A_67 = tpu.memref_squeeze %dma_wait3A_66 : memref<1x4096xf32, #tpu.memory_space<vmem>> -> memref<4096xf32, #tpu.memory_space<vmem>>
    %dma_wait3A_68 = arith.constant 0 : i32
    %dma_wait3A_69 = tpu.memref_slice %arg5[%dma_wait3A_68] : memref<52428800xf32, #tpu.memory_space<hbm>> -> memref<4096xf32, #tpu.memory_space<hbm>>
    %dma_wait3A_70 = arith.constant 12288 : i32
    %dma_wait3A_71 = tpu.memref_slice %arg9[%dma_wait3A_64, %dma_wait3A_70] : memref<2x32768xf32, #tpu.memory_space<vmem>> -> memref<1x4096xf32, #tpu.memory_space<vmem>>
    %dma_wait3A_72 = tpu.memref_squeeze %dma_wait3A_71 : memref<1x4096xf32, #tpu.memory_space<vmem>> -> memref<4096xf32, #tpu.memory_space<vmem>>
    %dma_wait3A_73 = arith.constant 0 : i32
    %dma_wait3A_74 = tpu.memref_slice %arg5[%dma_wait3A_73] : memref<52428800xf32, #tpu.memory_space<hbm>> -> memref<4096xf32, #tpu.memory_space<hbm>>
    tpu.wait_dma2 semaphore(%arg15 : memref<!tpu.dma_semaphore, #tpu.memory_space<semaphore_mem>>) src(%dma_wait3A_74 : memref<4096xf32, #tpu.memory_space<hbm>>) dst(%dma_wait3A_72 : memref<4096xf32, #tpu.memory_space<vmem>>)
    %dma_wait3A_75 = arith.constant 0 : i32
    %dma_wait3A_76 = arith.constant 16384 : i32
    %dma_wait3A_77 = tpu.memref_slice %arg9[%dma_wait3A_75, %dma_wait3A_76] : memref<2x32768xf32, #tpu.memory_space<vmem>> -> memref<1x4096xf32, #tpu.memory_space<vmem>>
    %dma_wait3A_78 = tpu.memref_squeeze %dma_wait3A_77 : memref<1x4096xf32, #tpu.memory_space<vmem>> -> memref<4096xf32, #tpu.memory_space<vmem>>
    %dma_wait3A_79 = arith.constant 0 : i32
    %dma_wait3A_80 = tpu.memref_slice %arg5[%dma_wait3A_79] : memref<52428800xf32, #tpu.memory_space<hbm>> -> memref<4096xf32, #tpu.memory_space<hbm>>
    %dma_wait3A_81 = arith.constant 16384 : i32
    %dma_wait3A_82 = tpu.memref_slice %arg9[%dma_wait3A_75, %dma_wait3A_81] : memref<2x32768xf32, #tpu.memory_space<vmem>> -> memref<1x4096xf32, #tpu.memory_space<vmem>>
    %dma_wait3A_83 = tpu.memref_squeeze %dma_wait3A_82 : memref<1x4096xf32, #tpu.memory_space<vmem>> -> memref<4096xf32, #tpu.memory_space<vmem>>
    %dma_wait3A_84 = arith.constant 0 : i32
    %dma_wait3A_85 = tpu.memref_slice %arg5[%dma_wait3A_84] : memref<52428800xf32, #tpu.memory_space<hbm>> -> memref<4096xf32, #tpu.memory_space<hbm>>
    tpu.wait_dma2 semaphore(%arg15 : memref<!tpu.dma_semaphore, #tpu.memory_space<semaphore_mem>>) src(%dma_wait3A_85 : memref<4096xf32, #tpu.memory_space<hbm>>) dst(%dma_wait3A_83 : memref<4096xf32, #tpu.memory_space<vmem>>)
    %dma_wait3A_86 = arith.constant 0 : i32
    %dma_wait3A_87 = arith.constant 20480 : i32
    %dma_wait3A_88 = tpu.memref_slice %arg9[%dma_wait3A_86, %dma_wait3A_87] : memref<2x32768xf32, #tpu.memory_space<vmem>> -> memref<1x4096xf32, #tpu.memory_space<vmem>>
    %dma_wait3A_89 = tpu.memref_squeeze %dma_wait3A_88 : memref<1x4096xf32, #tpu.memory_space<vmem>> -> memref<4096xf32, #tpu.memory_space<vmem>>
    %dma_wait3A_90 = arith.constant 0 : i32
    %dma_wait3A_91 = tpu.memref_slice %arg5[%dma_wait3A_90] : memref<52428800xf32, #tpu.memory_space<hbm>> -> memref<4096xf32, #tpu.memory_space<hbm>>
    %dma_wait3A_92 = arith.constant 20480 : i32
    %dma_wait3A_93 = tpu.memref_slice %arg9[%dma_wait3A_86, %dma_wait3A_92] : memref<2x32768xf32, #tpu.memory_space<vmem>> -> memref<1x4096xf32, #tpu.memory_space<vmem>>
    %dma_wait3A_94 = tpu.memref_squeeze %dma_wait3A_93 : memref<1x4096xf32, #tpu.memory_space<vmem>> -> memref<4096xf32, #tpu.memory_space<vmem>>
    %dma_wait3A_95 = arith.constant 0 : i32
    %dma_wait3A_96 = tpu.memref_slice %arg5[%dma_wait3A_95] : memref<52428800xf32, #tpu.memory_space<hbm>> -> memref<4096xf32, #tpu.memory_space<hbm>>
    tpu.wait_dma2 semaphore(%arg15 : memref<!tpu.dma_semaphore, #tpu.memory_space<semaphore_mem>>) src(%dma_wait3A_96 : memref<4096xf32, #tpu.memory_space<hbm>>) dst(%dma_wait3A_94 : memref<4096xf32, #tpu.memory_space<vmem>>)
    %dma_wait3A_97 = arith.constant 0 : i32
    %dma_wait3A_98 = arith.constant 24576 : i32
    %dma_wait3A_99 = tpu.memref_slice %arg9[%dma_wait3A_97, %dma_wait3A_98] : memref<2x32768xf32, #tpu.memory_space<vmem>> -> memref<1x4096xf32, #tpu.memory_space<vmem>>
    %dma_wait3A_100 = tpu.memref_squeeze %dma_wait3A_99 : memref<1x4096xf32, #tpu.memory_space<vmem>> -> memref<4096xf32, #tpu.memory_space<vmem>>
    %dma_wait3A_101 = arith.constant 0 : i32
    %dma_wait3A_102 = tpu.memref_slice %arg5[%dma_wait3A_101] : memref<52428800xf32, #tpu.memory_space<hbm>> -> memref<4096xf32, #tpu.memory_space<hbm>>
    %dma_wait3A_103 = arith.constant 24576 : i32
    %dma_wait3A_104 = tpu.memref_slice %arg9[%dma_wait3A_97, %dma_wait3A_103] : memref<2x32768xf32, #tpu.memory_space<vmem>> -> memref<1x4096xf32, #tpu.memory_space<vmem>>
    %dma_wait3A_105 = tpu.memref_squeeze %dma_wait3A_104 : memref<1x4096xf32, #tpu.memory_space<vmem>> -> memref<4096xf32, #tpu.memory_space<vmem>>
    %dma_wait3A_106 = arith.constant 0 : i32
    %dma_wait3A_107 = tpu.memref_slice %arg5[%dma_wait3A_106] : memref<52428800xf32, #tpu.memory_space<hbm>> -> memref<4096xf32, #tpu.memory_space<hbm>>
    tpu.wait_dma2 semaphore(%arg15 : memref<!tpu.dma_semaphore, #tpu.memory_space<semaphore_mem>>) src(%dma_wait3A_107 : memref<4096xf32, #tpu.memory_space<hbm>>) dst(%dma_wait3A_105 : memref<4096xf32, #tpu.memory_space<vmem>>)
    %dma_wait3A_108 = arith.constant 0 : i32
    %dma_wait3A_109 = arith.constant 28672 : i32
    %dma_wait3A_110 = tpu.memref_slice %arg9[%dma_wait3A_108, %dma_wait3A_109] : memref<2x32768xf32, #tpu.memory_space<vmem>> -> memref<1x4096xf32, #tpu.memory_space<vmem>>
    %dma_wait3A_111 = tpu.memref_squeeze %dma_wait3A_110 : memref<1x4096xf32, #tpu.memory_space<vmem>> -> memref<4096xf32, #tpu.memory_space<vmem>>
    %dma_wait3A_112 = arith.constant 0 : i32
    %dma_wait3A_113 = tpu.memref_slice %arg5[%dma_wait3A_112] : memref<52428800xf32, #tpu.memory_space<hbm>> -> memref<4096xf32, #tpu.memory_space<hbm>>
    %dma_wait3A_114 = arith.constant 28672 : i32
    %dma_wait3A_115 = tpu.memref_slice %arg9[%dma_wait3A_108, %dma_wait3A_114] : memref<2x32768xf32, #tpu.memory_space<vmem>> -> memref<1x4096xf32, #tpu.memory_space<vmem>>
    %dma_wait3A_116 = tpu.memref_squeeze %dma_wait3A_115 : memref<1x4096xf32, #tpu.memory_space<vmem>> -> memref<4096xf32, #tpu.memory_space<vmem>>
    %dma_wait3A_117 = arith.constant 0 : i32
    %dma_wait3A_118 = tpu.memref_slice %arg5[%dma_wait3A_117] : memref<52428800xf32, #tpu.memory_space<hbm>> -> memref<4096xf32, #tpu.memory_space<hbm>>
    tpu.wait_dma2 semaphore(%arg15 : memref<!tpu.dma_semaphore, #tpu.memory_space<semaphore_mem>>) src(%dma_wait3A_118 : memref<4096xf32, #tpu.memory_space<hbm>>) dst(%dma_wait3A_116 : memref<4096xf32, #tpu.memory_space<vmem>>)
    %dma_wait3A_119 = arith.constant 1 : i32
    %dma_wait3A_120 = arith.constant 0 : i32
    %dma_wait3A_121 = tpu.memref_slice %arg9[%dma_wait3A_119, %dma_wait3A_120] : memref<2x32768xf32, #tpu.memory_space<vmem>> -> memref<1x4096xf32, #tpu.memory_space<vmem>>
    %dma_wait3A_122 = tpu.memref_squeeze %dma_wait3A_121 : memref<1x4096xf32, #tpu.memory_space<vmem>> -> memref<4096xf32, #tpu.memory_space<vmem>>
    %dma_wait3A_123 = arith.constant 0 : i32
    %dma_wait3A_124 = tpu.memref_slice %arg5[%dma_wait3A_123] : memref<52428800xf32, #tpu.memory_space<hbm>> -> memref<4096xf32, #tpu.memory_space<hbm>>
    %dma_wait3A_125 = arith.constant 0 : i32
    %dma_wait3A_126 = tpu.memref_slice %arg9[%dma_wait3A_119, %dma_wait3A_125] : memref<2x32768xf32, #tpu.memory_space<vmem>> -> memref<1x4096xf32, #tpu.memory_space<vmem>>
    %dma_wait3A_127 = tpu.memref_squeeze %dma_wait3A_126 : memref<1x4096xf32, #tpu.memory_space<vmem>> -> memref<4096xf32, #tpu.memory_space<vmem>>
    %dma_wait3A_128 = arith.constant 0 : i32
    %dma_wait3A_129 = tpu.memref_slice %arg5[%dma_wait3A_128] : memref<52428800xf32, #tpu.memory_space<hbm>> -> memref<4096xf32, #tpu.memory_space<hbm>>
    tpu.wait_dma2 semaphore(%arg16 : memref<!tpu.dma_semaphore, #tpu.memory_space<semaphore_mem>>) src(%dma_wait3A_129 : memref<4096xf32, #tpu.memory_space<hbm>>) dst(%dma_wait3A_127 : memref<4096xf32, #tpu.memory_space<vmem>>)
    %dma_wait3A_130 = arith.constant 1 : i32
    %dma_wait3A_131 = arith.constant 4096 : i32
    %dma_wait3A_132 = tpu.memref_slice %arg9[%dma_wait3A_130, %dma_wait3A_131] : memref<2x32768xf32, #tpu.memory_space<vmem>> -> memref<1x4096xf32, #tpu.memory_space<vmem>>
    %dma_wait3A_133 = tpu.memref_squeeze %dma_wait3A_132 : memref<1x4096xf32, #tpu.memory_space<vmem>> -> memref<4096xf32, #tpu.memory_space<vmem>>
    %dma_wait3A_134 = arith.constant 0 : i32
    %dma_wait3A_135 = tpu.memref_slice %arg5[%dma_wait3A_134] : memref<52428800xf32, #tpu.memory_space<hbm>> -> memref<4096xf32, #tpu.memory_space<hbm>>
    %dma_wait3A_136 = arith.constant 4096 : i32
    %dma_wait3A_137 = tpu.memref_slice %arg9[%dma_wait3A_130, %dma_wait3A_136] : memref<2x32768xf32, #tpu.memory_space<vmem>> -> memref<1x4096xf32, #tpu.memory_space<vmem>>
    %dma_wait3A_138 = tpu.memref_squeeze %dma_wait3A_137 : memref<1x4096xf32, #tpu.memory_space<vmem>> -> memref<4096xf32, #tpu.memory_space<vmem>>
    %dma_wait3A_139 = arith.constant 0 : i32
    %dma_wait3A_140 = tpu.memref_slice %arg5[%dma_wait3A_139] : memref<52428800xf32, #tpu.memory_space<hbm>> -> memref<4096xf32, #tpu.memory_space<hbm>>
    tpu.wait_dma2 semaphore(%arg16 : memref<!tpu.dma_semaphore, #tpu.memory_space<semaphore_mem>>) src(%dma_wait3A_140 : memref<4096xf32, #tpu.memory_space<hbm>>) dst(%dma_wait3A_138 : memref<4096xf32, #tpu.memory_space<vmem>>)
    %dma_wait3A_141 = arith.constant 1 : i32
    %dma_wait3A_142 = arith.constant 8192 : i32
    %dma_wait3A_143 = tpu.memref_slice %arg9[%dma_wait3A_141, %dma_wait3A_142] : memref<2x32768xf32, #tpu.memory_space<vmem>> -> memref<1x4096xf32, #tpu.memory_space<vmem>>
    %dma_wait3A_144 = tpu.memref_squeeze %dma_wait3A_143 : memref<1x4096xf32, #tpu.memory_space<vmem>> -> memref<4096xf32, #tpu.memory_space<vmem>>
    %dma_wait3A_145 = arith.constant 0 : i32
    %dma_wait3A_146 = tpu.memref_slice %arg5[%dma_wait3A_145] : memref<52428800xf32, #tpu.memory_space<hbm>> -> memref<4096xf32, #tpu.memory_space<hbm>>
    %dma_wait3A_147 = arith.constant 8192 : i32
    %dma_wait3A_148 = tpu.memref_slice %arg9[%dma_wait3A_141, %dma_wait3A_147] : memref<2x32768xf32, #tpu.memory_space<vmem>> -> memref<1x4096xf32, #tpu.memory_space<vmem>>
    %dma_wait3A_149 = tpu.memref_squeeze %dma_wait3A_148 : memref<1x4096xf32, #tpu.memory_space<vmem>> -> memref<4096xf32, #tpu.memory_space<vmem>>
    %dma_wait3A_150 = arith.constant 0 : i32
    %dma_wait3A_151 = tpu.memref_slice %arg5[%dma_wait3A_150] : memref<52428800xf32, #tpu.memory_space<hbm>> -> memref<4096xf32, #tpu.memory_space<hbm>>
    tpu.wait_dma2 semaphore(%arg16 : memref<!tpu.dma_semaphore, #tpu.memory_space<semaphore_mem>>) src(%dma_wait3A_151 : memref<4096xf32, #tpu.memory_space<hbm>>) dst(%dma_wait3A_149 : memref<4096xf32, #tpu.memory_space<vmem>>)
    %dma_wait3A_152 = arith.constant 1 : i32
    %dma_wait3A_153 = arith.constant 12288 : i32
    %dma_wait3A_154 = tpu.memref_slice %arg9[%dma_wait3A_152, %dma_wait3A_153] : memref<2x32768xf32, #tpu.memory_space<vmem>> -> memref<1x4096xf32, #tpu.memory_space<vmem>>
    %dma_wait3A_155 = tpu.memref_squeeze %dma_wait3A_154 : memref<1x4096xf32, #tpu.memory_space<vmem>> -> memref<4096xf32, #tpu.memory_space<vmem>>
    %dma_wait3A_156 = arith.constant 0 : i32
    %dma_wait3A_157 = tpu.memref_slice %arg5[%dma_wait3A_156] : memref<52428800xf32, #tpu.memory_space<hbm>> -> memref<4096xf32, #tpu.memory_space<hbm>>
    %dma_wait3A_158 = arith.constant 12288 : i32
    %dma_wait3A_159 = tpu.memref_slice %arg9[%dma_wait3A_152, %dma_wait3A_158] : memref<2x32768xf32, #tpu.memory_space<vmem>> -> memref<1x4096xf32, #tpu.memory_space<vmem>>
    %dma_wait3A_160 = tpu.memref_squeeze %dma_wait3A_159 : memref<1x4096xf32, #tpu.memory_space<vmem>> -> memref<4096xf32, #tpu.memory_space<vmem>>
    %dma_wait3A_161 = arith.constant 0 : i32
    %dma_wait3A_162 = tpu.memref_slice %arg5[%dma_wait3A_161] : memref<52428800xf32, #tpu.memory_space<hbm>> -> memref<4096xf32, #tpu.memory_space<hbm>>
    tpu.wait_dma2 semaphore(%arg16 : memref<!tpu.dma_semaphore, #tpu.memory_space<semaphore_mem>>) src(%dma_wait3A_162 : memref<4096xf32, #tpu.memory_space<hbm>>) dst(%dma_wait3A_160 : memref<4096xf32, #tpu.memory_space<vmem>>)
    %dma_wait3A_163 = arith.constant 1 : i32
    %dma_wait3A_164 = arith.constant 16384 : i32
    %dma_wait3A_165 = tpu.memref_slice %arg9[%dma_wait3A_163, %dma_wait3A_164] : memref<2x32768xf32, #tpu.memory_space<vmem>> -> memref<1x4096xf32, #tpu.memory_space<vmem>>
    %dma_wait3A_166 = tpu.memref_squeeze %dma_wait3A_165 : memref<1x4096xf32, #tpu.memory_space<vmem>> -> memref<4096xf32, #tpu.memory_space<vmem>>
    %dma_wait3A_167 = arith.constant 0 : i32
    %dma_wait3A_168 = tpu.memref_slice %arg5[%dma_wait3A_167] : memref<52428800xf32, #tpu.memory_space<hbm>> -> memref<4096xf32, #tpu.memory_space<hbm>>
    %dma_wait3A_169 = arith.constant 16384 : i32
    %dma_wait3A_170 = tpu.memref_slice %arg9[%dma_wait3A_163, %dma_wait3A_169] : memref<2x32768xf32, #tpu.memory_space<vmem>> -> memref<1x4096xf32, #tpu.memory_space<vmem>>
    %dma_wait3A_171 = tpu.memref_squeeze %dma_wait3A_170 : memref<1x4096xf32, #tpu.memory_space<vmem>> -> memref<4096xf32, #tpu.memory_space<vmem>>
    %dma_wait3A_172 = arith.constant 0 : i32
    %dma_wait3A_173 = tpu.memref_slice %arg5[%dma_wait3A_172] : memref<52428800xf32, #tpu.memory_space<hbm>> -> memref<4096xf32, #tpu.memory_space<hbm>>
    tpu.wait_dma2 semaphore(%arg16 : memref<!tpu.dma_semaphore, #tpu.memory_space<semaphore_mem>>) src(%dma_wait3A_173 : memref<4096xf32, #tpu.memory_space<hbm>>) dst(%dma_wait3A_171 : memref<4096xf32, #tpu.memory_space<vmem>>)
    %dma_wait3A_174 = arith.constant 1 : i32
    %dma_wait3A_175 = arith.constant 20480 : i32
    %dma_wait3A_176 = tpu.memref_slice %arg9[%dma_wait3A_174, %dma_wait3A_175] : memref<2x32768xf32, #tpu.memory_space<vmem>> -> memref<1x4096xf32, #tpu.memory_space<vmem>>
    %dma_wait3A_177 = tpu.memref_squeeze %dma_wait3A_176 : memref<1x4096xf32, #tpu.memory_space<vmem>> -> memref<4096xf32, #tpu.memory_space<vmem>>
    %dma_wait3A_178 = arith.constant 0 : i32
    %dma_wait3A_179 = tpu.memref_slice %arg5[%dma_wait3A_178] : memref<52428800xf32, #tpu.memory_space<hbm>> -> memref<4096xf32, #tpu.memory_space<hbm>>
    %dma_wait3A_180 = arith.constant 20480 : i32
    %dma_wait3A_181 = tpu.memref_slice %arg9[%dma_wait3A_174, %dma_wait3A_180] : memref<2x32768xf32, #tpu.memory_space<vmem>> -> memref<1x4096xf32, #tpu.memory_space<vmem>>
    %dma_wait3A_182 = tpu.memref_squeeze %dma_wait3A_181 : memref<1x4096xf32, #tpu.memory_space<vmem>> -> memref<4096xf32, #tpu.memory_space<vmem>>
    %dma_wait3A_183 = arith.constant 0 : i32
    %dma_wait3A_184 = tpu.memref_slice %arg5[%dma_wait3A_183] : memref<52428800xf32, #tpu.memory_space<hbm>> -> memref<4096xf32, #tpu.memory_space<hbm>>
    tpu.wait_dma2 semaphore(%arg16 : memref<!tpu.dma_semaphore, #tpu.memory_space<semaphore_mem>>) src(%dma_wait3A_184 : memref<4096xf32, #tpu.memory_space<hbm>>) dst(%dma_wait3A_182 : memref<4096xf32, #tpu.memory_space<vmem>>)
    %dma_wait3A_185 = arith.constant 1 : i32
    %dma_wait3A_186 = arith.constant 24576 : i32
    %dma_wait3A_187 = tpu.memref_slice %arg9[%dma_wait3A_185, %dma_wait3A_186] : memref<2x32768xf32, #tpu.memory_space<vmem>> -> memref<1x4096xf32, #tpu.memory_space<vmem>>
    %dma_wait3A_188 = tpu.memref_squeeze %dma_wait3A_187 : memref<1x4096xf32, #tpu.memory_space<vmem>> -> memref<4096xf32, #tpu.memory_space<vmem>>
    %dma_wait3A_189 = arith.constant 0 : i32
    %dma_wait3A_190 = tpu.memref_slice %arg5[%dma_wait3A_189] : memref<52428800xf32, #tpu.memory_space<hbm>> -> memref<4096xf32, #tpu.memory_space<hbm>>
    %dma_wait3A_191 = arith.constant 24576 : i32
    %dma_wait3A_192 = tpu.memref_slice %arg9[%dma_wait3A_185, %dma_wait3A_191] : memref<2x32768xf32, #tpu.memory_space<vmem>> -> memref<1x4096xf32, #tpu.memory_space<vmem>>
    %dma_wait3A_193 = tpu.memref_squeeze %dma_wait3A_192 : memref<1x4096xf32, #tpu.memory_space<vmem>> -> memref<4096xf32, #tpu.memory_space<vmem>>
    %dma_wait3A_194 = arith.constant 0 : i32
    %dma_wait3A_195 = tpu.memref_slice %arg5[%dma_wait3A_194] : memref<52428800xf32, #tpu.memory_space<hbm>> -> memref<4096xf32, #tpu.memory_space<hbm>>
    tpu.wait_dma2 semaphore(%arg16 : memref<!tpu.dma_semaphore, #tpu.memory_space<semaphore_mem>>) src(%dma_wait3A_195 : memref<4096xf32, #tpu.memory_space<hbm>>) dst(%dma_wait3A_193 : memref<4096xf32, #tpu.memory_space<vmem>>)
    %dma_wait3A_196 = arith.constant 1 : i32
    %dma_wait3A_197 = arith.constant 28672 : i32
    %dma_wait3A_198 = tpu.memref_slice %arg9[%dma_wait3A_196, %dma_wait3A_197] : memref<2x32768xf32, #tpu.memory_space<vmem>> -> memref<1x4096xf32, #tpu.memory_space<vmem>>
    %dma_wait3A_199 = tpu.memref_squeeze %dma_wait3A_198 : memref<1x4096xf32, #tpu.memory_space<vmem>> -> memref<4096xf32, #tpu.memory_space<vmem>>
    %dma_wait3A_200 = arith.constant 0 : i32
    %dma_wait3A_201 = tpu.memref_slice %arg5[%dma_wait3A_200] : memref<52428800xf32, #tpu.memory_space<hbm>> -> memref<4096xf32, #tpu.memory_space<hbm>>
    %dma_wait3A_202 = arith.constant 28672 : i32
    %dma_wait3A_203 = tpu.memref_slice %arg9[%dma_wait3A_196, %dma_wait3A_202] : memref<2x32768xf32, #tpu.memory_space<vmem>> -> memref<1x4096xf32, #tpu.memory_space<vmem>>
    %dma_wait3A_204 = tpu.memref_squeeze %dma_wait3A_203 : memref<1x4096xf32, #tpu.memory_space<vmem>> -> memref<4096xf32, #tpu.memory_space<vmem>>
    %dma_wait3A_205 = arith.constant 0 : i32
    %dma_wait3A_206 = tpu.memref_slice %arg5[%dma_wait3A_205] : memref<52428800xf32, #tpu.memory_space<hbm>> -> memref<4096xf32, #tpu.memory_space<hbm>>
    tpu.wait_dma2 semaphore(%arg16 : memref<!tpu.dma_semaphore, #tpu.memory_space<semaphore_mem>>) src(%dma_wait3A_206 : memref<4096xf32, #tpu.memory_space<hbm>>) dst(%dma_wait3A_204 : memref<4096xf32, #tpu.memory_space<vmem>>)
    return
  }
}

</mosaic_0001>

<sc_bundles>
// kernel: kernel.3.cloned.1.call-start
scs
__scs_entry_jumppad:
0x0: {  	(pc) =	sbr.rel $0x88, $3  }
0x1: {  	(tag) =	ssettag $0x0;
	lr =	simm.s32 $0x1  }
0x2: {  	[smem:$0x3F9E] =	sst lr;
	_ =	strace $0xD0000000  }
0x3: {  	_ = 	snop  }
0x4: {  	_ = 	snop  }
0x5: {  	_ = 	snop  }
0x6: {  	_ = 	snop  }
0x7: {  	_ = 	snop  }
__scs_overlays_trampoline_lowered:
0x8: {  	[smem:$0x3FAD] =	sst s0  }
0x9: {  	[smem:$0x3FAE] =	sst s1  }
0xa: {  	[smem:$0x3FAF] =	sst s2  }
0xb: {  	[smem:$0x3FB0] =	sst s3  }
0xc: {  	[smem:$0x3FB1] =	sst s4  }
0xd: {  	[smem:$0x3FB2] =	sst s5  }
0xe: {  	[smem:$0x3FB3] =	sst s6  }
0xf: {  	[smem:$0x3FB4] =	sst s7  }
0x10: {  	[smem:$0x3FB5] =	sst s8  }
0x11: {  	[smem:$0x3FB6] =	sst s9;
	s0 =	simm.s32 @!p0 $0x0  }
0x12: {  	s1 =	sld [smem:$0x3F9C];
	s0 =	simm.s32 @p0 $0x1  }
0x13: {  	[smem:$0x3FB7] =	sst s0;
	s0 =	simm.s32 @!p1 $0x0  }
0x14: {  	s2 =	sld [smem:$0x3F9B];
	s0 =	simm.s32 @p1 $0x1  }
0x15: {  	[smem:$0x3FB8] =	sst s0;
	s0 =	simm.s32 @!p2 $0x0  }
0x16: {  	s3 =	sld [smem:$0x3FDB];
	s0 =	simm.s32 @p2 $0x1  }
0x17: {  	s4 =	simm.s32 $0x1BF5;
	[smem:$0x3FBA] =	sst s0  }
0x18: {  	s0 =	sld [smem:$0x3F9D];
	_ =	swait.ge [sflag:s4], $0x0  }
0x19: {  	s7 =	sld [smem:$0x3F9E]  }
0x1a: {  	s8 =	sadd.s32 $0xFFFFE003, lr  }
0x1b: {  	s9 =	sadd.s32 $0xFFFFFEF7, lr;
	s5 =	simm.s32 $0xFFFFFFFF;
	p2 =	slt.u32 s8, $0xFFFFF086  }
0x1c: {  	p1 =	slt.u32 s9, $0xF7A;
	s5 =	simm.s32 @!p2 $0x0  }
0x1d: {  	s5 =	simm.s32 @p1 $0x1;
	p0 =	seq.s32 s7, s2  }
0x1e: {  	s7 =	smul.u32 @!p0 $0xF7A, s2;
	p2 =	seq.s32 @!p0 s5, $0x0  }
0x1f: {  	s9 =	smul.u32 $0xF7A, s1;
	s8 =	simm.s32 @!p0 $0x1BF5;
	p2 =	por !p2, p0  }
0x20: {  	[sflag:s8] =	ssyncset.s32 @!p0 $0xFFFFF086;
	s6 =	sadd.s32 @!p0 s3, s7;
	s7 =	simm.s32 @!p0 $0x108  }
0x21: {  	s3 =	sadd.s32 s3, s9;
	s6 =	sadd.s32 @!p0 $0x88, s6;
	s7 =	simm.s32 @p2 $0x1082  }
0x22: {  	[simem:s7], [sflag:s8] =	dma.local @!p0 [hbm:s6], $0xF7A  }
0x23: {  	s9 =	sor.u32 $0xD0000000, s2;
	s6 =	simm.s32 $0x108;
	_ =	swait.ge @!p0 [sflag:s8], $0x0  }
0x24: {  	s3 =	sadd.s32 $0x88, s3;
	s6 =	simm.s32 @!p1 $0x1082;
	[sflag:s4] =	ssyncset.s32 $0xFFFFF086  }
0x25: {  	[simem:s6], [sflag:s4] =	dma.local [hbm:s3], $0xF7A  }
0x26: {  	[smem:$0x3F9E] =	sst s1;
	(tag) =	ssettag s2;
	_ =	strace s9  }
0x27: {  	s1 =	sld [smem:$0x3FAE]  }
0x28: {  	s2 =	sld [smem:$0x3FAF]  }
0x29: {  	s4 =	sld [smem:$0x3FB1]  }
0x2a: {  	p0 =	seq.s32 s5, $0x0;
	s5 =	sld [smem:$0x3FB2]  }
0x2b: {  	s6 =	sld [smem:$0x3FB3]  }
0x2c: {  	s7 =	sld [smem:$0x3FB4]  }
0x2d: {  	s3 =	simm.s32 $0x108;
	s8 =	sld [smem:$0x3FB5]  }
0x2e: {  	s3 =	simm.s32 @!p0 $0x1082;
	s9 =	sld [smem:$0x3FB6]  }
0x2f: {  	lr =	sadd.s32 s0, s3;
	s0 =	sld [smem:$0x3FAD]  }
0x30: {  	s3 =	sld [smem:$0x3FB0]  }
0x31: {  	[smem:$0x3FB9] =	sst s10  }
0x32: {  	s10 =	sld [smem:$0x3FB7];
	_ =	sdelay $0x3  }
0x33: {  	p0 =	seq.s32 s10, $0x1;
	s10 =	sld [smem:$0x3FB9];
	_ =	sdelay $0x3  }
0x34: {  	[smem:$0x3FB9] =	sst s10  }
0x35: {  	s10 =	sld [smem:$0x3FB8];
	_ =	sdelay $0x3  }
0x36: {  	p1 =	seq.s32 s10, $0x1;
	s10 =	sld [smem:$0x3FB9];
	_ =	sdelay $0x3  }
0x37: {  	[smem:$0x3FB9] =	sst s10  }
0x38: {  	s10 =	sld [smem:$0x3FBA]  }
0x39: {  	_ = 	snop;
	(pc) =	sbr.ind lr, $3  }
0x3a: {  	_ = 	snop  }
0x3b: {  	_ = 	snop  }
0x3c: {  	p2 =	seq.s32 s10, $0x1;
	s10 =	sld [smem:$0x3FB9]  }
0x3d: {  	_ =	shalt  }
0x3e: {  	_ =	shalt  }
0x3f: {  	_ =	shalt  }
0x40: {  	_ =	shalt  }
0x41: {  	_ =	shalt  }
0x42: {  	_ =	shalt  }
0x43: {  	_ =	shalt  }
0x44: {  	_ =	shalt  }
0x45: {  	_ =	shalt  }
0x46: {  	_ =	shalt  }
0x47: {  	_ =	shalt  }
0x48: {  	_ =	shalt  }
0x49: {  	_ =	shalt  }
0x4a: {  	_ =	shalt  }
0x4b: {  	_ =	shalt  }
0x4c: {  	_ =	shalt  }
0x4d: {  	_ =	shalt  }
0x4e: {  	_ =	shalt  }
0x4f: {  	_ =	shalt  }
0x50: {  	_ =	shalt  }
0x51: {  	_ =	shalt  }
0x52: {  	_ =	shalt  }
0x53: {  	_ =	shalt  }
0x54: {  	_ =	shalt  }
0x55: {  	_ =	shalt  }
0x56: {  	_ =	shalt  }
0x57: {  	_ =	shalt  }
0x58: {  	_ =	shalt  }
0x59: {  	_ =	shalt  }
0x5a: {  	_ =	shalt  }
0x5b: {  	_ =	shalt  }
0x5c: {  	_ =	shalt  }
0x5d: {  	_ =	shalt  }
0x5e: {  	_ =	shalt  }
0x5f: {  	_ =	shalt  }
0x60: {  	_ =	shalt  }
0x61: {  	_ =	shalt  }
0x62: {  	_ =	shalt  }
0x63: {  	_ =	shalt  }
0x64: {  	_ =	shalt  }
0x65: {  	_ =	shalt  }
0x66: {  	_ =	shalt  }
0x67: {  	_ =	shalt  }
0x68: {  	_ =	shalt  }
0x69: {  	_ =	shalt  }
0x6a: {  	_ =	shalt  }
0x6b: {  	_ =	shalt  }
0x6c: {  	_ =	shalt  }
0x6d: {  	_ =	shalt  }
0x6e: {  	_ =	shalt  }
0x6f: {  	_ =	shalt  }
0x70: {  	_ =	shalt  }
0x71: {  	_ =	shalt  }
0x72: {  	_ =	shalt  }
0x73: {  	_ =	shalt  }
0x74: {  	_ =	shalt  }
0x75: {  	_ =	shalt  }
0x76: {  	_ =	shalt  }
0x77: {  	_ =	shalt  }
0x78: {  	_ =	shalt  }
0x79: {  	_ =	shalt  }
0x7a: {  	_ =	shalt  }
0x7b: {  	_ =	shalt  }
0x7c: {  	_ =	shalt  }
0x7d: {  	_ =	shalt  }
0x7e: {  	_ =	shalt  }
0x7f: {  	_ =	shalt  }
0x80: {  	_ =	shalt  }
0x81: {  	_ =	shalt  }
0x82: {  	_ =	shalt  }
0x83: {  	_ =	shalt  }
0x84: {  	_ =	shalt  }
0x85: {  	_ =	shalt  }
0x86: {  	_ =	shalt  }
0x87: {  	_ =	shalt  }
.Lfunc_end0:
.L_simem_size_0:
called_computation.1_lowered:
.L_overlay_start_0:
0x88: {  	s2 =	sld [smem:$0x3FD9]  }
0x89: {  	s3 =	sld [smem:$0x3FFE];
	_ =	sdelay $0x1  }
0x8a: {  	s1 =	srdreg.scid  }
0x8b: {  	s0 =	sand.u32 $0x1, s1  }
0x8c: {  	s17 =	sshll.u32 s0, $0xA;
	s2 =	sadd.s32 s3, s2  }
0x8d: {  	s2 =	sadd.s32 s2, s17  }
0x8e: {  	[smem:$0x3FC5] =	sst s2  }
0x8f: {  	_ = 	snop  }
0x90: {  	s2 =	sld [smem:$0x3FD0];
	(tm) =	ssettm $0x1  }
0x91: {  	s18 =	sld [smem:$0x3FFB];
	_ =	sdelay $0x3  }
0x92: {  	_ =	strace s18  }
0x93: {  	s3 =	sld [smem:$0x3FFC];
	_ =	sdelay $0x3  }
0x94: {  	_ =	strace s3  }
0x95: {  	s3 =	sld [smem:$0x3FFD];
	_ =	sdelay $0x3  }
0x96: {  	_ =	strace s3  }
0x97: {  	_ =	strace $0x8FFFFFFF  }
0x98: {  	s19 =	sld [smem:$0x3FDB];
	_ =	sdelay $0x1  }
0x99: {  	s4 =	simm.s32 $_scs_section_size  }
0x9a: {  	s5 =	simm.s32 $_size__tile_overlayer_lowered;
	s6 =	simm.s32 $_tile_overlayer_lowered  }
0x9b: {  	s22 =	simm.s32 $0x1BFF;
	s21 =	sshll.u32 s6, $0x1;
	s3 =	sadd.s32 s4, s19  }
0x9c: {  	s7 =	simm.s32 $0x0;
	s20 =	sshll.u32 s5, $0x1;
	s5 =	sadd.s32 s21, s3  }
0x9d: {  	[timem:s7], [sflag:s22] =	dma.local [hbm:s5], s20  }
0x9e: {  	_ =	swait.ge [sflag:s22], s20  }
0x9f: {  	s4 =	ssub.s32 $0x0, s20;
	[sflag:s22] =	ssyncset.done $0x0  }
0xa0: {  	[sflag:s22] =	ssyncadd.s32 s4;
	_ =	sdelay $0x1  }
0xa1: {  	s23 =	simm.s32 $0x1B8B  }
0xa2: {  	_ =	swait.ge [sflag:s23], $0x1  }
0xa3: {  	[sflag:s23] =	ssyncset.done $0x0  }
0xa4: {  	s25 =	simm.s32 $0x1B8E;
	s24 =	sld [smem:$0x3FFE];
	[sflag:s23] =	ssyncadd.s32 $0xFFFFFFFF  }
0xa5: {  	s26 =	simm.s32 $execute0_lowered;
	[smem:$0x3FD2] =	sst s25  }
0xa6: {  	s5 =	sshll.u32 s26, $0x1;
	_ =	strace $0x80000049;
	[dreg:$0x1] =	wrdreg $0xFFFFFFFF  }
0xa7: {  	s28 =	simm.s32 $_size_execute0_lowered;
	s3 =	sadd.s32 s3, s5;
	[dreg:$0x0] =	wrdreg $0x0  }
0xa8: {  	s5 =	sshll.u32 s28, $0x1;
	[dreg:$0x2] =	wrdreg s3  }
0xa9: {  	[dreg:$0x3] =	wrdreg s5  }
0xaa: {  	[dreg:$0x4] =	wrdreg $0xC0  }
0xab: {  	_ =	task [dreg:s7], $0x5FFFF  }
0xac: {  	[dreg:$0x1] =	wrdreg $0xFFFFFFFF  }
0xad: {  	[dreg:$0x0] =	wrdreg $0x60  }
0xae: {  	[dreg:$0x2] =	wrdreg s24  }
0xaf: {  	[dreg:$0x3] =	wrdreg s2  }
0xb0: {  	[dreg:$0x4] =	wrdreg $0x9  }
0xb1: {  	_ =	task.clear_ibuf [dreg:s7], $0x5FFFF;
	_ =	strace $0x90000049  }
0xb2: {  	s29 =	simm.s32 $0x9;
	_ =	strace $0x8000004B  }
0xb3: {  	_ =	swait.ge [sflag:s29], $0x1  }
0xb4: {  	[sflag:s29] =	ssyncadd.s32 $0xFFFFFFFF  }
0xb5: {  	_ =	strace $0x9000004B  }
0xb6: {  	_ =	sfence  }
0xb7: {  	s30 =	sld [smem:$0x0];
	_ =	sdelay $0x2  }
0xb8: {  	s31 =	sshll.u32 s1, $0xD;
	s1 =	sshrl.u32 s1, $0x2  }
0xb9: {  	s3 =	sand.u32 $0x4000, s31;
	s1 =	sadd.s32 s1, s30  }
0xba: {  	s0 =	sor.u32 s3, s0;
	s1 =	sshll.u32 s1, $0x11  }
0xbb: {  	s0 =	sor.u32 s1, s0  }
0xbc: {  	s0 =	sadd.s32 $0x8F2B, s0  }
0xbd: {  	[sflag:s0] =	ssyncadd.remote.s32 $0x1  }
0xbe: {  	_ =	sfence.sel $0xFFFF  }
0xbf: {  	[dreg:$0x0] =	wrdreg $0xFFFFFFFF;
	(pc) =	sbr.abs _section_cstart, $3  }
0xc0: {  	[dreg:$0x1] =	wrdreg $0xFFFFFFFF  }
0xc1: {  	_ =	task.clear_ibuf [dreg:s7], $0x2FFFF;
	_ =	strace $0x9FFFFFFF  }
0xc2: {  	(tm) =	ssettm $0x7FFFFFFF  }
0xc3: {  	_ =	shalt  }
tec
execute0_lowered:
.L_overlay_start_1:
0x0: {  	(tag) =	ssettag $0x1  }
0x1: {  	s0 =	rddreg [dreg:$0x0]  }
0x2: {  	s1 =	rddreg [dreg:$0x1]  }
0x3: {  	s3 =	simm.s32 $0x0;
	s2 =	srdreg.scid;
	s5 =	stileid.u32;
	v2 =	vimm.s32 $0x7654321;
	v4 =	vimm.s32 $0x10765432;
	v6 =	vimm.s32 $0x21076543  }
0x4: {  	v1 =	vlaneseq.u32;
	s18 =	simm.s32 $0x7;
	s19 =	simm.s32 $0x200;
	s22 =	simm.s32 $0x1;
	v8 =	vimm.s32 $0x32107654;
	v10 =	vimm.s32 $0x43210765  }
0x5: {  	s23 =	simm.s32 $0x3;
	s26 =	simm.s32 $0x14800;
	v12 =	vimm.s32 $0x65432107;
	s17 =	simm.s32 $0x4;
	v0 =	vmul.u32 $0x11, v1;
	v1 =	vand.u32 $0x7, v1  }
0x6: {  	s20 =	simm.s32 $0x6;
	s24 =	simm.s32 $0x0;
	[smem:$0x7FF] =	sst s3;
	v3 =	vunpack.c.l.s4.s8 v2;
	v5 =	vunpack.c.l.s4.s8 v4;
	v7 =	vunpack.c.l.s4.s8 v6  }
0x7: {  	s4 =	sadd.s32 $0x1E8E00, s0;
	s2 =	sand.u32 $0x1, s2;
	s6 =	sshll.u32 s5, $0x1;
	v9 =	vunpack.c.l.s4.s8 v8;
	v11 =	vunpack.c.l.s4.s8 v10;
	v10 =	vimm.s32 $0x54321076  }
0x8: {  	s5 =	sadd.s32 $0x800, s0;
	s10 =	sadd.s32 $0x4000, s1;
	s11 =	sadd.s32 $0x8000, s1;
	v15 =	vunpack.c.l.s4.s8 v12;
	v13 =	vunpack.c.l.s4.s8 v10;
	v2 =	vadd.s32 $0x1, v0  }
0x9: {  	s12 =	sadd.s32 $0xC000, s1;
	s13 =	sadd.s32 $0x10000, s1;
	s14 =	sadd.s32 $0x14000, s1;
	v3 =	vunpack.c.0.s8.s32 v3;
	v4 =	vadd.s32 $0x2, v0;
	v5 =	vunpack.c.0.s8.s32 v5  }
0xa: {  	s15 =	sadd.s32 $0x18000, s1;
	s16 =	sadd.s32 $0x1C000, s1;
	s7 =	ssub.s32 $0x2, s2;
	v6 =	vadd.s32 $0x3, v0;
	v7 =	vunpack.c.0.s8.s32 v7;
	v8 =	vadd.s32 $0x4, v0  }
0xb: {  	_ =	strace $0x8000004A;
	s2 =	sor.u32 s2, s6;
	s30 =	sshrl.u32 s7, $0x1;
	v9 =	vunpack.c.0.s8.s32 v9;
	v10 =	vadd.s32 $0x5, v0;
	v11 =	vunpack.c.0.s8.s32 v11  }
0xc: {  	s6 =	sadd.s32 $0x201E00, s0;
	s8 =	sshll.u32 s2, $0x6;
	v12 =	vadd.s32 $0x6, v0;
	v14 =	vadd.s32 $0x7, v0;
	v15 =	vunpack.c.0.s8.s32 v15;
	s0 =	ssub.s32 s7, s30  }
0xd: {  	v16 =	vadd.s32 $0x8, v0;
	v17 =	vadd.s32 $0x9, v0;
	v18 =	vadd.s32 $0xA, v0;
	s7 =	sshll.u32 s2, $0x9;
	s31 =	sadd.s32 s4, s8;
	s8 =	simm.s32 $0x2  }
0xe: {  	v19 =	vadd.s32 $0xB, v0;
	v20 =	vadd.s32 $0xC, v0;
	v21 =	vadd.s32 $0xD, v0;
	s2 =	simm.s32 $0x13800;
	[dreg:$0x3] =	wrdreg s31;
	s0 =	smax.u32 s0, $0x1  }
0xf: {  	v22 =	vadd.s32 $0xE, v0;
	v23 =	vadd.s32 $0xF, v0;
	v13 =	vunpack.c.0.s8.s32 v13;
	s9 =	sor.u32 $0x8000, s7;
	[dreg:$0x4] =	wrdreg s0;
	s0 =	simm.s32 $0x12800  }
.LBB2_1:
0x10: {  	[dreg:$0x5] =	wrdreg s24  }
0x11: {  	s21 =	rddreg [dreg:$0x3]  }
0x12: {  	[tilespmem:s3], [sflag:$0x7] =	stream.linear.gather [hbm4b:s21+s3], $0x200, $0x38;
	[tilespmem:$0x16A00] =	vst v63  }
0x13: {  	_ =	swait.ge [sflag:s18], $0x200  }
0x14: {  	[sflag:s18] =	ssyncset.done $0x0  }
0x15: {  	s30 =	simm.s32 $0x400;
	[sflag:s18] =	ssyncadd.s32 $0xFFFFFE00  }
0x16: {  	[tilespmem:s30], [sflag:$0x1] =	stream.indirect.gather [hbm4b:s5+s19], $0x10, s3, s19, $0xb8;
	[tilespmem:$0x16A00] =	vst v63  }
0x17: {  	s31 =	simm.s32 $0x4400;
	s21 =	simm.s32 $0x0  }
0x18: {  	[tilespmem:s31], [sflag:$0x3] =	stream.indirect.gather [hbm4b:s6+s19], $0x1, s3, s19, $0xb8;
	[tilespmem:$0x16A00] =	vst v63  }
.LBB2_2:
0x19: {  	_ =	swait.ge [sflag:s22], $0x2000  }
0x1a: {  	s24 =	sshllo.u32 s21, $0x1;
	[sflag:s22] =	ssyncset.done $0x0  }
0x1b: {  	s25 =	sshll.u32 s24, $0xE;
	[sflag:s22] =	ssyncadd.s32 $0xFFFFE000  }
0x1c: {  	s25 =	sor.u32 s7, s25;
	_ =	swait.ge [sflag:s23], $0x200  }
0x1d: {  	s25 =	sshrl.u32 s25, $0x3;
	[sflag:s23] =	ssyncset.done $0x0  }
0x1e: {  	s25 =	sadd.s32 s4, s25;
	[sflag:s23] =	ssyncadd.s32 $0xFFFFFE00  }
0x1f: {  	[tilespmem:s19], [sflag:$0x7] =	stream.linear.gather [hbm4b:s25+s3], $0x200, $0x38;
	[tilespmem:$0x16A00] =	vst v63  }
0x20: {  	_ =	swait.ge [sflag:s18], $0x200  }
0x21: {  	[sflag:s18] =	ssyncset.done $0x0  }
0x22: {  	s30 =	simm.s32 $0x2400;
	p0 =	seq.s32 s21, $0x0;
	[sflag:s18] =	ssyncadd.s32 $0xFFFFFE00  }
0x23: {  	[tilespmem:s30], [sflag:$0x2] =	stream.indirect.gather [hbm4b:s5+s19], $0x10, s19, s19, $0xb8;
	[tilespmem:$0x16A00] =	vst v63  }
0x24: {  	s31 =	simm.s32 $0x4600;
	s25 =	simm.s32 @!p0 $0x5  }
0x25: {  	[tilespmem:s31], [sflag:$0x4] =	stream.indirect.gather [hbm4b:s6+s19], $0x1, s19, s19, $0xb8;
	[tilespmem:$0x16A00] =	vst v63  }
0x26: {  	_ =	swait.ge @!p0 [sflag:s25], $0x1000  }
0x27: {  	[sflag:s25] =	ssyncset.done @!p0 $0x0  }
0x28: {  	[sflag:s25] =	ssyncadd.s32 @!p0 $0xFFFFF000  }
0x29: {  	_ =	swait.ge @!p0 [sflag:s25], $0x1000  }
0x2a: {  	[sflag:s25] =	ssyncset.done @!p0 $0x0  }
0x2b: {  	[sflag:s25] =	ssyncadd.s32 @!p0 $0xFFFFF000  }
0x2c: {  	_ =	swait.ge @!p0 [sflag:s25], $0x1000  }
0x2d: {  	[sflag:s25] =	ssyncset.done @!p0 $0x0  }
0x2e: {  	[sflag:s25] =	ssyncadd.s32 @!p0 $0xFFFFF000  }
0x2f: {  	_ =	swait.ge @!p0 [sflag:s25], $0x1000  }
0x30: {  	[sflag:s25] =	ssyncset.done @!p0 $0x0  }
0x31: {  	[sflag:s25] =	ssyncadd.s32 @!p0 $0xFFFFF000  }
0x32: {  	_ =	swait.ge @!p0 [sflag:s25], $0x1000  }
0x33: {  	[sflag:s25] =	ssyncset.done @!p0 $0x0  }
0x34: {  	[sflag:s25] =	ssyncadd.s32 @!p0 $0xFFFFF000  }
0x35: {  	_ =	swait.ge @!p0 [sflag:s25], $0x1000  }
0x36: {  	[sflag:s25] =	ssyncset.done @!p0 $0x0  }
0x37: {  	[sflag:s25] =	ssyncadd.s32 @!p0 $0xFFFFF000  }
0x38: {  	_ =	swait.ge @!p0 [sflag:s25], $0x1000  }
0x39: {  	[sflag:s25] =	ssyncset.done @!p0 $0x0  }
0x3a: {  	[sflag:s25] =	ssyncadd.s32 @!p0 $0xFFFFF000  }
0x3b: {  	_ =	swait.ge @!p0 [sflag:s25], $0x1000  }
0x3c: {  	[sflag:s25] =	ssyncset.done @!p0 $0x0  }
0x3d: {  	[sflag:s25] =	ssyncadd.s32 @!p0 $0xFFFFF000;
	s25 =	simm.s32 $0x480  }
0x3e: {  	s28 =	simm.s32 $0x3FC;
	s29 =	simm.s32 $0x83C;
	v24 =	vld [tilespmem:s25+$0xFFFFFF80]  }
.LBB2_3:
0x3f: {  	p0 =	sne.s32 s29, $0x87BC;
	_ =	sdelay $0x2  }
0x40: {  	s30 =	sshra.s32 s28, $0x2;
	s28 =	smov.u32 s29  }
0x41: {  	[tilespmem:s30+$0x14701] =	vst v24  }
0x42: {  	v24 =	vld [tilespmem:s25+$0xFFFFFF90];
	_ =	sdelay $0x4  }
0x43: {  	[tilespmem:s30+$0x14712] =	vst v24  }
0x44: {  	v24 =	vld [tilespmem:s25+$0xFFFFFFA0];
	_ =	sdelay $0x4  }
0x45: {  	[tilespmem:s30+$0x14723] =	vst v24  }
0x46: {  	v24 =	vld [tilespmem:s25+$0xFFFFFFB0];
	_ =	sdelay $0x4  }
0x47: {  	[tilespmem:s30+$0x14734] =	vst v24  }
0x48: {  	v24 =	vld [tilespmem:s25+$0xFFFFFFC0];
	_ =	sdelay $0x4  }
0x49: {  	[tilespmem:s30+$0x14745] =	vst v24  }
0x4a: {  	v24 =	vld [tilespmem:s25+$0xFFFFFFD0];
	_ =	sdelay $0x4  }
0x4b: {  	[tilespmem:s30+$0x14756] =	vst v24  }
0x4c: {  	v24 =	vld [tilespmem:s25+$0xFFFFFFE0];
	_ =	sdelay $0x4  }
0x4d: {  	[tilespmem:s30+$0x14767] =	vst v24  }
0x4e: {  	v24 =	vld [tilespmem:s25+$0xFFFFFFF0];
	_ =	sdelay $0x4  }
0x4f: {  	[tilespmem:s30+$0x14778] =	vst v24  }
0x50: {  	v24 =	vld [tilespmem:s25+$0x0];
	_ =	sdelay $0x4  }
0x51: {  	[tilespmem:s30+$0x14789] =	vst v24  }
0x52: {  	v24 =	vld [tilespmem:s25+$0x10];
	_ =	sdelay $0x4  }
0x53: {  	[tilespmem:s30+$0x1479A] =	vst v24  }
0x54: {  	v24 =	vld [tilespmem:s25+$0x20];
	_ =	sdelay $0x4  }
0x55: {  	[tilespmem:s30+$0x147AB] =	vst v24  }
0x56: {  	v24 =	vld [tilespmem:s25+$0x30];
	_ =	sdelay $0x4  }
0x57: {  	[tilespmem:s30+$0x147BC] =	vst v24  }
0x58: {  	v24 =	vld [tilespmem:s25+$0x40];
	_ =	sdelay $0x4  }
0x59: {  	[tilespmem:s30+$0x147CD] =	vst v24  }
0x5a: {  	v24 =	vld [tilespmem:s25+$0x50];
	_ =	sdelay $0x4  }
0x5b: {  	[tilespmem:s30+$0x147DE] =	vst v24  }
0x5c: {  	v24 =	vld [tilespmem:s25+$0x60];
	_ =	sdelay $0x4  }
0x5d: {  	[tilespmem:s30+$0x147EF] =	vst v24  }
0x5e: {  	v24 =	vld [tilespmem:s25+$0x70];
	_ =	sdelay $0x1  }
.Ltmp0:
0x5f: {  	(pc) =	sbr.rel @p0 .LBB2_3-.Ltmp0, $3  }
0x60: {  	_ =	sdelay $0x1  }
0x61: {  	s25 =	sadd.s32 $0x100, s25;
	[tilespmem:s30+$0x14800] =	vst v24  }
0x62: {  	s29 =	sadd.s32 $0x440, s29;
	v24 =	vld [tilespmem:s25+$0xFFFFFF80]  }
0x63: {  	_ =	sdelay $0x2  }
0x64: {  	s28 =	sshra.s32 s28, $0x2  }
0x65: {  	[tilespmem:s28+$0x14701] =	vst v24  }
0x66: {  	v24 =	vld [tilespmem:s25+$0xFFFFFF90];
	_ =	sdelay $0x4  }
0x67: {  	[tilespmem:s28+$0x14712] =	vst v24  }
0x68: {  	v24 =	vld [tilespmem:s25+$0xFFFFFFA0];
	_ =	sdelay $0x4  }
0x69: {  	[tilespmem:s28+$0x14723] =	vst v24  }
0x6a: {  	v24 =	vld [tilespmem:s25+$0xFFFFFFB0];
	_ =	sdelay $0x4  }
0x6b: {  	[tilespmem:s28+$0x14734] =	vst v24  }
0x6c: {  	v24 =	vld [tilespmem:s25+$0xFFFFFFC0];
	_ =	sdelay $0x4  }
0x6d: {  	[tilespmem:s28+$0x14745] =	vst v24  }
0x6e: {  	v24 =	vld [tilespmem:s25+$0xFFFFFFD0];
	_ =	sdelay $0x4  }
0x6f: {  	[tilespmem:s28+$0x14756] =	vst v24  }
0x70: {  	v24 =	vld [tilespmem:s25+$0xFFFFFFE0];
	_ =	sdelay $0x4  }
0x71: {  	[tilespmem:s28+$0x14767] =	vst v24  }
0x72: {  	v24 =	vld [tilespmem:s25+$0xFFFFFFF0];
	_ =	sdelay $0x4  }
0x73: {  	[tilespmem:s28+$0x14778] =	vst v24  }
0x74: {  	v24 =	vld [tilespmem:s25+$0x0];
	_ =	sdelay $0x4  }
0x75: {  	[tilespmem:s28+$0x14789] =	vst v24  }
0x76: {  	v24 =	vld [tilespmem:s25+$0x10];
	_ =	sdelay $0x4  }
0x77: {  	[tilespmem:s28+$0x1479A] =	vst v24  }
0x78: {  	v24 =	vld [tilespmem:s25+$0x20];
	_ =	sdelay $0x4  }
0x79: {  	[tilespmem:s28+$0x147AB] =	vst v24  }
0x7a: {  	v24 =	vld [tilespmem:s25+$0x30];
	_ =	sdelay $0x4  }
0x7b: {  	[tilespmem:s28+$0x147BC] =	vst v24  }
0x7c: {  	v24 =	vld [tilespmem:s25+$0x40];
	_ =	sdelay $0x4  }
0x7d: {  	[tilespmem:s28+$0x147CD] =	vst v24  }
0x7e: {  	v24 =	vld [tilespmem:s25+$0x50];
	_ =	sdelay $0x4  }
0x7f: {  	[tilespmem:s28+$0x147DE] =	vst v24  }
0x80: {  	v24 =	vld [tilespmem:s25+$0x60];
	_ =	sdelay $0x4  }
0x81: {  	[tilespmem:s28+$0x147EF] =	vst v24  }
0x82: {  	v24 =	vld [tilespmem:s25+$0x70];
	_ =	sdelay $0x4  }
0x83: {  	s29 =	simm.s32 $0x0;
	s25 =	simm.s32 $0x0;
	[tilespmem:s28+$0x14800] =	vst v24;
	s28 =	simm.s32 $0x4400  }
.LBB2_5:
0x84: {  	v24 =	vmov s25  }
0x85: {  	v24 =	vmul.u32 $0x11, v24;
	_ =	sdelay $0x1  }
0x86: {  	v25 =	vbroadcast v24, $0x0;
	_ =	sdelay $0x1  }
0x87: {  	v24 =	vadd.s32 v0, v25  }
0x88: {  	v24 =	vand.u32 $0xFFFFFFF8, v24  }
0x89: {  	v24 =	vor.u32 v1, v24;
	_ =	sdelay $0x4  }
0x8a: {  	v26 =	vld.idx.msk [tilespmem:v24+s26+$0x0], $0xffff;
	_ =	sdelay $0x3  }
0x8b: {  	v24 =	vld [tilespmem:s28+$0x0]  }
0x8c: {  	v27 =	vshll.u32 v26, $0x18  }
0x8d: {  	v28 =	vshll.u32 v26, $0x10;
	v29 =	vshll.u32 v26, $0x8;
	v26 =	vshra.s32 v26, $0x18  }
0x8e: {  	v30 =	vadd.s32 v2, v25;
	v27 =	vshra.s32 v27, $0x18;
	v26 =	vcvt.s32.f32 v26  }
0x8f: {  	v30 =	vand.u32 $0xFFFFFFF8, v30;
	v28 =	vshra.s32 v28, $0x18;
	v27 =	vcvt.s32.f32 v27  }
0x90: {  	s30 =	sand.u32 $0xC00, s29;
	s31 =	sand.u32 $0x70, s25;
	v29 =	vshra.s32 v29, $0x18;
	v28 =	vcvt.s32.f32 v28;
	v26 =	vmul.f32 v26, v24  }
0x91: {  	s30 =	sor.u32 s31, s30;
	v30 =	vor.u32 v3, v30;
	v29 =	vcvt.s32.f32 v29;
	v27 =	vmul.f32 v27, v24  }
0x92: {  	v28 =	vmul.f32 v28, v24;
	[tilespmem:s30+$0x4980] =	vst v26  }
0x93: {  	v54 =	vmul.f32 v29, v24;
	[tilespmem:s30+$0x4800] =	vst v27  }
0x94: {  	[tilespmem:s30+$0x4880] =	vst v28  }
0x95: {  	[tilespmem:s30+$0x4900] =	vst v54  }
0x96: {  	v26 =	vld.idx.msk [tilespmem:v30+s26+$0x0], $0xffff;
	_ =	sdelay $0x4  }
0x97: {  	v55 =	vshll.u32 v26, $0x18  }
0x98: {  	v56 =	vshll.u32 v26, $0x10;
	v57 =	vshll.u32 v26, $0x8;
	v26 =	vshra.s32 v26, $0x18  }
0x99: {  	v58 =	vadd.s32 v4, v25;
	v27 =	vshra.s32 v55, $0x18;
	v26 =	vcvt.s32.f32 v26  }
0x9a: {  	v30 =	vand.u32 $0xFFFFFFF8, v58;
	v28 =	vshra.s32 v56, $0x18;
	v27 =	vcvt.s32.f32 v27  }
0x9b: {  	v29 =	vshra.s32 v57, $0x18;
	v28 =	vcvt.s32.f32 v28;
	v26 =	vmul.f32 v26, v24  }
0x9c: {  	v30 =	vor.u32 v5, v30;
	v29 =	vcvt.s32.f32 v29;
	v27 =	vmul.f32 v27, v24  }
0x9d: {  	v28 =	vmul.f32 v28, v24;
	[tilespmem:s30+$0x4B80] =	vst v26  }
0x9e: {  	v59 =	vmul.f32 v29, v24;
	[tilespmem:s30+$0x4A00] =	vst v27  }
0x9f: {  	[tilespmem:s30+$0x4A80] =	vst v28  }
0xa0: {  	[tilespmem:s30+$0x4B00] =	vst v59  }
0xa1: {  	v26 =	vld.idx.msk [tilespmem:v30+s26+$0x0], $0xffff;
	_ =	sdelay $0x4  }
0xa2: {  	v60 =	vshll.u32 v26, $0x18  }
0xa3: {  	v61 =	vshll.u32 v26, $0x10;
	v62 =	vshll.u32 v26, $0x8;
	v26 =	vshra.s32 v26, $0x18  }
0xa4: {  	v63 =	vadd.s32 v6, v25;
	v27 =	vshra.s32 v60, $0x18;
	v26 =	vcvt.s32.f32 v26  }
0xa5: {  	v30 =	vand.u32 $0xFFFFFFF8, v63;
	v28 =	vshra.s32 v61, $0x18;
	v27 =	vcvt.s32.f32 v27  }
0xa6: {  	v29 =	vshra.s32 v62, $0x18;
	v28 =	vcvt.s32.f32 v28;
	v26 =	vmul.f32 v26, v24  }
0xa7: {  	v30 =	vor.u32 v7, v30;
	v29 =	vcvt.s32.f32 v29;
	v27 =	vmul.f32 v27, v24  }
0xa8: {  	v28 =	vmul.f32 v28, v24;
	[tilespmem:s30+$0x5980] =	vst v26  }
0xa9: {  	v33 =	vmul.f32 v29, v24;
	[tilespmem:s30+$0x5800] =	vst v27  }
0xaa: {  	[tilespmem:s30+$0x5880] =	vst v28  }
0xab: {  	[tilespmem:s30+$0x5900] =	vst v33  }
0xac: {  	v26 =	vld.idx.msk [tilespmem:v30+s26+$0x0], $0xffff;
	_ =	sdelay $0x4  }
0xad: {  	v34 =	vshll.u32 v26, $0x18  }
0xae: {  	v35 =	vshll.u32 v26, $0x10;
	v36 =	vshll.u32 v26, $0x8;
	v26 =	vshra.s32 v26, $0x18  }
0xaf: {  	v37 =	vadd.s32 v8, v25;
	v27 =	vshra.s32 v34, $0x18;
	v26 =	vcvt.s32.f32 v26  }
0xb0: {  	v30 =	vand.u32 $0xFFFFFFF8, v37;
	v28 =	vshra.s32 v35, $0x18;
	v27 =	vcvt.s32.f32 v27  }
0xb1: {  	v29 =	vshra.s32 v36, $0x18;
	v28 =	vcvt.s32.f32 v28;
	v26 =	vmul.f32 v26, v24  }
0xb2: {  	v30 =	vor.u32 v9, v30;
	v29 =	vcvt.s32.f32 v29;
	v27 =	vmul.f32 v27, v24  }
0xb3: {  	v28 =	vmul.f32 v28, v24;
	[tilespmem:s30+$0x5B80] =	vst v26  }
0xb4: {  	v38 =	vmul.f32 v29, v24;
	[tilespmem:s30+$0x5A00] =	vst v27  }
0xb5: {  	[tilespmem:s30+$0x5A80] =	vst v28  }
0xb6: {  	[tilespmem:s30+$0x5B00] =	vst v38  }
0xb7: {  	v26 =	vld.idx.msk [tilespmem:v30+s26+$0x0], $0xffff;
	_ =	sdelay $0x4  }
0xb8: {  	v39 =	vshll.u32 v26, $0x18  }
0xb9: {  	v40 =	vshll.u32 v26, $0x10;
	v41 =	vshll.u32 v26, $0x8;
	v26 =	vshra.s32 v26, $0x18  }
0xba: {  	v42 =	vadd.s32 v10, v25;
	v27 =	vshra.s32 v39, $0x18;
	v26 =	vcvt.s32.f32 v26  }
0xbb: {  	v30 =	vand.u32 $0xFFFFFFF8, v42;
	v28 =	vshra.s32 v40, $0x18;
	v27 =	vcvt.s32.f32 v27  }
0xbc: {  	v29 =	vshra.s32 v41, $0x18;
	v28 =	vcvt.s32.f32 v28;
	v26 =	vmul.f32 v26, v24  }
0xbd: {  	v30 =	vor.u32 v11, v30;
	v29 =	vcvt.s32.f32 v29;
	v27 =	vmul.f32 v27, v24  }
0xbe: {  	v28 =	vmul.f32 v28, v24;
	[tilespmem:s30+$0x6980] =	vst v26  }
0xbf: {  	v43 =	vmul.f32 v29, v24;
	[tilespmem:s30+$0x6800] =	vst v27  }
0xc0: {  	[tilespmem:s30+$0x6880] =	vst v28  }
0xc1: {  	[tilespmem:s30+$0x6900] =	vst v43  }
0xc2: {  	v26 =	vld.idx.msk [tilespmem:v30+s26+$0x0], $0xffff;
	_ =	sdelay $0x4  }
0xc3: {  	v44 =	vshll.u32 v26, $0x18  }
0xc4: {  	v45 =	vshll.u32 v26, $0x10;
	v46 =	vshll.u32 v26, $0x8;
	v26 =	vshra.s32 v26, $0x18  }
0xc5: {  	v47 =	vadd.s32 v12, v25;
	v27 =	vshra.s32 v44, $0x18;
	v26 =	vcvt.s32.f32 v26  }
0xc6: {  	v30 =	vand.u32 $0xFFFFFFF8, v47;
	v28 =	vshra.s32 v45, $0x18;
	v27 =	vcvt.s32.f32 v27  }
0xc7: {  	v29 =	vshra.s32 v46, $0x18;
	v28 =	vcvt.s32.f32 v28;
	v26 =	vmul.f32 v26, v24  }
0xc8: {  	v30 =	vor.u32 v13, v30;
	v29 =	vcvt.s32.f32 v29;
	v27 =	vmul.f32 v27, v24  }
0xc9: {  	v28 =	vmul.f32 v28, v24;
	[tilespmem:s30+$0x6B80] =	vst v26  }
0xca: {  	v48 =	vmul.f32 v29, v24;
	[tilespmem:s30+$0x6A00] =	vst v27  }
0xcb: {  	[tilespmem:s30+$0x6A80] =	vst v28  }
0xcc: {  	[tilespmem:s30+$0x6B00] =	vst v48  }
0xcd: {  	v26 =	vld.idx.msk [tilespmem:v30+s26+$0x0], $0xffff;
	_ =	sdelay $0x4  }
0xce: {  	v49 =	vshll.u32 v26, $0x18  }
0xcf: {  	v50 =	vshll.u32 v26, $0x10;
	v51 =	vshll.u32 v26, $0x8;
	v26 =	vshra.s32 v26, $0x18  }
0xd0: {  	v52 =	vadd.s32 v14, v25;
	v27 =	vshra.s32 v49, $0x18;
	v26 =	vcvt.s32.f32 v26  }
0xd1: {  	v30 =	vand.u32 $0xFFFFFFF8, v52;
	v28 =	vshra.s32 v50, $0x18;
	v27 =	vcvt.s32.f32 v27  }
0xd2: {  	v29 =	vshra.s32 v51, $0x18;
	v28 =	vcvt.s32.f32 v28;
	v26 =	vmul.f32 v26, v24  }
0xd3: {  	v30 =	vor.u32 v15, v30;
	v29 =	vcvt.s32.f32 v29;
	v27 =	vmul.f32 v27, v24  }
0xd4: {  	v28 =	vmul.f32 v28, v24;
	[tilespmem:s30+$0x7980] =	vst v26  }
0xd5: {  	v53 =	vmul.f32 v29, v24;
	[tilespmem:s30+$0x7800] =	vst v27  }
0xd6: {  	[tilespmem:s30+$0x7880] =	vst v28  }
0xd7: {  	[tilespmem:s30+$0x7900] =	vst v53  }
0xd8: {  	v26 =	vld.idx.msk [tilespmem:v30+s26+$0x0], $0xffff;
	_ =	sdelay $0x4  }
0xd9: {  	v54 =	vshll.u32 v26, $0x18  }
0xda: {  	v55 =	vshll.u32 v26, $0x10;
	v56 =	vshll.u32 v26, $0x8;
	v26 =	vshra.s32 v26, $0x18  }
0xdb: {  	v57 =	vadd.s32 v16, v25;
	v27 =	vshra.s32 v54, $0x18;
	v26 =	vcvt.s32.f32 v26  }
0xdc: {  	v30 =	vand.u32 $0xFFFFFFF8, v57;
	v28 =	vshra.s32 v55, $0x18;
	v27 =	vcvt.s32.f32 v27  }
0xdd: {  	v29 =	vshra.s32 v56, $0x18;
	v28 =	vcvt.s32.f32 v28;
	v26 =	vmul.f32 v26, v24  }
0xde: {  	v30 =	vor.u32 v1, v30;
	v29 =	vcvt.s32.f32 v29;
	v27 =	vmul.f32 v27, v24  }
0xdf: {  	v28 =	vmul.f32 v28, v24;
	[tilespmem:s30+$0x7B80] =	vst v26  }
0xe0: {  	v58 =	vmul.f32 v29, v24;
	[tilespmem:s30+$0x7A00] =	vst v27  }
0xe1: {  	[tilespmem:s30+$0x7A80] =	vst v28  }
0xe2: {  	[tilespmem:s30+$0x7B00] =	vst v58  }
0xe3: {  	v26 =	vld.idx.msk [tilespmem:v30+s26+$0x0], $0xffff;
	_ =	sdelay $0x4  }
0xe4: {  	v59 =	vshll.u32 v26, $0x18  }
0xe5: {  	v60 =	vshll.u32 v26, $0x10;
	v61 =	vshll.u32 v26, $0x8;
	v26 =	vshra.s32 v26, $0x18  }
0xe6: {  	v62 =	vadd.s32 v17, v25;
	v27 =	vshra.s32 v59, $0x18;
	v26 =	vcvt.s32.f32 v26  }
0xe7: {  	v30 =	vand.u32 $0xFFFFFFF8, v62;
	v28 =	vshra.s32 v60, $0x18;
	v27 =	vcvt.s32.f32 v27  }
0xe8: {  	v29 =	vshra.s32 v61, $0x18;
	v28 =	vcvt.s32.f32 v28;
	v26 =	vmul.f32 v26, v24  }
0xe9: {  	v30 =	vor.u32 v3, v30;
	v29 =	vcvt.s32.f32 v29;
	v27 =	vmul.f32 v27, v24  }
0xea: {  	v28 =	vmul.f32 v28, v24;
	[tilespmem:s30+$0x8980] =	vst v26  }
0xeb: {  	v63 =	vmul.f32 v29, v24;
	[tilespmem:s30+$0x8800] =	vst v27  }
0xec: {  	[tilespmem:s30+$0x8880] =	vst v28  }
0xed: {  	[tilespmem:s30+$0x8900] =	vst v63  }
0xee: {  	v26 =	vld.idx.msk [tilespmem:v30+s26+$0x0], $0xffff;
	_ =	sdelay $0x4  }
0xef: {  	v31 =	vshll.u32 v26, $0x18  }
0xf0: {  	v32 =	vshll.u32 v26, $0x10;
	v33 =	vshll.u32 v26, $0x8;
	v26 =	vshra.s32 v26, $0x18  }
0xf1: {  	v34 =	vadd.s32 v18, v25;
	v27 =	vshra.s32 v31, $0x18;
	v26 =	vcvt.s32.f32 v26  }
0xf2: {  	v30 =	vand.u32 $0xFFFFFFF8, v34;
	v28 =	vshra.s32 v32, $0x18;
	v27 =	vcvt.s32.f32 v27  }
0xf3: {  	v29 =	vshra.s32 v33, $0x18;
	v28 =	vcvt.s32.f32 v28;
	v26 =	vmul.f32 v26, v24  }
0xf4: {  	v30 =	vor.u32 v5, v30;
	v29 =	vcvt.s32.f32 v29;
	v27 =	vmul.f32 v27, v24  }
0xf5: {  	v28 =	vmul.f32 v28, v24;
	[tilespmem:s30+$0x8B80] =	vst v26  }
0xf6: {  	v35 =	vmul.f32 v29, v24;
	[tilespmem:s30+$0x8A00] =	vst v27  }
0xf7: {  	[tilespmem:s30+$0x8A80] =	vst v28  }
0xf8: {  	[tilespmem:s30+$0x8B00] =	vst v35  }
0xf9: {  	v26 =	vld.idx.msk [tilespmem:v30+s26+$0x0], $0xffff;
	_ =	sdelay $0x4  }
0xfa: {  	v36 =	vshll.u32 v26, $0x18  }
0xfb: {  	v37 =	vshll.u32 v26, $0x10;
	v38 =	vshll.u32 v26, $0x8;
	v26 =	vshra.s32 v26, $0x18  }
0xfc: {  	v39 =	vadd.s32 v19, v25;
	v27 =	vshra.s32 v36, $0x18;
	v26 =	vcvt.s32.f32 v26  }
0xfd: {  	v30 =	vand.u32 $0xFFFFFFF8, v39;
	v28 =	vshra.s32 v37, $0x18;
	v27 =	vcvt.s32.f32 v27  }
0xfe: {  	v29 =	vshra.s32 v38, $0x18;
	v28 =	vcvt.s32.f32 v28;
	v26 =	vmul.f32 v26, v24  }
0xff: {  	v30 =	vor.u32 v7, v30;
	v29 =	vcvt.s32.f32 v29;
	v27 =	vmul.f32 v27, v24  }
0x100: {  	v28 =	vmul.f32 v28, v24;
	[tilespmem:s30+$0x9980] =	vst v26  }
0x101: {  	v40 =	vmul.f32 v29, v24;
	[tilespmem:s30+$0x9800] =	vst v27  }
0x102: {  	[tilespmem:s30+$0x9880] =	vst v28  }
0x103: {  	[tilespmem:s30+$0x9900] =	vst v40  }
0x104: {  	v26 =	vld.idx.msk [tilespmem:v30+s26+$0x0], $0xffff;
	_ =	sdelay $0x4  }
0x105: {  	v41 =	vshll.u32 v26, $0x18  }
0x106: {  	v42 =	vshll.u32 v26, $0x10;
	v43 =	vshll.u32 v26, $0x8;
	v26 =	vshra.s32 v26, $0x18  }
0x107: {  	v44 =	vadd.s32 v20, v25;
	v27 =	vshra.s32 v41, $0x18;
	v26 =	vcvt.s32.f32 v26  }
0x108: {  	v30 =	vand.u32 $0xFFFFFFF8, v44;
	v28 =	vshra.s32 v42, $0x18;
	v27 =	vcvt.s32.f32 v27  }
0x109: {  	v29 =	vshra.s32 v43, $0x18;
	v28 =	vcvt.s32.f32 v28;
	v26 =	vmul.f32 v26, v24  }
0x10a: {  	v30 =	vor.u32 v9, v30;
	v29 =	vcvt.s32.f32 v29;
	v27 =	vmul.f32 v27, v24  }
0x10b: {  	v28 =	vmul.f32 v28, v24;
	[tilespmem:s30+$0x9B80] =	vst v26  }
0x10c: {  	v45 =	vmul.f32 v29, v24;
	[tilespmem:s30+$0x9A00] =	vst v27  }
0x10d: {  	[tilespmem:s30+$0x9A80] =	vst v28  }
0x10e: {  	[tilespmem:s30+$0x9B00] =	vst v45  }
0x10f: {  	v26 =	vld.idx.msk [tilespmem:v30+s26+$0x0], $0xffff;
	_ =	sdelay $0x4  }
0x110: {  	v46 =	vshll.u32 v26, $0x18  }
0x111: {  	v47 =	vshll.u32 v26, $0x10;
	v48 =	vshll.u32 v26, $0x8;
	v26 =	vshra.s32 v26, $0x18  }
0x112: {  	v49 =	vadd.s32 v21, v25;
	v27 =	vshra.s32 v46, $0x18;
	v26 =	vcvt.s32.f32 v26  }
0x113: {  	v30 =	vand.u32 $0xFFFFFFF8, v49;
	v28 =	vshra.s32 v47, $0x18;
	v27 =	vcvt.s32.f32 v27  }
0x114: {  	v29 =	vshra.s32 v48, $0x18;
	v28 =	vcvt.s32.f32 v28;
	v26 =	vmul.f32 v26, v24  }
0x115: {  	v30 =	vor.u32 v11, v30;
	v29 =	vcvt.s32.f32 v29;
	v27 =	vmul.f32 v27, v24  }
0x116: {  	v28 =	vmul.f32 v28, v24;
	[tilespmem:s30+$0xA980] =	vst v26  }
0x117: {  	v50 =	vmul.f32 v29, v24;
	[tilespmem:s30+$0xA800] =	vst v27  }
0x118: {  	[tilespmem:s30+$0xA880] =	vst v28  }
0x119: {  	[tilespmem:s30+$0xA900] =	vst v50  }
0x11a: {  	v26 =	vld.idx.msk [tilespmem:v30+s26+$0x0], $0xffff;
	_ =	sdelay $0x4  }
0x11b: {  	v51 =	vshll.u32 v26, $0x18  }
0x11c: {  	v52 =	vshll.u32 v26, $0x10;
	v53 =	vshll.u32 v26, $0x8;
	v26 =	vshra.s32 v26, $0x18  }
0x11d: {  	v54 =	vadd.s32 v22, v25;
	v27 =	vshra.s32 v51, $0x18;
	v26 =	vcvt.s32.f32 v26  }
0x11e: {  	v30 =	vand.u32 $0xFFFFFFF8, v54;
	v28 =	vshra.s32 v52, $0x18;
	v27 =	vcvt.s32.f32 v27  }
0x11f: {  	v29 =	vshra.s32 v53, $0x18;
	v28 =	vcvt.s32.f32 v28;
	v26 =	vmul.f32 v26, v24  }
0x120: {  	v30 =	vor.u32 v13, v30;
	v29 =	vcvt.s32.f32 v29;
	v27 =	vmul.f32 v27, v24  }
0x121: {  	v28 =	vmul.f32 v28, v24;
	[tilespmem:s30+$0xAB80] =	vst v26  }
0x122: {  	v55 =	vmul.f32 v29, v24;
	[tilespmem:s30+$0xAA00] =	vst v27  }
0x123: {  	[tilespmem:s30+$0xAA80] =	vst v28  }
0x124: {  	[tilespmem:s30+$0xAB00] =	vst v55  }
0x125: {  	v26 =	vld.idx.msk [tilespmem:v30+s26+$0x0], $0xffff;
	_ =	sdelay $0x4  }
0x126: {  	v56 =	vshll.u32 v26, $0x18  }
0x127: {  	v57 =	vshll.u32 v26, $0x10;
	v58 =	vshll.u32 v26, $0x8;
	v26 =	vshra.s32 v26, $0x18  }
0x128: {  	v25 =	vadd.s32 v23, v25;
	v27 =	vshra.s32 v56, $0x18;
	v26 =	vcvt.s32.f32 v26  }
0x129: {  	v25 =	vand.u32 $0xFFFFFFF8, v25;
	v28 =	vshra.s32 v57, $0x18;
	v27 =	vcvt.s32.f32 v27  }
0x12a: {  	v29 =	vshra.s32 v58, $0x18;
	v28 =	vcvt.s32.f32 v28;
	v26 =	vmul.f32 v26, v24  }
0x12b: {  	v25 =	vor.u32 v15, v25;
	v29 =	vcvt.s32.f32 v29;
	v27 =	vmul.f32 v27, v24  }
0x12c: {  	v28 =	vmul.f32 v28, v24;
	[tilespmem:s30+$0xB980] =	vst v26  }
0x12d: {  	v59 =	vmul.f32 v29, v24;
	[tilespmem:s30+$0xB800] =	vst v27  }
0x12e: {  	[tilespmem:s30+$0xB880] =	vst v28  }
0x12f: {  	[tilespmem:s30+$0xB900] =	vst v59  }
0x130: {  	v25 =	vld.idx.msk [tilespmem:v25+s26+$0x0], $0xffff;
	_ =	sdelay $0x4  }
0x131: {  	v60 =	vshll.u32 v25, $0x18  }
0x132: {  	v61 =	vshll.u32 v25, $0x10;
	v26 =	vshra.s32 v60, $0x18  }
0x133: {  	v62 =	vshll.u32 v25, $0x8;
	v27 =	vshra.s32 v61, $0x18;
	v26 =	vcvt.s32.f32 v26  }
0x134: {  	v28 =	vshra.s32 v62, $0x18;
	v27 =	vcvt.s32.f32 v27  }
0x135: {  	p0 =	sne.s32 s29, $0xF80;
	v25 =	vshra.s32 v25, $0x18;
	v28 =	vcvt.s32.f32 v28;
	v26 =	vmul.f32 v26, v24  }
.Ltmp1:
0x136: {  	v25 =	vcvt.s32.f32 v25;
	v27 =	vmul.f32 v27, v24;
	(pc) =	sbr.rel @p0 .LBB2_5-.Ltmp1, $4  }
0x137: {  	v63 =	vmul.f32 v28, v24;
	[tilespmem:s30+$0xBA00] =	vst v26  }
0x138: {  	v24 =	vmul.f32 v25, v24;
	[tilespmem:s30+$0xBA80] =	vst v27  }
0x139: {  	[tilespmem:s30+$0xBB00] =	vst v63  }
0x13a: {  	s25 =	sadd.s32 $0x10, s25;
	s29 =	sadd.s32 $0x80, s29;
	s28 =	sadd.s32 $0x10, s28;
	[tilespmem:s30+$0xBB80] =	vst v24  }
0x13b: {  	s25 =	sshll.u32 s21, $0x12  }
0x13c: {  	s25 =	sor.u32 s7, s25  }
0x13d: {  	s29 =	simm.s32 $0x4800;
	s28 =	sadd.s32 s1, s25  }
0x13e: {  	[hbm4b:s28+s3] =	stream.linear.scatter [tilespmem:s29], [sflag:$0x5], $0x1000, $0x38;
	[tilespmem:$0x16A00] =	vst v63  }
0x13f: {  	s28 =	sadd.s32 s25, s10;
	s29 =	simm.s32 $0x5800  }
0x140: {  	[hbm4b:s28+s3] =	stream.linear.scatter [tilespmem:s29], [sflag:$0x5], $0x1000, $0x38;
	[tilespmem:$0x16A00] =	vst v63  }
0x141: {  	s28 =	sadd.s32 s25, s11;
	s29 =	simm.s32 $0x6800  }
0x142: {  	[hbm4b:s28+s3] =	stream.linear.scatter [tilespmem:s29], [sflag:$0x5], $0x1000, $0x38;
	[tilespmem:$0x16A00] =	vst v63  }
0x143: {  	s28 =	sadd.s32 s25, s12;
	s29 =	simm.s32 $0x7800  }
0x144: {  	[hbm4b:s28+s3] =	stream.linear.scatter [tilespmem:s29], [sflag:$0x5], $0x1000, $0x38;
	[tilespmem:$0x16A00] =	vst v63  }
0x145: {  	s28 =	sadd.s32 s25, s13;
	s29 =	simm.s32 $0x8800  }
0x146: {  	[hbm4b:s28+s3] =	stream.linear.scatter [tilespmem:s29], [sflag:$0x5], $0x1000, $0x38;
	[tilespmem:$0x16A00] =	vst v63  }
0x147: {  	s28 =	sadd.s32 s25, s14;
	s29 =	simm.s32 $0x9800  }
0x148: {  	[hbm4b:s28+s3] =	stream.linear.scatter [tilespmem:s29], [sflag:$0x5], $0x1000, $0x38;
	[tilespmem:$0x16A00] =	vst v63  }
0x149: {  	s28 =	sadd.s32 s25, s15;
	s29 =	simm.s32 $0xA800  }
0x14a: {  	[hbm4b:s28+s3] =	stream.linear.scatter [tilespmem:s29], [sflag:$0x5], $0x1000, $0x38;
	[tilespmem:$0x16A00] =	vst v63  }
0x14b: {  	s25 =	sadd.s32 s25, s16;
	s28 =	simm.s32 $0xB800  }
0x14c: {  	[hbm4b:s25+s3] =	stream.linear.scatter [tilespmem:s28], [sflag:$0x5], $0x1000, $0x38;
	[tilespmem:$0x16A00] =	vst v63  }
0x14d: {  	_ =	swait.ge [sflag:s8], $0x2000  }
0x14e: {  	p0 =	seq.s32 s21, $0x18;
	[sflag:s8] =	ssyncset.done $0x0  }
0x14f: {  	s25 =	sshll.u32 @!p0 s21, $0xF;
	[sflag:s8] =	ssyncadd.s32 $0xFFFFE000  }
0x150: {  	s25 =	sadd.s32 @!p0 s9, s25;
	_ =	swait.ge [sflag:s17], $0x200  }
0x151: {  	s25 =	sshrl.u32 @!p0 s25, $0x3;
	[sflag:s17] =	ssyncset.done $0x0  }
0x152: {  	s28 =	simm.s32 @!p0 $0x0;
	s25 =	sadd.s32 @!p0 s4, s25;
	[sflag:s17] =	ssyncadd.s32 $0xFFFFFE00  }
0x153: {  	[tilespmem:s28], [sflag:$0x7] =	stream.linear.gather @!p0 [hbm4b:s25+s28], $0x200, $0x38;
	[tilespmem:$0x16A00] =	vst v63  }
0x154: {  	s25 =	simm.s32 @!p0 $0x7  }
0x155: {  	_ =	swait.ge @!p0 [sflag:s25], $0x200  }
0x156: {  	[sflag:s25] =	ssyncset.done @!p0 $0x0  }
0x157: {  	s29 =	simm.s32 @!p0 $0x400;
	[sflag:s25] =	ssyncadd.s32 @!p0 $0xFFFFFE00;
	s25 =	simm.s32 @!p0 $0x200  }
0x158: {  	[tilespmem:s29], [sflag:$0x1] =	stream.indirect.gather @!p0 [hbm4b:s5+s25], $0x10, s28, s25, $0xb8;
	[tilespmem:$0x16A00] =	vst v63  }
0x159: {  	p1 =	seq.s32 @!p0 s21, $0x0;
	s29 =	simm.s32 @!p0 $0x4400  }
0x15a: {  	[tilespmem:s29], [sflag:$0x3] =	stream.indirect.gather @!p0 [hbm4b:s6+s25], $0x1, s28, s25, $0xb8;
	[tilespmem:$0x16A00] =	vst v63  }
0x15b: {  	p0 =	por p0, !p1  }
0x15c: {  	_ =	swait.ge @p0 [sflag:s20], $0x1000  }
0x15d: {  	[sflag:s20] =	ssyncset.done @p0 $0x0  }
0x15e: {  	[sflag:s20] =	ssyncadd.s32 @p0 $0xFFFFF000  }
0x15f: {  	_ =	swait.ge @p0 [sflag:s20], $0x1000  }
0x160: {  	[sflag:s20] =	ssyncset.done @p0 $0x0  }
0x161: {  	[sflag:s20] =	ssyncadd.s32 @p0 $0xFFFFF000  }
0x162: {  	_ =	swait.ge @p0 [sflag:s20], $0x1000  }
0x163: {  	[sflag:s20] =	ssyncset.done @p0 $0x0  }
0x164: {  	[sflag:s20] =	ssyncadd.s32 @p0 $0xFFFFF000  }
0x165: {  	_ =	swait.ge @p0 [sflag:s20], $0x1000  }
0x166: {  	[sflag:s20] =	ssyncset.done @p0 $0x0  }
0x167: {  	[sflag:s20] =	ssyncadd.s32 @p0 $0xFFFFF000  }
0x168: {  	_ =	swait.ge @p0 [sflag:s20], $0x1000  }
0x169: {  	[sflag:s20] =	ssyncset.done @p0 $0x0  }
0x16a: {  	[sflag:s20] =	ssyncadd.s32 @p0 $0xFFFFF000  }
0x16b: {  	_ =	swait.ge @p0 [sflag:s20], $0x1000  }
0x16c: {  	[sflag:s20] =	ssyncset.done @p0 $0x0  }
0x16d: {  	[sflag:s20] =	ssyncadd.s32 @p0 $0xFFFFF000  }
0x16e: {  	_ =	swait.ge @p0 [sflag:s20], $0x1000  }
0x16f: {  	[sflag:s20] =	ssyncset.done @p0 $0x0  }
0x170: {  	[sflag:s20] =	ssyncadd.s32 @p0 $0xFFFFF000  }
0x171: {  	_ =	swait.ge @p0 [sflag:s20], $0x1000  }
0x172: {  	[sflag:s20] =	ssyncset.done @p0 $0x0  }
0x173: {  	s31 =	simm.s32 $0x0;
	[sflag:s20] =	ssyncadd.s32 @p0 $0xFFFFF000  }
0x174: {  	v24 =	vld [tilespmem:s31+$0x2400];
	_ =	sdelay $0x3  }
0x175: {  	s28 =	simm.s32 $0x14888  }
0x176: {  	[tilespmem:s28+$0xFFFFFF78] =	vst v24  }
0x177: {  	v24 =	vld [tilespmem:s31+$0x2410];
	_ =	sdelay $0x4  }
0x178: {  	[tilespmem:s28+$0xFFFFFF89] =	vst v24  }
0x179: {  	v24 =	vld [tilespmem:s31+$0x2420];
	_ =	sdelay $0x4  }
0x17a: {  	[tilespmem:s28+$0xFFFFFF9A] =	vst v24  }
0x17b: {  	v24 =	vld [tilespmem:s31+$0x2430];
	_ =	sdelay $0x4  }
0x17c: {  	[tilespmem:s28+$0xFFFFFFAB] =	vst v24  }
0x17d: {  	v24 =	vld [tilespmem:s31+$0x2440];
	_ =	sdelay $0x4  }
0x17e: {  	[tilespmem:s28+$0xFFFFFFBC] =	vst v24  }
0x17f: {  	v24 =	vld [tilespmem:s31+$0x2450];
	_ =	sdelay $0x4  }
0x180: {  	[tilespmem:s28+$0xFFFFFFCD] =	vst v24  }
0x181: {  	v24 =	vld [tilespmem:s31+$0x2460];
	_ =	sdelay $0x4  }
0x182: {  	[tilespmem:s28+$0xFFFFFFDE] =	vst v24  }
0x183: {  	v24 =	vld [tilespmem:s31+$0x2470];
	_ =	sdelay $0x4  }
0x184: {  	[tilespmem:s28+$0xFFFFFFEF] =	vst v24  }
0x185: {  	v24 =	vld [tilespmem:s31+$0x2480];
	_ =	sdelay $0x4  }
0x186: {  	[tilespmem:s28+$0x0] =	vst v24  }
0x187: {  	v24 =	vld [tilespmem:s31+$0x2490];
	_ =	sdelay $0x4  }
0x188: {  	[tilespmem:s28+$0x11] =	vst v24  }
0x189: {  	v24 =	vld [tilespmem:s31+$0x24A0];
	_ =	sdelay $0x4  }
0x18a: {  	[tilespmem:s28+$0x22] =	vst v24  }
0x18b: {  	v24 =	vld [tilespmem:s31+$0x24B0];
	_ =	sdelay $0x4  }
0x18c: {  	[tilespmem:s28+$0x33] =	vst v24  }
0x18d: {  	v24 =	vld [tilespmem:s31+$0x24C0];
	_ =	sdelay $0x4  }
0x18e: {  	[tilespmem:s28+$0x44] =	vst v24  }
0x18f: {  	v24 =	vld [tilespmem:s31+$0x24D0];
	_ =	sdelay $0x4  }
0x190: {  	[tilespmem:s28+$0x55] =	vst v24  }
0x191: {  	v24 =	vld [tilespmem:s31+$0x24E0];
	_ =	sdelay $0x4  }
0x192: {  	[tilespmem:s28+$0x66] =	vst v24  }
0x193: {  	v24 =	vld [tilespmem:s31+$0x24F0];
	_ =	sdelay $0x4  }
0x194: {  	s30 =	simm.s32 $0x800;
	s25 =	simm.s32 $0x0;
	s29 =	simm.s32 $0x100;
	[tilespmem:s28+$0x77] =	vst v24  }
.LBB2_7:
0x195: {  	p0 =	sne.s32 s30, $0x7C00;
	v24 =	vld [tilespmem:s29+$0x2400];
	_ =	sdelay $0x3  }
0x196: {  	s28 =	sadd.s32 $0x110, s28  }
0x197: {  	[tilespmem:s28+$0xFFFFFF78] =	vst v24  }
0x198: {  	v24 =	vld [tilespmem:s29+$0x2410];
	_ =	sdelay $0x4  }
0x199: {  	[tilespmem:s28+$0xFFFFFF89] =	vst v24  }
0x19a: {  	v24 =	vld [tilespmem:s29+$0x2420];
	_ =	sdelay $0x4  }
0x19b: {  	[tilespmem:s28+$0xFFFFFF9A] =	vst v24  }
0x19c: {  	v24 =	vld [tilespmem:s29+$0x2430];
	_ =	sdelay $0x4  }
0x19d: {  	[tilespmem:s28+$0xFFFFFFAB] =	vst v24  }
0x19e: {  	v24 =	vld [tilespmem:s29+$0x2440];
	_ =	sdelay $0x4  }
0x19f: {  	[tilespmem:s28+$0xFFFFFFBC] =	vst v24  }
0x1a0: {  	v24 =	vld [tilespmem:s29+$0x2450];
	_ =	sdelay $0x4  }
0x1a1: {  	[tilespmem:s28+$0xFFFFFFCD] =	vst v24  }
0x1a2: {  	v24 =	vld [tilespmem:s29+$0x2460];
	_ =	sdelay $0x4  }
0x1a3: {  	[tilespmem:s28+$0xFFFFFFDE] =	vst v24  }
0x1a4: {  	v24 =	vld [tilespmem:s29+$0x2470];
	_ =	sdelay $0x4  }
0x1a5: {  	[tilespmem:s28+$0xFFFFFFEF] =	vst v24  }
0x1a6: {  	v24 =	vld [tilespmem:s29+$0x2480];
	_ =	sdelay $0x4  }
0x1a7: {  	[tilespmem:s28+$0x0] =	vst v24  }
0x1a8: {  	v24 =	vld [tilespmem:s29+$0x2490];
	_ =	sdelay $0x4  }
0x1a9: {  	[tilespmem:s28+$0x11] =	vst v24  }
0x1aa: {  	v24 =	vld [tilespmem:s29+$0x24A0];
	_ =	sdelay $0x4  }
0x1ab: {  	[tilespmem:s28+$0x22] =	vst v24  }
0x1ac: {  	v24 =	vld [tilespmem:s29+$0x24B0];
	_ =	sdelay $0x4  }
0x1ad: {  	[tilespmem:s28+$0x33] =	vst v24  }
0x1ae: {  	v24 =	vld [tilespmem:s29+$0x24C0];
	_ =	sdelay $0x4  }
0x1af: {  	[tilespmem:s28+$0x44] =	vst v24  }
0x1b0: {  	v24 =	vld [tilespmem:s29+$0x24D0];
	_ =	sdelay $0x4  }
0x1b1: {  	[tilespmem:s28+$0x55] =	vst v24  }
0x1b2: {  	v24 =	vld [tilespmem:s29+$0x24E0];
	_ =	sdelay $0x4  }
0x1b3: {  	[tilespmem:s28+$0x66] =	vst v24  }
0x1b4: {  	v24 =	vld [tilespmem:s29+$0x24F0]  }
.Ltmp2:
0x1b5: {  	(pc) =	sbr.rel @p0 .LBB2_7-.Ltmp2, $2  }
0x1b6: {  	_ =	sdelay $0x2  }
0x1b7: {  	s29 =	sshra.s32 s30, $0x2;
	s30 =	sadd.s32 $0x400, s30;
	[tilespmem:s28+$0x77] =	vst v24  }
0x1b8: {  	v24 =	vld [tilespmem:s29+$0x2400];
	_ =	sdelay $0x3  }
0x1b9: {  	s28 =	sadd.s32 $0x110, s28  }
0x1ba: {  	[tilespmem:s28+$0xFFFFFF78] =	vst v24  }
0x1bb: {  	v24 =	vld [tilespmem:s29+$0x2410];
	_ =	sdelay $0x4  }
0x1bc: {  	[tilespmem:s28+$0xFFFFFF89] =	vst v24  }
0x1bd: {  	v24 =	vld [tilespmem:s29+$0x2420];
	_ =	sdelay $0x4  }
0x1be: {  	[tilespmem:s28+$0xFFFFFF9A] =	vst v24  }
0x1bf: {  	v24 =	vld [tilespmem:s29+$0x2430];
	_ =	sdelay $0x4  }
0x1c0: {  	[tilespmem:s28+$0xFFFFFFAB] =	vst v24  }
0x1c1: {  	v24 =	vld [tilespmem:s29+$0x2440];
	_ =	sdelay $0x4  }
0x1c2: {  	[tilespmem:s28+$0xFFFFFFBC] =	vst v24  }
0x1c3: {  	v24 =	vld [tilespmem:s29+$0x2450];
	_ =	sdelay $0x4  }
0x1c4: {  	[tilespmem:s28+$0xFFFFFFCD] =	vst v24  }
0x1c5: {  	v24 =	vld [tilespmem:s29+$0x2460];
	_ =	sdelay $0x4  }
0x1c6: {  	[tilespmem:s28+$0xFFFFFFDE] =	vst v24  }
0x1c7: {  	v24 =	vld [tilespmem:s29+$0x2470];
	_ =	sdelay $0x4  }
0x1c8: {  	[tilespmem:s28+$0xFFFFFFEF] =	vst v24  }
0x1c9: {  	v24 =	vld [tilespmem:s29+$0x2480];
	_ =	sdelay $0x4  }
0x1ca: {  	[tilespmem:s28+$0x0] =	vst v24  }
0x1cb: {  	v24 =	vld [tilespmem:s29+$0x2490];
	_ =	sdelay $0x4  }
0x1cc: {  	[tilespmem:s28+$0x11] =	vst v24  }
0x1cd: {  	v24 =	vld [tilespmem:s29+$0x24A0];
	_ =	sdelay $0x4  }
0x1ce: {  	[tilespmem:s28+$0x22] =	vst v24  }
0x1cf: {  	v24 =	vld [tilespmem:s29+$0x24B0];
	_ =	sdelay $0x4  }
0x1d0: {  	[tilespmem:s28+$0x33] =	vst v24  }
0x1d1: {  	v24 =	vld [tilespmem:s29+$0x24C0];
	_ =	sdelay $0x4  }
0x1d2: {  	[tilespmem:s28+$0x44] =	vst v24  }
0x1d3: {  	v24 =	vld [tilespmem:s29+$0x24D0];
	_ =	sdelay $0x4  }
0x1d4: {  	[tilespmem:s28+$0x55] =	vst v24  }
0x1d5: {  	v24 =	vld [tilespmem:s29+$0x24E0];
	_ =	sdelay $0x4  }
0x1d6: {  	[tilespmem:s28+$0x66] =	vst v24  }
0x1d7: {  	v24 =	vld [tilespmem:s29+$0x24F0];
	_ =	sdelay $0x4  }
0x1d8: {  	s29 =	simm.s32 $0x0;
	[tilespmem:s28+$0x77] =	vst v24;
	s28 =	simm.s32 $0x4600  }
.LBB2_9:
0x1d9: {  	v24 =	vmov s25  }
0x1da: {  	v24 =	vmul.u32 $0x11, v24;
	_ =	sdelay $0x1  }
0x1db: {  	v25 =	vbroadcast v24, $0x0;
	_ =	sdelay $0x1  }
0x1dc: {  	v24 =	vadd.s32 v0, v25  }
0x1dd: {  	v24 =	vand.u32 $0xFFFFFFF8, v24  }
0x1de: {  	v24 =	vor.u32 v1, v24;
	_ =	sdelay $0x4  }
0x1df: {  	v26 =	vld.idx.msk [tilespmem:v24+s26+$0x0], $0xffff;
	_ =	sdelay $0x3  }
0x1e0: {  	v24 =	vld [tilespmem:s28+$0x0]  }
0x1e1: {  	v27 =	vshll.u32 v26, $0x18  }
0x1e2: {  	v28 =	vshll.u32 v26, $0x10;
	v29 =	vshll.u32 v26, $0x8;
	v26 =	vshra.s32 v26, $0x18  }
0x1e3: {  	v30 =	vadd.s32 v2, v25;
	v27 =	vshra.s32 v27, $0x18;
	v26 =	vcvt.s32.f32 v26  }
0x1e4: {  	v30 =	vand.u32 $0xFFFFFFF8, v30;
	v28 =	vshra.s32 v28, $0x18;
	v27 =	vcvt.s32.f32 v27  }
0x1e5: {  	s30 =	sand.u32 $0xC00, s29;
	s31 =	sand.u32 $0x70, s25;
	v29 =	vshra.s32 v29, $0x18;
	v28 =	vcvt.s32.f32 v28;
	v26 =	vmul.f32 v26, v24  }
0x1e6: {  	s30 =	sor.u32 s31, s30;
	v30 =	vor.u32 v3, v30;
	v29 =	vcvt.s32.f32 v29;
	v27 =	vmul.f32 v27, v24  }
0x1e7: {  	v28 =	vmul.f32 v28, v24;
	[tilespmem:s30+$0xC980] =	vst v26  }
0x1e8: {  	v54 =	vmul.f32 v29, v24;
	[tilespmem:s30+$0xC800] =	vst v27  }
0x1e9: {  	[tilespmem:s30+$0xC880] =	vst v28  }
0x1ea: {  	[tilespmem:s30+$0xC900] =	vst v54  }
0x1eb: {  	v26 =	vld.idx.msk [tilespmem:v30+s26+$0x0], $0xffff;
	_ =	sdelay $0x4  }
0x1ec: {  	v55 =	vshll.u32 v26, $0x18  }
0x1ed: {  	v56 =	vshll.u32 v26, $0x10;
	v57 =	vshll.u32 v26, $0x8;
	v26 =	vshra.s32 v26, $0x18  }
0x1ee: {  	v58 =	vadd.s32 v4, v25;
	v27 =	vshra.s32 v55, $0x18;
	v26 =	vcvt.s32.f32 v26  }
0x1ef: {  	v30 =	vand.u32 $0xFFFFFFF8, v58;
	v28 =	vshra.s32 v56, $0x18;
	v27 =	vcvt.s32.f32 v27  }
0x1f0: {  	v29 =	vshra.s32 v57, $0x18;
	v28 =	vcvt.s32.f32 v28;
	v26 =	vmul.f32 v26, v24  }
0x1f1: {  	v30 =	vor.u32 v5, v30;
	v29 =	vcvt.s32.f32 v29;
	v27 =	vmul.f32 v27, v24  }
0x1f2: {  	v28 =	vmul.f32 v28, v24;
	[tilespmem:s30+$0xCB80] =	vst v26  }
0x1f3: {  	v59 =	vmul.f32 v29, v24;
	[tilespmem:s30+$0xCA00] =	vst v27  }
0x1f4: {  	[tilespmem:s30+$0xCA80] =	vst v28  }
0x1f5: {  	[tilespmem:s30+$0xCB00] =	vst v59  }
0x1f6: {  	v26 =	vld.idx.msk [tilespmem:v30+s26+$0x0], $0xffff;
	_ =	sdelay $0x4  }
0x1f7: {  	v60 =	vshll.u32 v26, $0x18  }
0x1f8: {  	v61 =	vshll.u32 v26, $0x10;
	v62 =	vshll.u32 v26, $0x8;
	v26 =	vshra.s32 v26, $0x18  }
0x1f9: {  	v63 =	vadd.s32 v6, v25;
	v27 =	vshra.s32 v60, $0x18;
	v26 =	vcvt.s32.f32 v26  }
0x1fa: {  	v30 =	vand.u32 $0xFFFFFFF8, v63;
	v28 =	vshra.s32 v61, $0x18;
	v27 =	vcvt.s32.f32 v27  }
0x1fb: {  	v29 =	vshra.s32 v62, $0x18;
	v28 =	vcvt.s32.f32 v28;
	v26 =	vmul.f32 v26, v24  }
0x1fc: {  	v30 =	vor.u32 v7, v30;
	v29 =	vcvt.s32.f32 v29;
	v27 =	vmul.f32 v27, v24  }
0x1fd: {  	v28 =	vmul.f32 v28, v24;
	[tilespmem:s30+$0xD980] =	vst v26  }
0x1fe: {  	v33 =	vmul.f32 v29, v24;
	[tilespmem:s30+$0xD800] =	vst v27  }
0x1ff: {  	[tilespmem:s30+$0xD880] =	vst v28  }
0x200: {  	[tilespmem:s30+$0xD900] =	vst v33  }
0x201: {  	v26 =	vld.idx.msk [tilespmem:v30+s26+$0x0], $0xffff;
	_ =	sdelay $0x4  }
0x202: {  	v34 =	vshll.u32 v26, $0x18  }
0x203: {  	v35 =	vshll.u32 v26, $0x10;
	v36 =	vshll.u32 v26, $0x8;
	v26 =	vshra.s32 v26, $0x18  }
0x204: {  	v37 =	vadd.s32 v8, v25;
	v27 =	vshra.s32 v34, $0x18;
	v26 =	vcvt.s32.f32 v26  }
0x205: {  	v30 =	vand.u32 $0xFFFFFFF8, v37;
	v28 =	vshra.s32 v35, $0x18;
	v27 =	vcvt.s32.f32 v27  }
0x206: {  	v29 =	vshra.s32 v36, $0x18;
	v28 =	vcvt.s32.f32 v28;
	v26 =	vmul.f32 v26, v24  }
0x207: {  	v30 =	vor.u32 v9, v30;
	v29 =	vcvt.s32.f32 v29;
	v27 =	vmul.f32 v27, v24  }
0x208: {  	v28 =	vmul.f32 v28, v24;
	[tilespmem:s30+$0xDB80] =	vst v26  }
0x209: {  	v38 =	vmul.f32 v29, v24;
	[tilespmem:s30+$0xDA00] =	vst v27  }
0x20a: {  	[tilespmem:s30+$0xDA80] =	vst v28  }
0x20b: {  	[tilespmem:s30+$0xDB00] =	vst v38  }
0x20c: {  	v26 =	vld.idx.msk [tilespmem:v30+s26+$0x0], $0xffff;
	_ =	sdelay $0x4  }
0x20d: {  	v39 =	vshll.u32 v26, $0x18  }
0x20e: {  	v40 =	vshll.u32 v26, $0x10;
	v41 =	vshll.u32 v26, $0x8;
	v26 =	vshra.s32 v26, $0x18  }
0x20f: {  	v42 =	vadd.s32 v10, v25;
	v27 =	vshra.s32 v39, $0x18;
	v26 =	vcvt.s32.f32 v26  }
0x210: {  	v30 =	vand.u32 $0xFFFFFFF8, v42;
	v28 =	vshra.s32 v40, $0x18;
	v27 =	vcvt.s32.f32 v27  }
0x211: {  	v29 =	vshra.s32 v41, $0x18;
	v28 =	vcvt.s32.f32 v28;
	v26 =	vmul.f32 v26, v24  }
0x212: {  	v30 =	vor.u32 v11, v30;
	v29 =	vcvt.s32.f32 v29;
	v27 =	vmul.f32 v27, v24  }
0x213: {  	v28 =	vmul.f32 v28, v24;
	[tilespmem:s30+$0xE980] =	vst v26  }
0x214: {  	v43 =	vmul.f32 v29, v24;
	[tilespmem:s30+$0xE800] =	vst v27  }
0x215: {  	[tilespmem:s30+$0xE880] =	vst v28  }
0x216: {  	[tilespmem:s30+$0xE900] =	vst v43  }
0x217: {  	v26 =	vld.idx.msk [tilespmem:v30+s26+$0x0], $0xffff;
	_ =	sdelay $0x4  }
0x218: {  	v44 =	vshll.u32 v26, $0x18  }
0x219: {  	v45 =	vshll.u32 v26, $0x10;
	v46 =	vshll.u32 v26, $0x8;
	v26 =	vshra.s32 v26, $0x18  }
0x21a: {  	v47 =	vadd.s32 v12, v25;
	v27 =	vshra.s32 v44, $0x18;
	v26 =	vcvt.s32.f32 v26  }
0x21b: {  	v30 =	vand.u32 $0xFFFFFFF8, v47;
	v28 =	vshra.s32 v45, $0x18;
	v27 =	vcvt.s32.f32 v27  }
0x21c: {  	v29 =	vshra.s32 v46, $0x18;
	v28 =	vcvt.s32.f32 v28;
	v26 =	vmul.f32 v26, v24  }
0x21d: {  	v30 =	vor.u32 v13, v30;
	v29 =	vcvt.s32.f32 v29;
	v27 =	vmul.f32 v27, v24  }
0x21e: {  	v28 =	vmul.f32 v28, v24;
	[tilespmem:s30+$0xEB80] =	vst v26  }
0x21f: {  	v48 =	vmul.f32 v29, v24;
	[tilespmem:s30+$0xEA00] =	vst v27  }
0x220: {  	[tilespmem:s30+$0xEA80] =	vst v28  }
0x221: {  	[tilespmem:s30+$0xEB00] =	vst v48  }
0x222: {  	v26 =	vld.idx.msk [tilespmem:v30+s26+$0x0], $0xffff;
	_ =	sdelay $0x4  }
0x223: {  	v49 =	vshll.u32 v26, $0x18  }
0x224: {  	v50 =	vshll.u32 v26, $0x10;
	v51 =	vshll.u32 v26, $0x8;
	v26 =	vshra.s32 v26, $0x18  }
0x225: {  	v52 =	vadd.s32 v14, v25;
	v27 =	vshra.s32 v49, $0x18;
	v26 =	vcvt.s32.f32 v26  }
0x226: {  	v30 =	vand.u32 $0xFFFFFFF8, v52;
	v28 =	vshra.s32 v50, $0x18;
	v27 =	vcvt.s32.f32 v27  }
0x227: {  	v29 =	vshra.s32 v51, $0x18;
	v28 =	vcvt.s32.f32 v28;
	v26 =	vmul.f32 v26, v24  }
0x228: {  	v30 =	vor.u32 v15, v30;
	v29 =	vcvt.s32.f32 v29;
	v27 =	vmul.f32 v27, v24  }
0x229: {  	v28 =	vmul.f32 v28, v24;
	[tilespmem:s30+$0xF980] =	vst v26  }
0x22a: {  	v53 =	vmul.f32 v29, v24;
	[tilespmem:s30+$0xF800] =	vst v27  }
0x22b: {  	[tilespmem:s30+$0xF880] =	vst v28  }
0x22c: {  	[tilespmem:s30+$0xF900] =	vst v53  }
0x22d: {  	v26 =	vld.idx.msk [tilespmem:v30+s26+$0x0], $0xffff;
	_ =	sdelay $0x4  }
0x22e: {  	v54 =	vshll.u32 v26, $0x18  }
0x22f: {  	v55 =	vshll.u32 v26, $0x10;
	v56 =	vshll.u32 v26, $0x8;
	v26 =	vshra.s32 v26, $0x18  }
0x230: {  	v57 =	vadd.s32 v16, v25;
	v27 =	vshra.s32 v54, $0x18;
	v26 =	vcvt.s32.f32 v26  }
0x231: {  	v30 =	vand.u32 $0xFFFFFFF8, v57;
	v28 =	vshra.s32 v55, $0x18;
	v27 =	vcvt.s32.f32 v27  }
0x232: {  	v29 =	vshra.s32 v56, $0x18;
	v28 =	vcvt.s32.f32 v28;
	v26 =	vmul.f32 v26, v24  }
0x233: {  	v30 =	vor.u32 v1, v30;
	v29 =	vcvt.s32.f32 v29;
	v27 =	vmul.f32 v27, v24  }
0x234: {  	v28 =	vmul.f32 v28, v24;
	[tilespmem:s30+$0xFB80] =	vst v26  }
0x235: {  	v58 =	vmul.f32 v29, v24;
	[tilespmem:s30+$0xFA00] =	vst v27  }
0x236: {  	[tilespmem:s30+$0xFA80] =	vst v28  }
0x237: {  	[tilespmem:s30+$0xFB00] =	vst v58  }
0x238: {  	v26 =	vld.idx.msk [tilespmem:v30+s26+$0x0], $0xffff;
	_ =	sdelay $0x4  }
0x239: {  	v59 =	vshll.u32 v26, $0x18  }
0x23a: {  	v60 =	vshll.u32 v26, $0x10;
	v61 =	vshll.u32 v26, $0x8;
	v26 =	vshra.s32 v26, $0x18  }
0x23b: {  	v62 =	vadd.s32 v17, v25;
	v27 =	vshra.s32 v59, $0x18;
	v26 =	vcvt.s32.f32 v26  }
0x23c: {  	v30 =	vand.u32 $0xFFFFFFF8, v62;
	v28 =	vshra.s32 v60, $0x18;
	v27 =	vcvt.s32.f32 v27  }
0x23d: {  	v29 =	vshra.s32 v61, $0x18;
	v28 =	vcvt.s32.f32 v28;
	v26 =	vmul.f32 v26, v24  }
0x23e: {  	s30 =	sadd.s32 $0xC800, s30;
	v30 =	vor.u32 v3, v30;
	v29 =	vcvt.s32.f32 v29;
	v27 =	vmul.f32 v27, v24  }
0x23f: {  	v28 =	vmul.f32 v28, v24;
	[tilespmem:s30+$0x4180] =	vst v26  }
0x240: {  	v63 =	vmul.f32 v29, v24;
	[tilespmem:s30+$0x4000] =	vst v27  }
0x241: {  	[tilespmem:s30+$0x4080] =	vst v28  }
0x242: {  	[tilespmem:s30+$0x4100] =	vst v63  }
0x243: {  	v26 =	vld.idx.msk [tilespmem:v30+s26+$0x0], $0xffff;
	_ =	sdelay $0x4  }
0x244: {  	v31 =	vshll.u32 v26, $0x18  }
0x245: {  	v32 =	vshll.u32 v26, $0x10;
	v33 =	vshll.u32 v26, $0x8;
	v26 =	vshra.s32 v26, $0x18  }
0x246: {  	v34 =	vadd.s32 v18, v25;
	v27 =	vshra.s32 v31, $0x18;
	v26 =	vcvt.s32.f32 v26  }
0x247: {  	v30 =	vand.u32 $0xFFFFFFF8, v34;
	v28 =	vshra.s32 v32, $0x18;
	v27 =	vcvt.s32.f32 v27  }
0x248: {  	v29 =	vshra.s32 v33, $0x18;
	v28 =	vcvt.s32.f32 v28;
	v26 =	vmul.f32 v26, v24  }
0x249: {  	v30 =	vor.u32 v5, v30;
	v29 =	vcvt.s32.f32 v29;
	v27 =	vmul.f32 v27, v24  }
0x24a: {  	v28 =	vmul.f32 v28, v24;
	[tilespmem:s30+$0x4380] =	vst v26  }
0x24b: {  	v35 =	vmul.f32 v29, v24;
	[tilespmem:s30+$0x4200] =	vst v27  }
0x24c: {  	[tilespmem:s30+$0x4280] =	vst v28  }
0x24d: {  	[tilespmem:s30+$0x4300] =	vst v35  }
0x24e: {  	v26 =	vld.idx.msk [tilespmem:v30+s26+$0x0], $0xffff;
	_ =	sdelay $0x4  }
0x24f: {  	v36 =	vshll.u32 v26, $0x18  }
0x250: {  	v37 =	vshll.u32 v26, $0x10;
	v38 =	vshll.u32 v26, $0x8;
	v26 =	vshra.s32 v26, $0x18  }
0x251: {  	v39 =	vadd.s32 v19, v25;
	v27 =	vshra.s32 v36, $0x18;
	v26 =	vcvt.s32.f32 v26  }
0x252: {  	v30 =	vand.u32 $0xFFFFFFF8, v39;
	v28 =	vshra.s32 v37, $0x18;
	v27 =	vcvt.s32.f32 v27  }
0x253: {  	v29 =	vshra.s32 v38, $0x18;
	v28 =	vcvt.s32.f32 v28;
	v26 =	vmul.f32 v26, v24  }
0x254: {  	v30 =	vor.u32 v7, v30;
	v29 =	vcvt.s32.f32 v29;
	v27 =	vmul.f32 v27, v24  }
0x255: {  	v28 =	vmul.f32 v28, v24;
	[tilespmem:s30+$0x5180] =	vst v26  }
0x256: {  	v40 =	vmul.f32 v29, v24;
	[tilespmem:s30+$0x5000] =	vst v27  }
0x257: {  	[tilespmem:s30+$0x5080] =	vst v28  }
0x258: {  	[tilespmem:s30+$0x5100] =	vst v40  }
0x259: {  	v26 =	vld.idx.msk [tilespmem:v30+s26+$0x0], $0xffff;
	_ =	sdelay $0x4  }
0x25a: {  	v41 =	vshll.u32 v26, $0x18  }
0x25b: {  	v42 =	vshll.u32 v26, $0x10;
	v43 =	vshll.u32 v26, $0x8;
	v26 =	vshra.s32 v26, $0x18  }
0x25c: {  	v44 =	vadd.s32 v20, v25;
	v27 =	vshra.s32 v41, $0x18;
	v26 =	vcvt.s32.f32 v26  }
0x25d: {  	v30 =	vand.u32 $0xFFFFFFF8, v44;
	v28 =	vshra.s32 v42, $0x18;
	v27 =	vcvt.s32.f32 v27  }
0x25e: {  	v29 =	vshra.s32 v43, $0x18;
	v28 =	vcvt.s32.f32 v28;
	v26 =	vmul.f32 v26, v24  }
0x25f: {  	v30 =	vor.u32 v9, v30;
	v29 =	vcvt.s32.f32 v29;
	v27 =	vmul.f32 v27, v24  }
0x260: {  	v28 =	vmul.f32 v28, v24;
	[tilespmem:s30+$0x5380] =	vst v26  }
0x261: {  	v45 =	vmul.f32 v29, v24;
	[tilespmem:s30+$0x5200] =	vst v27  }
0x262: {  	[tilespmem:s30+$0x5280] =	vst v28  }
0x263: {  	[tilespmem:s30+$0x5300] =	vst v45  }
0x264: {  	v26 =	vld.idx.msk [tilespmem:v30+s26+$0x0], $0xffff;
	_ =	sdelay $0x4  }
0x265: {  	v46 =	vshll.u32 v26, $0x18  }
0x266: {  	v47 =	vshll.u32 v26, $0x10;
	v48 =	vshll.u32 v26, $0x8;
	v26 =	vshra.s32 v26, $0x18  }
0x267: {  	v49 =	vadd.s32 v21, v25;
	v27 =	vshra.s32 v46, $0x18;
	v26 =	vcvt.s32.f32 v26  }
0x268: {  	v30 =	vand.u32 $0xFFFFFFF8, v49;
	v28 =	vshra.s32 v47, $0x18;
	v27 =	vcvt.s32.f32 v27  }
0x269: {  	v29 =	vshra.s32 v48, $0x18;
	v28 =	vcvt.s32.f32 v28;
	v26 =	vmul.f32 v26, v24  }
0x26a: {  	v30 =	vor.u32 v11, v30;
	v29 =	vcvt.s32.f32 v29;
	v27 =	vmul.f32 v27, v24  }
0x26b: {  	v28 =	vmul.f32 v28, v24;
	[tilespmem:s30+$0x6180] =	vst v26  }
0x26c: {  	v50 =	vmul.f32 v29, v24;
	[tilespmem:s30+$0x6000] =	vst v27  }
0x26d: {  	[tilespmem:s30+$0x6080] =	vst v28  }
0x26e: {  	[tilespmem:s30+$0x6100] =	vst v50  }
0x26f: {  	v26 =	vld.idx.msk [tilespmem:v30+s26+$0x0], $0xffff;
	_ =	sdelay $0x4  }
0x270: {  	v51 =	vshll.u32 v26, $0x18  }
0x271: {  	v52 =	vshll.u32 v26, $0x10;
	v53 =	vshll.u32 v26, $0x8;
	v26 =	vshra.s32 v26, $0x18  }
0x272: {  	v54 =	vadd.s32 v22, v25;
	v27 =	vshra.s32 v51, $0x18;
	v26 =	vcvt.s32.f32 v26  }
0x273: {  	v30 =	vand.u32 $0xFFFFFFF8, v54;
	v28 =	vshra.s32 v52, $0x18;
	v27 =	vcvt.s32.f32 v27  }
0x274: {  	v29 =	vshra.s32 v53, $0x18;
	v28 =	vcvt.s32.f32 v28;
	v26 =	vmul.f32 v26, v24  }
0x275: {  	v30 =	vor.u32 v13, v30;
	v29 =	vcvt.s32.f32 v29;
	v27 =	vmul.f32 v27, v24  }
0x276: {  	v28 =	vmul.f32 v28, v24;
	[tilespmem:s30+$0x6380] =	vst v26  }
0x277: {  	v55 =	vmul.f32 v29, v24;
	[tilespmem:s30+$0x6200] =	vst v27  }
0x278: {  	[tilespmem:s30+$0x6280] =	vst v28  }
0x279: {  	[tilespmem:s30+$0x6300] =	vst v55  }
0x27a: {  	v26 =	vld.idx.msk [tilespmem:v30+s26+$0x0], $0xffff;
	_ =	sdelay $0x4  }
0x27b: {  	v56 =	vshll.u32 v26, $0x18  }
0x27c: {  	v57 =	vshll.u32 v26, $0x10;
	v58 =	vshll.u32 v26, $0x8;
	v26 =	vshra.s32 v26, $0x18  }
0x27d: {  	v25 =	vadd.s32 v23, v25;
	v27 =	vshra.s32 v56, $0x18;
	v26 =	vcvt.s32.f32 v26  }
0x27e: {  	v25 =	vand.u32 $0xFFFFFFF8, v25;
	v28 =	vshra.s32 v57, $0x18;
	v27 =	vcvt.s32.f32 v27  }
0x27f: {  	v29 =	vshra.s32 v58, $0x18;
	v28 =	vcvt.s32.f32 v28;
	v26 =	vmul.f32 v26, v24  }
0x280: {  	v25 =	vor.u32 v15, v25;
	v29 =	vcvt.s32.f32 v29;
	v27 =	vmul.f32 v27, v24  }
0x281: {  	v28 =	vmul.f32 v28, v24;
	[tilespmem:s30+$0x7180] =	vst v26  }
0x282: {  	v59 =	vmul.f32 v29, v24;
	[tilespmem:s30+$0x7000] =	vst v27  }
0x283: {  	[tilespmem:s30+$0x7080] =	vst v28  }
0x284: {  	[tilespmem:s30+$0x7100] =	vst v59  }
0x285: {  	v25 =	vld.idx.msk [tilespmem:v25+s26+$0x0], $0xffff;
	_ =	sdelay $0x4  }
0x286: {  	v60 =	vshll.u32 v25, $0x18  }
0x287: {  	v61 =	vshll.u32 v25, $0x10;
	v26 =	vshra.s32 v60, $0x18  }
0x288: {  	v62 =	vshll.u32 v25, $0x8;
	v27 =	vshra.s32 v61, $0x18;
	v26 =	vcvt.s32.f32 v26  }
0x289: {  	v28 =	vshra.s32 v62, $0x18;
	v27 =	vcvt.s32.f32 v27  }
0x28a: {  	p0 =	sne.s32 s29, $0xF80;
	v25 =	vshra.s32 v25, $0x18;
	v28 =	vcvt.s32.f32 v28;
	v26 =	vmul.f32 v26, v24  }
.Ltmp3:
0x28b: {  	v25 =	vcvt.s32.f32 v25;
	v27 =	vmul.f32 v27, v24;
	(pc) =	sbr.rel @p0 .LBB2_9-.Ltmp3, $4  }
0x28c: {  	v63 =	vmul.f32 v28, v24;
	[tilespmem:s30+$0x7200] =	vst v26  }
0x28d: {  	v24 =	vmul.f32 v25, v24;
	[tilespmem:s30+$0x7280] =	vst v27  }
0x28e: {  	[tilespmem:s30+$0x7300] =	vst v63  }
0x28f: {  	s25 =	sadd.s32 $0x10, s25;
	s29 =	sadd.s32 $0x80, s29;
	s28 =	sadd.s32 $0x10, s28;
	[tilespmem:s30+$0x7380] =	vst v24  }
0x290: {  	s24 =	sshll.u32 s24, $0x11  }
0x291: {  	s24 =	sor.u32 s7, s24  }
0x292: {  	s28 =	simm.s32 $0xC800;
	s25 =	sadd.s32 s1, s24  }
0x293: {  	[hbm4b:s25+s3] =	stream.linear.scatter [tilespmem:s28], [sflag:$0x6], $0x1000, $0x38;
	[tilespmem:$0x16A00] =	vst v63  }
0x294: {  	s31 =	simm.s32 $0xD800;
	s30 =	sadd.s32 s24, s10  }
0x295: {  	[hbm4b:s30+s3] =	stream.linear.scatter [tilespmem:s31], [sflag:$0x6], $0x1000, $0x38;
	[tilespmem:$0x16A00] =	vst v63  }
0x296: {  	s29 =	sadd.s32 s24, s11;
	s30 =	simm.s32 $0xE800  }
0x297: {  	[hbm4b:s29+s3] =	stream.linear.scatter [tilespmem:s30], [sflag:$0x6], $0x1000, $0x38;
	[tilespmem:$0x16A00] =	vst v63  }
0x298: {  	s31 =	sadd.s32 s24, s12;
	s29 =	simm.s32 $0xF800  }
0x299: {  	[hbm4b:s31+s3] =	stream.linear.scatter [tilespmem:s29], [sflag:$0x6], $0x1000, $0x38;
	[tilespmem:$0x16A00] =	vst v63  }
0x29a: {  	s21 =	sadd.s32 $0x1, s21;
	s30 =	sadd.s32 s24, s13;
	s31 =	simm.s32 $0x10800  }
0x29b: {  	[hbm4b:s30+s3] =	stream.linear.scatter [tilespmem:s31], [sflag:$0x6], $0x1000, $0x38;
	[tilespmem:$0x16A00] =	vst v63  }
0x29c: {  	p0 =	sne.s32 s21, $0x19;
	s29 =	sadd.s32 s24, s14;
	s30 =	simm.s32 $0x11800  }
0x29d: {  	[hbm4b:s29+s3] =	stream.linear.scatter [tilespmem:s30], [sflag:$0x6], $0x1000, $0x38;
	[tilespmem:$0x16A00] =	vst v63  }
.Ltmp4:
0x29e: {  	_ = 	snop;
	(pc) =	sbr.rel @p0 .LBB2_2-.Ltmp4, $4  }
0x29f: {  	s31 =	sadd.s32 s24, s15  }
0x2a0: {  	[hbm4b:s31+s3] =	stream.linear.scatter [tilespmem:s0], [sflag:$0x6], $0x1000, $0x38;
	[tilespmem:$0x16A00] =	vst v63  }
0x2a1: {  	s24 =	sadd.s32 s24, s16  }
0x2a2: {  	[hbm4b:s24+s3] =	stream.linear.scatter [tilespmem:s2], [sflag:$0x6], $0x1000, $0x38;
	[tilespmem:$0x16A00] =	vst v63  }
0x2a3: {  	s21 =	simm.s32 $0x5  }
0x2a4: {  	_ =	swait.ge [sflag:s21], $0x1000  }
0x2a5: {  	[sflag:s21] =	ssyncset.done $0x0  }
0x2a6: {  	[sflag:s21] =	ssyncadd.s32 $0xFFFFF000  }
0x2a7: {  	_ =	swait.ge [sflag:s21], $0x1000  }
0x2a8: {  	[sflag:s21] =	ssyncset.done $0x0  }
0x2a9: {  	[sflag:s21] =	ssyncadd.s32 $0xFFFFF000  }
0x2aa: {  	_ =	swait.ge [sflag:s21], $0x1000  }
0x2ab: {  	[sflag:s21] =	ssyncset.done $0x0  }
0x2ac: {  	[sflag:s21] =	ssyncadd.s32 $0xFFFFF000  }
0x2ad: {  	_ =	swait.ge [sflag:s21], $0x1000  }
0x2ae: {  	[sflag:s21] =	ssyncset.done $0x0  }
0x2af: {  	[sflag:s21] =	ssyncadd.s32 $0xFFFFF000  }
0x2b0: {  	_ =	swait.ge [sflag:s21], $0x1000  }
0x2b1: {  	[sflag:s21] =	ssyncset.done $0x0  }
0x2b2: {  	[sflag:s21] =	ssyncadd.s32 $0xFFFFF000  }
0x2b3: {  	_ =	swait.ge [sflag:s21], $0x1000  }
0x2b4: {  	[sflag:s21] =	ssyncset.done $0x0  }
0x2b5: {  	[sflag:s21] =	ssyncadd.s32 $0xFFFFF000  }
0x2b6: {  	_ =	swait.ge [sflag:s21], $0x1000  }
0x2b7: {  	[sflag:s21] =	ssyncset.done $0x0  }
0x2b8: {  	[sflag:s21] =	ssyncadd.s32 $0xFFFFF000  }
0x2b9: {  	_ =	swait.ge [sflag:s21], $0x1000  }
0x2ba: {  	[sflag:s21] =	ssyncset.done $0x0  }
0x2bb: {  	[sflag:s21] =	ssyncadd.s32 $0xFFFFF000  }
0x2bc: {  	_ =	swait.ge [sflag:s20], $0x1000  }
0x2bd: {  	[sflag:s20] =	ssyncset.done $0x0  }
0x2be: {  	[sflag:s20] =	ssyncadd.s32 $0xFFFFF000  }
0x2bf: {  	_ =	swait.ge [sflag:s20], $0x1000  }
0x2c0: {  	[sflag:s20] =	ssyncset.done $0x0  }
0x2c1: {  	[sflag:s20] =	ssyncadd.s32 $0xFFFFF000  }
0x2c2: {  	_ =	swait.ge [sflag:s20], $0x1000  }
0x2c3: {  	[sflag:s20] =	ssyncset.done $0x0  }
0x2c4: {  	[sflag:s20] =	ssyncadd.s32 $0xFFFFF000  }
0x2c5: {  	_ =	swait.ge [sflag:s20], $0x1000  }
0x2c6: {  	[sflag:s20] =	ssyncset.done $0x0  }
0x2c7: {  	[sflag:s20] =	ssyncadd.s32 $0xFFFFF000  }
0x2c8: {  	_ =	swait.ge [sflag:s20], $0x1000  }
0x2c9: {  	[sflag:s20] =	ssyncset.done $0x0  }
0x2ca: {  	[sflag:s20] =	ssyncadd.s32 $0xFFFFF000  }
0x2cb: {  	_ =	swait.ge [sflag:s20], $0x1000  }
0x2cc: {  	[sflag:s20] =	ssyncset.done $0x0  }
0x2cd: {  	[sflag:s20] =	ssyncadd.s32 $0xFFFFF000  }
0x2ce: {  	_ =	swait.ge [sflag:s20], $0x1000  }
0x2cf: {  	[sflag:s20] =	ssyncset.done $0x0  }
0x2d0: {  	[sflag:s20] =	ssyncadd.s32 $0xFFFFF000  }
0x2d1: {  	_ =	swait.ge [sflag:s20], $0x1000  }
0x2d2: {  	s24 =	rddreg [dreg:$0x5]  }
0x2d3: {  	s31 =	rddreg [dreg:$0x4];
	s24 =	sadd.s32 $0x1, s24  }
0x2d4: {  	p0 =	sne.s32 s24, s31  }
.Ltmp5:
0x2d5: {  	_ = 	snop;
	(pc) =	sbr.rel @p0 .LBB2_1-.Ltmp5, $3  }
0x2d6: {  	_ =	sdelay $0x1  }
0x2d7: {  	[sflag:s20] =	ssyncset.done $0x0  }
0x2d8: {  	[sflag:s20] =	ssyncadd.s32 $0xFFFFF000  }
0x2d9: {  	_ =	sfence.sel $0x180000  }
0x2da: {  	[bflag:$0x0] =	sbarrier.arrive $0xFFFF  }
0x2db: {  	_ =	strace $0x9000004A  }
0x2dc: {  	s0 =	stileid.u32;
	[bflag:$0x2] =	sbarrier.arrive $0xFFFF  }
0x2dd: {  	p0 =	sne.s32 s0, $0x0;
	s0 =	rddreg [dreg:$0x2]  }
0x2de: {  	s0 =	sadd.s32 @!p0 $0x100000, s0  }
0x2df: {  	[sflag:s0] =	ssyncadd.tile.s32 @!p0 $0x1;
	_ =	shalt  }
.Lfunc_end2:
_tile_overlayer_lowered:
.L_overlay_start_2:
0x2e0: {  	(tag) =	ssettag $0x2  }
0x2e1: {  	s0 =	rddreg [dreg:$0x0];
	s2 =	stileid.u32  }
0x2e2: {  	s1 =	rddreg [dreg:$0x1];
	p0 =	sne.s32 s2, $0x0  }
0x2e3: {  	s3 =	rddreg [dreg:$0x2];
	[bflag:$0x3] =	sbarrier.arrive $0xFFFF;
	s2 =	simm.s32 @!p0 $0x1C07  }
0x2e4: {  	[timem:s3], [sflag:s2] =	dma.local @!p0 [hbm:s0], s1  }
0x2e5: {  	s0 =	simm.s32 @!p0 $0x7  }
0x2e6: {  	_ =	swait.ge @!p0 [sflag:s0], s1  }
0x2e7: {  	s1 =	ssub.s32 @!p0 $0x0, s1;
	[sflag:s0] =	ssyncset.done @!p0 $0x0  }
0x2e8: {  	[sflag:s0] =	ssyncadd.s32 @!p0 s1  }
0x2e9: {  	[bflag:$0x3] =	sbarrier.arrive $0xFFFF  }
0x2ea: {  	_ =	shalt  }

// kernel: sparse-core-data-format-call.cloned.1.call-start
scs
called_computation_lowered:
.L_overlay_start_0:
0x0: {  	s2 =	sld [smem:$0x3FD9]  }
0x1: {  	s3 =	sld [smem:$0x3FFE];
	_ =	sdelay $0x1  }
0x2: {  	s1 =	srdreg.scid  }
0x3: {  	s0 =	sand.u32 $0x1, s1  }
0x4: {  	s18 =	sshll.u32 s0, $0xA;
	s2 =	sadd.s32 s3, s2  }
0x5: {  	s2 =	sadd.s32 s2, s18  }
0x6: {  	[smem:$0x3FC5] =	sst s2  }
0x7: {  	_ = 	snop  }
0x8: {  	s2 =	sld [smem:$0x3FD0];
	(tm) =	ssettm $0x1  }
0x9: {  	s19 =	sld [smem:$0x3FFB];
	_ =	sdelay $0x3  }
0xa: {  	_ =	strace s19  }
0xb: {  	s3 =	sld [smem:$0x3FFC];
	_ =	sdelay $0x3  }
0xc: {  	_ =	strace s3  }
0xd: {  	s3 =	sld [smem:$0x3FFD];
	_ =	sdelay $0x3  }
0xe: {  	_ =	strace s3  }
0xf: {  	_ =	strace $0x8FFFFFFF  }
0x10: {  	s20 =	sld [smem:$0x3FDB];
	_ =	sdelay $0x1  }
0x11: {  	s4 =	simm.s32 $_scs_section_size  }
0x12: {  	s5 =	simm.s32 $_size__tile_overlayer_lowered;
	s6 =	simm.s32 $_tile_overlayer_lowered  }
0x13: {  	s23 =	simm.s32 $0x1BFF;
	s22 =	sshll.u32 s6, $0x1;
	s3 =	sadd.s32 s4, s20  }
0x14: {  	s7 =	simm.s32 $0x0;
	s21 =	sshll.u32 s5, $0x1;
	s5 =	sadd.s32 s22, s3  }
0x15: {  	[timem:s7], [sflag:s23] =	dma.local [hbm:s5], s21  }
0x16: {  	_ =	swait.ge [sflag:s23], s21  }
0x17: {  	s4 =	ssub.s32 $0x0, s21;
	[sflag:s23] =	ssyncset.done $0x0  }
0x18: {  	[sflag:s23] =	ssyncadd.s32 s4;
	_ =	sdelay $0x1  }
0x19: {  	s24 =	simm.s32 $0x1B8B  }
0x1a: {  	_ =	swait.ge [sflag:s24], $0x1  }
0x1b: {  	[sflag:s24] =	ssyncset.done $0x0  }
0x1c: {  	s26 =	simm.s32 $0x1B8E;
	s25 =	sld [smem:$0x3FFE];
	[sflag:s24] =	ssyncadd.s32 $0xFFFFFFFF  }
0x1d: {  	s27 =	simm.s32 $execute0_lowered;
	[smem:$0x3FD2] =	sst s26  }
0x1e: {  	s5 =	sshll.u32 s27, $0x1;
	_ =	strace $0x80000046;
	[dreg:$0x1] =	wrdreg $0xFFFFFFFF  }
0x1f: {  	s28 =	simm.s32 $_size_execute0_lowered;
	s3 =	sadd.s32 s3, s5;
	[dreg:$0x0] =	wrdreg $0x0  }
0x20: {  	s5 =	sshll.u32 s28, $0x1;
	[dreg:$0x2] =	wrdreg s3  }
0x21: {  	[dreg:$0x3] =	wrdreg s5  }
0x22: {  	[dreg:$0x4] =	wrdreg $0xC0  }
0x23: {  	_ =	task [dreg:s7], $0x5FFFF  }
0x24: {  	[dreg:$0x1] =	wrdreg $0xFFFFFFFF  }
0x25: {  	[dreg:$0x0] =	wrdreg $0x60  }
0x26: {  	[dreg:$0x2] =	wrdreg s2  }
0x27: {  	[dreg:$0x3] =	wrdreg s25  }
0x28: {  	[dreg:$0x4] =	wrdreg $0x9  }
0x29: {  	_ =	task.clear_ibuf [dreg:s7], $0x5FFFF;
	_ =	strace $0x90000046  }
0x2a: {  	s29 =	simm.s32 $0x9;
	_ =	strace $0x80000048  }
0x2b: {  	_ =	swait.ge [sflag:s29], $0x1  }
0x2c: {  	[sflag:s29] =	ssyncadd.s32 $0xFFFFFFFF  }
0x2d: {  	_ =	strace $0x90000048  }
0x2e: {  	_ =	sfence  }
0x2f: {  	s30 =	sld [smem:$0x0];
	_ =	sdelay $0x2  }
0x30: {  	s31 =	sshll.u32 s1, $0xD;
	s1 =	sshrl.u32 s1, $0x2  }
0x31: {  	s3 =	sand.u32 $0x4000, s31;
	s1 =	sadd.s32 s1, s30  }
0x32: {  	s0 =	sor.u32 s3, s0;
	s1 =	sshll.u32 s1, $0x11  }
0x33: {  	s0 =	sor.u32 s1, s0  }
0x34: {  	s0 =	sadd.s32 $0x8F2B, s0  }
0x35: {  	[sflag:s0] =	ssyncadd.remote.s32 $0x1  }
0x36: {  	_ =	sfence.sel $0xFFFF  }
0x37: {  	[dreg:$0x0] =	wrdreg $0xFFFFFFFF;
	(pc) =	sbr.abs _section_cstart, $3  }
0x38: {  	[dreg:$0x1] =	wrdreg $0xFFFFFFFF  }
0x39: {  	_ =	task.clear_ibuf [dreg:s7], $0x2FFFF;
	_ =	strace $0x9FFFFFFF  }
0x3a: {  	(tm) =	ssettm $0x7FFFFFFF  }
0x3b: {  	_ =	shalt  }
tec
execute0_lowered:
.L_overlay_start_1:
0x0: {  	(tag) =	ssettag $0x1  }
0x1: {  	s2 =	rddreg [dreg:$0x0]  }
0x2: {  	s0 =	srdreg.scid;
	s4 =	rddreg [dreg:$0x1]  }
0x3: {  	s1 =	stileid.u32;
	s5 =	simm.s32 $0x1;
	s0 =	sshll.u32 s0, $0x4  }
0x4: {  	s7 =	simm.s32 $0x2;
	s8 =	simm.s32 $0x0;
	s3 =	sand.u32 $0x10, s0  }
.Ltmp0:
0x5: {  	s12 =	simm.s32 $0x0;
	s3 =	sor.u32 s1, s3;
	(pc) =	sbr.rel .LBB1_1-.Ltmp0, $4  }
0x6: {  	s10 =	simm.s32 $0x0;
	s11 =	simm.s32 $0x0;
	s3 =	sshll.u32 s3, $0x3  }
0x7: {  	s0 =	rddreg [dreg:$0x2];
	_ =	strace $0x80000047;
	s6 =	ssub.s32 $0x3D08, s3  }
0x8: {  	s4 =	sadd.s32 $0x800, s4;
	[sflag:s5] =	ssyncpa.u1 $0x0;
	s6 =	sshrl.u32 s6, $0x8  }
0x9: {  	[sflag:s7] =	ssyncpa.u1 $0x0;
	s9 =	smov.u32 s3;
	s7 =	sor.u32 $0x2, s6  }
.LBB1_9:
0xa: {  	s14 =	sshll.u32 s10, $0x7  }
0xb: {  	s14 =	sadd.s32 s4, s14  }
0xc: {  	[hbm4b:s14+s8] =	stream.linear.scatter [tilespmem:s15], [sflag:$0x2], s13, $0x38;
	[tilespmem:$0x8000] =	vst v63  }
.LBB1_10:
0xd: {  	p0 =	slt.u32 s11, $0x2  }
0xe: {  	p1 =	sgt.s32 @!p0 s12, $0x3D01  }
0xf: {  	s13 =	smov.u32 s12;
	s14 =	sshra.s32 @!p0 s12, $0x1F;
	p1 =	por !p1, p0  }
0x10: {  	s12 =	sand.u32 @!p0 s14, s12;
	s13 =	simm.s32 @p1 $0x3D01  }
0x11: {  	s12 =	ssub.s32 @!p0 s13, s12  }
0x12: {  	s12 =	sadd.s32 @!p0 $0xFFFFC2FF, s12  }
0x13: {  	s13 =	sshll.u32 @!p0 s12, $0xC  }
0x14: {  	p1 =	sgt.s32 @!p0 s12, $0x7;
	s12 =	ssub.s32 @!p0 $0x8000, s13  }
0x15: {  	s14 =	sadd.s32 $0x100, s9;
	p1 =	por !p1, p0;
	s12 =	sshrl.u32 @!p0 s12, $0x2  }
0x16: {  	s12 =	simm.s32 @!p1 $0x0;
	p1 =	sgt.s32 s14, $0x3D08  }
0x17: {  	s14 =	smov.u32 @p1 s3;
	p1 =	sne.s32 s11, s7  }
.Ltmp1:
0x18: {  	_ = 	snop;
	(pc) =	sbr.rel @!p1 .LBB1_11-.Ltmp1, $4  }
0x19: {  	s13 =	simm.s32 @!p0 $0x2  }
0x1a: {  	_ =	swait.ge @!p0 [sflag:s13], s12;
	s15 =	ssub.s32 @!p0 $0x0, s12  }
0x1b: {  	s12 =	smov.u32 s10;
	s11 =	sadd.s32 $0x1, s11;
	[sflag:s13] =	ssyncset.done @!p0 $0x0  }
0x1c: {  	s10 =	smov.u32 s9;
	s9 =	smov.u32 s14;
	[sflag:s13] =	ssyncadd.s32 @!p0 s15  }
.LBB1_1:
0x1d: {  	p0 =	sgt.u32 s11, s6  }
0x1e: {  	p1 =	sgt.s32 @!p0 s9, $0x3D01  }
0x1f: {  	s13 =	smov.u32 s9;
	s14 =	sshra.s32 @!p0 s9, $0x1F;
	p1 =	por !p1, p0  }
0x20: {  	s14 =	sand.u32 @!p0 s14, s9;
	s13 =	simm.s32 @p1 $0x3D01  }
0x21: {  	s13 =	ssub.s32 @!p0 s13, s14  }
0x22: {  	s13 =	sadd.s32 @!p0 $0xFFFFC2FF, s13  }
0x23: {  	s15 =	sshll.u32 @!p0 s9, $0x7;
	s16 =	simm.s32 @!p0 $0x0;
	s14 =	sshll.u32 @!p0 s13, $0xC  }
0x24: {  	p1 =	sgt.s32 @!p0 s13, $0x7;
	s13 =	ssub.s32 @!p0 $0x8000, s14;
	s14 =	sxor.u32 @!p0 $0xFFFFFFFF, s11  }
0x25: {  	p1 =	por !p1, p0;
	s13 =	sshrl.u32 @!p0 s13, $0x2;
	s14 =	sshll.u32 @!p0 s14, $0xD  }
0x26: {  	s15 =	sadd.s32 @!p0 s2, s15;
	s13 =	simm.s32 @!p1 $0x0;
	s14 =	sand.u32 @!p0 $0x2000, s14  }
0x27: {  	[tilespmem:s14], [sflag:$0x1] =	stream.linear.gather @!p0 [hbm4b:s15+s16], s13, $0x38;
	[tilespmem:$0x8000] =	vst v63  }
0x28: {  	p0 =	seq.s32 s11, $0x0  }
0x29: {  	p1 =	sge.u32 @!p0 s11, s7  }
0x2a: {  	p0 =	por p0, p1  }
.Ltmp2:
0x2b: {  	_ = 	snop;
	(pc) =	sbr.rel @p0 .LBB1_10-.Ltmp2, $1  }
0x2c: {  	_ =	sdelay $0x3  }
0x2d: {  	p0 =	sgt.s32 s10, $0x3D01;
	s13 =	smov.u32 s10;
	s14 =	sshra.s32 s10, $0x1F  }
0x2e: {  	s13 =	simm.s32 @!p0 $0x3D01;
	s14 =	sand.u32 s14, s10  }
0x2f: {  	s13 =	ssub.s32 s13, s14  }
0x30: {  	s13 =	sadd.s32 $0xFFFFC2FF, s13  }
0x31: {  	s31 =	sshll.u32 s13, $0xC  }
0x32: {  	s14 =	ssub.s32 $0x8000, s31  }
0x33: {  	p0 =	sgt.s32 s13, $0x7;
	s13 =	sshrl.u32 s14, $0x2;
	s14 =	sadd.s32 $0x8, s10  }
0x34: {  	s13 =	simm.s32 @p0 $0x0;
	p0 =	slt.s32 s14, $0x3D09  }
0x35: {  	s14 =	simm.s32 @!p0 $0x3D09  }
0x36: {  	s14 =	ssub.s32 s14, s10  }
0x37: {  	p0 =	slt.s32 s14, $0x1  }
.Ltmp3:
0x38: {  	_ = 	snop;
	(pc) =	sbr.rel @p0 .LBB1_9-.Ltmp3, $4  }
0x39: {  	s16 =	sshll.u32 s11, $0xF  }
0x3a: {  	s16 =	sand.u32 $0x8000, s16;
	_ =	swait.ge [sflag:s5], s13  }
0x3b: {  	s16 =	sshrl.u32 s16, $0x2;
	s15 =	ssub.s32 $0x0, s13;
	[sflag:s5] =	ssyncset.done $0x0  }
0x3c: {  	[sflag:s5] =	ssyncadd.s32 s15;
	s15 =	sor.u32 $0x4000, s16  }
0x3d: {  	s17 =	simm.s32 $0x0  }
.LBB1_4:
0x3e: {  	s18 =	sshll.u32 s17, $0xC  }
0x3f: {  	s18 =	sshra.s32 s18, $0x2  }
0x40: {  	s19 =	sadd.s32 s18, s16  }
0x41: {  	s20 =	sadd.s32 $0x100, s19;
	v0 =	vmov s19  }
0x42: {  	s21 =	sadd.s32 $0x200, s19;
	v1 =	vmov s20  }
0x43: {  	s22 =	sadd.s32 $0x300, s19;
	v2 =	vmov s21  }
0x44: {  	p1 =	por $0x1, $0x1;
	s18 =	sadd.s32 s18, s15;
	v3 =	vmov s22;
	s20 =	simm.s32 $0x0  }
.LBB1_5:
0x45: {  	s19 =	sshll.u32 s20, $0x7  }
0x46: {  	s21 =	sand.u32 $0x3FFFFF80, s19  }
0x47: {  	p0 =	por p1, p1;
	s21 =	sadd.s32 s21, s18  }
0x48: {  	s22 =	sadd.s32 $0x80, s21;
	s23 =	sadd.s32 $0x100, s21;
	s24 =	sadd.s32 $0x180, s21;
	v4 =	vmov s21  }
0x49: {  	s20 =	sshll.u32 s20, $0x5;
	p1 =	por $0x1, $0x1;
	s21 =	simm.s32 $0x0;
	v5 =	vmov s22;
	v6 =	vmov s23;
	v7 =	vmov s24  }
.LBB1_6:
0x4a: {  	s22 =	sor.u32 s20, s21  }
0x4b: {  	v8 =	vld.idx.msk [tilespmem:v0+s22+$0x0 ss:$0x1], $0xffff  }
0x4c: {  	v9 =	vld.idx.msk [tilespmem:v1+s22+$0x0 ss:$0x1], $0xffff  }
0x4d: {  	v10 =	vld.idx.msk [tilespmem:v2+s22+$0x0 ss:$0x1], $0xffff;
	_ =	sdelay $0x1  }
0x4e: {  	v13 =	vld.idx.msk [tilespmem:v3+s22+$0x0 ss:$0x1], $0xffff  }
0x4f: {  	v24 =	vld.idx.msk [tilespmem:v0+s22+$0x10 ss:$0x1], $0xffff;
	v11 =	vshrl.u32 v8, $0x10;
	v12 =	vshrl.u32 v8, $0x8;
	v14 =	vshrl.u32 v8, $0x18  }
0x50: {  	v38 =	vld.idx.msk [tilespmem:v1+s22+$0x10 ss:$0x1], $0xffff;
	v8 =	vand.u32 $0xFF, v8;
	v15 =	vshrl.u32 v9, $0x10;
	v16 =	vshrl.u32 v9, $0x8  }
0x51: {  	v43 =	vld.idx.msk [tilespmem:v2+s22+$0x10 ss:$0x1], $0xffff;
	v17 =	vshrl.u32 v9, $0x18;
	v9 =	vand.u32 $0xFF, v9;
	v18 =	vshrl.u32 v10, $0x10  }
0x52: {  	v46 =	vld.idx.msk [tilespmem:v3+s22+$0x10 ss:$0x1], $0xffff;
	v19 =	vshrl.u32 v10, $0x8;
	v20 =	vshrl.u32 v10, $0x18;
	v10 =	vand.u32 $0xFF, v10  }
0x53: {  	v21 =	vshrl.u32 v13, $0x18;
	v22 =	vshrl.u32 v13, $0x10;
	v23 =	vshrl.u32 v13, $0x8  }
0x54: {  	v13 =	vand.u32 $0xFF, v13;
	v44 =	vshrl.u32 v24, $0x10;
	v45 =	vshrl.u32 v24, $0x8  }
0x55: {  	v47 =	vshrl.u32 v24, $0x18;
	v48 =	vand.u32 $0xFF, v24;
	v49 =	vshrl.u32 v38, $0x10  }
0x56: {  	v50 =	vshrl.u32 v38, $0x8;
	v51 =	vshrl.u32 v38, $0x18;
	v52 =	vshrl.u32 v43, $0x10  }
0x57: {  	v53 =	vshrl.u32 v43, $0x8;
	v54 =	vshrl.u32 v43, $0x18;
	v25 =	vshrl.u32 v46, $0x10  }
0x58: {  	v26 =	vand.u32 $0xFF, v46;
	v55 =	vshrl.u32 v46, $0x8;
	v11 =	vand.u32 $0xFF, v11  }
0x59: {  	v12 =	vand.u32 $0xFF, v12;
	v15 =	vand.u32 $0xFF, v15;
	v16 =	vand.u32 $0xFF, v16  }
0x5a: {  	v18 =	vand.u32 $0xFF, v18;
	v19 =	vand.u32 $0xFF, v19;
	v22 =	vand.u32 $0xFF, v22  }
0x5b: {  	v23 =	vand.u32 $0xFF, v23;
	v8 =	vpack.i.b32.b16 v10, v8;
	v9 =	vpack.i.b32.b16 v13, v9  }
0x5c: {  	s23 =	sshll.u32 s21, $0x2;
	v41 =	vpack.i.b32.b16 v20, v14;
	v42 =	vpack.i.b32.b16 v21, v17;
	v13 =	vand.u32 $0xFF, v44  }
0x5d: {  	s21 =	sor.u32 $0x80, s23;
	v20 =	vand.u32 $0xFF, v50;
	v14 =	vand.u32 $0xFF, v43;
	v25 =	vand.u32 $0xFF, v25  }
0x5e: {  	s31 =	sor.u32 s19, s21;
	v62 =	vpack.i.b32.b16 v54, v47;
	v8 =	vpack.i.b16.b8 v9, v8;
	v36 =	vpack.i.b32.b16 v19, v12  }
0x5f: {  	s22 =	sshra.s32 s31, $0x2;
	v37 =	vpack.i.b32.b16 v23, v16;
	v39 =	vpack.i.b32.b16 v18, v11;
	v40 =	vpack.i.b32.b16 v22, v15  }
0x60: {  	v56 =	vld.idx.msk [tilespmem:v0+s22+$0x0 ss:$0x1], $0xffff;
	v11 =	vpack.i.b16.b8 v42, v41;
	v15 =	vand.u32 $0xFF, v45;
	v19 =	vand.u32 $0xFF, v49  }
0x61: {  	v59 =	vld.idx.msk [tilespmem:v1+s22+$0x0 ss:$0x1], $0xffff;
	v12 =	vand.u32 $0xFF, v38;
	v22 =	vand.u32 $0xFF, v52;
	v23 =	vand.u32 $0xFF, v53  }
0x62: {  	v61 =	vld.idx.msk [tilespmem:v2+s22+$0x0 ss:$0x1], $0xffff;
	v14 =	vpack.i.b32.b16 v14, v48;
	v16 =	vshrl.u32 v46, $0x18;
	v18 =	vand.u32 $0xFF, v55  }
0x63: {  	v63 =	vld.idx.msk [tilespmem:v3+s22+$0x0 ss:$0x1], $0xffff;
	v9 =	vpack.i.b16.b8 v37, v36;
	v10 =	vpack.i.b16.b8 v40, v39;
	v12 =	vpack.i.b32.b16 v26, v12  }
0x64: {  	v57 =	vpack.i.b32.b16 v23, v15;
	v58 =	vpack.i.b32.b16 v18, v20;
	v13 =	vpack.i.b32.b16 v22, v13  }
0x65: {  	v60 =	vpack.i.b32.b16 v25, v19;
	v16 =	vpack.i.b32.b16 v16, v51;
	v25 =	vshrl.u32 v56, $0x10  }
0x66: {  	v27 =	vshrl.u32 v56, $0x8;
	v28 =	vshrl.u32 v56, $0x18;
	v29 =	vand.u32 $0xFF, v56  }
0x67: {  	v30 =	vshrl.u32 v59, $0x18;
	v31 =	vshrl.u32 v59, $0x10;
	v32 =	vshrl.u32 v59, $0x8  }
0x68: {  	s23 =	sshra.s32 s23, $0x2;
	v33 =	vand.u32 $0xFF, v61;
	v18 =	vand.u32 $0xFF, v59;
	v34 =	vand.u32 $0xFF, v63  }
0x69: {  	v35 =	vshrl.u32 v61, $0x10;
	[tilespmem:v4+s23+$0x0 ss:$0x1] =	vst.idx.msk $0xffff, v8;
	v8 =	vshrl.u32 v61, $0x18;
	v19 =	vshrl.u32 v61, $0x8  }
0x6a: {  	v37 =	vshrl.u32 v63, $0x8;
	v39 =	vshrl.u32 v63, $0x10;
	v40 =	vshrl.u32 v63, $0x18  }
0x6b: {  	v12 =	vpack.i.b16.b8 v12, v14;
	v14 =	vpack.i.b16.b8 v58, v57;
	v13 =	vpack.i.b16.b8 v60, v13  }
0x6c: {  	v15 =	vpack.i.b16.b8 v16, v62;
	v16 =	vand.u32 $0xFF, v25;
	v20 =	vand.u32 $0xFF, v27  }
0x6d: {  	[tilespmem:v7+s23+$0x0 ss:$0x1] =	vst.idx.msk $0xffff, v11;
	v24 =	vand.u32 $0xFF, v31;
	v22 =	vpack.i.b32.b16 v33, v29;
	v25 =	vand.u32 $0xFF, v32  }
0x6e: {  	v43 =	vld.idx.msk [tilespmem:v2+s22+$0x10 ss:$0x1], $0xffff;
	v18 =	vpack.i.b32.b16 v34, v18;
	v26 =	vand.u32 $0xFF, v35;
	[tilespmem:v5+s23+$0x0 ss:$0x1] =	vst.idx.msk $0xffff, v9;
	v36 =	vand.u32 $0xFF, v19  }
0x6f: {  	v38 =	vld.idx.msk [tilespmem:v0+s22+$0x10 ss:$0x1], $0xffff;
	[tilespmem:v6+s23+$0x0 ss:$0x1] =	vst.idx.msk $0xffff, v10;
	v19 =	vand.u32 $0xFF, v37;
	v10 =	vand.u32 $0xFF, v39;
	v8 =	vpack.i.b32.b16 v8, v28  }
0x70: {  	v42 =	vld.idx.msk [tilespmem:v1+s22+$0x10 ss:$0x1], $0xffff;
	v11 =	vpack.i.b32.b16 v40, v30;
	v18 =	vpack.i.b16.b8 v18, v22;
	v9 =	vpack.i.b32.b16 v36, v20  }
0x71: {  	v41 =	vpack.i.b32.b16 v19, v25;
	v16 =	vpack.i.b32.b16 v26, v16;
	v10 =	vpack.i.b32.b16 v10, v24  }
0x72: {  	v46 =	vld.idx.msk [tilespmem:v3+s22+$0x10 ss:$0x1], $0xffff;
	v8 =	vpack.i.b16.b8 v11, v8;
	v9 =	vpack.i.b16.b8 v41, v9;
	v10 =	vpack.i.b16.b8 v10, v16  }
0x73: {  	v53 =	vshrl.u32 v43, $0x18;
	v54 =	vshrl.u32 v43, $0x8;
	v55 =	vshrl.u32 v43, $0x10  }
0x74: {  	[tilespmem:v4+s23+$0x10 ss:$0x1] =	vst.idx.msk $0xffff, v12;
	v16 =	vand.u32 $0xFF, v43;
	v44 =	vshrl.u32 v38, $0x10;
	v45 =	vshrl.u32 v38, $0x8  }
0x75: {  	[tilespmem:v5+s23+$0x10 ss:$0x1] =	vst.idx.msk $0xffff, v14;
	v47 =	vshrl.u32 v38, $0x18;
	v48 =	vand.u32 $0xFF, v38;
	v49 =	vshrl.u32 v42, $0x10  }
0x76: {  	[tilespmem:v6+s23+$0x10 ss:$0x1] =	vst.idx.msk $0xffff, v13;
	v50 =	vshrl.u32 v42, $0x8;
	v51 =	vshrl.u32 v42, $0x18;
	v52 =	vand.u32 $0xFF, v42  }
0x77: {  	s21 =	sshrl.u32 s21, $0x2;
	[tilespmem:v7+s23+$0x10 ss:$0x1] =	vst.idx.msk $0xffff, v15;
	v22 =	vand.u32 $0xFF, v54;
	v56 =	vshrl.u32 v46, $0x10;
	v57 =	vshrl.u32 v46, $0x8  }
0x78: {  	[tilespmem:v5+s21+$0x0 ss:$0x1] =	vst.idx.msk $0xffff, v9;
	v58 =	vand.u32 $0xFF, v46;
	v9 =	vand.u32 $0xFF, v55;
	v11 =	vand.u32 $0xFF, v44  }
0x79: {  	[tilespmem:v4+s21+$0x0 ss:$0x1] =	vst.idx.msk $0xffff, v18;
	v12 =	vand.u32 $0xFF, v45;
	v20 =	vand.u32 $0xFF, v49;
	v21 =	vand.u32 $0xFF, v50  }
0x7a: {  	[tilespmem:v7+s21+$0x0 ss:$0x1] =	vst.idx.msk $0xffff, v8;
	v8 =	vand.u32 $0xFF, v57;
	v13 =	vpack.i.b32.b16 v16, v48;
	v59 =	vpack.i.b32.b16 v58, v52  }
0x7b: {  	p2 =	por p1, p1;
	[tilespmem:v6+s21+$0x0 ss:$0x1] =	vst.idx.msk $0xffff, v10;
	v10 =	vand.u32 $0xFF, v56;
	v12 =	vpack.i.b32.b16 v22, v12;
	v8 =	vpack.i.b32.b16 v8, v21  }
.Ltmp4:
0x7c: {  	v62 =	vpack.i.b32.b16 v53, v47;
	v13 =	vpack.i.b16.b8 v59, v13;
	v8 =	vpack.i.b16.b8 v8, v12;
	(pc) =	sbr.rel @p2 .LBB1_6-.Ltmp4, $4  }
0x7d: {  	v60 =	vshrl.u32 v46, $0x18;
	v61 =	vpack.i.b32.b16 v10, v20;
	[tilespmem:v5+s21+$0x10 ss:$0x1] =	vst.idx.msk $0xffff, v8;
	v8 =	vpack.i.b32.b16 v9, v11  }
0x7e: {  	v63 =	vpack.i.b32.b16 v60, v51;
	[tilespmem:v4+s21+$0x10 ss:$0x1] =	vst.idx.msk $0xffff, v13;
	v8 =	vpack.i.b16.b8 v61, v8  }
0x7f: {  	[tilespmem:v6+s21+$0x10 ss:$0x1] =	vst.idx.msk $0xffff, v8;
	v8 =	vpack.i.b16.b8 v63, v62  }
0x80: {  	p1 =	por $0x0, $0x0;
	[tilespmem:v7+s21+$0x10 ss:$0x1] =	vst.idx.msk $0xffff, v8;
	s21 =	simm.s32 $0x40  }
.Ltmp5:
0x81: {  	(pc) =	sbr.rel @p0 .LBB1_5-.Ltmp5, $2  }
0x82: {  	_ =	sdelay $0x2  }
0x83: {  	s20 =	simm.s32 $0x4;
	p1 =	por $0x0, $0x0  }
0x84: {  	s17 =	sadd.s32 $0x1, s17  }
0x85: {  	p0 =	sne.s32 s17, s14  }
.Ltmp6:
0x86: {  	_ = 	snop;
	(pc) =	sbr.rel @p0 .LBB1_4-.Ltmp6, $4  }
.Ltmp7:
0x87: {  	_ = 	snop;
	(pc) =	sbr.rel @!p0 .LBB1_9-.Ltmp7, $4  }
0x88: {  	_ = 	snop  }
0x89: {  	_ = 	snop  }
0x8a: {  	_ = 	snop  }
0x8b: {  	_ = 	snop  }
.LBB1_11:
0x8c: {  	_ =	sfence.sel $0x180000  }
0x8d: {  	s2 =	simm.s32 $0x1;
	[bflag:$0x0] =	sbarrier.arrive $0xFFFF  }
0x8e: {  	s31 =	simm.s32 $0x2;
	[sflag:s2] =	ssyncpa.u1 $0x1  }
0x8f: {  	[sflag:s31] =	ssyncpa.u1 $0x1  }
0x90: {  	p0 =	sne.s32 s1, $0x0;
	_ =	strace $0x90000047  }
0x91: {  	s0 =	sadd.s32 @!p0 $0x100000, s0;
	[bflag:$0x2] =	sbarrier.arrive $0xFFFF  }
0x92: {  	[sflag:s0] =	ssyncadd.tile.s32 @!p0 $0x1;
	_ =	shalt  }
.Lfunc_end1:
_tile_overlayer_lowered:
.L_overlay_start_2:
0x93: {  	(tag) =	ssettag $0x2  }
0x94: {  	s0 =	rddreg [dreg:$0x0];
	s2 =	stileid.u32  }
0x95: {  	s1 =	rddreg [dreg:$0x1];
	p0 =	sne.s32 s2, $0x0  }
0x96: {  	s3 =	rddreg [dreg:$0x2];
	[bflag:$0x3] =	sbarrier.arrive $0xFFFF;
	s2 =	simm.s32 @!p0 $0x1C01  }
0x97: {  	[timem:s3], [sflag:s2] =	dma.local @!p0 [hbm:s0], s1  }
0x98: {  	s0 =	simm.s32 @!p0 $0x1  }
0x99: {  	_ =	swait.ge @!p0 [sflag:s0], s1  }
0x9a: {  	s1 =	ssub.s32 @!p0 $0x0, s1;
	[sflag:s0] =	ssyncset.done @!p0 $0x0  }
0x9b: {  	[sflag:s0] =	ssyncadd.s32 @!p0 s1  }
0x9c: {  	[bflag:$0x3] =	sbarrier.arrive $0xFFFF  }
0x9d: {  	_ =	shalt  }

</sc_bundles>
